<compile_context>
chip_gen: v7x
topology: tpu7x:2x2x1
jax: 0.10.2.dev20260603
libtpu: 0.0.44.dev20260713+nightly
codegen_flags: <defaults>
</compile_context>

<pallas_src>
import functools

import jax
import jax.numpy as jnp
from jax import lax
from jax.experimental import pallas as pl
from jax.experimental.pallas import tpu as pltpu
from jax.experimental.pallas import tpu_sc as plsc

_NC = 2
_NS = 16
_B = 128
_G = 64


@functools.cache
def _make_agg(n_pad: int, w: int, cpt: int, split: bool, reps: int):
  nw = _NC * _NS
  rpt = n_pad // _NS
  my_cpt = cpt * _NC if split else cpt
  nb = 4
  assert my_cpt % nb == 0 and my_cpt >= 2 * nb
  mesh = plsc.VectorSubcoreMesh(core_axis_name="c", subcore_axis_name="s")

  @functools.partial(
      pl.kernel,
      mesh=mesh,
      out_type=jax.ShapeDtypeStruct((_NC, n_pad, w), jnp.float32),
      scratch_types=[
          pltpu.VMEM((my_cpt, _B), jnp.int32),
          pltpu.VMEM((my_cpt, _B), jnp.int32),
          [pltpu.VMEM((_B, w), jnp.float32) for _ in range(nb)],
          [pltpu.SemaphoreType.DMA for _ in range(nb)],
          [pltpu.SemaphoreType.DMA for _ in range(nb)],
          pltpu.VMEM_SHARED((n_pad, w), jnp.float32),
          pltpu.SemaphoreType.DMA,
          pltpu.SemaphoreType.DMA,
          pltpu.SemaphoreType.DMA,
      ],
      compiler_params=pltpu.CompilerParams(use_tc_tiling_on_sc=False),
  )
  def agg(u_hbm, src_hbm, dst_hbm, zeros_hbm, out_hbm,
          sidx, didx, rows, gsem, ssem, acc, isem0, isem1, zsem):
    c = lax.axis_index("c")
    s = lax.axis_index("s")
    if split:
      base_chunk = s * my_cpt
      u_view = u_hbm.at[c].at[s % reps]
    else:
      base_chunk = (c * _NS + s) * my_cpt
      u_view = u_hbm.at[(c * _NS + s) % reps]
    icp0 = pltpu.async_copy(src_hbm.at[pl.ds(base_chunk, my_cpt)], sidx, isem0)
    icp1 = pltpu.async_copy(dst_hbm.at[pl.ds(base_chunk, my_cpt)], didx, isem1)
    zrows = zeros_hbm.at[pl.ds(s * rpt, rpt)]
    zcp = pltpu.async_copy(zrows, acc.at[pl.ds(s * rpt, rpt)], zsem)
    icp0.wait()
    icp1.wait()
    for b in range(nb):
      pltpu.async_copy(u_view.at[sidx.at[b]], rows[b], gsem[b])
    zcp.wait()
    plsc.subcore_barrier()

    def body(j, carry):
      for b in range(nb):
        i = nb * j + b
        bp = (b - 1) % nb
        ip = i - 1
        pltpu.make_async_copy(u_view.at[sidx.at[i]], rows[b], gsem[b]).wait()
        pltpu.async_copy(rows[b], acc.at[didx.at[i]], ssem[b], add=True)

        @pl.when(ip >= 0)
        def _():
          pltpu.make_async_copy(
              rows[bp], acc.at[didx.at[ip]], ssem[bp]).wait()

          @pl.when(ip + nb < my_cpt)
          def _():
            pltpu.async_copy(u_view.at[sidx.at[ip + nb]], rows[bp], gsem[bp])

      return carry

    lax.fori_loop(0, my_cpt // nb, body, 0)
    pltpu.make_async_copy(
        rows[nb - 1], acc.at[didx.at[my_cpt - 1]], ssem[nb - 1]).wait()
    plsc.subcore_barrier()
    pltpu.sync_copy(acc.at[pl.ds(s * rpt, rpt)],
                    out_hbm.at[c, pl.ds(s * rpt, rpt)])

  return agg


def _tc_xw1(x_ref, w1_ref, xw_ref):
  xw_ref[...] = jnp.dot(x_ref[...], w1_ref[...],
                        preferred_element_type=jnp.float32)


def _tc_scale1(xw_ref, degp_ref, u1_ref, dis_ref, *, n):
  d = degp_ref[...]
  n_pad = d.shape[1]
  deg = d[0, :, 0:1] + d[1, :, 0:1] + 1.0
  mask = (lax.broadcasted_iota(jnp.int32, (n_pad, 1), 0) < n).astype(
      jnp.float32)
  dis = lax.rsqrt(deg) * mask
  dis_ref[...] = dis
  u1 = dis * xw_ref[...]
  for r in range(u1_ref.shape[0]):
    u1_ref[r] = u1


def _tc_epilogue1(acc_ref, u_ref, dis_ref, b_ref, out_ref):
  a = acc_ref[...]
  dis = dis_ref[...]
  h = jnp.maximum(dis * (a[0] + a[1] + u_ref[0]) + b_ref[...], 0.0)
  u2 = dis * h
  for r in range(out_ref.shape[0]):
    out_ref[r] = u2


def _tc_layer2(acc_ref, u_ref, dis_ref, w_ref, b_ref, out_ref):
  a = acc_ref[...]
  dis = dis_ref[...]
  z = dis * (a[0] + a[1] + u_ref[0])
  zw = jnp.dot(z, w_ref[...], preferred_element_type=jnp.float32)
  v = dis * jnp.maximum(zw + b_ref[...], 0.0)
  hw = v.shape[1] // 2
  for r in range(out_ref.shape[1]):
    out_ref[0, r] = v[:, :hw]
    out_ref[1, r] = v[:, hw:]


def _tc_layer3(acc_ref, u_ref, dis_ref, w_ref, b_ref, out_ref):
  a = acc_ref[...]
  dis = dis_ref[...]
  z = dis * jnp.concatenate([a[0] + u_ref[0, 0], a[1] + u_ref[1, 0]], axis=1)
  zw = jnp.dot(z, w_ref[...], preferred_element_type=jnp.float32)
  v = dis * jnp.maximum(zw + b_ref[...], 0.0)
  hw = v.shape[1] // 2
  for r in range(out_ref.shape[1]):
    out_ref[0, r] = v[:, :hw]
    out_ref[1, r] = v[:, hw:]


def _tc_head(acc_ref, u_ref, dis_ref, w4_ref, b4_ref, batch_ref,
             l1_ref, lb1_ref, l2_ref, lb2_ref, y_ref):
  a = acc_ref[...]
  dis = dis_ref[...]
  z = dis * jnp.concatenate([a[0] + u_ref[0, 0], a[1] + u_ref[1, 0]], axis=1)
  zw = jnp.dot(z, w4_ref[...], preferred_element_type=jnp.float32)
  h4 = jnp.maximum(zw + b4_ref[...], 0.0)
  n_pad = h4.shape[0]
  gids = lax.broadcasted_iota(jnp.int32, (_G, n_pad), 0)
  onehot = (batch_ref[...] == gids).astype(jnp.float32)
  sums = jnp.dot(onehot, h4, preferred_element_type=jnp.float32)
  cnt = jnp.sum(onehot, axis=1, keepdims=True)
  pooled = sums / jnp.maximum(cnt, 1.0)
  t = jnp.maximum(
      jnp.dot(pooled, l1_ref[...], preferred_element_type=jnp.float32)
      + lb1_ref[...], 0.0)
  y_ref[...] = (jnp.dot(t, l2_ref[...], preferred_element_type=jnp.float32)
                + lb2_ref[...])


def _call(body, out_shapes, *args):
  return pl.pallas_call(
      body, out_shape=out_shapes,
      compiler_params=pltpu.CompilerParams(
          vmem_limit_bytes=100 * 1024 * 1024))(*args)


@jax.jit
def kernel(x, edge_index, batch, W1, b1, W2, b2, W3, b3, W4, b4,
           L1, lb1, L2, lb2):
  n, d = x.shape
  e = edge_index.shape[1]
  n_pad = ((n + 1 + 127) // 128) * 128
  nw = _NC * _NS
  cpt = (e + nw * _B - 1) // (nw * _B)
  cpt = ((cpt + 3) // 4) * 4
  e_pad = nw * _B * cpt

  f32 = jnp.float32
  x_pad = jnp.zeros((n_pad, d), f32).at[:n].set(x)
  nchunks = e_pad // _B
  rpc = -(-e // nchunks)
  e_r = nchunks * rpc
  i32 = jnp.int32
  src_r = jnp.full((e_r,), n, i32).at[:e].set(edge_index[0])
  src2d = jnp.concatenate(
      [src_r.reshape(nchunks, rpc),
       jnp.full((nchunks, _B - rpc), n, i32)], axis=1)
  spread_r = jnp.arange(e_r, dtype=i32) % n
  dst_r = spread_r.at[:e].set(edge_index[1])
  spread_p = (jnp.arange(nchunks * (_B - rpc), dtype=i32) % n)
  dst2d = jnp.concatenate(
      [dst_r.reshape(nchunks, rpc),
       spread_p.reshape(nchunks, _B - rpc)], axis=1)
  batch2d = jnp.full((1, n_pad), _G, jnp.int32).at[0, :n].set(batch)

  _REPS = 4
  _REPSD = 4
  ones1 = jnp.zeros((n_pad, 16), f32).at[:n].set(1.0)
  ones16 = jnp.broadcast_to(ones1, (_REPSD, n_pad, 16))
  zeros_of = {w: jnp.zeros((n_pad, w), f32) for w in (16, 32, 64)}

  def agg(u, w, split, reps=_REPS):
    return _make_agg(n_pad, w, cpt, split, reps)(u, src2d, dst2d, zeros_of[w])

  sds = jax.ShapeDtypeStruct
  degp = agg(ones16, 16, False, reps=_REPSD)

  w1o = W1.shape[1]
  xw1 = _call(_tc_xw1, sds((n_pad, w1o), f32), x_pad, W1)
  u1, dis = _call(
      functools.partial(_tc_scale1, n=n),
      [sds((4, n_pad, w1o), f32), sds((n_pad, 1), f32)],
      xw1, degp)

  acc1 = agg(u1, w1o, False)
  u2 = _call(_tc_epilogue1, sds((4, n_pad, w1o), f32),
             acc1, u1, dis, b1.reshape(1, -1))

  acc2 = agg(u2, w1o, False)
  w2o = W2.shape[1]
  u3 = _call(_tc_layer2, sds((2, 2, n_pad, w2o // 2), f32),
             acc2, u2, dis, W2, b2.reshape(1, -1))

  acc3 = agg(u3, w2o // 2, True, reps=2)
  w3o = W3.shape[1]
  u4 = _call(_tc_layer3, sds((2, 2, n_pad, w3o // 2), f32),
             acc3, u3, dis, W3, b3.reshape(1, -1))

  acc4 = agg(u4, w3o // 2, True, reps=2)
  y = _call(_tc_head, sds((_G, L2.shape[1]), f32),
            acc4, u4, dis, W4, b4.reshape(1, -1), batch2d,
            L1, lb1.reshape(1, -1), L2, lb2.reshape(1, -1))
  return y

# --- scband reference (transcript-rebuilt; emitter-appended) ---
"""Pipeline reference for scband-synthetic-dataset-model-2688649527319 (READ-ONLY COPY).

The authoritative reference and input builder live on the scoring server;
editing this copy changes nothing except your own understanding.
"""

import jax, jax.numpy as jnp
import numpy as np

N = 10000
E = 320000
D = 128
H = 32
G = 64
T = 10


def setup_inputs(seed: int = 0) -> dict:
    key = jax.random.key(seed)
    ks = jax.random.split(key, 16)
    x = jax.random.normal(ks[0], (N, D), dtype=jnp.float32)
    edge_index = jax.random.randint(ks[1], (2, E), 0, N, dtype=jnp.int32)
    batch = jnp.sort(jax.random.randint(ks[2], (N,), 0, G, dtype=jnp.int32))
    s = 0.05
    W1 = jax.random.normal(ks[3], (D, H), dtype=jnp.float32) * s
    b1 = jnp.zeros((H,), dtype=jnp.float32)
    W2 = jax.random.normal(ks[4], (H, 2 * H), dtype=jnp.float32) * s
    b2 = jnp.zeros((2 * H,), dtype=jnp.float32)
    W3 = jax.random.normal(ks[5], (2 * H, 4 * H), dtype=jnp.float32) * s
    b3 = jnp.zeros((4 * H,), dtype=jnp.float32)
    W4 = jax.random.normal(ks[6], (4 * H, 8 * H), dtype=jnp.float32) * s
    b4 = jnp.zeros((8 * H,), dtype=jnp.float32)
    L1 = jax.random.normal(ks[7], (8 * H, 256), dtype=jnp.float32) * s
    lb1 = jnp.zeros((256,), dtype=jnp.float32)
    L2 = jax.random.normal(ks[8], (256, T), dtype=jnp.float32) * s
    lb2 = jnp.zeros((T,), dtype=jnp.float32)
    return {"x": x, "edge_index": edge_index, "batch": batch,
            "W1": W1, "b1": b1, "W2": W2, "b2": b2,
            "W3": W3, "b3": b3, "W4": W4, "b4": b4,
            "L1": L1, "lb1": lb1, "L2": L2, "lb2": lb2}


def _gcn_conv(x, edge_index, W, b):
    n = x.shape[0]
    loop = jnp.arange(n, dtype=edge_index.dtype)
    src = jnp.concatenate([edge_index[0], loop])
    dst = jnp.concatenate([edge_index[1], loop])
    deg = jnp.zeros((n,), x.dtype).at[dst].add(1.0)
    dis = jnp.where(deg > 0, deg ** -0.5, 0.0)
    norm = dis[src] * dis[dst]
    xw = x @ W
    msg = xw[src] * norm[:, None]
    out = jnp.zeros((n, W.shape[1]), x.dtype).at[dst].add(msg)
    return out + b


def reference(x, edge_index, batch, W1, b1, W2, b2, W3, b3, W4, b4, L1, lb1, L2, lb2):
    h = jax.nn.relu(_gcn_conv(x, edge_index, W1, b1))
    h = jax.nn.relu(_gcn_conv(h, edge_index, W2, b2))
    h = jax.nn.relu(_gcn_conv(h, edge_index, W3, b3))
    h = jax.nn.relu(_gcn_conv(h, edge_index, W4, b4))
    sums = jax.ops.segment_sum(h, batch, num_segments=G)
    cnt = jax.ops.segment_sum(jnp.ones((h.shape[0],), h.dtype), batch, num_segments=G)
    pooled = sums / jnp.maximum(cnt, 1.0)[:, None]
    y = jax.nn.relu(pooled @ L1 + lb1)
    return y @ L2 + lb2

if __name__ == "__main__":
    import jax
    _d = setup_inputs()
    print(jax.jit(kernel)(*tuple(_d.values())))

</pallas_src>

<mosaic_0001>
#map = affine_map<(d0, d1) -> (0, 0, 0)>
#map1 = affine_map<(d0, d1) -> (0, 0)>
module attributes {stable_mosaic.version = 14 : i64} {
  func.func @agg(%arg0: i32, %arg1: i32, %arg2: memref<4x10112x32xf32, #tpu.memory_space<hbm>>, %arg3: memref<2560x128xi32, #tpu.memory_space<hbm>>, %arg4: memref<2560x128xi32, #tpu.memory_space<hbm>>, %arg5: memref<10112x32xf32, #tpu.memory_space<hbm>>, %arg6: memref<2x10112x32xf32, #tpu.memory_space<hbm>>, %arg7: memref<80x128xi32, #tpu.memory_space<vmem>>, %arg8: memref<80x128xi32, #tpu.memory_space<vmem>>, %arg9: memref<128x32xf32, #tpu.memory_space<vmem>>, %arg10: memref<128x32xf32, #tpu.memory_space<vmem>>, %arg11: memref<128x32xf32, #tpu.memory_space<vmem>>, %arg12: memref<128x32xf32, #tpu.memory_space<vmem>>, %arg13: memref<!tpu.dma_semaphore, #tpu.memory_space<semaphore_mem>>, %arg14: memref<!tpu.dma_semaphore, #tpu.memory_space<semaphore_mem>>, %arg15: memref<!tpu.dma_semaphore, #tpu.memory_space<semaphore_mem>>, %arg16: memref<!tpu.dma_semaphore, #tpu.memory_space<semaphore_mem>>, %arg17: memref<!tpu.dma_semaphore, #tpu.memory_space<semaphore_mem>>, %arg18: memref<!tpu.dma_semaphore, #tpu.memory_space<semaphore_mem>>, %arg19: memref<!tpu.dma_semaphore, #tpu.memory_space<semaphore_mem>>, %arg20: memref<!tpu.dma_semaphore, #tpu.memory_space<semaphore_mem>>, %arg21: memref<10112x32xf32, #tpu.memory_space<vmem_shared>>, %arg22: memref<!tpu.dma_semaphore, #tpu.memory_space<semaphore_mem>>, %arg23: memref<!tpu.dma_semaphore, #tpu.memory_space<semaphore_mem>>, %arg24: memref<!tpu.dma_semaphore, #tpu.memory_space<semaphore_mem>>) attributes {dimension_semantics = [#tpu.dimension_semantics<core_parallel>, #tpu.dimension_semantics<subcore_parallel>], iteration_bounds = array<i64: 2, 16>, scalar_prefetch = 0 : i64, scratch_operands = 18 : i64, tpu.core_type = #tpu.core_type<sc_vector_subcore>, window_params = [{transform_indices = #map}, {transform_indices = #map1}, {transform_indices = #map1}, {transform_indices = #map1}, {transform_indices = #map}]} {
    %mul3A = arith.constant 16 : i32
    %mul3A_0 = arith.muli %arg0, %mul3A : i32
    %add3A = arith.addi %mul3A_0, %arg1 : i32
    %mul3A_1 = arith.constant 80 : i32
    %mul3A_2 = arith.muli %add3A, %mul3A_1 : i32
    %mul3A_3 = arith.constant 16 : i32
    %mul3A_4 = arith.muli %arg0, %mul3A_3 : i32
    %add3A_5 = arith.addi %mul3A_4, %arg1 : i32
    %jit3A = arith.constant 4 : i32
    %eq3A = arith.constant 0 : i32
    %eq3A_6 = arith.cmpi eq, %jit3A, %eq3A : i32
    %jit3A_7 = arith.constant 1 : i32
    %select_n3A = arith.select %eq3A_6, %jit3A_7, %jit3A : i32
    %rem3A = arith.remsi %add3A_5, %select_n3A : i32
    %ne3A = arith.constant 0 : i32
    %ne3A_8 = arith.cmpi ne, %rem3A, %ne3A : i32
    %lt3A = arith.constant 0 : i32
    %lt3A_9 = arith.cmpi slt, %rem3A, %lt3A : i32
    %lt3A_10 = arith.constant 0 : i32
    %lt3A_11 = arith.cmpi slt, %select_n3A, %lt3A_10 : i32
    %ne3A_12 = arith.xori %lt3A_9, %lt3A_11 : i1
    %and3A = arith.andi %ne3A_12, %ne3A_8 : i1
    %add3A_13 = arith.addi %rem3A, %select_n3A : i32
    %select_n3A_14 = arith.select %and3A, %add3A_13, %rem3A : i32
    %dma_start3A = arith.constant 0 : i32
    %dma_start3A_15 = tpu.memref_slice %arg3[%mul3A_2, %dma_start3A] : memref<2560x128xi32, #tpu.memory_space<hbm>> -> memref<80x128xi32, #tpu.memory_space<hbm>>
    %dma_start3A_16 = arith.constant 0 : i32
    %dma_start3A_17 = tpu.memref_slice %arg3[%mul3A_2, %dma_start3A_16] : memref<2560x128xi32, #tpu.memory_space<hbm>> -> memref<80x128xi32, #tpu.memory_space<hbm>>
    tpu.enqueue_dma source(%dma_start3A_17 : memref<80x128xi32, #tpu.memory_space<hbm>>) target(%arg7 : memref<80x128xi32, #tpu.memory_space<vmem>>) target_semaphore(%arg22 : memref<!tpu.dma_semaphore, #tpu.memory_space<semaphore_mem>>)
    %dma_start3A_18 = arith.constant 0 : i32
    %dma_start3A_19 = tpu.memref_slice %arg4[%mul3A_2, %dma_start3A_18] : memref<2560x128xi32, #tpu.memory_space<hbm>> -> memref<80x128xi32, #tpu.memory_space<hbm>>
    %dma_start3A_20 = arith.constant 0 : i32
    %dma_start3A_21 = tpu.memref_slice %arg4[%mul3A_2, %dma_start3A_20] : memref<2560x128xi32, #tpu.memory_space<hbm>> -> memref<80x128xi32, #tpu.memory_space<hbm>>
    tpu.enqueue_dma source(%dma_start3A_21 : memref<80x128xi32, #tpu.memory_space<hbm>>) target(%arg8 : memref<80x128xi32, #tpu.memory_space<vmem>>) target_semaphore(%arg23 : memref<!tpu.dma_semaphore, #tpu.memory_space<semaphore_mem>>)
    %mul3A_22 = arith.constant 632 : i32
    %mul3A_23 = arith.muli %arg1, %mul3A_22 : i32
    %mul3A_24 = arith.constant 632 : i32
    %mul3A_25 = arith.muli %arg1, %mul3A_24 : i32
    %dma_start3A_26 = arith.constant 0 : i32
    %dma_start3A_27 = tpu.memref_slice %arg21[%mul3A_25, %dma_start3A_26] : memref<10112x32xf32, #tpu.memory_space<vmem_shared>> -> memref<632x32xf32, #tpu.memory_space<vmem_shared>>
    %dma_start3A_28 = arith.constant 0 : i32
    %dma_start3A_29 = tpu.memref_slice %arg5[%mul3A_23, %dma_start3A_28] : memref<10112x32xf32, #tpu.memory_space<hbm>> -> memref<632x32xf32, #tpu.memory_space<hbm>>
    tpu.enqueue_dma source(%dma_start3A_29 : memref<632x32xf32, #tpu.memory_space<hbm>>) target(%dma_start3A_27 : memref<632x32xf32, #tpu.memory_space<vmem_shared>>) target_semaphore(%arg24 : memref<!tpu.dma_semaphore, #tpu.memory_space<semaphore_mem>>)
    %dma_wait3A = arith.constant 0 : i32
    %dma_wait3A_30 = tpu.memref_slice %arg3[%mul3A_2, %dma_wait3A] : memref<2560x128xi32, #tpu.memory_space<hbm>> -> memref<80x128xi32, #tpu.memory_space<hbm>>
    %dma_wait3A_31 = arith.constant 0 : i32
    %dma_wait3A_32 = tpu.memref_slice %arg3[%mul3A_2, %dma_wait3A_31] : memref<2560x128xi32, #tpu.memory_space<hbm>> -> memref<80x128xi32, #tpu.memory_space<hbm>>
    tpu.wait_dma2 semaphore(%arg22 : memref<!tpu.dma_semaphore, #tpu.memory_space<semaphore_mem>>) src(%dma_wait3A_32 : memref<80x128xi32, #tpu.memory_space<hbm>>) dst(%arg7 : memref<80x128xi32, #tpu.memory_space<vmem>>)
    %dma_wait3A_33 = arith.constant 0 : i32
    %dma_wait3A_34 = tpu.memref_slice %arg4[%mul3A_2, %dma_wait3A_33] : memref<2560x128xi32, #tpu.memory_space<hbm>> -> memref<80x128xi32, #tpu.memory_space<hbm>>
    %dma_wait3A_35 = arith.constant 0 : i32
    %dma_wait3A_36 = tpu.memref_slice %arg4[%mul3A_2, %dma_wait3A_35] : memref<2560x128xi32, #tpu.memory_space<hbm>> -> memref<80x128xi32, #tpu.memory_space<hbm>>
    tpu.wait_dma2 semaphore(%arg23 : memref<!tpu.dma_semaphore, #tpu.memory_space<semaphore_mem>>) src(%dma_wait3A_36 : memref<80x128xi32, #tpu.memory_space<hbm>>) dst(%arg8 : memref<80x128xi32, #tpu.memory_space<vmem>>)
    %dma_start3A_37 = arith.constant 0 : i32
    %dma_start3A_38 = arith.constant 0 : i32
    %dma_start3A_39 = tpu.memref_slice %arg7[%dma_start3A_37, %dma_start3A_38] : memref<80x128xi32, #tpu.memory_space<vmem>> -> memref<1x128xi32, #tpu.memory_space<vmem>>
    %dma_start3A_40 = tpu.memref_squeeze %dma_start3A_39 : memref<1x128xi32, #tpu.memory_space<vmem>> -> memref<128xi32, #tpu.memory_space<vmem>>
    %dma_start3A_41 = arith.constant 0 : i32
    %dma_start3A_42 = arith.constant 0 : i32
    %dma_start3A_43 = tpu.memref_slice %arg2[%select_n3A_14, %dma_start3A_41, %dma_start3A_42] : memref<4x10112x32xf32, #tpu.memory_space<hbm>> -> memref<1x10112x32xf32, #tpu.memory_space<hbm>>
    %dma_start3A_44 = tpu.memref_squeeze %dma_start3A_43 : memref<1x10112x32xf32, #tpu.memory_space<hbm>> -> memref<10112x32xf32, #tpu.memory_space<hbm>>
    %dma_start3A_45 = arith.constant 0 : i32
    %dma_start3A_46 = arith.constant 0 : i32
    %dma_start3A_47 = tpu.memref_slice %dma_start3A_44[%dma_start3A_45, %dma_start3A_46] : memref<10112x32xf32, #tpu.memory_space<hbm>> -> memref<10112x32xf32, #tpu.memory_space<hbm>>
    tpu.enqueue_indirect_dma source(%dma_start3A_47 : memref<10112x32xf32, #tpu.memory_space<hbm>>) target(%arg9 : memref<128x32xf32, #tpu.memory_space<vmem>>) offsets(%dma_start3A_40 : memref<128xi32, #tpu.memory_space<vmem>>) semaphore(%arg13 : memref<!tpu.dma_semaphore, #tpu.memory_space<semaphore_mem>>)
    %dma_start3A_48 = arith.constant 1 : i32
    %dma_start3A_49 = arith.constant 0 : i32
    %dma_start3A_50 = tpu.memref_slice %arg7[%dma_start3A_48, %dma_start3A_49] : memref<80x128xi32, #tpu.memory_space<vmem>> -> memref<1x128xi32, #tpu.memory_space<vmem>>
    %dma_start3A_51 = tpu.memref_squeeze %dma_start3A_50 : memref<1x128xi32, #tpu.memory_space<vmem>> -> memref<128xi32, #tpu.memory_space<vmem>>
    %dma_start3A_52 = arith.constant 0 : i32
    %dma_start3A_53 = arith.constant 0 : i32
    %dma_start3A_54 = tpu.memref_slice %arg2[%select_n3A_14, %dma_start3A_52, %dma_start3A_53] : memref<4x10112x32xf32, #tpu.memory_space<hbm>> -> memref<1x10112x32xf32, #tpu.memory_space<hbm>>
    %dma_start3A_55 = tpu.memref_squeeze %dma_start3A_54 : memref<1x10112x32xf32, #tpu.memory_space<hbm>> -> memref<10112x32xf32, #tpu.memory_space<hbm>>
    %dma_start3A_56 = arith.constant 0 : i32
    %dma_start3A_57 = arith.constant 0 : i32
    %dma_start3A_58 = tpu.memref_slice %dma_start3A_55[%dma_start3A_56, %dma_start3A_57] : memref<10112x32xf32, #tpu.memory_space<hbm>> -> memref<10112x32xf32, #tpu.memory_space<hbm>>
    tpu.enqueue_indirect_dma source(%dma_start3A_58 : memref<10112x32xf32, #tpu.memory_space<hbm>>) target(%arg10 : memref<128x32xf32, #tpu.memory_space<vmem>>) offsets(%dma_start3A_51 : memref<128xi32, #tpu.memory_space<vmem>>) semaphore(%arg14 : memref<!tpu.dma_semaphore, #tpu.memory_space<semaphore_mem>>)
    %dma_start3A_59 = arith.constant 2 : i32
    %dma_start3A_60 = arith.constant 0 : i32
    %dma_start3A_61 = tpu.memref_slice %arg7[%dma_start3A_59, %dma_start3A_60] : memref<80x128xi32, #tpu.memory_space<vmem>> -> memref<1x128xi32, #tpu.memory_space<vmem>>
    %dma_start3A_62 = tpu.memref_squeeze %dma_start3A_61 : memref<1x128xi32, #tpu.memory_space<vmem>> -> memref<128xi32, #tpu.memory_space<vmem>>
    %dma_start3A_63 = arith.constant 0 : i32
    %dma_start3A_64 = arith.constant 0 : i32
    %dma_start3A_65 = tpu.memref_slice %arg2[%select_n3A_14, %dma_start3A_63, %dma_start3A_64] : memref<4x10112x32xf32, #tpu.memory_space<hbm>> -> memref<1x10112x32xf32, #tpu.memory_space<hbm>>
    %dma_start3A_66 = tpu.memref_squeeze %dma_start3A_65 : memref<1x10112x32xf32, #tpu.memory_space<hbm>> -> memref<10112x32xf32, #tpu.memory_space<hbm>>
    %dma_start3A_67 = arith.constant 0 : i32
    %dma_start3A_68 = arith.constant 0 : i32
    %dma_start3A_69 = tpu.memref_slice %dma_start3A_66[%dma_start3A_67, %dma_start3A_68] : memref<10112x32xf32, #tpu.memory_space<hbm>> -> memref<10112x32xf32, #tpu.memory_space<hbm>>
    tpu.enqueue_indirect_dma source(%dma_start3A_69 : memref<10112x32xf32, #tpu.memory_space<hbm>>) target(%arg11 : memref<128x32xf32, #tpu.memory_space<vmem>>) offsets(%dma_start3A_62 : memref<128xi32, #tpu.memory_space<vmem>>) semaphore(%arg15 : memref<!tpu.dma_semaphore, #tpu.memory_space<semaphore_mem>>)
    %dma_start3A_70 = arith.constant 3 : i32
    %dma_start3A_71 = arith.constant 0 : i32
    %dma_start3A_72 = tpu.memref_slice %arg7[%dma_start3A_70, %dma_start3A_71] : memref<80x128xi32, #tpu.memory_space<vmem>> -> memref<1x128xi32, #tpu.memory_space<vmem>>
    %dma_start3A_73 = tpu.memref_squeeze %dma_start3A_72 : memref<1x128xi32, #tpu.memory_space<vmem>> -> memref<128xi32, #tpu.memory_space<vmem>>
    %dma_start3A_74 = arith.constant 0 : i32
    %dma_start3A_75 = arith.constant 0 : i32
    %dma_start3A_76 = tpu.memref_slice %arg2[%select_n3A_14, %dma_start3A_74, %dma_start3A_75] : memref<4x10112x32xf32, #tpu.memory_space<hbm>> -> memref<1x10112x32xf32, #tpu.memory_space<hbm>>
    %dma_start3A_77 = tpu.memref_squeeze %dma_start3A_76 : memref<1x10112x32xf32, #tpu.memory_space<hbm>> -> memref<10112x32xf32, #tpu.memory_space<hbm>>
    %dma_start3A_78 = arith.constant 0 : i32
    %dma_start3A_79 = arith.constant 0 : i32
    %dma_start3A_80 = tpu.memref_slice %dma_start3A_77[%dma_start3A_78, %dma_start3A_79] : memref<10112x32xf32, #tpu.memory_space<hbm>> -> memref<10112x32xf32, #tpu.memory_space<hbm>>
    tpu.enqueue_indirect_dma source(%dma_start3A_80 : memref<10112x32xf32, #tpu.memory_space<hbm>>) target(%arg12 : memref<128x32xf32, #tpu.memory_space<vmem>>) offsets(%dma_start3A_73 : memref<128xi32, #tpu.memory_space<vmem>>) semaphore(%arg16 : memref<!tpu.dma_semaphore, #tpu.memory_space<semaphore_mem>>)
    %dma_wait3A_81 = arith.constant 0 : i32
    %dma_wait3A_82 = tpu.memref_slice %arg21[%mul3A_25, %dma_wait3A_81] : memref<10112x32xf32, #tpu.memory_space<vmem_shared>> -> memref<632x32xf32, #tpu.memory_space<vmem_shared>>
    %dma_wait3A_83 = arith.constant 0 : i32
    %dma_wait3A_84 = tpu.memref_slice %arg5[%mul3A_23, %dma_wait3A_83] : memref<10112x32xf32, #tpu.memory_space<hbm>> -> memref<632x32xf32, #tpu.memory_space<hbm>>
    tpu.wait_dma2 semaphore(%arg24 : memref<!tpu.dma_semaphore, #tpu.memory_space<semaphore_mem>>) src(%dma_wait3A_84 : memref<632x32xf32, #tpu.memory_space<hbm>>) dst(%dma_wait3A_82 : memref<632x32xf32, #tpu.memory_space<vmem_shared>>)
    %barrier3A = arith.constant 0 : index
    tpu.barrier barrier_id(%barrier3A)
    %scan3A = arith.constant 0 : i32
    %scan3A_85 = arith.constant 0 : i32
    %scan3A_86 = arith.constant 20 : i32
    %scan3A_87 = arith.addi %scan3A_85, %scan3A_86 : i32
    %scan3A_88 = arith.constant 1 : i32
    scf.for %scan3A_102 = %scan3A_85 to %scan3A_87 step %scan3A_88  : i32 {
      %mul3A_103 = arith.constant 4 : i32
      %mul3A_104 = arith.muli %mul3A_103, %scan3A_102 : i32
      %add3A_105 = arith.constant 0 : i32
      %add3A_106 = arith.addi %mul3A_104, %add3A_105 : i32
      %sub3A = arith.constant 1 : i32
      %sub3A_107 = arith.subi %add3A_106, %sub3A : i32
      %dma_wait3A_108 = arith.constant 0 : i32
      %dma_wait3A_109 = tpu.memref_slice %arg7[%add3A_106, %dma_wait3A_108] : memref<80x128xi32, #tpu.memory_space<vmem>> -> memref<1x128xi32, #tpu.memory_space<vmem>>
      %dma_wait3A_110 = tpu.memref_squeeze %dma_wait3A_109 : memref<1x128xi32, #tpu.memory_space<vmem>> -> memref<128xi32, #tpu.memory_space<vmem>>
      %dma_wait3A_111 = arith.constant 0 : i32
      %dma_wait3A_112 = arith.constant 0 : i32
      %dma_wait3A_113 = tpu.memref_slice %arg2[%select_n3A_14, %dma_wait3A_111, %dma_wait3A_112] : memref<4x10112x32xf32, #tpu.memory_space<hbm>> -> memref<1x10112x32xf32, #tpu.memory_space<hbm>>
      %dma_wait3A_114 = tpu.memref_squeeze %dma_wait3A_113 : memref<1x10112x32xf32, #tpu.memory_space<hbm>> -> memref<10112x32xf32, #tpu.memory_space<hbm>>
      %dma_wait3A_115 = arith.constant 0 : i32
      %dma_wait3A_116 = arith.constant 0 : i32
      %dma_wait3A_117 = tpu.memref_slice %dma_wait3A_114[%dma_wait3A_115, %dma_wait3A_116] : memref<10112x32xf32, #tpu.memory_space<hbm>> -> memref<10112x32xf32, #tpu.memory_space<hbm>>
      tpu.wait_indirect_dma semaphore(%arg13 : memref<!tpu.dma_semaphore, #tpu.memory_space<semaphore_mem>>) src(%dma_wait3A_117 : memref<10112x32xf32, #tpu.memory_space<hbm>>) dst(%arg9 : memref<128x32xf32, #tpu.memory_space<vmem>>)
      %dma_start3A_118 = arith.constant 0 : i32
      %dma_start3A_119 = tpu.memref_slice %arg8[%add3A_106, %dma_start3A_118] : memref<80x128xi32, #tpu.memory_space<vmem>> -> memref<1x128xi32, #tpu.memory_space<vmem>>
      %dma_start3A_120 = tpu.memref_squeeze %dma_start3A_119 : memref<1x128xi32, #tpu.memory_space<vmem>> -> memref<128xi32, #tpu.memory_space<vmem>>
      %dma_start3A_121 = arith.constant 0 : i32
      %dma_start3A_122 = arith.constant 0 : i32
      %dma_start3A_123 = tpu.memref_slice %arg21[%dma_start3A_121, %dma_start3A_122] : memref<10112x32xf32, #tpu.memory_space<vmem_shared>> -> memref<10112x32xf32, #tpu.memory_space<vmem_shared>>
      tpu.enqueue_indirect_dma source(%arg9 : memref<128x32xf32, #tpu.memory_space<vmem>>) target(%dma_start3A_123 : memref<10112x32xf32, #tpu.memory_space<vmem_shared>>) offsets(%dma_start3A_120 : memref<128xi32, #tpu.memory_space<vmem>>) semaphore(%arg17 : memref<!tpu.dma_semaphore, #tpu.memory_space<semaphore_mem>>) {add = true}
      %ge3A = arith.constant 0 : i32
      %ge3A_124 = arith.cmpi sge, %sub3A_107, %ge3A : i32
      %convert_element_type3A = arith.extui %ge3A_124 : i1 to i32
      %cond3A = arith.constant 0 : i32
      %cond3A_125 = arith.cmpi ne, %convert_element_type3A, %cond3A : i32
      scf.if %cond3A_125 {
        %dma_wait3A_207 = arith.constant 0 : i32
        %dma_wait3A_208 = tpu.memref_slice %arg8[%sub3A_107, %dma_wait3A_207] : memref<80x128xi32, #tpu.memory_space<vmem>> -> memref<1x128xi32, #tpu.memory_space<vmem>>
        %dma_wait3A_209 = tpu.memref_squeeze %dma_wait3A_208 : memref<1x128xi32, #tpu.memory_space<vmem>> -> memref<128xi32, #tpu.memory_space<vmem>>
        %dma_wait3A_210 = arith.constant 0 : i32
        %dma_wait3A_211 = arith.constant 0 : i32
        %dma_wait3A_212 = tpu.memref_slice %arg21[%dma_wait3A_210, %dma_wait3A_211] : memref<10112x32xf32, #tpu.memory_space<vmem_shared>> -> memref<10112x32xf32, #tpu.memory_space<vmem_shared>>
        tpu.wait_indirect_dma semaphore(%arg20 : memref<!tpu.dma_semaphore, #tpu.memory_space<semaphore_mem>>) src(%arg12 : memref<128x32xf32, #tpu.memory_space<vmem>>) dst(%dma_wait3A_212 : memref<10112x32xf32, #tpu.memory_space<vmem_shared>>)
        %add3A_213 = arith.constant 4 : i32
        %add3A_214 = arith.addi %sub3A_107, %add3A_213 : i32
        %lt3A_215 = arith.constant 80 : i32
        %lt3A_216 = arith.cmpi slt, %add3A_214, %lt3A_215 : i32
        %convert_element_type3A_217 = arith.extui %lt3A_216 : i1 to i32
        %cond3A_218 = arith.constant 0 : i32
        %cond3A_219 = arith.cmpi ne, %convert_element_type3A_217, %cond3A_218 : i32
        scf.if %cond3A_219 {
          %add3A_220 = arith.constant 4 : i32
          %add3A_221 = arith.addi %sub3A_107, %add3A_220 : i32
          %dma_start3A_222 = arith.constant 0 : i32
          %dma_start3A_223 = tpu.memref_slice %arg7[%add3A_221, %dma_start3A_222] : memref<80x128xi32, #tpu.memory_space<vmem>> -> memref<1x128xi32, #tpu.memory_space<vmem>>
          %dma_start3A_224 = tpu.memref_squeeze %dma_start3A_223 : memref<1x128xi32, #tpu.memory_space<vmem>> -> memref<128xi32, #tpu.memory_space<vmem>>
          %dma_start3A_225 = arith.constant 0 : i32
          %dma_start3A_226 = arith.constant 0 : i32
          %dma_start3A_227 = tpu.memref_slice %arg2[%select_n3A_14, %dma_start3A_225, %dma_start3A_226] : memref<4x10112x32xf32, #tpu.memory_space<hbm>> -> memref<1x10112x32xf32, #tpu.memory_space<hbm>>
          %dma_start3A_228 = tpu.memref_squeeze %dma_start3A_227 : memref<1x10112x32xf32, #tpu.memory_space<hbm>> -> memref<10112x32xf32, #tpu.memory_space<hbm>>
          %dma_start3A_229 = arith.constant 0 : i32
          %dma_start3A_230 = arith.constant 0 : i32
          %dma_start3A_231 = tpu.memref_slice %dma_start3A_228[%dma_start3A_229, %dma_start3A_230] : memref<10112x32xf32, #tpu.memory_space<hbm>> -> memref<10112x32xf32, #tpu.memory_space<hbm>>
          tpu.enqueue_indirect_dma source(%dma_start3A_231 : memref<10112x32xf32, #tpu.memory_space<hbm>>) target(%arg12 : memref<128x32xf32, #tpu.memory_space<vmem>>) offsets(%dma_start3A_224 : memref<128xi32, #tpu.memory_space<vmem>>) semaphore(%arg16 : memref<!tpu.dma_semaphore, #tpu.memory_space<semaphore_mem>>)
        } else {
        }
      } else {
      }
      %mul3A_126 = arith.constant 4 : i32
      %mul3A_127 = arith.muli %mul3A_126, %scan3A_102 : i32
      %add3A_128 = arith.constant 1 : i32
      %add3A_129 = arith.addi %mul3A_127, %add3A_128 : i32
      %sub3A_130 = arith.constant 1 : i32
      %sub3A_131 = arith.subi %add3A_129, %sub3A_130 : i32
      %dma_wait3A_132 = arith.constant 0 : i32
      %dma_wait3A_133 = tpu.memref_slice %arg7[%add3A_129, %dma_wait3A_132] : memref<80x128xi32, #tpu.memory_space<vmem>> -> memref<1x128xi32, #tpu.memory_space<vmem>>
      %dma_wait3A_134 = tpu.memref_squeeze %dma_wait3A_133 : memref<1x128xi32, #tpu.memory_space<vmem>> -> memref<128xi32, #tpu.memory_space<vmem>>
      %dma_wait3A_135 = arith.constant 0 : i32
      %dma_wait3A_136 = arith.constant 0 : i32
      %dma_wait3A_137 = tpu.memref_slice %arg2[%select_n3A_14, %dma_wait3A_135, %dma_wait3A_136] : memref<4x10112x32xf32, #tpu.memory_space<hbm>> -> memref<1x10112x32xf32, #tpu.memory_space<hbm>>
      %dma_wait3A_138 = tpu.memref_squeeze %dma_wait3A_137 : memref<1x10112x32xf32, #tpu.memory_space<hbm>> -> memref<10112x32xf32, #tpu.memory_space<hbm>>
      %dma_wait3A_139 = arith.constant 0 : i32
      %dma_wait3A_140 = arith.constant 0 : i32
      %dma_wait3A_141 = tpu.memref_slice %dma_wait3A_138[%dma_wait3A_139, %dma_wait3A_140] : memref<10112x32xf32, #tpu.memory_space<hbm>> -> memref<10112x32xf32, #tpu.memory_space<hbm>>
      tpu.wait_indirect_dma semaphore(%arg14 : memref<!tpu.dma_semaphore, #tpu.memory_space<semaphore_mem>>) src(%dma_wait3A_141 : memref<10112x32xf32, #tpu.memory_space<hbm>>) dst(%arg10 : memref<128x32xf32, #tpu.memory_space<vmem>>)
      %dma_start3A_142 = arith.constant 0 : i32
      %dma_start3A_143 = tpu.memref_slice %arg8[%add3A_129, %dma_start3A_142] : memref<80x128xi32, #tpu.memory_space<vmem>> -> memref<1x128xi32, #tpu.memory_space<vmem>>
      %dma_start3A_144 = tpu.memref_squeeze %dma_start3A_143 : memref<1x128xi32, #tpu.memory_space<vmem>> -> memref<128xi32, #tpu.memory_space<vmem>>
      %dma_start3A_145 = arith.constant 0 : i32
      %dma_start3A_146 = arith.constant 0 : i32
      %dma_start3A_147 = tpu.memref_slice %arg21[%dma_start3A_145, %dma_start3A_146] : memref<10112x32xf32, #tpu.memory_space<vmem_shared>> -> memref<10112x32xf32, #tpu.memory_space<vmem_shared>>
      tpu.enqueue_indirect_dma source(%arg10 : memref<128x32xf32, #tpu.memory_space<vmem>>) target(%dma_start3A_147 : memref<10112x32xf32, #tpu.memory_space<vmem_shared>>) offsets(%dma_start3A_144 : memref<128xi32, #tpu.memory_space<vmem>>) semaphore(%arg18 : memref<!tpu.dma_semaphore, #tpu.memory_space<semaphore_mem>>) {add = true}
      %ge3A_148 = arith.constant 0 : i32
      %ge3A_149 = arith.cmpi sge, %sub3A_131, %ge3A_148 : i32
      %convert_element_type3A_150 = arith.extui %ge3A_149 : i1 to i32
      %cond3A_151 = arith.constant 0 : i32
      %cond3A_152 = arith.cmpi ne, %convert_element_type3A_150, %cond3A_151 : i32
      scf.if %cond3A_152 {
        %dma_wait3A_207 = arith.constant 0 : i32
        %dma_wait3A_208 = tpu.memref_slice %arg8[%sub3A_131, %dma_wait3A_207] : memref<80x128xi32, #tpu.memory_space<vmem>> -> memref<1x128xi32, #tpu.memory_space<vmem>>
        %dma_wait3A_209 = tpu.memref_squeeze %dma_wait3A_208 : memref<1x128xi32, #tpu.memory_space<vmem>> -> memref<128xi32, #tpu.memory_space<vmem>>
        %dma_wait3A_210 = arith.constant 0 : i32
        %dma_wait3A_211 = arith.constant 0 : i32
        %dma_wait3A_212 = tpu.memref_slice %arg21[%dma_wait3A_210, %dma_wait3A_211] : memref<10112x32xf32, #tpu.memory_space<vmem_shared>> -> memref<10112x32xf32, #tpu.memory_space<vmem_shared>>
        tpu.wait_indirect_dma semaphore(%arg17 : memref<!tpu.dma_semaphore, #tpu.memory_space<semaphore_mem>>) src(%arg9 : memref<128x32xf32, #tpu.memory_space<vmem>>) dst(%dma_wait3A_212 : memref<10112x32xf32, #tpu.memory_space<vmem_shared>>)
        %add3A_213 = arith.constant 4 : i32
        %add3A_214 = arith.addi %sub3A_131, %add3A_213 : i32
        %lt3A_215 = arith.constant 80 : i32
        %lt3A_216 = arith.cmpi slt, %add3A_214, %lt3A_215 : i32
        %convert_element_type3A_217 = arith.extui %lt3A_216 : i1 to i32
        %cond3A_218 = arith.constant 0 : i32
        %cond3A_219 = arith.cmpi ne, %convert_element_type3A_217, %cond3A_218 : i32
        scf.if %cond3A_219 {
          %add3A_220 = arith.constant 4 : i32
          %add3A_221 = arith.addi %sub3A_131, %add3A_220 : i32
          %dma_start3A_222 = arith.constant 0 : i32
          %dma_start3A_223 = tpu.memref_slice %arg7[%add3A_221, %dma_start3A_222] : memref<80x128xi32, #tpu.memory_space<vmem>> -> memref<1x128xi32, #tpu.memory_space<vmem>>
          %dma_start3A_224 = tpu.memref_squeeze %dma_start3A_223 : memref<1x128xi32, #tpu.memory_space<vmem>> -> memref<128xi32, #tpu.memory_space<vmem>>
          %dma_start3A_225 = arith.constant 0 : i32
          %dma_start3A_226 = arith.constant 0 : i32
          %dma_start3A_227 = tpu.memref_slice %arg2[%select_n3A_14, %dma_start3A_225, %dma_start3A_226] : memref<4x10112x32xf32, #tpu.memory_space<hbm>> -> memref<1x10112x32xf32, #tpu.memory_space<hbm>>
          %dma_start3A_228 = tpu.memref_squeeze %dma_start3A_227 : memref<1x10112x32xf32, #tpu.memory_space<hbm>> -> memref<10112x32xf32, #tpu.memory_space<hbm>>
          %dma_start3A_229 = arith.constant 0 : i32
          %dma_start3A_230 = arith.constant 0 : i32
          %dma_start3A_231 = tpu.memref_slice %dma_start3A_228[%dma_start3A_229, %dma_start3A_230] : memref<10112x32xf32, #tpu.memory_space<hbm>> -> memref<10112x32xf32, #tpu.memory_space<hbm>>
          tpu.enqueue_indirect_dma source(%dma_start3A_231 : memref<10112x32xf32, #tpu.memory_space<hbm>>) target(%arg9 : memref<128x32xf32, #tpu.memory_space<vmem>>) offsets(%dma_start3A_224 : memref<128xi32, #tpu.memory_space<vmem>>) semaphore(%arg13 : memref<!tpu.dma_semaphore, #tpu.memory_space<semaphore_mem>>)
        } else {
        }
      } else {
      }
      %mul3A_153 = arith.constant 4 : i32
      %mul3A_154 = arith.muli %mul3A_153, %scan3A_102 : i32
      %add3A_155 = arith.constant 2 : i32
      %add3A_156 = arith.addi %mul3A_154, %add3A_155 : i32
      %sub3A_157 = arith.constant 1 : i32
      %sub3A_158 = arith.subi %add3A_156, %sub3A_157 : i32
      %dma_wait3A_159 = arith.constant 0 : i32
      %dma_wait3A_160 = tpu.memref_slice %arg7[%add3A_156, %dma_wait3A_159] : memref<80x128xi32, #tpu.memory_space<vmem>> -> memref<1x128xi32, #tpu.memory_space<vmem>>
      %dma_wait3A_161 = tpu.memref_squeeze %dma_wait3A_160 : memref<1x128xi32, #tpu.memory_space<vmem>> -> memref<128xi32, #tpu.memory_space<vmem>>
      %dma_wait3A_162 = arith.constant 0 : i32
      %dma_wait3A_163 = arith.constant 0 : i32
      %dma_wait3A_164 = tpu.memref_slice %arg2[%select_n3A_14, %dma_wait3A_162, %dma_wait3A_163] : memref<4x10112x32xf32, #tpu.memory_space<hbm>> -> memref<1x10112x32xf32, #tpu.memory_space<hbm>>
      %dma_wait3A_165 = tpu.memref_squeeze %dma_wait3A_164 : memref<1x10112x32xf32, #tpu.memory_space<hbm>> -> memref<10112x32xf32, #tpu.memory_space<hbm>>
      %dma_wait3A_166 = arith.constant 0 : i32
      %dma_wait3A_167 = arith.constant 0 : i32
      %dma_wait3A_168 = tpu.memref_slice %dma_wait3A_165[%dma_wait3A_166, %dma_wait3A_167] : memref<10112x32xf32, #tpu.memory_space<hbm>> -> memref<10112x32xf32, #tpu.memory_space<hbm>>
      tpu.wait_indirect_dma semaphore(%arg15 : memref<!tpu.dma_semaphore, #tpu.memory_space<semaphore_mem>>) src(%dma_wait3A_168 : memref<10112x32xf32, #tpu.memory_space<hbm>>) dst(%arg11 : memref<128x32xf32, #tpu.memory_space<vmem>>)
      %dma_start3A_169 = arith.constant 0 : i32
      %dma_start3A_170 = tpu.memref_slice %arg8[%add3A_156, %dma_start3A_169] : memref<80x128xi32, #tpu.memory_space<vmem>> -> memref<1x128xi32, #tpu.memory_space<vmem>>
      %dma_start3A_171 = tpu.memref_squeeze %dma_start3A_170 : memref<1x128xi32, #tpu.memory_space<vmem>> -> memref<128xi32, #tpu.memory_space<vmem>>
      %dma_start3A_172 = arith.constant 0 : i32
      %dma_start3A_173 = arith.constant 0 : i32
      %dma_start3A_174 = tpu.memref_slice %arg21[%dma_start3A_172, %dma_start3A_173] : memref<10112x32xf32, #tpu.memory_space<vmem_shared>> -> memref<10112x32xf32, #tpu.memory_space<vmem_shared>>
      tpu.enqueue_indirect_dma source(%arg11 : memref<128x32xf32, #tpu.memory_space<vmem>>) target(%dma_start3A_174 : memref<10112x32xf32, #tpu.memory_space<vmem_shared>>) offsets(%dma_start3A_171 : memref<128xi32, #tpu.memory_space<vmem>>) semaphore(%arg19 : memref<!tpu.dma_semaphore, #tpu.memory_space<semaphore_mem>>) {add = true}
      %ge3A_175 = arith.constant 0 : i32
      %ge3A_176 = arith.cmpi sge, %sub3A_158, %ge3A_175 : i32
      %convert_element_type3A_177 = arith.extui %ge3A_176 : i1 to i32
      %cond3A_178 = arith.constant 0 : i32
      %cond3A_179 = arith.cmpi ne, %convert_element_type3A_177, %cond3A_178 : i32
      scf.if %cond3A_179 {
        %dma_wait3A_207 = arith.constant 0 : i32
        %dma_wait3A_208 = tpu.memref_slice %arg8[%sub3A_158, %dma_wait3A_207] : memref<80x128xi32, #tpu.memory_space<vmem>> -> memref<1x128xi32, #tpu.memory_space<vmem>>
        %dma_wait3A_209 = tpu.memref_squeeze %dma_wait3A_208 : memref<1x128xi32, #tpu.memory_space<vmem>> -> memref<128xi32, #tpu.memory_space<vmem>>
        %dma_wait3A_210 = arith.constant 0 : i32
        %dma_wait3A_211 = arith.constant 0 : i32
        %dma_wait3A_212 = tpu.memref_slice %arg21[%dma_wait3A_210, %dma_wait3A_211] : memref<10112x32xf32, #tpu.memory_space<vmem_shared>> -> memref<10112x32xf32, #tpu.memory_space<vmem_shared>>
        tpu.wait_indirect_dma semaphore(%arg18 : memref<!tpu.dma_semaphore, #tpu.memory_space<semaphore_mem>>) src(%arg10 : memref<128x32xf32, #tpu.memory_space<vmem>>) dst(%dma_wait3A_212 : memref<10112x32xf32, #tpu.memory_space<vmem_shared>>)
        %add3A_213 = arith.constant 4 : i32
        %add3A_214 = arith.addi %sub3A_158, %add3A_213 : i32
        %lt3A_215 = arith.constant 80 : i32
        %lt3A_216 = arith.cmpi slt, %add3A_214, %lt3A_215 : i32
        %convert_element_type3A_217 = arith.extui %lt3A_216 : i1 to i32
        %cond3A_218 = arith.constant 0 : i32
        %cond3A_219 = arith.cmpi ne, %convert_element_type3A_217, %cond3A_218 : i32
        scf.if %cond3A_219 {
          %add3A_220 = arith.constant 4 : i32
          %add3A_221 = arith.addi %sub3A_158, %add3A_220 : i32
          %dma_start3A_222 = arith.constant 0 : i32
          %dma_start3A_223 = tpu.memref_slice %arg7[%add3A_221, %dma_start3A_222] : memref<80x128xi32, #tpu.memory_space<vmem>> -> memref<1x128xi32, #tpu.memory_space<vmem>>
          %dma_start3A_224 = tpu.memref_squeeze %dma_start3A_223 : memref<1x128xi32, #tpu.memory_space<vmem>> -> memref<128xi32, #tpu.memory_space<vmem>>
          %dma_start3A_225 = arith.constant 0 : i32
          %dma_start3A_226 = arith.constant 0 : i32
          %dma_start3A_227 = tpu.memref_slice %arg2[%select_n3A_14, %dma_start3A_225, %dma_start3A_226] : memref<4x10112x32xf32, #tpu.memory_space<hbm>> -> memref<1x10112x32xf32, #tpu.memory_space<hbm>>
          %dma_start3A_228 = tpu.memref_squeeze %dma_start3A_227 : memref<1x10112x32xf32, #tpu.memory_space<hbm>> -> memref<10112x32xf32, #tpu.memory_space<hbm>>
          %dma_start3A_229 = arith.constant 0 : i32
          %dma_start3A_230 = arith.constant 0 : i32
          %dma_start3A_231 = tpu.memref_slice %dma_start3A_228[%dma_start3A_229, %dma_start3A_230] : memref<10112x32xf32, #tpu.memory_space<hbm>> -> memref<10112x32xf32, #tpu.memory_space<hbm>>
          tpu.enqueue_indirect_dma source(%dma_start3A_231 : memref<10112x32xf32, #tpu.memory_space<hbm>>) target(%arg10 : memref<128x32xf32, #tpu.memory_space<vmem>>) offsets(%dma_start3A_224 : memref<128xi32, #tpu.memory_space<vmem>>) semaphore(%arg14 : memref<!tpu.dma_semaphore, #tpu.memory_space<semaphore_mem>>)
        } else {
        }
      } else {
      }
      %mul3A_180 = arith.constant 4 : i32
      %mul3A_181 = arith.muli %mul3A_180, %scan3A_102 : i32
      %add3A_182 = arith.constant 3 : i32
      %add3A_183 = arith.addi %mul3A_181, %add3A_182 : i32
      %sub3A_184 = arith.constant 1 : i32
      %sub3A_185 = arith.subi %add3A_183, %sub3A_184 : i32
      %dma_wait3A_186 = arith.constant 0 : i32
      %dma_wait3A_187 = tpu.memref_slice %arg7[%add3A_183, %dma_wait3A_186] : memref<80x128xi32, #tpu.memory_space<vmem>> -> memref<1x128xi32, #tpu.memory_space<vmem>>
      %dma_wait3A_188 = tpu.memref_squeeze %dma_wait3A_187 : memref<1x128xi32, #tpu.memory_space<vmem>> -> memref<128xi32, #tpu.memory_space<vmem>>
      %dma_wait3A_189 = arith.constant 0 : i32
      %dma_wait3A_190 = arith.constant 0 : i32
      %dma_wait3A_191 = tpu.memref_slice %arg2[%select_n3A_14, %dma_wait3A_189, %dma_wait3A_190] : memref<4x10112x32xf32, #tpu.memory_space<hbm>> -> memref<1x10112x32xf32, #tpu.memory_space<hbm>>
      %dma_wait3A_192 = tpu.memref_squeeze %dma_wait3A_191 : memref<1x10112x32xf32, #tpu.memory_space<hbm>> -> memref<10112x32xf32, #tpu.memory_space<hbm>>
      %dma_wait3A_193 = arith.constant 0 : i32
      %dma_wait3A_194 = arith.constant 0 : i32
      %dma_wait3A_195 = tpu.memref_slice %dma_wait3A_192[%dma_wait3A_193, %dma_wait3A_194] : memref<10112x32xf32, #tpu.memory_space<hbm>> -> memref<10112x32xf32, #tpu.memory_space<hbm>>
      tpu.wait_indirect_dma semaphore(%arg16 : memref<!tpu.dma_semaphore, #tpu.memory_space<semaphore_mem>>) src(%dma_wait3A_195 : memref<10112x32xf32, #tpu.memory_space<hbm>>) dst(%arg12 : memref<128x32xf32, #tpu.memory_space<vmem>>)
      %dma_start3A_196 = arith.constant 0 : i32
      %dma_start3A_197 = tpu.memref_slice %arg8[%add3A_183, %dma_start3A_196] : memref<80x128xi32, #tpu.memory_space<vmem>> -> memref<1x128xi32, #tpu.memory_space<vmem>>
      %dma_start3A_198 = tpu.memref_squeeze %dma_start3A_197 : memref<1x128xi32, #tpu.memory_space<vmem>> -> memref<128xi32, #tpu.memory_space<vmem>>
      %dma_start3A_199 = arith.constant 0 : i32
      %dma_start3A_200 = arith.constant 0 : i32
      %dma_start3A_201 = tpu.memref_slice %arg21[%dma_start3A_199, %dma_start3A_200] : memref<10112x32xf32, #tpu.memory_space<vmem_shared>> -> memref<10112x32xf32, #tpu.memory_space<vmem_shared>>
      tpu.enqueue_indirect_dma source(%arg12 : memref<128x32xf32, #tpu.memory_space<vmem>>) target(%dma_start3A_201 : memref<10112x32xf32, #tpu.memory_space<vmem_shared>>) offsets(%dma_start3A_198 : memref<128xi32, #tpu.memory_space<vmem>>) semaphore(%arg20 : memref<!tpu.dma_semaphore, #tpu.memory_space<semaphore_mem>>) {add = true}
      %ge3A_202 = arith.constant 0 : i32
      %ge3A_203 = arith.cmpi sge, %sub3A_185, %ge3A_202 : i32
      %convert_element_type3A_204 = arith.extui %ge3A_203 : i1 to i32
      %cond3A_205 = arith.constant 0 : i32
      %cond3A_206 = arith.cmpi ne, %convert_element_type3A_204, %cond3A_205 : i32
      scf.if %cond3A_206 {
        %dma_wait3A_207 = arith.constant 0 : i32
        %dma_wait3A_208 = tpu.memref_slice %arg8[%sub3A_185, %dma_wait3A_207] : memref<80x128xi32, #tpu.memory_space<vmem>> -> memref<1x128xi32, #tpu.memory_space<vmem>>
        %dma_wait3A_209 = tpu.memref_squeeze %dma_wait3A_208 : memref<1x128xi32, #tpu.memory_space<vmem>> -> memref<128xi32, #tpu.memory_space<vmem>>
        %dma_wait3A_210 = arith.constant 0 : i32
        %dma_wait3A_211 = arith.constant 0 : i32
        %dma_wait3A_212 = tpu.memref_slice %arg21[%dma_wait3A_210, %dma_wait3A_211] : memref<10112x32xf32, #tpu.memory_space<vmem_shared>> -> memref<10112x32xf32, #tpu.memory_space<vmem_shared>>
        tpu.wait_indirect_dma semaphore(%arg19 : memref<!tpu.dma_semaphore, #tpu.memory_space<semaphore_mem>>) src(%arg11 : memref<128x32xf32, #tpu.memory_space<vmem>>) dst(%dma_wait3A_212 : memref<10112x32xf32, #tpu.memory_space<vmem_shared>>)
        %add3A_213 = arith.constant 4 : i32
        %add3A_214 = arith.addi %sub3A_185, %add3A_213 : i32
        %lt3A_215 = arith.constant 80 : i32
        %lt3A_216 = arith.cmpi slt, %add3A_214, %lt3A_215 : i32
        %convert_element_type3A_217 = arith.extui %lt3A_216 : i1 to i32
        %cond3A_218 = arith.constant 0 : i32
        %cond3A_219 = arith.cmpi ne, %convert_element_type3A_217, %cond3A_218 : i32
        scf.if %cond3A_219 {
          %add3A_220 = arith.constant 4 : i32
          %add3A_221 = arith.addi %sub3A_185, %add3A_220 : i32
          %dma_start3A_222 = arith.constant 0 : i32
          %dma_start3A_223 = tpu.memref_slice %arg7[%add3A_221, %dma_start3A_222] : memref<80x128xi32, #tpu.memory_space<vmem>> -> memref<1x128xi32, #tpu.memory_space<vmem>>
          %dma_start3A_224 = tpu.memref_squeeze %dma_start3A_223 : memref<1x128xi32, #tpu.memory_space<vmem>> -> memref<128xi32, #tpu.memory_space<vmem>>
          %dma_start3A_225 = arith.constant 0 : i32
          %dma_start3A_226 = arith.constant 0 : i32
          %dma_start3A_227 = tpu.memref_slice %arg2[%select_n3A_14, %dma_start3A_225, %dma_start3A_226] : memref<4x10112x32xf32, #tpu.memory_space<hbm>> -> memref<1x10112x32xf32, #tpu.memory_space<hbm>>
          %dma_start3A_228 = tpu.memref_squeeze %dma_start3A_227 : memref<1x10112x32xf32, #tpu.memory_space<hbm>> -> memref<10112x32xf32, #tpu.memory_space<hbm>>
          %dma_start3A_229 = arith.constant 0 : i32
          %dma_start3A_230 = arith.constant 0 : i32
          %dma_start3A_231 = tpu.memref_slice %dma_start3A_228[%dma_start3A_229, %dma_start3A_230] : memref<10112x32xf32, #tpu.memory_space<hbm>> -> memref<10112x32xf32, #tpu.memory_space<hbm>>
          tpu.enqueue_indirect_dma source(%dma_start3A_231 : memref<10112x32xf32, #tpu.memory_space<hbm>>) target(%arg11 : memref<128x32xf32, #tpu.memory_space<vmem>>) offsets(%dma_start3A_224 : memref<128xi32, #tpu.memory_space<vmem>>) semaphore(%arg15 : memref<!tpu.dma_semaphore, #tpu.memory_space<semaphore_mem>>)
        } else {
        }
      } else {
      }
    }
    %scan3A_89 = arith.constant 20 : i32
    %dma_wait3A_90 = arith.constant 79 : i32
    %dma_wait3A_91 = arith.constant 0 : i32
    %dma_wait3A_92 = tpu.memref_slice %arg8[%dma_wait3A_90, %dma_wait3A_91] : memref<80x128xi32, #tpu.memory_space<vmem>> -> memref<1x128xi32, #tpu.memory_space<vmem>>
    %dma_wait3A_93 = tpu.memref_squeeze %dma_wait3A_92 : memref<1x128xi32, #tpu.memory_space<vmem>> -> memref<128xi32, #tpu.memory_space<vmem>>
    %dma_wait3A_94 = arith.constant 0 : i32
    %dma_wait3A_95 = arith.constant 0 : i32
    %dma_wait3A_96 = tpu.memref_slice %arg21[%dma_wait3A_94, %dma_wait3A_95] : memref<10112x32xf32, #tpu.memory_space<vmem_shared>> -> memref<10112x32xf32, #tpu.memory_space<vmem_shared>>
    tpu.wait_indirect_dma semaphore(%arg20 : memref<!tpu.dma_semaphore, #tpu.memory_space<semaphore_mem>>) src(%arg12 : memref<128x32xf32, #tpu.memory_space<vmem>>) dst(%dma_wait3A_96 : memref<10112x32xf32, #tpu.memory_space<vmem_shared>>)
    %barrier3A_97 = arith.constant 0 : index
    tpu.barrier barrier_id(%barrier3A_97)
    %mul3A_98 = arith.constant 632 : i32
    %mul3A_99 = arith.muli %arg1, %mul3A_98 : i32
    %mul3A_100 = arith.constant 632 : i32
    %mul3A_101 = arith.muli %arg1, %mul3A_100 : i32
    "tpu.region"() ({
      %run_scoped3A = tpu.sem_alloc : memref<!tpu.dma_semaphore, #tpu.memory_space<semaphore_mem>>
      %dma_start3A_102 = arith.constant 0 : i32
      %dma_start3A_103 = tpu.memref_slice %arg6[%arg0, %mul3A_101, %dma_start3A_102] : memref<2x10112x32xf32, #tpu.memory_space<hbm>> -> memref<1x632x32xf32, #tpu.memory_space<hbm>>
      %dma_start3A_104 = tpu.memref_squeeze %dma_start3A_103 : memref<1x632x32xf32, #tpu.memory_space<hbm>> -> memref<632x32xf32, #tpu.memory_space<hbm>>
      %dma_start3A_105 = arith.constant 0 : i32
      %dma_start3A_106 = tpu.memref_slice %arg21[%mul3A_99, %dma_start3A_105] : memref<10112x32xf32, #tpu.memory_space<vmem_shared>> -> memref<632x32xf32, #tpu.memory_space<vmem_shared>>
      tpu.enqueue_dma source(%dma_start3A_106 : memref<632x32xf32, #tpu.memory_space<vmem_shared>>) target(%dma_start3A_104 : memref<632x32xf32, #tpu.memory_space<hbm>>) target_semaphore(%run_scoped3A : memref<!tpu.dma_semaphore, #tpu.memory_space<semaphore_mem>>)
      %dma_wait3A_107 = arith.constant 0 : i32
      %dma_wait3A_108 = tpu.memref_slice %arg6[%arg0, %mul3A_101, %dma_wait3A_107] : memref<2x10112x32xf32, #tpu.memory_space<hbm>> -> memref<1x632x32xf32, #tpu.memory_space<hbm>>
      %dma_wait3A_109 = tpu.memref_squeeze %dma_wait3A_108 : memref<1x632x32xf32, #tpu.memory_space<hbm>> -> memref<632x32xf32, #tpu.memory_space<hbm>>
      %dma_wait3A_110 = arith.constant 0 : i32
      %dma_wait3A_111 = tpu.memref_slice %arg21[%mul3A_99, %dma_wait3A_110] : memref<10112x32xf32, #tpu.memory_space<vmem_shared>> -> memref<632x32xf32, #tpu.memory_space<vmem_shared>>
      tpu.wait_dma2 semaphore(%run_scoped3A : memref<!tpu.dma_semaphore, #tpu.memory_space<semaphore_mem>>) src(%dma_wait3A_111 : memref<632x32xf32, #tpu.memory_space<vmem_shared>>) dst(%dma_wait3A_109 : memref<632x32xf32, #tpu.memory_space<hbm>>)
      tpu.yield
    }) : () -> ()
    return
  }
}

#map = affine_map<(d0, d1) -> (0, 0, 0)>
#map1 = affine_map<(d0, d1) -> (0, 0)>
module attributes {stable_mosaic.version = 14 : i64} {
  func.func @agg(%arg0: i32, %arg1: i32, %arg2: memref<4x10112x16xf32, #tpu.memory_space<hbm>>, %arg3: memref<2560x128xi32, #tpu.memory_space<hbm>>, %arg4: memref<2560x128xi32, #tpu.memory_space<hbm>>, %arg5: memref<10112x16xf32, #tpu.memory_space<hbm>>, %arg6: memref<2x10112x16xf32, #tpu.memory_space<hbm>>, %arg7: memref<80x128xi32, #tpu.memory_space<vmem>>, %arg8: memref<80x128xi32, #tpu.memory_space<vmem>>, %arg9: memref<128x16xf32, #tpu.memory_space<vmem>>, %arg10: memref<128x16xf32, #tpu.memory_space<vmem>>, %arg11: memref<128x16xf32, #tpu.memory_space<vmem>>, %arg12: memref<128x16xf32, #tpu.memory_space<vmem>>, %arg13: memref<!tpu.dma_semaphore, #tpu.memory_space<semaphore_mem>>, %arg14: memref<!tpu.dma_semaphore, #tpu.memory_space<semaphore_mem>>, %arg15: memref<!tpu.dma_semaphore, #tpu.memory_space<semaphore_mem>>, %arg16: memref<!tpu.dma_semaphore, #tpu.memory_space<semaphore_mem>>, %arg17: memref<!tpu.dma_semaphore, #tpu.memory_space<semaphore_mem>>, %arg18: memref<!tpu.dma_semaphore, #tpu.memory_space<semaphore_mem>>, %arg19: memref<!tpu.dma_semaphore, #tpu.memory_space<semaphore_mem>>, %arg20: memref<!tpu.dma_semaphore, #tpu.memory_space<semaphore_mem>>, %arg21: memref<10112x16xf32, #tpu.memory_space<vmem_shared>>, %arg22: memref<!tpu.dma_semaphore, #tpu.memory_space<semaphore_mem>>, %arg23: memref<!tpu.dma_semaphore, #tpu.memory_space<semaphore_mem>>, %arg24: memref<!tpu.dma_semaphore, #tpu.memory_space<semaphore_mem>>) attributes {dimension_semantics = [#tpu.dimension_semantics<core_parallel>, #tpu.dimension_semantics<subcore_parallel>], iteration_bounds = array<i64: 2, 16>, scalar_prefetch = 0 : i64, scratch_operands = 18 : i64, tpu.core_type = #tpu.core_type<sc_vector_subcore>, window_params = [{transform_indices = #map}, {transform_indices = #map1}, {transform_indices = #map1}, {transform_indices = #map1}, {transform_indices = #map}]} {
    %mul3A = arith.constant 16 : i32
    %mul3A_0 = arith.muli %arg0, %mul3A : i32
    %add3A = arith.addi %mul3A_0, %arg1 : i32
    %mul3A_1 = arith.constant 80 : i32
    %mul3A_2 = arith.muli %add3A, %mul3A_1 : i32
    %mul3A_3 = arith.constant 16 : i32
    %mul3A_4 = arith.muli %arg0, %mul3A_3 : i32
    %add3A_5 = arith.addi %mul3A_4, %arg1 : i32
    %jit3A = arith.constant 4 : i32
    %eq3A = arith.constant 0 : i32
    %eq3A_6 = arith.cmpi eq, %jit3A, %eq3A : i32
    %jit3A_7 = arith.constant 1 : i32
    %select_n3A = arith.select %eq3A_6, %jit3A_7, %jit3A : i32
    %rem3A = arith.remsi %add3A_5, %select_n3A : i32
    %ne3A = arith.constant 0 : i32
    %ne3A_8 = arith.cmpi ne, %rem3A, %ne3A : i32
    %lt3A = arith.constant 0 : i32
    %lt3A_9 = arith.cmpi slt, %rem3A, %lt3A : i32
    %lt3A_10 = arith.constant 0 : i32
    %lt3A_11 = arith.cmpi slt, %select_n3A, %lt3A_10 : i32
    %ne3A_12 = arith.xori %lt3A_9, %lt3A_11 : i1
    %and3A = arith.andi %ne3A_12, %ne3A_8 : i1
    %add3A_13 = arith.addi %rem3A, %select_n3A : i32
    %select_n3A_14 = arith.select %and3A, %add3A_13, %rem3A : i32
    %dma_start3A = arith.constant 0 : i32
    %dma_start3A_15 = tpu.memref_slice %arg3[%mul3A_2, %dma_start3A] : memref<2560x128xi32, #tpu.memory_space<hbm>> -> memref<80x128xi32, #tpu.memory_space<hbm>>
    %dma_start3A_16 = arith.constant 0 : i32
    %dma_start3A_17 = tpu.memref_slice %arg3[%mul3A_2, %dma_start3A_16] : memref<2560x128xi32, #tpu.memory_space<hbm>> -> memref<80x128xi32, #tpu.memory_space<hbm>>
    tpu.enqueue_dma source(%dma_start3A_17 : memref<80x128xi32, #tpu.memory_space<hbm>>) target(%arg7 : memref<80x128xi32, #tpu.memory_space<vmem>>) target_semaphore(%arg22 : memref<!tpu.dma_semaphore, #tpu.memory_space<semaphore_mem>>)
    %dma_start3A_18 = arith.constant 0 : i32
    %dma_start3A_19 = tpu.memref_slice %arg4[%mul3A_2, %dma_start3A_18] : memref<2560x128xi32, #tpu.memory_space<hbm>> -> memref<80x128xi32, #tpu.memory_space<hbm>>
    %dma_start3A_20 = arith.constant 0 : i32
    %dma_start3A_21 = tpu.memref_slice %arg4[%mul3A_2, %dma_start3A_20] : memref<2560x128xi32, #tpu.memory_space<hbm>> -> memref<80x128xi32, #tpu.memory_space<hbm>>
    tpu.enqueue_dma source(%dma_start3A_21 : memref<80x128xi32, #tpu.memory_space<hbm>>) target(%arg8 : memref<80x128xi32, #tpu.memory_space<vmem>>) target_semaphore(%arg23 : memref<!tpu.dma_semaphore, #tpu.memory_space<semaphore_mem>>)
    %mul3A_22 = arith.constant 632 : i32
    %mul3A_23 = arith.muli %arg1, %mul3A_22 : i32
    %mul3A_24 = arith.constant 632 : i32
    %mul3A_25 = arith.muli %arg1, %mul3A_24 : i32
    %dma_start3A_26 = arith.constant 0 : i32
    %dma_start3A_27 = tpu.memref_slice %arg21[%mul3A_25, %dma_start3A_26] : memref<10112x16xf32, #tpu.memory_space<vmem_shared>> -> memref<632x16xf32, #tpu.memory_space<vmem_shared>>
    %dma_start3A_28 = arith.constant 0 : i32
    %dma_start3A_29 = tpu.memref_slice %arg5[%mul3A_23, %dma_start3A_28] : memref<10112x16xf32, #tpu.memory_space<hbm>> -> memref<632x16xf32, #tpu.memory_space<hbm>>
    tpu.enqueue_dma source(%dma_start3A_29 : memref<632x16xf32, #tpu.memory_space<hbm>>) target(%dma_start3A_27 : memref<632x16xf32, #tpu.memory_space<vmem_shared>>) target_semaphore(%arg24 : memref<!tpu.dma_semaphore, #tpu.memory_space<semaphore_mem>>)
    %dma_wait3A = arith.constant 0 : i32
    %dma_wait3A_30 = tpu.memref_slice %arg3[%mul3A_2, %dma_wait3A] : memref<2560x128xi32, #tpu.memory_space<hbm>> -> memref<80x128xi32, #tpu.memory_space<hbm>>
    %dma_wait3A_31 = arith.constant 0 : i32
    %dma_wait3A_32 = tpu.memref_slice %arg3[%mul3A_2, %dma_wait3A_31] : memref<2560x128xi32, #tpu.memory_space<hbm>> -> memref<80x128xi32, #tpu.memory_space<hbm>>
    tpu.wait_dma2 semaphore(%arg22 : memref<!tpu.dma_semaphore, #tpu.memory_space<semaphore_mem>>) src(%dma_wait3A_32 : memref<80x128xi32, #tpu.memory_space<hbm>>) dst(%arg7 : memref<80x128xi32, #tpu.memory_space<vmem>>)
    %dma_wait3A_33 = arith.constant 0 : i32
    %dma_wait3A_34 = tpu.memref_slice %arg4[%mul3A_2, %dma_wait3A_33] : memref<2560x128xi32, #tpu.memory_space<hbm>> -> memref<80x128xi32, #tpu.memory_space<hbm>>
    %dma_wait3A_35 = arith.constant 0 : i32
    %dma_wait3A_36 = tpu.memref_slice %arg4[%mul3A_2, %dma_wait3A_35] : memref<2560x128xi32, #tpu.memory_space<hbm>> -> memref<80x128xi32, #tpu.memory_space<hbm>>
    tpu.wait_dma2 semaphore(%arg23 : memref<!tpu.dma_semaphore, #tpu.memory_space<semaphore_mem>>) src(%dma_wait3A_36 : memref<80x128xi32, #tpu.memory_space<hbm>>) dst(%arg8 : memref<80x128xi32, #tpu.memory_space<vmem>>)
    %dma_start3A_37 = arith.constant 0 : i32
    %dma_start3A_38 = arith.constant 0 : i32
    %dma_start3A_39 = tpu.memref_slice %arg7[%dma_start3A_37, %dma_start3A_38] : memref<80x128xi32, #tpu.memory_space<vmem>> -> memref<1x128xi32, #tpu.memory_space<vmem>>
    %dma_start3A_40 = tpu.memref_squeeze %dma_start3A_39 : memref<1x128xi32, #tpu.memory_space<vmem>> -> memref<128xi32, #tpu.memory_space<vmem>>
    %dma_start3A_41 = arith.constant 0 : i32
    %dma_start3A_42 = arith.constant 0 : i32
    %dma_start3A_43 = tpu.memref_slice %arg2[%select_n3A_14, %dma_start3A_41, %dma_start3A_42] : memref<4x10112x16xf32, #tpu.memory_space<hbm>> -> memref<1x10112x16xf32, #tpu.memory_space<hbm>>
    %dma_start3A_44 = tpu.memref_squeeze %dma_start3A_43 : memref<1x10112x16xf32, #tpu.memory_space<hbm>> -> memref<10112x16xf32, #tpu.memory_space<hbm>>
    %dma_start3A_45 = arith.constant 0 : i32
    %dma_start3A_46 = arith.constant 0 : i32
    %dma_start3A_47 = tpu.memref_slice %dma_start3A_44[%dma_start3A_45, %dma_start3A_46] : memref<10112x16xf32, #tpu.memory_space<hbm>> -> memref<10112x16xf32, #tpu.memory_space<hbm>>
    tpu.enqueue_indirect_dma source(%dma_start3A_47 : memref<10112x16xf32, #tpu.memory_space<hbm>>) target(%arg9 : memref<128x16xf32, #tpu.memory_space<vmem>>) offsets(%dma_start3A_40 : memref<128xi32, #tpu.memory_space<vmem>>) semaphore(%arg13 : memref<!tpu.dma_semaphore, #tpu.memory_space<semaphore_mem>>)
    %dma_start3A_48 = arith.constant 1 : i32
    %dma_start3A_49 = arith.constant 0 : i32
    %dma_start3A_50 = tpu.memref_slice %arg7[%dma_start3A_48, %dma_start3A_49] : memref<80x128xi32, #tpu.memory_space<vmem>> -> memref<1x128xi32, #tpu.memory_space<vmem>>
    %dma_start3A_51 = tpu.memref_squeeze %dma_start3A_50 : memref<1x128xi32, #tpu.memory_space<vmem>> -> memref<128xi32, #tpu.memory_space<vmem>>
    %dma_start3A_52 = arith.constant 0 : i32
    %dma_start3A_53 = arith.constant 0 : i32
    %dma_start3A_54 = tpu.memref_slice %arg2[%select_n3A_14, %dma_start3A_52, %dma_start3A_53] : memref<4x10112x16xf32, #tpu.memory_space<hbm>> -> memref<1x10112x16xf32, #tpu.memory_space<hbm>>
    %dma_start3A_55 = tpu.memref_squeeze %dma_start3A_54 : memref<1x10112x16xf32, #tpu.memory_space<hbm>> -> memref<10112x16xf32, #tpu.memory_space<hbm>>
    %dma_start3A_56 = arith.constant 0 : i32
    %dma_start3A_57 = arith.constant 0 : i32
    %dma_start3A_58 = tpu.memref_slice %dma_start3A_55[%dma_start3A_56, %dma_start3A_57] : memref<10112x16xf32, #tpu.memory_space<hbm>> -> memref<10112x16xf32, #tpu.memory_space<hbm>>
    tpu.enqueue_indirect_dma source(%dma_start3A_58 : memref<10112x16xf32, #tpu.memory_space<hbm>>) target(%arg10 : memref<128x16xf32, #tpu.memory_space<vmem>>) offsets(%dma_start3A_51 : memref<128xi32, #tpu.memory_space<vmem>>) semaphore(%arg14 : memref<!tpu.dma_semaphore, #tpu.memory_space<semaphore_mem>>)
    %dma_start3A_59 = arith.constant 2 : i32
    %dma_start3A_60 = arith.constant 0 : i32
    %dma_start3A_61 = tpu.memref_slice %arg7[%dma_start3A_59, %dma_start3A_60] : memref<80x128xi32, #tpu.memory_space<vmem>> -> memref<1x128xi32, #tpu.memory_space<vmem>>
    %dma_start3A_62 = tpu.memref_squeeze %dma_start3A_61 : memref<1x128xi32, #tpu.memory_space<vmem>> -> memref<128xi32, #tpu.memory_space<vmem>>
    %dma_start3A_63 = arith.constant 0 : i32
    %dma_start3A_64 = arith.constant 0 : i32
    %dma_start3A_65 = tpu.memref_slice %arg2[%select_n3A_14, %dma_start3A_63, %dma_start3A_64] : memref<4x10112x16xf32, #tpu.memory_space<hbm>> -> memref<1x10112x16xf32, #tpu.memory_space<hbm>>
    %dma_start3A_66 = tpu.memref_squeeze %dma_start3A_65 : memref<1x10112x16xf32, #tpu.memory_space<hbm>> -> memref<10112x16xf32, #tpu.memory_space<hbm>>
    %dma_start3A_67 = arith.constant 0 : i32
    %dma_start3A_68 = arith.constant 0 : i32
    %dma_start3A_69 = tpu.memref_slice %dma_start3A_66[%dma_start3A_67, %dma_start3A_68] : memref<10112x16xf32, #tpu.memory_space<hbm>> -> memref<10112x16xf32, #tpu.memory_space<hbm>>
    tpu.enqueue_indirect_dma source(%dma_start3A_69 : memref<10112x16xf32, #tpu.memory_space<hbm>>) target(%arg11 : memref<128x16xf32, #tpu.memory_space<vmem>>) offsets(%dma_start3A_62 : memref<128xi32, #tpu.memory_space<vmem>>) semaphore(%arg15 : memref<!tpu.dma_semaphore, #tpu.memory_space<semaphore_mem>>)
    %dma_start3A_70 = arith.constant 3 : i32
    %dma_start3A_71 = arith.constant 0 : i32
    %dma_start3A_72 = tpu.memref_slice %arg7[%dma_start3A_70, %dma_start3A_71] : memref<80x128xi32, #tpu.memory_space<vmem>> -> memref<1x128xi32, #tpu.memory_space<vmem>>
    %dma_start3A_73 = tpu.memref_squeeze %dma_start3A_72 : memref<1x128xi32, #tpu.memory_space<vmem>> -> memref<128xi32, #tpu.memory_space<vmem>>
    %dma_start3A_74 = arith.constant 0 : i32
    %dma_start3A_75 = arith.constant 0 : i32
    %dma_start3A_76 = tpu.memref_slice %arg2[%select_n3A_14, %dma_start3A_74, %dma_start3A_75] : memref<4x10112x16xf32, #tpu.memory_space<hbm>> -> memref<1x10112x16xf32, #tpu.memory_space<hbm>>
    %dma_start3A_77 = tpu.memref_squeeze %dma_start3A_76 : memref<1x10112x16xf32, #tpu.memory_space<hbm>> -> memref<10112x16xf32, #tpu.memory_space<hbm>>
    %dma_start3A_78 = arith.constant 0 : i32
    %dma_start3A_79 = arith.constant 0 : i32
    %dma_start3A_80 = tpu.memref_slice %dma_start3A_77[%dma_start3A_78, %dma_start3A_79] : memref<10112x16xf32, #tpu.memory_space<hbm>> -> memref<10112x16xf32, #tpu.memory_space<hbm>>
    tpu.enqueue_indirect_dma source(%dma_start3A_80 : memref<10112x16xf32, #tpu.memory_space<hbm>>) target(%arg12 : memref<128x16xf32, #tpu.memory_space<vmem>>) offsets(%dma_start3A_73 : memref<128xi32, #tpu.memory_space<vmem>>) semaphore(%arg16 : memref<!tpu.dma_semaphore, #tpu.memory_space<semaphore_mem>>)
    %dma_wait3A_81 = arith.constant 0 : i32
    %dma_wait3A_82 = tpu.memref_slice %arg21[%mul3A_25, %dma_wait3A_81] : memref<10112x16xf32, #tpu.memory_space<vmem_shared>> -> memref<632x16xf32, #tpu.memory_space<vmem_shared>>
    %dma_wait3A_83 = arith.constant 0 : i32
    %dma_wait3A_84 = tpu.memref_slice %arg5[%mul3A_23, %dma_wait3A_83] : memref<10112x16xf32, #tpu.memory_space<hbm>> -> memref<632x16xf32, #tpu.memory_space<hbm>>
    tpu.wait_dma2 semaphore(%arg24 : memref<!tpu.dma_semaphore, #tpu.memory_space<semaphore_mem>>) src(%dma_wait3A_84 : memref<632x16xf32, #tpu.memory_space<hbm>>) dst(%dma_wait3A_82 : memref<632x16xf32, #tpu.memory_space<vmem_shared>>)
    %barrier3A = arith.constant 0 : index
    tpu.barrier barrier_id(%barrier3A)
    %scan3A = arith.constant 0 : i32
    %scan3A_85 = arith.constant 0 : i32
    %scan3A_86 = arith.constant 20 : i32
    %scan3A_87 = arith.addi %scan3A_85, %scan3A_86 : i32
    %scan3A_88 = arith.constant 1 : i32
    scf.for %scan3A_102 = %scan3A_85 to %scan3A_87 step %scan3A_88  : i32 {
      %mul3A_103 = arith.constant 4 : i32
      %mul3A_104 = arith.muli %mul3A_103, %scan3A_102 : i32
      %add3A_105 = arith.constant 0 : i32
      %add3A_106 = arith.addi %mul3A_104, %add3A_105 : i32
      %sub3A = arith.constant 1 : i32
      %sub3A_107 = arith.subi %add3A_106, %sub3A : i32
      %dma_wait3A_108 = arith.constant 0 : i32
      %dma_wait3A_109 = tpu.memref_slice %arg7[%add3A_106, %dma_wait3A_108] : memref<80x128xi32, #tpu.memory_space<vmem>> -> memref<1x128xi32, #tpu.memory_space<vmem>>
      %dma_wait3A_110 = tpu.memref_squeeze %dma_wait3A_109 : memref<1x128xi32, #tpu.memory_space<vmem>> -> memref<128xi32, #tpu.memory_space<vmem>>
      %dma_wait3A_111 = arith.constant 0 : i32
      %dma_wait3A_112 = arith.constant 0 : i32
      %dma_wait3A_113 = tpu.memref_slice %arg2[%select_n3A_14, %dma_wait3A_111, %dma_wait3A_112] : memref<4x10112x16xf32, #tpu.memory_space<hbm>> -> memref<1x10112x16xf32, #tpu.memory_space<hbm>>
      %dma_wait3A_114 = tpu.memref_squeeze %dma_wait3A_113 : memref<1x10112x16xf32, #tpu.memory_space<hbm>> -> memref<10112x16xf32, #tpu.memory_space<hbm>>
      %dma_wait3A_115 = arith.constant 0 : i32
      %dma_wait3A_116 = arith.constant 0 : i32
      %dma_wait3A_117 = tpu.memref_slice %dma_wait3A_114[%dma_wait3A_115, %dma_wait3A_116] : memref<10112x16xf32, #tpu.memory_space<hbm>> -> memref<10112x16xf32, #tpu.memory_space<hbm>>
      tpu.wait_indirect_dma semaphore(%arg13 : memref<!tpu.dma_semaphore, #tpu.memory_space<semaphore_mem>>) src(%dma_wait3A_117 : memref<10112x16xf32, #tpu.memory_space<hbm>>) dst(%arg9 : memref<128x16xf32, #tpu.memory_space<vmem>>)
      %dma_start3A_118 = arith.constant 0 : i32
      %dma_start3A_119 = tpu.memref_slice %arg8[%add3A_106, %dma_start3A_118] : memref<80x128xi32, #tpu.memory_space<vmem>> -> memref<1x128xi32, #tpu.memory_space<vmem>>
      %dma_start3A_120 = tpu.memref_squeeze %dma_start3A_119 : memref<1x128xi32, #tpu.memory_space<vmem>> -> memref<128xi32, #tpu.memory_space<vmem>>
      %dma_start3A_121 = arith.constant 0 : i32
      %dma_start3A_122 = arith.constant 0 : i32
      %dma_start3A_123 = tpu.memref_slice %arg21[%dma_start3A_121, %dma_start3A_122] : memref<10112x16xf32, #tpu.memory_space<vmem_shared>> -> memref<10112x16xf32, #tpu.memory_space<vmem_shared>>
      tpu.enqueue_indirect_dma source(%arg9 : memref<128x16xf32, #tpu.memory_space<vmem>>) target(%dma_start3A_123 : memref<10112x16xf32, #tpu.memory_space<vmem_shared>>) offsets(%dma_start3A_120 : memref<128xi32, #tpu.memory_space<vmem>>) semaphore(%arg17 : memref<!tpu.dma_semaphore, #tpu.memory_space<semaphore_mem>>) {add = true}
      %ge3A = arith.constant 0 : i32
      %ge3A_124 = arith.cmpi sge, %sub3A_107, %ge3A : i32
      %convert_element_type3A = arith.extui %ge3A_124 : i1 to i32
      %cond3A = arith.constant 0 : i32
      %cond3A_125 = arith.cmpi ne, %convert_element_type3A, %cond3A : i32
      scf.if %cond3A_125 {
        %dma_wait3A_207 = arith.constant 0 : i32
        %dma_wait3A_208 = tpu.memref_slice %arg8[%sub3A_107, %dma_wait3A_207] : memref<80x128xi32, #tpu.memory_space<vmem>> -> memref<1x128xi32, #tpu.memory_space<vmem>>
        %dma_wait3A_209 = tpu.memref_squeeze %dma_wait3A_208 : memref<1x128xi32, #tpu.memory_space<vmem>> -> memref<128xi32, #tpu.memory_space<vmem>>
        %dma_wait3A_210 = arith.constant 0 : i32
        %dma_wait3A_211 = arith.constant 0 : i32
        %dma_wait3A_212 = tpu.memref_slice %arg21[%dma_wait3A_210, %dma_wait3A_211] : memref<10112x16xf32, #tpu.memory_space<vmem_shared>> -> memref<10112x16xf32, #tpu.memory_space<vmem_shared>>
        tpu.wait_indirect_dma semaphore(%arg20 : memref<!tpu.dma_semaphore, #tpu.memory_space<semaphore_mem>>) src(%arg12 : memref<128x16xf32, #tpu.memory_space<vmem>>) dst(%dma_wait3A_212 : memref<10112x16xf32, #tpu.memory_space<vmem_shared>>)
        %add3A_213 = arith.constant 4 : i32
        %add3A_214 = arith.addi %sub3A_107, %add3A_213 : i32
        %lt3A_215 = arith.constant 80 : i32
        %lt3A_216 = arith.cmpi slt, %add3A_214, %lt3A_215 : i32
        %convert_element_type3A_217 = arith.extui %lt3A_216 : i1 to i32
        %cond3A_218 = arith.constant 0 : i32
        %cond3A_219 = arith.cmpi ne, %convert_element_type3A_217, %cond3A_218 : i32
        scf.if %cond3A_219 {
          %add3A_220 = arith.constant 4 : i32
          %add3A_221 = arith.addi %sub3A_107, %add3A_220 : i32
          %dma_start3A_222 = arith.constant 0 : i32
          %dma_start3A_223 = tpu.memref_slice %arg7[%add3A_221, %dma_start3A_222] : memref<80x128xi32, #tpu.memory_space<vmem>> -> memref<1x128xi32, #tpu.memory_space<vmem>>
          %dma_start3A_224 = tpu.memref_squeeze %dma_start3A_223 : memref<1x128xi32, #tpu.memory_space<vmem>> -> memref<128xi32, #tpu.memory_space<vmem>>
          %dma_start3A_225 = arith.constant 0 : i32
          %dma_start3A_226 = arith.constant 0 : i32
          %dma_start3A_227 = tpu.memref_slice %arg2[%select_n3A_14, %dma_start3A_225, %dma_start3A_226] : memref<4x10112x16xf32, #tpu.memory_space<hbm>> -> memref<1x10112x16xf32, #tpu.memory_space<hbm>>
          %dma_start3A_228 = tpu.memref_squeeze %dma_start3A_227 : memref<1x10112x16xf32, #tpu.memory_space<hbm>> -> memref<10112x16xf32, #tpu.memory_space<hbm>>
          %dma_start3A_229 = arith.constant 0 : i32
          %dma_start3A_230 = arith.constant 0 : i32
          %dma_start3A_231 = tpu.memref_slice %dma_start3A_228[%dma_start3A_229, %dma_start3A_230] : memref<10112x16xf32, #tpu.memory_space<hbm>> -> memref<10112x16xf32, #tpu.memory_space<hbm>>
          tpu.enqueue_indirect_dma source(%dma_start3A_231 : memref<10112x16xf32, #tpu.memory_space<hbm>>) target(%arg12 : memref<128x16xf32, #tpu.memory_space<vmem>>) offsets(%dma_start3A_224 : memref<128xi32, #tpu.memory_space<vmem>>) semaphore(%arg16 : memref<!tpu.dma_semaphore, #tpu.memory_space<semaphore_mem>>)
        } else {
        }
      } else {
      }
      %mul3A_126 = arith.constant 4 : i32
      %mul3A_127 = arith.muli %mul3A_126, %scan3A_102 : i32
      %add3A_128 = arith.constant 1 : i32
      %add3A_129 = arith.addi %mul3A_127, %add3A_128 : i32
      %sub3A_130 = arith.constant 1 : i32
      %sub3A_131 = arith.subi %add3A_129, %sub3A_130 : i32
      %dma_wait3A_132 = arith.constant 0 : i32
      %dma_wait3A_133 = tpu.memref_slice %arg7[%add3A_129, %dma_wait3A_132] : memref<80x128xi32, #tpu.memory_space<vmem>> -> memref<1x128xi32, #tpu.memory_space<vmem>>
      %dma_wait3A_134 = tpu.memref_squeeze %dma_wait3A_133 : memref<1x128xi32, #tpu.memory_space<vmem>> -> memref<128xi32, #tpu.memory_space<vmem>>
      %dma_wait3A_135 = arith.constant 0 : i32
      %dma_wait3A_136 = arith.constant 0 : i32
      %dma_wait3A_137 = tpu.memref_slice %arg2[%select_n3A_14, %dma_wait3A_135, %dma_wait3A_136] : memref<4x10112x16xf32, #tpu.memory_space<hbm>> -> memref<1x10112x16xf32, #tpu.memory_space<hbm>>
      %dma_wait3A_138 = tpu.memref_squeeze %dma_wait3A_137 : memref<1x10112x16xf32, #tpu.memory_space<hbm>> -> memref<10112x16xf32, #tpu.memory_space<hbm>>
      %dma_wait3A_139 = arith.constant 0 : i32
      %dma_wait3A_140 = arith.constant 0 : i32
      %dma_wait3A_141 = tpu.memref_slice %dma_wait3A_138[%dma_wait3A_139, %dma_wait3A_140] : memref<10112x16xf32, #tpu.memory_space<hbm>> -> memref<10112x16xf32, #tpu.memory_space<hbm>>
      tpu.wait_indirect_dma semaphore(%arg14 : memref<!tpu.dma_semaphore, #tpu.memory_space<semaphore_mem>>) src(%dma_wait3A_141 : memref<10112x16xf32, #tpu.memory_space<hbm>>) dst(%arg10 : memref<128x16xf32, #tpu.memory_space<vmem>>)
      %dma_start3A_142 = arith.constant 0 : i32
      %dma_start3A_143 = tpu.memref_slice %arg8[%add3A_129, %dma_start3A_142] : memref<80x128xi32, #tpu.memory_space<vmem>> -> memref<1x128xi32, #tpu.memory_space<vmem>>
      %dma_start3A_144 = tpu.memref_squeeze %dma_start3A_143 : memref<1x128xi32, #tpu.memory_space<vmem>> -> memref<128xi32, #tpu.memory_space<vmem>>
      %dma_start3A_145 = arith.constant 0 : i32
      %dma_start3A_146 = arith.constant 0 : i32
      %dma_start3A_147 = tpu.memref_slice %arg21[%dma_start3A_145, %dma_start3A_146] : memref<10112x16xf32, #tpu.memory_space<vmem_shared>> -> memref<10112x16xf32, #tpu.memory_space<vmem_shared>>
      tpu.enqueue_indirect_dma source(%arg10 : memref<128x16xf32, #tpu.memory_space<vmem>>) target(%dma_start3A_147 : memref<10112x16xf32, #tpu.memory_space<vmem_shared>>) offsets(%dma_start3A_144 : memref<128xi32, #tpu.memory_space<vmem>>) semaphore(%arg18 : memref<!tpu.dma_semaphore, #tpu.memory_space<semaphore_mem>>) {add = true}
      %ge3A_148 = arith.constant 0 : i32
      %ge3A_149 = arith.cmpi sge, %sub3A_131, %ge3A_148 : i32
      %convert_element_type3A_150 = arith.extui %ge3A_149 : i1 to i32
      %cond3A_151 = arith.constant 0 : i32
      %cond3A_152 = arith.cmpi ne, %convert_element_type3A_150, %cond3A_151 : i32
      scf.if %cond3A_152 {
        %dma_wait3A_207 = arith.constant 0 : i32
        %dma_wait3A_208 = tpu.memref_slice %arg8[%sub3A_131, %dma_wait3A_207] : memref<80x128xi32, #tpu.memory_space<vmem>> -> memref<1x128xi32, #tpu.memory_space<vmem>>
        %dma_wait3A_209 = tpu.memref_squeeze %dma_wait3A_208 : memref<1x128xi32, #tpu.memory_space<vmem>> -> memref<128xi32, #tpu.memory_space<vmem>>
        %dma_wait3A_210 = arith.constant 0 : i32
        %dma_wait3A_211 = arith.constant 0 : i32
        %dma_wait3A_212 = tpu.memref_slice %arg21[%dma_wait3A_210, %dma_wait3A_211] : memref<10112x16xf32, #tpu.memory_space<vmem_shared>> -> memref<10112x16xf32, #tpu.memory_space<vmem_shared>>
        tpu.wait_indirect_dma semaphore(%arg17 : memref<!tpu.dma_semaphore, #tpu.memory_space<semaphore_mem>>) src(%arg9 : memref<128x16xf32, #tpu.memory_space<vmem>>) dst(%dma_wait3A_212 : memref<10112x16xf32, #tpu.memory_space<vmem_shared>>)
        %add3A_213 = arith.constant 4 : i32
        %add3A_214 = arith.addi %sub3A_131, %add3A_213 : i32
        %lt3A_215 = arith.constant 80 : i32
        %lt3A_216 = arith.cmpi slt, %add3A_214, %lt3A_215 : i32
        %convert_element_type3A_217 = arith.extui %lt3A_216 : i1 to i32
        %cond3A_218 = arith.constant 0 : i32
        %cond3A_219 = arith.cmpi ne, %convert_element_type3A_217, %cond3A_218 : i32
        scf.if %cond3A_219 {
          %add3A_220 = arith.constant 4 : i32
          %add3A_221 = arith.addi %sub3A_131, %add3A_220 : i32
          %dma_start3A_222 = arith.constant 0 : i32
          %dma_start3A_223 = tpu.memref_slice %arg7[%add3A_221, %dma_start3A_222] : memref<80x128xi32, #tpu.memory_space<vmem>> -> memref<1x128xi32, #tpu.memory_space<vmem>>
          %dma_start3A_224 = tpu.memref_squeeze %dma_start3A_223 : memref<1x128xi32, #tpu.memory_space<vmem>> -> memref<128xi32, #tpu.memory_space<vmem>>
          %dma_start3A_225 = arith.constant 0 : i32
          %dma_start3A_226 = arith.constant 0 : i32
          %dma_start3A_227 = tpu.memref_slice %arg2[%select_n3A_14, %dma_start3A_225, %dma_start3A_226] : memref<4x10112x16xf32, #tpu.memory_space<hbm>> -> memref<1x10112x16xf32, #tpu.memory_space<hbm>>
          %dma_start3A_228 = tpu.memref_squeeze %dma_start3A_227 : memref<1x10112x16xf32, #tpu.memory_space<hbm>> -> memref<10112x16xf32, #tpu.memory_space<hbm>>
          %dma_start3A_229 = arith.constant 0 : i32
          %dma_start3A_230 = arith.constant 0 : i32
          %dma_start3A_231 = tpu.memref_slice %dma_start3A_228[%dma_start3A_229, %dma_start3A_230] : memref<10112x16xf32, #tpu.memory_space<hbm>> -> memref<10112x16xf32, #tpu.memory_space<hbm>>
          tpu.enqueue_indirect_dma source(%dma_start3A_231 : memref<10112x16xf32, #tpu.memory_space<hbm>>) target(%arg9 : memref<128x16xf32, #tpu.memory_space<vmem>>) offsets(%dma_start3A_224 : memref<128xi32, #tpu.memory_space<vmem>>) semaphore(%arg13 : memref<!tpu.dma_semaphore, #tpu.memory_space<semaphore_mem>>)
        } else {
        }
      } else {
      }
      %mul3A_153 = arith.constant 4 : i32
      %mul3A_154 = arith.muli %mul3A_153, %scan3A_102 : i32
      %add3A_155 = arith.constant 2 : i32
      %add3A_156 = arith.addi %mul3A_154, %add3A_155 : i32
      %sub3A_157 = arith.constant 1 : i32
      %sub3A_158 = arith.subi %add3A_156, %sub3A_157 : i32
      %dma_wait3A_159 = arith.constant 0 : i32
      %dma_wait3A_160 = tpu.memref_slice %arg7[%add3A_156, %dma_wait3A_159] : memref<80x128xi32, #tpu.memory_space<vmem>> -> memref<1x128xi32, #tpu.memory_space<vmem>>
      %dma_wait3A_161 = tpu.memref_squeeze %dma_wait3A_160 : memref<1x128xi32, #tpu.memory_space<vmem>> -> memref<128xi32, #tpu.memory_space<vmem>>
      %dma_wait3A_162 = arith.constant 0 : i32
      %dma_wait3A_163 = arith.constant 0 : i32
      %dma_wait3A_164 = tpu.memref_slice %arg2[%select_n3A_14, %dma_wait3A_162, %dma_wait3A_163] : memref<4x10112x16xf32, #tpu.memory_space<hbm>> -> memref<1x10112x16xf32, #tpu.memory_space<hbm>>
      %dma_wait3A_165 = tpu.memref_squeeze %dma_wait3A_164 : memref<1x10112x16xf32, #tpu.memory_space<hbm>> -> memref<10112x16xf32, #tpu.memory_space<hbm>>
      %dma_wait3A_166 = arith.constant 0 : i32
      %dma_wait3A_167 = arith.constant 0 : i32
      %dma_wait3A_168 = tpu.memref_slice %dma_wait3A_165[%dma_wait3A_166, %dma_wait3A_167] : memref<10112x16xf32, #tpu.memory_space<hbm>> -> memref<10112x16xf32, #tpu.memory_space<hbm>>
      tpu.wait_indirect_dma semaphore(%arg15 : memref<!tpu.dma_semaphore, #tpu.memory_space<semaphore_mem>>) src(%dma_wait3A_168 : memref<10112x16xf32, #tpu.memory_space<hbm>>) dst(%arg11 : memref<128x16xf32, #tpu.memory_space<vmem>>)
      %dma_start3A_169 = arith.constant 0 : i32
      %dma_start3A_170 = tpu.memref_slice %arg8[%add3A_156, %dma_start3A_169] : memref<80x128xi32, #tpu.memory_space<vmem>> -> memref<1x128xi32, #tpu.memory_space<vmem>>
      %dma_start3A_171 = tpu.memref_squeeze %dma_start3A_170 : memref<1x128xi32, #tpu.memory_space<vmem>> -> memref<128xi32, #tpu.memory_space<vmem>>
      %dma_start3A_172 = arith.constant 0 : i32
      %dma_start3A_173 = arith.constant 0 : i32
      %dma_start3A_174 = tpu.memref_slice %arg21[%dma_start3A_172, %dma_start3A_173] : memref<10112x16xf32, #tpu.memory_space<vmem_shared>> -> memref<10112x16xf32, #tpu.memory_space<vmem_shared>>
      tpu.enqueue_indirect_dma source(%arg11 : memref<128x16xf32, #tpu.memory_space<vmem>>) target(%dma_start3A_174 : memref<10112x16xf32, #tpu.memory_space<vmem_shared>>) offsets(%dma_start3A_171 : memref<128xi32, #tpu.memory_space<vmem>>) semaphore(%arg19 : memref<!tpu.dma_semaphore, #tpu.memory_space<semaphore_mem>>) {add = true}
      %ge3A_175 = arith.constant 0 : i32
      %ge3A_176 = arith.cmpi sge, %sub3A_158, %ge3A_175 : i32
      %convert_element_type3A_177 = arith.extui %ge3A_176 : i1 to i32
      %cond3A_178 = arith.constant 0 : i32
      %cond3A_179 = arith.cmpi ne, %convert_element_type3A_177, %cond3A_178 : i32
      scf.if %cond3A_179 {
        %dma_wait3A_207 = arith.constant 0 : i32
        %dma_wait3A_208 = tpu.memref_slice %arg8[%sub3A_158, %dma_wait3A_207] : memref<80x128xi32, #tpu.memory_space<vmem>> -> memref<1x128xi32, #tpu.memory_space<vmem>>
        %dma_wait3A_209 = tpu.memref_squeeze %dma_wait3A_208 : memref<1x128xi32, #tpu.memory_space<vmem>> -> memref<128xi32, #tpu.memory_space<vmem>>
        %dma_wait3A_210 = arith.constant 0 : i32
        %dma_wait3A_211 = arith.constant 0 : i32
        %dma_wait3A_212 = tpu.memref_slice %arg21[%dma_wait3A_210, %dma_wait3A_211] : memref<10112x16xf32, #tpu.memory_space<vmem_shared>> -> memref<10112x16xf32, #tpu.memory_space<vmem_shared>>
        tpu.wait_indirect_dma semaphore(%arg18 : memref<!tpu.dma_semaphore, #tpu.memory_space<semaphore_mem>>) src(%arg10 : memref<128x16xf32, #tpu.memory_space<vmem>>) dst(%dma_wait3A_212 : memref<10112x16xf32, #tpu.memory_space<vmem_shared>>)
        %add3A_213 = arith.constant 4 : i32
        %add3A_214 = arith.addi %sub3A_158, %add3A_213 : i32
        %lt3A_215 = arith.constant 80 : i32
        %lt3A_216 = arith.cmpi slt, %add3A_214, %lt3A_215 : i32
        %convert_element_type3A_217 = arith.extui %lt3A_216 : i1 to i32
        %cond3A_218 = arith.constant 0 : i32
        %cond3A_219 = arith.cmpi ne, %convert_element_type3A_217, %cond3A_218 : i32
        scf.if %cond3A_219 {
          %add3A_220 = arith.constant 4 : i32
          %add3A_221 = arith.addi %sub3A_158, %add3A_220 : i32
          %dma_start3A_222 = arith.constant 0 : i32
          %dma_start3A_223 = tpu.memref_slice %arg7[%add3A_221, %dma_start3A_222] : memref<80x128xi32, #tpu.memory_space<vmem>> -> memref<1x128xi32, #tpu.memory_space<vmem>>
          %dma_start3A_224 = tpu.memref_squeeze %dma_start3A_223 : memref<1x128xi32, #tpu.memory_space<vmem>> -> memref<128xi32, #tpu.memory_space<vmem>>
          %dma_start3A_225 = arith.constant 0 : i32
          %dma_start3A_226 = arith.constant 0 : i32
          %dma_start3A_227 = tpu.memref_slice %arg2[%select_n3A_14, %dma_start3A_225, %dma_start3A_226] : memref<4x10112x16xf32, #tpu.memory_space<hbm>> -> memref<1x10112x16xf32, #tpu.memory_space<hbm>>
          %dma_start3A_228 = tpu.memref_squeeze %dma_start3A_227 : memref<1x10112x16xf32, #tpu.memory_space<hbm>> -> memref<10112x16xf32, #tpu.memory_space<hbm>>
          %dma_start3A_229 = arith.constant 0 : i32
          %dma_start3A_230 = arith.constant 0 : i32
          %dma_start3A_231 = tpu.memref_slice %dma_start3A_228[%dma_start3A_229, %dma_start3A_230] : memref<10112x16xf32, #tpu.memory_space<hbm>> -> memref<10112x16xf32, #tpu.memory_space<hbm>>
          tpu.enqueue_indirect_dma source(%dma_start3A_231 : memref<10112x16xf32, #tpu.memory_space<hbm>>) target(%arg10 : memref<128x16xf32, #tpu.memory_space<vmem>>) offsets(%dma_start3A_224 : memref<128xi32, #tpu.memory_space<vmem>>) semaphore(%arg14 : memref<!tpu.dma_semaphore, #tpu.memory_space<semaphore_mem>>)
        } else {
        }
      } else {
      }
      %mul3A_180 = arith.constant 4 : i32
      %mul3A_181 = arith.muli %mul3A_180, %scan3A_102 : i32
      %add3A_182 = arith.constant 3 : i32
      %add3A_183 = arith.addi %mul3A_181, %add3A_182 : i32
      %sub3A_184 = arith.constant 1 : i32
      %sub3A_185 = arith.subi %add3A_183, %sub3A_184 : i32
      %dma_wait3A_186 = arith.constant 0 : i32
      %dma_wait3A_187 = tpu.memref_slice %arg7[%add3A_183, %dma_wait3A_186] : memref<80x128xi32, #tpu.memory_space<vmem>> -> memref<1x128xi32, #tpu.memory_space<vmem>>
      %dma_wait3A_188 = tpu.memref_squeeze %dma_wait3A_187 : memref<1x128xi32, #tpu.memory_space<vmem>> -> memref<128xi32, #tpu.memory_space<vmem>>
      %dma_wait3A_189 = arith.constant 0 : i32
      %dma_wait3A_190 = arith.constant 0 : i32
      %dma_wait3A_191 = tpu.memref_slice %arg2[%select_n3A_14, %dma_wait3A_189, %dma_wait3A_190] : memref<4x10112x16xf32, #tpu.memory_space<hbm>> -> memref<1x10112x16xf32, #tpu.memory_space<hbm>>
      %dma_wait3A_192 = tpu.memref_squeeze %dma_wait3A_191 : memref<1x10112x16xf32, #tpu.memory_space<hbm>> -> memref<10112x16xf32, #tpu.memory_space<hbm>>
      %dma_wait3A_193 = arith.constant 0 : i32
      %dma_wait3A_194 = arith.constant 0 : i32
      %dma_wait3A_195 = tpu.memref_slice %dma_wait3A_192[%dma_wait3A_193, %dma_wait3A_194] : memref<10112x16xf32, #tpu.memory_space<hbm>> -> memref<10112x16xf32, #tpu.memory_space<hbm>>
      tpu.wait_indirect_dma semaphore(%arg16 : memref<!tpu.dma_semaphore, #tpu.memory_space<semaphore_mem>>) src(%dma_wait3A_195 : memref<10112x16xf32, #tpu.memory_space<hbm>>) dst(%arg12 : memref<128x16xf32, #tpu.memory_space<vmem>>)
      %dma_start3A_196 = arith.constant 0 : i32
      %dma_start3A_197 = tpu.memref_slice %arg8[%add3A_183, %dma_start3A_196] : memref<80x128xi32, #tpu.memory_space<vmem>> -> memref<1x128xi32, #tpu.memory_space<vmem>>
      %dma_start3A_198 = tpu.memref_squeeze %dma_start3A_197 : memref<1x128xi32, #tpu.memory_space<vmem>> -> memref<128xi32, #tpu.memory_space<vmem>>
      %dma_start3A_199 = arith.constant 0 : i32
      %dma_start3A_200 = arith.constant 0 : i32
      %dma_start3A_201 = tpu.memref_slice %arg21[%dma_start3A_199, %dma_start3A_200] : memref<10112x16xf32, #tpu.memory_space<vmem_shared>> -> memref<10112x16xf32, #tpu.memory_space<vmem_shared>>
      tpu.enqueue_indirect_dma source(%arg12 : memref<128x16xf32, #tpu.memory_space<vmem>>) target(%dma_start3A_201 : memref<10112x16xf32, #tpu.memory_space<vmem_shared>>) offsets(%dma_start3A_198 : memref<128xi32, #tpu.memory_space<vmem>>) semaphore(%arg20 : memref<!tpu.dma_semaphore, #tpu.memory_space<semaphore_mem>>) {add = true}
      %ge3A_202 = arith.constant 0 : i32
      %ge3A_203 = arith.cmpi sge, %sub3A_185, %ge3A_202 : i32
      %convert_element_type3A_204 = arith.extui %ge3A_203 : i1 to i32
      %cond3A_205 = arith.constant 0 : i32
      %cond3A_206 = arith.cmpi ne, %convert_element_type3A_204, %cond3A_205 : i32
      scf.if %cond3A_206 {
        %dma_wait3A_207 = arith.constant 0 : i32
        %dma_wait3A_208 = tpu.memref_slice %arg8[%sub3A_185, %dma_wait3A_207] : memref<80x128xi32, #tpu.memory_space<vmem>> -> memref<1x128xi32, #tpu.memory_space<vmem>>
        %dma_wait3A_209 = tpu.memref_squeeze %dma_wait3A_208 : memref<1x128xi32, #tpu.memory_space<vmem>> -> memref<128xi32, #tpu.memory_space<vmem>>
        %dma_wait3A_210 = arith.constant 0 : i32
        %dma_wait3A_211 = arith.constant 0 : i32
        %dma_wait3A_212 = tpu.memref_slice %arg21[%dma_wait3A_210, %dma_wait3A_211] : memref<10112x16xf32, #tpu.memory_space<vmem_shared>> -> memref<10112x16xf32, #tpu.memory_space<vmem_shared>>
        tpu.wait_indirect_dma semaphore(%arg19 : memref<!tpu.dma_semaphore, #tpu.memory_space<semaphore_mem>>) src(%arg11 : memref<128x16xf32, #tpu.memory_space<vmem>>) dst(%dma_wait3A_212 : memref<10112x16xf32, #tpu.memory_space<vmem_shared>>)
        %add3A_213 = arith.constant 4 : i32
        %add3A_214 = arith.addi %sub3A_185, %add3A_213 : i32
        %lt3A_215 = arith.constant 80 : i32
        %lt3A_216 = arith.cmpi slt, %add3A_214, %lt3A_215 : i32
        %convert_element_type3A_217 = arith.extui %lt3A_216 : i1 to i32
        %cond3A_218 = arith.constant 0 : i32
        %cond3A_219 = arith.cmpi ne, %convert_element_type3A_217, %cond3A_218 : i32
        scf.if %cond3A_219 {
          %add3A_220 = arith.constant 4 : i32
          %add3A_221 = arith.addi %sub3A_185, %add3A_220 : i32
          %dma_start3A_222 = arith.constant 0 : i32
          %dma_start3A_223 = tpu.memref_slice %arg7[%add3A_221, %dma_start3A_222] : memref<80x128xi32, #tpu.memory_space<vmem>> -> memref<1x128xi32, #tpu.memory_space<vmem>>
          %dma_start3A_224 = tpu.memref_squeeze %dma_start3A_223 : memref<1x128xi32, #tpu.memory_space<vmem>> -> memref<128xi32, #tpu.memory_space<vmem>>
          %dma_start3A_225 = arith.constant 0 : i32
          %dma_start3A_226 = arith.constant 0 : i32
          %dma_start3A_227 = tpu.memref_slice %arg2[%select_n3A_14, %dma_start3A_225, %dma_start3A_226] : memref<4x10112x16xf32, #tpu.memory_space<hbm>> -> memref<1x10112x16xf32, #tpu.memory_space<hbm>>
          %dma_start3A_228 = tpu.memref_squeeze %dma_start3A_227 : memref<1x10112x16xf32, #tpu.memory_space<hbm>> -> memref<10112x16xf32, #tpu.memory_space<hbm>>
          %dma_start3A_229 = arith.constant 0 : i32
          %dma_start3A_230 = arith.constant 0 : i32
          %dma_start3A_231 = tpu.memref_slice %dma_start3A_228[%dma_start3A_229, %dma_start3A_230] : memref<10112x16xf32, #tpu.memory_space<hbm>> -> memref<10112x16xf32, #tpu.memory_space<hbm>>
          tpu.enqueue_indirect_dma source(%dma_start3A_231 : memref<10112x16xf32, #tpu.memory_space<hbm>>) target(%arg11 : memref<128x16xf32, #tpu.memory_space<vmem>>) offsets(%dma_start3A_224 : memref<128xi32, #tpu.memory_space<vmem>>) semaphore(%arg15 : memref<!tpu.dma_semaphore, #tpu.memory_space<semaphore_mem>>)
        } else {
        }
      } else {
      }
    }
    %scan3A_89 = arith.constant 20 : i32
    %dma_wait3A_90 = arith.constant 79 : i32
    %dma_wait3A_91 = arith.constant 0 : i32
    %dma_wait3A_92 = tpu.memref_slice %arg8[%dma_wait3A_90, %dma_wait3A_91] : memref<80x128xi32, #tpu.memory_space<vmem>> -> memref<1x128xi32, #tpu.memory_space<vmem>>
    %dma_wait3A_93 = tpu.memref_squeeze %dma_wait3A_92 : memref<1x128xi32, #tpu.memory_space<vmem>> -> memref<128xi32, #tpu.memory_space<vmem>>
    %dma_wait3A_94 = arith.constant 0 : i32
    %dma_wait3A_95 = arith.constant 0 : i32
    %dma_wait3A_96 = tpu.memref_slice %arg21[%dma_wait3A_94, %dma_wait3A_95] : memref<10112x16xf32, #tpu.memory_space<vmem_shared>> -> memref<10112x16xf32, #tpu.memory_space<vmem_shared>>
    tpu.wait_indirect_dma semaphore(%arg20 : memref<!tpu.dma_semaphore, #tpu.memory_space<semaphore_mem>>) src(%arg12 : memref<128x16xf32, #tpu.memory_space<vmem>>) dst(%dma_wait3A_96 : memref<10112x16xf32, #tpu.memory_space<vmem_shared>>)
    %barrier3A_97 = arith.constant 0 : index
    tpu.barrier barrier_id(%barrier3A_97)
    %mul3A_98 = arith.constant 632 : i32
    %mul3A_99 = arith.muli %arg1, %mul3A_98 : i32
    %mul3A_100 = arith.constant 632 : i32
    %mul3A_101 = arith.muli %arg1, %mul3A_100 : i32
    "tpu.region"() ({
      %run_scoped3A = tpu.sem_alloc : memref<!tpu.dma_semaphore, #tpu.memory_space<semaphore_mem>>
      %dma_start3A_102 = arith.constant 0 : i32
      %dma_start3A_103 = tpu.memref_slice %arg6[%arg0, %mul3A_101, %dma_start3A_102] : memref<2x10112x16xf32, #tpu.memory_space<hbm>> -> memref<1x632x16xf32, #tpu.memory_space<hbm>>
      %dma_start3A_104 = tpu.memref_squeeze %dma_start3A_103 : memref<1x632x16xf32, #tpu.memory_space<hbm>> -> memref<632x16xf32, #tpu.memory_space<hbm>>
      %dma_start3A_105 = arith.constant 0 : i32
      %dma_start3A_106 = tpu.memref_slice %arg21[%mul3A_99, %dma_start3A_105] : memref<10112x16xf32, #tpu.memory_space<vmem_shared>> -> memref<632x16xf32, #tpu.memory_space<vmem_shared>>
      tpu.enqueue_dma source(%dma_start3A_106 : memref<632x16xf32, #tpu.memory_space<vmem_shared>>) target(%dma_start3A_104 : memref<632x16xf32, #tpu.memory_space<hbm>>) target_semaphore(%run_scoped3A : memref<!tpu.dma_semaphore, #tpu.memory_space<semaphore_mem>>)
      %dma_wait3A_107 = arith.constant 0 : i32
      %dma_wait3A_108 = tpu.memref_slice %arg6[%arg0, %mul3A_101, %dma_wait3A_107] : memref<2x10112x16xf32, #tpu.memory_space<hbm>> -> memref<1x632x16xf32, #tpu.memory_space<hbm>>
      %dma_wait3A_109 = tpu.memref_squeeze %dma_wait3A_108 : memref<1x632x16xf32, #tpu.memory_space<hbm>> -> memref<632x16xf32, #tpu.memory_space<hbm>>
      %dma_wait3A_110 = arith.constant 0 : i32
      %dma_wait3A_111 = tpu.memref_slice %arg21[%mul3A_99, %dma_wait3A_110] : memref<10112x16xf32, #tpu.memory_space<vmem_shared>> -> memref<632x16xf32, #tpu.memory_space<vmem_shared>>
      tpu.wait_dma2 semaphore(%run_scoped3A : memref<!tpu.dma_semaphore, #tpu.memory_space<semaphore_mem>>) src(%dma_wait3A_111 : memref<632x16xf32, #tpu.memory_space<vmem_shared>>) dst(%dma_wait3A_109 : memref<632x16xf32, #tpu.memory_space<hbm>>)
      tpu.yield
    }) : () -> ()
    return
  }
}

#map = affine_map<(d0, d1) -> (0, 0, 0)>
#map1 = affine_map<(d0, d1) -> (0, 0)>
module attributes {stable_mosaic.version = 14 : i64} {
  func.func @agg(%arg0: i32, %arg1: i32, %arg2: memref<4x10112x32xf32, #tpu.memory_space<hbm>>, %arg3: memref<2560x128xi32, #tpu.memory_space<hbm>>, %arg4: memref<2560x128xi32, #tpu.memory_space<hbm>>, %arg5: memref<10112x32xf32, #tpu.memory_space<hbm>>, %arg6: memref<2x10112x32xf32, #tpu.memory_space<hbm>>, %arg7: memref<80x128xi32, #tpu.memory_space<vmem>>, %arg8: memref<80x128xi32, #tpu.memory_space<vmem>>, %arg9: memref<128x32xf32, #tpu.memory_space<vmem>>, %arg10: memref<128x32xf32, #tpu.memory_space<vmem>>, %arg11: memref<128x32xf32, #tpu.memory_space<vmem>>, %arg12: memref<128x32xf32, #tpu.memory_space<vmem>>, %arg13: memref<!tpu.dma_semaphore, #tpu.memory_space<semaphore_mem>>, %arg14: memref<!tpu.dma_semaphore, #tpu.memory_space<semaphore_mem>>, %arg15: memref<!tpu.dma_semaphore, #tpu.memory_space<semaphore_mem>>, %arg16: memref<!tpu.dma_semaphore, #tpu.memory_space<semaphore_mem>>, %arg17: memref<!tpu.dma_semaphore, #tpu.memory_space<semaphore_mem>>, %arg18: memref<!tpu.dma_semaphore, #tpu.memory_space<semaphore_mem>>, %arg19: memref<!tpu.dma_semaphore, #tpu.memory_space<semaphore_mem>>, %arg20: memref<!tpu.dma_semaphore, #tpu.memory_space<semaphore_mem>>, %arg21: memref<10112x32xf32, #tpu.memory_space<vmem_shared>>, %arg22: memref<!tpu.dma_semaphore, #tpu.memory_space<semaphore_mem>>, %arg23: memref<!tpu.dma_semaphore, #tpu.memory_space<semaphore_mem>>, %arg24: memref<!tpu.dma_semaphore, #tpu.memory_space<semaphore_mem>>) attributes {dimension_semantics = [#tpu.dimension_semantics<core_parallel>, #tpu.dimension_semantics<subcore_parallel>], iteration_bounds = array<i64: 2, 16>, scalar_prefetch = 0 : i64, scratch_operands = 18 : i64, tpu.core_type = #tpu.core_type<sc_vector_subcore>, window_params = [{transform_indices = #map}, {transform_indices = #map1}, {transform_indices = #map1}, {transform_indices = #map1}, {transform_indices = #map}]} {
    %mul3A = arith.constant 16 : i32
    %mul3A_0 = arith.muli %arg0, %mul3A : i32
    %add3A = arith.addi %mul3A_0, %arg1 : i32
    %mul3A_1 = arith.constant 80 : i32
    %mul3A_2 = arith.muli %add3A, %mul3A_1 : i32
    %mul3A_3 = arith.constant 16 : i32
    %mul3A_4 = arith.muli %arg0, %mul3A_3 : i32
    %add3A_5 = arith.addi %mul3A_4, %arg1 : i32
    %jit3A = arith.constant 4 : i32
    %eq3A = arith.constant 0 : i32
    %eq3A_6 = arith.cmpi eq, %jit3A, %eq3A : i32
    %jit3A_7 = arith.constant 1 : i32
    %select_n3A = arith.select %eq3A_6, %jit3A_7, %jit3A : i32
    %rem3A = arith.remsi %add3A_5, %select_n3A : i32
    %ne3A = arith.constant 0 : i32
    %ne3A_8 = arith.cmpi ne, %rem3A, %ne3A : i32
    %lt3A = arith.constant 0 : i32
    %lt3A_9 = arith.cmpi slt, %rem3A, %lt3A : i32
    %lt3A_10 = arith.constant 0 : i32
    %lt3A_11 = arith.cmpi slt, %select_n3A, %lt3A_10 : i32
    %ne3A_12 = arith.xori %lt3A_9, %lt3A_11 : i1
    %and3A = arith.andi %ne3A_12, %ne3A_8 : i1
    %add3A_13 = arith.addi %rem3A, %select_n3A : i32
    %select_n3A_14 = arith.select %and3A, %add3A_13, %rem3A : i32
    %dma_start3A = arith.constant 0 : i32
    %dma_start3A_15 = tpu.memref_slice %arg3[%mul3A_2, %dma_start3A] : memref<2560x128xi32, #tpu.memory_space<hbm>> -> memref<80x128xi32, #tpu.memory_space<hbm>>
    %dma_start3A_16 = arith.constant 0 : i32
    %dma_start3A_17 = tpu.memref_slice %arg3[%mul3A_2, %dma_start3A_16] : memref<2560x128xi32, #tpu.memory_space<hbm>> -> memref<80x128xi32, #tpu.memory_space<hbm>>
    tpu.enqueue_dma source(%dma_start3A_17 : memref<80x128xi32, #tpu.memory_space<hbm>>) target(%arg7 : memref<80x128xi32, #tpu.memory_space<vmem>>) target_semaphore(%arg22 : memref<!tpu.dma_semaphore, #tpu.memory_space<semaphore_mem>>)
    %dma_start3A_18 = arith.constant 0 : i32
    %dma_start3A_19 = tpu.memref_slice %arg4[%mul3A_2, %dma_start3A_18] : memref<2560x128xi32, #tpu.memory_space<hbm>> -> memref<80x128xi32, #tpu.memory_space<hbm>>
    %dma_start3A_20 = arith.constant 0 : i32
    %dma_start3A_21 = tpu.memref_slice %arg4[%mul3A_2, %dma_start3A_20] : memref<2560x128xi32, #tpu.memory_space<hbm>> -> memref<80x128xi32, #tpu.memory_space<hbm>>
    tpu.enqueue_dma source(%dma_start3A_21 : memref<80x128xi32, #tpu.memory_space<hbm>>) target(%arg8 : memref<80x128xi32, #tpu.memory_space<vmem>>) target_semaphore(%arg23 : memref<!tpu.dma_semaphore, #tpu.memory_space<semaphore_mem>>)
    %mul3A_22 = arith.constant 632 : i32
    %mul3A_23 = arith.muli %arg1, %mul3A_22 : i32
    %mul3A_24 = arith.constant 632 : i32
    %mul3A_25 = arith.muli %arg1, %mul3A_24 : i32
    %dma_start3A_26 = arith.constant 0 : i32
    %dma_start3A_27 = tpu.memref_slice %arg21[%mul3A_25, %dma_start3A_26] : memref<10112x32xf32, #tpu.memory_space<vmem_shared>> -> memref<632x32xf32, #tpu.memory_space<vmem_shared>>
    %dma_start3A_28 = arith.constant 0 : i32
    %dma_start3A_29 = tpu.memref_slice %arg5[%mul3A_23, %dma_start3A_28] : memref<10112x32xf32, #tpu.memory_space<hbm>> -> memref<632x32xf32, #tpu.memory_space<hbm>>
    tpu.enqueue_dma source(%dma_start3A_29 : memref<632x32xf32, #tpu.memory_space<hbm>>) target(%dma_start3A_27 : memref<632x32xf32, #tpu.memory_space<vmem_shared>>) target_semaphore(%arg24 : memref<!tpu.dma_semaphore, #tpu.memory_space<semaphore_mem>>)
    %dma_wait3A = arith.constant 0 : i32
    %dma_wait3A_30 = tpu.memref_slice %arg3[%mul3A_2, %dma_wait3A] : memref<2560x128xi32, #tpu.memory_space<hbm>> -> memref<80x128xi32, #tpu.memory_space<hbm>>
    %dma_wait3A_31 = arith.constant 0 : i32
    %dma_wait3A_32 = tpu.memref_slice %arg3[%mul3A_2, %dma_wait3A_31] : memref<2560x128xi32, #tpu.memory_space<hbm>> -> memref<80x128xi32, #tpu.memory_space<hbm>>
    tpu.wait_dma2 semaphore(%arg22 : memref<!tpu.dma_semaphore, #tpu.memory_space<semaphore_mem>>) src(%dma_wait3A_32 : memref<80x128xi32, #tpu.memory_space<hbm>>) dst(%arg7 : memref<80x128xi32, #tpu.memory_space<vmem>>)
    %dma_wait3A_33 = arith.constant 0 : i32
    %dma_wait3A_34 = tpu.memref_slice %arg4[%mul3A_2, %dma_wait3A_33] : memref<2560x128xi32, #tpu.memory_space<hbm>> -> memref<80x128xi32, #tpu.memory_space<hbm>>
    %dma_wait3A_35 = arith.constant 0 : i32
    %dma_wait3A_36 = tpu.memref_slice %arg4[%mul3A_2, %dma_wait3A_35] : memref<2560x128xi32, #tpu.memory_space<hbm>> -> memref<80x128xi32, #tpu.memory_space<hbm>>
    tpu.wait_dma2 semaphore(%arg23 : memref<!tpu.dma_semaphore, #tpu.memory_space<semaphore_mem>>) src(%dma_wait3A_36 : memref<80x128xi32, #tpu.memory_space<hbm>>) dst(%arg8 : memref<80x128xi32, #tpu.memory_space<vmem>>)
    %dma_start3A_37 = arith.constant 0 : i32
    %dma_start3A_38 = arith.constant 0 : i32
    %dma_start3A_39 = tpu.memref_slice %arg7[%dma_start3A_37, %dma_start3A_38] : memref<80x128xi32, #tpu.memory_space<vmem>> -> memref<1x128xi32, #tpu.memory_space<vmem>>
    %dma_start3A_40 = tpu.memref_squeeze %dma_start3A_39 : memref<1x128xi32, #tpu.memory_space<vmem>> -> memref<128xi32, #tpu.memory_space<vmem>>
    %dma_start3A_41 = arith.constant 0 : i32
    %dma_start3A_42 = arith.constant 0 : i32
    %dma_start3A_43 = tpu.memref_slice %arg2[%select_n3A_14, %dma_start3A_41, %dma_start3A_42] : memref<4x10112x32xf32, #tpu.memory_space<hbm>> -> memref<1x10112x32xf32, #tpu.memory_space<hbm>>
    %dma_start3A_44 = tpu.memref_squeeze %dma_start3A_43 : memref<1x10112x32xf32, #tpu.memory_space<hbm>> -> memref<10112x32xf32, #tpu.memory_space<hbm>>
    %dma_start3A_45 = arith.constant 0 : i32
    %dma_start3A_46 = arith.constant 0 : i32
    %dma_start3A_47 = tpu.memref_slice %dma_start3A_44[%dma_start3A_45, %dma_start3A_46] : memref<10112x32xf32, #tpu.memory_space<hbm>> -> memref<10112x32xf32, #tpu.memory_space<hbm>>
    tpu.enqueue_indirect_dma source(%dma_start3A_47 : memref<10112x32xf32, #tpu.memory_space<hbm>>) target(%arg9 : memref<128x32xf32, #tpu.memory_space<vmem>>) offsets(%dma_start3A_40 : memref<128xi32, #tpu.memory_space<vmem>>) semaphore(%arg13 : memref<!tpu.dma_semaphore, #tpu.memory_space<semaphore_mem>>)
    %dma_start3A_48 = arith.constant 1 : i32
    %dma_start3A_49 = arith.constant 0 : i32
    %dma_start3A_50 = tpu.memref_slice %arg7[%dma_start3A_48, %dma_start3A_49] : memref<80x128xi32, #tpu.memory_space<vmem>> -> memref<1x128xi32, #tpu.memory_space<vmem>>
    %dma_start3A_51 = tpu.memref_squeeze %dma_start3A_50 : memref<1x128xi32, #tpu.memory_space<vmem>> -> memref<128xi32, #tpu.memory_space<vmem>>
    %dma_start3A_52 = arith.constant 0 : i32
    %dma_start3A_53 = arith.constant 0 : i32
    %dma_start3A_54 = tpu.memref_slice %arg2[%select_n3A_14, %dma_start3A_52, %dma_start3A_53] : memref<4x10112x32xf32, #tpu.memory_space<hbm>> -> memref<1x10112x32xf32, #tpu.memory_space<hbm>>
    %dma_start3A_55 = tpu.memref_squeeze %dma_start3A_54 : memref<1x10112x32xf32, #tpu.memory_space<hbm>> -> memref<10112x32xf32, #tpu.memory_space<hbm>>
    %dma_start3A_56 = arith.constant 0 : i32
    %dma_start3A_57 = arith.constant 0 : i32
    %dma_start3A_58 = tpu.memref_slice %dma_start3A_55[%dma_start3A_56, %dma_start3A_57] : memref<10112x32xf32, #tpu.memory_space<hbm>> -> memref<10112x32xf32, #tpu.memory_space<hbm>>
    tpu.enqueue_indirect_dma source(%dma_start3A_58 : memref<10112x32xf32, #tpu.memory_space<hbm>>) target(%arg10 : memref<128x32xf32, #tpu.memory_space<vmem>>) offsets(%dma_start3A_51 : memref<128xi32, #tpu.memory_space<vmem>>) semaphore(%arg14 : memref<!tpu.dma_semaphore, #tpu.memory_space<semaphore_mem>>)
    %dma_start3A_59 = arith.constant 2 : i32
    %dma_start3A_60 = arith.constant 0 : i32
    %dma_start3A_61 = tpu.memref_slice %arg7[%dma_start3A_59, %dma_start3A_60] : memref<80x128xi32, #tpu.memory_space<vmem>> -> memref<1x128xi32, #tpu.memory_space<vmem>>
    %dma_start3A_62 = tpu.memref_squeeze %dma_start3A_61 : memref<1x128xi32, #tpu.memory_space<vmem>> -> memref<128xi32, #tpu.memory_space<vmem>>
    %dma_start3A_63 = arith.constant 0 : i32
    %dma_start3A_64 = arith.constant 0 : i32
    %dma_start3A_65 = tpu.memref_slice %arg2[%select_n3A_14, %dma_start3A_63, %dma_start3A_64] : memref<4x10112x32xf32, #tpu.memory_space<hbm>> -> memref<1x10112x32xf32, #tpu.memory_space<hbm>>
    %dma_start3A_66 = tpu.memref_squeeze %dma_start3A_65 : memref<1x10112x32xf32, #tpu.memory_space<hbm>> -> memref<10112x32xf32, #tpu.memory_space<hbm>>
    %dma_start3A_67 = arith.constant 0 : i32
    %dma_start3A_68 = arith.constant 0 : i32
    %dma_start3A_69 = tpu.memref_slice %dma_start3A_66[%dma_start3A_67, %dma_start3A_68] : memref<10112x32xf32, #tpu.memory_space<hbm>> -> memref<10112x32xf32, #tpu.memory_space<hbm>>
    tpu.enqueue_indirect_dma source(%dma_start3A_69 : memref<10112x32xf32, #tpu.memory_space<hbm>>) target(%arg11 : memref<128x32xf32, #tpu.memory_space<vmem>>) offsets(%dma_start3A_62 : memref<128xi32, #tpu.memory_space<vmem>>) semaphore(%arg15 : memref<!tpu.dma_semaphore, #tpu.memory_space<semaphore_mem>>)
    %dma_start3A_70 = arith.constant 3 : i32
    %dma_start3A_71 = arith.constant 0 : i32
    %dma_start3A_72 = tpu.memref_slice %arg7[%dma_start3A_70, %dma_start3A_71] : memref<80x128xi32, #tpu.memory_space<vmem>> -> memref<1x128xi32, #tpu.memory_space<vmem>>
    %dma_start3A_73 = tpu.memref_squeeze %dma_start3A_72 : memref<1x128xi32, #tpu.memory_space<vmem>> -> memref<128xi32, #tpu.memory_space<vmem>>
    %dma_start3A_74 = arith.constant 0 : i32
    %dma_start3A_75 = arith.constant 0 : i32
    %dma_start3A_76 = tpu.memref_slice %arg2[%select_n3A_14, %dma_start3A_74, %dma_start3A_75] : memref<4x10112x32xf32, #tpu.memory_space<hbm>> -> memref<1x10112x32xf32, #tpu.memory_space<hbm>>
    %dma_start3A_77 = tpu.memref_squeeze %dma_start3A_76 : memref<1x10112x32xf32, #tpu.memory_space<hbm>> -> memref<10112x32xf32, #tpu.memory_space<hbm>>
    %dma_start3A_78 = arith.constant 0 : i32
    %dma_start3A_79 = arith.constant 0 : i32
    %dma_start3A_80 = tpu.memref_slice %dma_start3A_77[%dma_start3A_78, %dma_start3A_79] : memref<10112x32xf32, #tpu.memory_space<hbm>> -> memref<10112x32xf32, #tpu.memory_space<hbm>>
    tpu.enqueue_indirect_dma source(%dma_start3A_80 : memref<10112x32xf32, #tpu.memory_space<hbm>>) target(%arg12 : memref<128x32xf32, #tpu.memory_space<vmem>>) offsets(%dma_start3A_73 : memref<128xi32, #tpu.memory_space<vmem>>) semaphore(%arg16 : memref<!tpu.dma_semaphore, #tpu.memory_space<semaphore_mem>>)
    %dma_wait3A_81 = arith.constant 0 : i32
    %dma_wait3A_82 = tpu.memref_slice %arg21[%mul3A_25, %dma_wait3A_81] : memref<10112x32xf32, #tpu.memory_space<vmem_shared>> -> memref<632x32xf32, #tpu.memory_space<vmem_shared>>
    %dma_wait3A_83 = arith.constant 0 : i32
    %dma_wait3A_84 = tpu.memref_slice %arg5[%mul3A_23, %dma_wait3A_83] : memref<10112x32xf32, #tpu.memory_space<hbm>> -> memref<632x32xf32, #tpu.memory_space<hbm>>
    tpu.wait_dma2 semaphore(%arg24 : memref<!tpu.dma_semaphore, #tpu.memory_space<semaphore_mem>>) src(%dma_wait3A_84 : memref<632x32xf32, #tpu.memory_space<hbm>>) dst(%dma_wait3A_82 : memref<632x32xf32, #tpu.memory_space<vmem_shared>>)
    %barrier3A = arith.constant 0 : index
    tpu.barrier barrier_id(%barrier3A)
    %scan3A = arith.constant 0 : i32
    %scan3A_85 = arith.constant 0 : i32
    %scan3A_86 = arith.constant 20 : i32
    %scan3A_87 = arith.addi %scan3A_85, %scan3A_86 : i32
    %scan3A_88 = arith.constant 1 : i32
    scf.for %scan3A_102 = %scan3A_85 to %scan3A_87 step %scan3A_88  : i32 {
      %mul3A_103 = arith.constant 4 : i32
      %mul3A_104 = arith.muli %mul3A_103, %scan3A_102 : i32
      %add3A_105 = arith.constant 0 : i32
      %add3A_106 = arith.addi %mul3A_104, %add3A_105 : i32
      %sub3A = arith.constant 1 : i32
      %sub3A_107 = arith.subi %add3A_106, %sub3A : i32
      %dma_wait3A_108 = arith.constant 0 : i32
      %dma_wait3A_109 = tpu.memref_slice %arg7[%add3A_106, %dma_wait3A_108] : memref<80x128xi32, #tpu.memory_space<vmem>> -> memref<1x128xi32, #tpu.memory_space<vmem>>
      %dma_wait3A_110 = tpu.memref_squeeze %dma_wait3A_109 : memref<1x128xi32, #tpu.memory_space<vmem>> -> memref<128xi32, #tpu.memory_space<vmem>>
      %dma_wait3A_111 = arith.constant 0 : i32
      %dma_wait3A_112 = arith.constant 0 : i32
      %dma_wait3A_113 = tpu.memref_slice %arg2[%select_n3A_14, %dma_wait3A_111, %dma_wait3A_112] : memref<4x10112x32xf32, #tpu.memory_space<hbm>> -> memref<1x10112x32xf32, #tpu.memory_space<hbm>>
      %dma_wait3A_114 = tpu.memref_squeeze %dma_wait3A_113 : memref<1x10112x32xf32, #tpu.memory_space<hbm>> -> memref<10112x32xf32, #tpu.memory_space<hbm>>
      %dma_wait3A_115 = arith.constant 0 : i32
      %dma_wait3A_116 = arith.constant 0 : i32
      %dma_wait3A_117 = tpu.memref_slice %dma_wait3A_114[%dma_wait3A_115, %dma_wait3A_116] : memref<10112x32xf32, #tpu.memory_space<hbm>> -> memref<10112x32xf32, #tpu.memory_space<hbm>>
      tpu.wait_indirect_dma semaphore(%arg13 : memref<!tpu.dma_semaphore, #tpu.memory_space<semaphore_mem>>) src(%dma_wait3A_117 : memref<10112x32xf32, #tpu.memory_space<hbm>>) dst(%arg9 : memref<128x32xf32, #tpu.memory_space<vmem>>)
      %dma_start3A_118 = arith.constant 0 : i32
      %dma_start3A_119 = tpu.memref_slice %arg8[%add3A_106, %dma_start3A_118] : memref<80x128xi32, #tpu.memory_space<vmem>> -> memref<1x128xi32, #tpu.memory_space<vmem>>
      %dma_start3A_120 = tpu.memref_squeeze %dma_start3A_119 : memref<1x128xi32, #tpu.memory_space<vmem>> -> memref<128xi32, #tpu.memory_space<vmem>>
      %dma_start3A_121 = arith.constant 0 : i32
      %dma_start3A_122 = arith.constant 0 : i32
      %dma_start3A_123 = tpu.memref_slice %arg21[%dma_start3A_121, %dma_start3A_122] : memref<10112x32xf32, #tpu.memory_space<vmem_shared>> -> memref<10112x32xf32, #tpu.memory_space<vmem_shared>>
      tpu.enqueue_indirect_dma source(%arg9 : memref<128x32xf32, #tpu.memory_space<vmem>>) target(%dma_start3A_123 : memref<10112x32xf32, #tpu.memory_space<vmem_shared>>) offsets(%dma_start3A_120 : memref<128xi32, #tpu.memory_space<vmem>>) semaphore(%arg17 : memref<!tpu.dma_semaphore, #tpu.memory_space<semaphore_mem>>) {add = true}
      %ge3A = arith.constant 0 : i32
      %ge3A_124 = arith.cmpi sge, %sub3A_107, %ge3A : i32
      %convert_element_type3A = arith.extui %ge3A_124 : i1 to i32
      %cond3A = arith.constant 0 : i32
      %cond3A_125 = arith.cmpi ne, %convert_element_type3A, %cond3A : i32
      scf.if %cond3A_125 {
        %dma_wait3A_207 = arith.constant 0 : i32
        %dma_wait3A_208 = tpu.memref_slice %arg8[%sub3A_107, %dma_wait3A_207] : memref<80x128xi32, #tpu.memory_space<vmem>> -> memref<1x128xi32, #tpu.memory_space<vmem>>
        %dma_wait3A_209 = tpu.memref_squeeze %dma_wait3A_208 : memref<1x128xi32, #tpu.memory_space<vmem>> -> memref<128xi32, #tpu.memory_space<vmem>>
        %dma_wait3A_210 = arith.constant 0 : i32
        %dma_wait3A_211 = arith.constant 0 : i32
        %dma_wait3A_212 = tpu.memref_slice %arg21[%dma_wait3A_210, %dma_wait3A_211] : memref<10112x32xf32, #tpu.memory_space<vmem_shared>> -> memref<10112x32xf32, #tpu.memory_space<vmem_shared>>
        tpu.wait_indirect_dma semaphore(%arg20 : memref<!tpu.dma_semaphore, #tpu.memory_space<semaphore_mem>>) src(%arg12 : memref<128x32xf32, #tpu.memory_space<vmem>>) dst(%dma_wait3A_212 : memref<10112x32xf32, #tpu.memory_space<vmem_shared>>)
        %add3A_213 = arith.constant 4 : i32
        %add3A_214 = arith.addi %sub3A_107, %add3A_213 : i32
        %lt3A_215 = arith.constant 80 : i32
        %lt3A_216 = arith.cmpi slt, %add3A_214, %lt3A_215 : i32
        %convert_element_type3A_217 = arith.extui %lt3A_216 : i1 to i32
        %cond3A_218 = arith.constant 0 : i32
        %cond3A_219 = arith.cmpi ne, %convert_element_type3A_217, %cond3A_218 : i32
        scf.if %cond3A_219 {
          %add3A_220 = arith.constant 4 : i32
          %add3A_221 = arith.addi %sub3A_107, %add3A_220 : i32
          %dma_start3A_222 = arith.constant 0 : i32
          %dma_start3A_223 = tpu.memref_slice %arg7[%add3A_221, %dma_start3A_222] : memref<80x128xi32, #tpu.memory_space<vmem>> -> memref<1x128xi32, #tpu.memory_space<vmem>>
          %dma_start3A_224 = tpu.memref_squeeze %dma_start3A_223 : memref<1x128xi32, #tpu.memory_space<vmem>> -> memref<128xi32, #tpu.memory_space<vmem>>
          %dma_start3A_225 = arith.constant 0 : i32
          %dma_start3A_226 = arith.constant 0 : i32
          %dma_start3A_227 = tpu.memref_slice %arg2[%select_n3A_14, %dma_start3A_225, %dma_start3A_226] : memref<4x10112x32xf32, #tpu.memory_space<hbm>> -> memref<1x10112x32xf32, #tpu.memory_space<hbm>>
          %dma_start3A_228 = tpu.memref_squeeze %dma_start3A_227 : memref<1x10112x32xf32, #tpu.memory_space<hbm>> -> memref<10112x32xf32, #tpu.memory_space<hbm>>
          %dma_start3A_229 = arith.constant 0 : i32
          %dma_start3A_230 = arith.constant 0 : i32
          %dma_start3A_231 = tpu.memref_slice %dma_start3A_228[%dma_start3A_229, %dma_start3A_230] : memref<10112x32xf32, #tpu.memory_space<hbm>> -> memref<10112x32xf32, #tpu.memory_space<hbm>>
          tpu.enqueue_indirect_dma source(%dma_start3A_231 : memref<10112x32xf32, #tpu.memory_space<hbm>>) target(%arg12 : memref<128x32xf32, #tpu.memory_space<vmem>>) offsets(%dma_start3A_224 : memref<128xi32, #tpu.memory_space<vmem>>) semaphore(%arg16 : memref<!tpu.dma_semaphore, #tpu.memory_space<semaphore_mem>>)
        } else {
        }
      } else {
      }
      %mul3A_126 = arith.constant 4 : i32
      %mul3A_127 = arith.muli %mul3A_126, %scan3A_102 : i32
      %add3A_128 = arith.constant 1 : i32
      %add3A_129 = arith.addi %mul3A_127, %add3A_128 : i32
      %sub3A_130 = arith.constant 1 : i32
      %sub3A_131 = arith.subi %add3A_129, %sub3A_130 : i32
      %dma_wait3A_132 = arith.constant 0 : i32
      %dma_wait3A_133 = tpu.memref_slice %arg7[%add3A_129, %dma_wait3A_132] : memref<80x128xi32, #tpu.memory_space<vmem>> -> memref<1x128xi32, #tpu.memory_space<vmem>>
      %dma_wait3A_134 = tpu.memref_squeeze %dma_wait3A_133 : memref<1x128xi32, #tpu.memory_space<vmem>> -> memref<128xi32, #tpu.memory_space<vmem>>
      %dma_wait3A_135 = arith.constant 0 : i32
      %dma_wait3A_136 = arith.constant 0 : i32
      %dma_wait3A_137 = tpu.memref_slice %arg2[%select_n3A_14, %dma_wait3A_135, %dma_wait3A_136] : memref<4x10112x32xf32, #tpu.memory_space<hbm>> -> memref<1x10112x32xf32, #tpu.memory_space<hbm>>
      %dma_wait3A_138 = tpu.memref_squeeze %dma_wait3A_137 : memref<1x10112x32xf32, #tpu.memory_space<hbm>> -> memref<10112x32xf32, #tpu.memory_space<hbm>>
      %dma_wait3A_139 = arith.constant 0 : i32
      %dma_wait3A_140 = arith.constant 0 : i32
      %dma_wait3A_141 = tpu.memref_slice %dma_wait3A_138[%dma_wait3A_139, %dma_wait3A_140] : memref<10112x32xf32, #tpu.memory_space<hbm>> -> memref<10112x32xf32, #tpu.memory_space<hbm>>
      tpu.wait_indirect_dma semaphore(%arg14 : memref<!tpu.dma_semaphore, #tpu.memory_space<semaphore_mem>>) src(%dma_wait3A_141 : memref<10112x32xf32, #tpu.memory_space<hbm>>) dst(%arg10 : memref<128x32xf32, #tpu.memory_space<vmem>>)
      %dma_start3A_142 = arith.constant 0 : i32
      %dma_start3A_143 = tpu.memref_slice %arg8[%add3A_129, %dma_start3A_142] : memref<80x128xi32, #tpu.memory_space<vmem>> -> memref<1x128xi32, #tpu.memory_space<vmem>>
      %dma_start3A_144 = tpu.memref_squeeze %dma_start3A_143 : memref<1x128xi32, #tpu.memory_space<vmem>> -> memref<128xi32, #tpu.memory_space<vmem>>
      %dma_start3A_145 = arith.constant 0 : i32
      %dma_start3A_146 = arith.constant 0 : i32
      %dma_start3A_147 = tpu.memref_slice %arg21[%dma_start3A_145, %dma_start3A_146] : memref<10112x32xf32, #tpu.memory_space<vmem_shared>> -> memref<10112x32xf32, #tpu.memory_space<vmem_shared>>
      tpu.enqueue_indirect_dma source(%arg10 : memref<128x32xf32, #tpu.memory_space<vmem>>) target(%dma_start3A_147 : memref<10112x32xf32, #tpu.memory_space<vmem_shared>>) offsets(%dma_start3A_144 : memref<128xi32, #tpu.memory_space<vmem>>) semaphore(%arg18 : memref<!tpu.dma_semaphore, #tpu.memory_space<semaphore_mem>>) {add = true}
      %ge3A_148 = arith.constant 0 : i32
      %ge3A_149 = arith.cmpi sge, %sub3A_131, %ge3A_148 : i32
      %convert_element_type3A_150 = arith.extui %ge3A_149 : i1 to i32
      %cond3A_151 = arith.constant 0 : i32
      %cond3A_152 = arith.cmpi ne, %convert_element_type3A_150, %cond3A_151 : i32
      scf.if %cond3A_152 {
        %dma_wait3A_207 = arith.constant 0 : i32
        %dma_wait3A_208 = tpu.memref_slice %arg8[%sub3A_131, %dma_wait3A_207] : memref<80x128xi32, #tpu.memory_space<vmem>> -> memref<1x128xi32, #tpu.memory_space<vmem>>
        %dma_wait3A_209 = tpu.memref_squeeze %dma_wait3A_208 : memref<1x128xi32, #tpu.memory_space<vmem>> -> memref<128xi32, #tpu.memory_space<vmem>>
        %dma_wait3A_210 = arith.constant 0 : i32
        %dma_wait3A_211 = arith.constant 0 : i32
        %dma_wait3A_212 = tpu.memref_slice %arg21[%dma_wait3A_210, %dma_wait3A_211] : memref<10112x32xf32, #tpu.memory_space<vmem_shared>> -> memref<10112x32xf32, #tpu.memory_space<vmem_shared>>
        tpu.wait_indirect_dma semaphore(%arg17 : memref<!tpu.dma_semaphore, #tpu.memory_space<semaphore_mem>>) src(%arg9 : memref<128x32xf32, #tpu.memory_space<vmem>>) dst(%dma_wait3A_212 : memref<10112x32xf32, #tpu.memory_space<vmem_shared>>)
        %add3A_213 = arith.constant 4 : i32
        %add3A_214 = arith.addi %sub3A_131, %add3A_213 : i32
        %lt3A_215 = arith.constant 80 : i32
        %lt3A_216 = arith.cmpi slt, %add3A_214, %lt3A_215 : i32
        %convert_element_type3A_217 = arith.extui %lt3A_216 : i1 to i32
        %cond3A_218 = arith.constant 0 : i32
        %cond3A_219 = arith.cmpi ne, %convert_element_type3A_217, %cond3A_218 : i32
        scf.if %cond3A_219 {
          %add3A_220 = arith.constant 4 : i32
          %add3A_221 = arith.addi %sub3A_131, %add3A_220 : i32
          %dma_start3A_222 = arith.constant 0 : i32
          %dma_start3A_223 = tpu.memref_slice %arg7[%add3A_221, %dma_start3A_222] : memref<80x128xi32, #tpu.memory_space<vmem>> -> memref<1x128xi32, #tpu.memory_space<vmem>>
          %dma_start3A_224 = tpu.memref_squeeze %dma_start3A_223 : memref<1x128xi32, #tpu.memory_space<vmem>> -> memref<128xi32, #tpu.memory_space<vmem>>
          %dma_start3A_225 = arith.constant 0 : i32
          %dma_start3A_226 = arith.constant 0 : i32
          %dma_start3A_227 = tpu.memref_slice %arg2[%select_n3A_14, %dma_start3A_225, %dma_start3A_226] : memref<4x10112x32xf32, #tpu.memory_space<hbm>> -> memref<1x10112x32xf32, #tpu.memory_space<hbm>>
          %dma_start3A_228 = tpu.memref_squeeze %dma_start3A_227 : memref<1x10112x32xf32, #tpu.memory_space<hbm>> -> memref<10112x32xf32, #tpu.memory_space<hbm>>
          %dma_start3A_229 = arith.constant 0 : i32
          %dma_start3A_230 = arith.constant 0 : i32
          %dma_start3A_231 = tpu.memref_slice %dma_start3A_228[%dma_start3A_229, %dma_start3A_230] : memref<10112x32xf32, #tpu.memory_space<hbm>> -> memref<10112x32xf32, #tpu.memory_space<hbm>>
          tpu.enqueue_indirect_dma source(%dma_start3A_231 : memref<10112x32xf32, #tpu.memory_space<hbm>>) target(%arg9 : memref<128x32xf32, #tpu.memory_space<vmem>>) offsets(%dma_start3A_224 : memref<128xi32, #tpu.memory_space<vmem>>) semaphore(%arg13 : memref<!tpu.dma_semaphore, #tpu.memory_space<semaphore_mem>>)
        } else {
        }
      } else {
      }
      %mul3A_153 = arith.constant 4 : i32
      %mul3A_154 = arith.muli %mul3A_153, %scan3A_102 : i32
      %add3A_155 = arith.constant 2 : i32
      %add3A_156 = arith.addi %mul3A_154, %add3A_155 : i32
      %sub3A_157 = arith.constant 1 : i32
      %sub3A_158 = arith.subi %add3A_156, %sub3A_157 : i32
      %dma_wait3A_159 = arith.constant 0 : i32
      %dma_wait3A_160 = tpu.memref_slice %arg7[%add3A_156, %dma_wait3A_159] : memref<80x128xi32, #tpu.memory_space<vmem>> -> memref<1x128xi32, #tpu.memory_space<vmem>>
      %dma_wait3A_161 = tpu.memref_squeeze %dma_wait3A_160 : memref<1x128xi32, #tpu.memory_space<vmem>> -> memref<128xi32, #tpu.memory_space<vmem>>
      %dma_wait3A_162 = arith.constant 0 : i32
      %dma_wait3A_163 = arith.constant 0 : i32
      %dma_wait3A_164 = tpu.memref_slice %arg2[%select_n3A_14, %dma_wait3A_162, %dma_wait3A_163] : memref<4x10112x32xf32, #tpu.memory_space<hbm>> -> memref<1x10112x32xf32, #tpu.memory_space<hbm>>
      %dma_wait3A_165 = tpu.memref_squeeze %dma_wait3A_164 : memref<1x10112x32xf32, #tpu.memory_space<hbm>> -> memref<10112x32xf32, #tpu.memory_space<hbm>>
      %dma_wait3A_166 = arith.constant 0 : i32
      %dma_wait3A_167 = arith.constant 0 : i32
      %dma_wait3A_168 = tpu.memref_slice %dma_wait3A_165[%dma_wait3A_166, %dma_wait3A_167] : memref<10112x32xf32, #tpu.memory_space<hbm>> -> memref<10112x32xf32, #tpu.memory_space<hbm>>
      tpu.wait_indirect_dma semaphore(%arg15 : memref<!tpu.dma_semaphore, #tpu.memory_space<semaphore_mem>>) src(%dma_wait3A_168 : memref<10112x32xf32, #tpu.memory_space<hbm>>) dst(%arg11 : memref<128x32xf32, #tpu.memory_space<vmem>>)
      %dma_start3A_169 = arith.constant 0 : i32
      %dma_start3A_170 = tpu.memref_slice %arg8[%add3A_156, %dma_start3A_169] : memref<80x128xi32, #tpu.memory_space<vmem>> -> memref<1x128xi32, #tpu.memory_space<vmem>>
      %dma_start3A_171 = tpu.memref_squeeze %dma_start3A_170 : memref<1x128xi32, #tpu.memory_space<vmem>> -> memref<128xi32, #tpu.memory_space<vmem>>
      %dma_start3A_172 = arith.constant 0 : i32
      %dma_start3A_173 = arith.constant 0 : i32
      %dma_start3A_174 = tpu.memref_slice %arg21[%dma_start3A_172, %dma_start3A_173] : memref<10112x32xf32, #tpu.memory_space<vmem_shared>> -> memref<10112x32xf32, #tpu.memory_space<vmem_shared>>
      tpu.enqueue_indirect_dma source(%arg11 : memref<128x32xf32, #tpu.memory_space<vmem>>) target(%dma_start3A_174 : memref<10112x32xf32, #tpu.memory_space<vmem_shared>>) offsets(%dma_start3A_171 : memref<128xi32, #tpu.memory_space<vmem>>) semaphore(%arg19 : memref<!tpu.dma_semaphore, #tpu.memory_space<semaphore_mem>>) {add = true}
      %ge3A_175 = arith.constant 0 : i32
      %ge3A_176 = arith.cmpi sge, %sub3A_158, %ge3A_175 : i32
      %convert_element_type3A_177 = arith.extui %ge3A_176 : i1 to i32
      %cond3A_178 = arith.constant 0 : i32
      %cond3A_179 = arith.cmpi ne, %convert_element_type3A_177, %cond3A_178 : i32
      scf.if %cond3A_179 {
        %dma_wait3A_207 = arith.constant 0 : i32
        %dma_wait3A_208 = tpu.memref_slice %arg8[%sub3A_158, %dma_wait3A_207] : memref<80x128xi32, #tpu.memory_space<vmem>> -> memref<1x128xi32, #tpu.memory_space<vmem>>
        %dma_wait3A_209 = tpu.memref_squeeze %dma_wait3A_208 : memref<1x128xi32, #tpu.memory_space<vmem>> -> memref<128xi32, #tpu.memory_space<vmem>>
        %dma_wait3A_210 = arith.constant 0 : i32
        %dma_wait3A_211 = arith.constant 0 : i32
        %dma_wait3A_212 = tpu.memref_slice %arg21[%dma_wait3A_210, %dma_wait3A_211] : memref<10112x32xf32, #tpu.memory_space<vmem_shared>> -> memref<10112x32xf32, #tpu.memory_space<vmem_shared>>
        tpu.wait_indirect_dma semaphore(%arg18 : memref<!tpu.dma_semaphore, #tpu.memory_space<semaphore_mem>>) src(%arg10 : memref<128x32xf32, #tpu.memory_space<vmem>>) dst(%dma_wait3A_212 : memref<10112x32xf32, #tpu.memory_space<vmem_shared>>)
        %add3A_213 = arith.constant 4 : i32
        %add3A_214 = arith.addi %sub3A_158, %add3A_213 : i32
        %lt3A_215 = arith.constant 80 : i32
        %lt3A_216 = arith.cmpi slt, %add3A_214, %lt3A_215 : i32
        %convert_element_type3A_217 = arith.extui %lt3A_216 : i1 to i32
        %cond3A_218 = arith.constant 0 : i32
        %cond3A_219 = arith.cmpi ne, %convert_element_type3A_217, %cond3A_218 : i32
        scf.if %cond3A_219 {
          %add3A_220 = arith.constant 4 : i32
          %add3A_221 = arith.addi %sub3A_158, %add3A_220 : i32
          %dma_start3A_222 = arith.constant 0 : i32
          %dma_start3A_223 = tpu.memref_slice %arg7[%add3A_221, %dma_start3A_222] : memref<80x128xi32, #tpu.memory_space<vmem>> -> memref<1x128xi32, #tpu.memory_space<vmem>>
          %dma_start3A_224 = tpu.memref_squeeze %dma_start3A_223 : memref<1x128xi32, #tpu.memory_space<vmem>> -> memref<128xi32, #tpu.memory_space<vmem>>
          %dma_start3A_225 = arith.constant 0 : i32
          %dma_start3A_226 = arith.constant 0 : i32
          %dma_start3A_227 = tpu.memref_slice %arg2[%select_n3A_14, %dma_start3A_225, %dma_start3A_226] : memref<4x10112x32xf32, #tpu.memory_space<hbm>> -> memref<1x10112x32xf32, #tpu.memory_space<hbm>>
          %dma_start3A_228 = tpu.memref_squeeze %dma_start3A_227 : memref<1x10112x32xf32, #tpu.memory_space<hbm>> -> memref<10112x32xf32, #tpu.memory_space<hbm>>
          %dma_start3A_229 = arith.constant 0 : i32
          %dma_start3A_230 = arith.constant 0 : i32
          %dma_start3A_231 = tpu.memref_slice %dma_start3A_228[%dma_start3A_229, %dma_start3A_230] : memref<10112x32xf32, #tpu.memory_space<hbm>> -> memref<10112x32xf32, #tpu.memory_space<hbm>>
          tpu.enqueue_indirect_dma source(%dma_start3A_231 : memref<10112x32xf32, #tpu.memory_space<hbm>>) target(%arg10 : memref<128x32xf32, #tpu.memory_space<vmem>>) offsets(%dma_start3A_224 : memref<128xi32, #tpu.memory_space<vmem>>) semaphore(%arg14 : memref<!tpu.dma_semaphore, #tpu.memory_space<semaphore_mem>>)
        } else {
        }
      } else {
      }
      %mul3A_180 = arith.constant 4 : i32
      %mul3A_181 = arith.muli %mul3A_180, %scan3A_102 : i32
      %add3A_182 = arith.constant 3 : i32
      %add3A_183 = arith.addi %mul3A_181, %add3A_182 : i32
      %sub3A_184 = arith.constant 1 : i32
      %sub3A_185 = arith.subi %add3A_183, %sub3A_184 : i32
      %dma_wait3A_186 = arith.constant 0 : i32
      %dma_wait3A_187 = tpu.memref_slice %arg7[%add3A_183, %dma_wait3A_186] : memref<80x128xi32, #tpu.memory_space<vmem>> -> memref<1x128xi32, #tpu.memory_space<vmem>>
      %dma_wait3A_188 = tpu.memref_squeeze %dma_wait3A_187 : memref<1x128xi32, #tpu.memory_space<vmem>> -> memref<128xi32, #tpu.memory_space<vmem>>
      %dma_wait3A_189 = arith.constant 0 : i32
      %dma_wait3A_190 = arith.constant 0 : i32
      %dma_wait3A_191 = tpu.memref_slice %arg2[%select_n3A_14, %dma_wait3A_189, %dma_wait3A_190] : memref<4x10112x32xf32, #tpu.memory_space<hbm>> -> memref<1x10112x32xf32, #tpu.memory_space<hbm>>
      %dma_wait3A_192 = tpu.memref_squeeze %dma_wait3A_191 : memref<1x10112x32xf32, #tpu.memory_space<hbm>> -> memref<10112x32xf32, #tpu.memory_space<hbm>>
      %dma_wait3A_193 = arith.constant 0 : i32
      %dma_wait3A_194 = arith.constant 0 : i32
      %dma_wait3A_195 = tpu.memref_slice %dma_wait3A_192[%dma_wait3A_193, %dma_wait3A_194] : memref<10112x32xf32, #tpu.memory_space<hbm>> -> memref<10112x32xf32, #tpu.memory_space<hbm>>
      tpu.wait_indirect_dma semaphore(%arg16 : memref<!tpu.dma_semaphore, #tpu.memory_space<semaphore_mem>>) src(%dma_wait3A_195 : memref<10112x32xf32, #tpu.memory_space<hbm>>) dst(%arg12 : memref<128x32xf32, #tpu.memory_space<vmem>>)
      %dma_start3A_196 = arith.constant 0 : i32
      %dma_start3A_197 = tpu.memref_slice %arg8[%add3A_183, %dma_start3A_196] : memref<80x128xi32, #tpu.memory_space<vmem>> -> memref<1x128xi32, #tpu.memory_space<vmem>>
      %dma_start3A_198 = tpu.memref_squeeze %dma_start3A_197 : memref<1x128xi32, #tpu.memory_space<vmem>> -> memref<128xi32, #tpu.memory_space<vmem>>
      %dma_start3A_199 = arith.constant 0 : i32
      %dma_start3A_200 = arith.constant 0 : i32
      %dma_start3A_201 = tpu.memref_slice %arg21[%dma_start3A_199, %dma_start3A_200] : memref<10112x32xf32, #tpu.memory_space<vmem_shared>> -> memref<10112x32xf32, #tpu.memory_space<vmem_shared>>
      tpu.enqueue_indirect_dma source(%arg12 : memref<128x32xf32, #tpu.memory_space<vmem>>) target(%dma_start3A_201 : memref<10112x32xf32, #tpu.memory_space<vmem_shared>>) offsets(%dma_start3A_198 : memref<128xi32, #tpu.memory_space<vmem>>) semaphore(%arg20 : memref<!tpu.dma_semaphore, #tpu.memory_space<semaphore_mem>>) {add = true}
      %ge3A_202 = arith.constant 0 : i32
      %ge3A_203 = arith.cmpi sge, %sub3A_185, %ge3A_202 : i32
      %convert_element_type3A_204 = arith.extui %ge3A_203 : i1 to i32
      %cond3A_205 = arith.constant 0 : i32
      %cond3A_206 = arith.cmpi ne, %convert_element_type3A_204, %cond3A_205 : i32
      scf.if %cond3A_206 {
        %dma_wait3A_207 = arith.constant 0 : i32
        %dma_wait3A_208 = tpu.memref_slice %arg8[%sub3A_185, %dma_wait3A_207] : memref<80x128xi32, #tpu.memory_space<vmem>> -> memref<1x128xi32, #tpu.memory_space<vmem>>
        %dma_wait3A_209 = tpu.memref_squeeze %dma_wait3A_208 : memref<1x128xi32, #tpu.memory_space<vmem>> -> memref<128xi32, #tpu.memory_space<vmem>>
        %dma_wait3A_210 = arith.constant 0 : i32
        %dma_wait3A_211 = arith.constant 0 : i32
        %dma_wait3A_212 = tpu.memref_slice %arg21[%dma_wait3A_210, %dma_wait3A_211] : memref<10112x32xf32, #tpu.memory_space<vmem_shared>> -> memref<10112x32xf32, #tpu.memory_space<vmem_shared>>
        tpu.wait_indirect_dma semaphore(%arg19 : memref<!tpu.dma_semaphore, #tpu.memory_space<semaphore_mem>>) src(%arg11 : memref<128x32xf32, #tpu.memory_space<vmem>>) dst(%dma_wait3A_212 : memref<10112x32xf32, #tpu.memory_space<vmem_shared>>)
        %add3A_213 = arith.constant 4 : i32
        %add3A_214 = arith.addi %sub3A_185, %add3A_213 : i32
        %lt3A_215 = arith.constant 80 : i32
        %lt3A_216 = arith.cmpi slt, %add3A_214, %lt3A_215 : i32
        %convert_element_type3A_217 = arith.extui %lt3A_216 : i1 to i32
        %cond3A_218 = arith.constant 0 : i32
        %cond3A_219 = arith.cmpi ne, %convert_element_type3A_217, %cond3A_218 : i32
        scf.if %cond3A_219 {
          %add3A_220 = arith.constant 4 : i32
          %add3A_221 = arith.addi %sub3A_185, %add3A_220 : i32
          %dma_start3A_222 = arith.constant 0 : i32
          %dma_start3A_223 = tpu.memref_slice %arg7[%add3A_221, %dma_start3A_222] : memref<80x128xi32, #tpu.memory_space<vmem>> -> memref<1x128xi32, #tpu.memory_space<vmem>>
          %dma_start3A_224 = tpu.memref_squeeze %dma_start3A_223 : memref<1x128xi32, #tpu.memory_space<vmem>> -> memref<128xi32, #tpu.memory_space<vmem>>
          %dma_start3A_225 = arith.constant 0 : i32
          %dma_start3A_226 = arith.constant 0 : i32
          %dma_start3A_227 = tpu.memref_slice %arg2[%select_n3A_14, %dma_start3A_225, %dma_start3A_226] : memref<4x10112x32xf32, #tpu.memory_space<hbm>> -> memref<1x10112x32xf32, #tpu.memory_space<hbm>>
          %dma_start3A_228 = tpu.memref_squeeze %dma_start3A_227 : memref<1x10112x32xf32, #tpu.memory_space<hbm>> -> memref<10112x32xf32, #tpu.memory_space<hbm>>
          %dma_start3A_229 = arith.constant 0 : i32
          %dma_start3A_230 = arith.constant 0 : i32
          %dma_start3A_231 = tpu.memref_slice %dma_start3A_228[%dma_start3A_229, %dma_start3A_230] : memref<10112x32xf32, #tpu.memory_space<hbm>> -> memref<10112x32xf32, #tpu.memory_space<hbm>>
          tpu.enqueue_indirect_dma source(%dma_start3A_231 : memref<10112x32xf32, #tpu.memory_space<hbm>>) target(%arg11 : memref<128x32xf32, #tpu.memory_space<vmem>>) offsets(%dma_start3A_224 : memref<128xi32, #tpu.memory_space<vmem>>) semaphore(%arg15 : memref<!tpu.dma_semaphore, #tpu.memory_space<semaphore_mem>>)
        } else {
        }
      } else {
      }
    }
    %scan3A_89 = arith.constant 20 : i32
    %dma_wait3A_90 = arith.constant 79 : i32
    %dma_wait3A_91 = arith.constant 0 : i32
    %dma_wait3A_92 = tpu.memref_slice %arg8[%dma_wait3A_90, %dma_wait3A_91] : memref<80x128xi32, #tpu.memory_space<vmem>> -> memref<1x128xi32, #tpu.memory_space<vmem>>
    %dma_wait3A_93 = tpu.memref_squeeze %dma_wait3A_92 : memref<1x128xi32, #tpu.memory_space<vmem>> -> memref<128xi32, #tpu.memory_space<vmem>>
    %dma_wait3A_94 = arith.constant 0 : i32
    %dma_wait3A_95 = arith.constant 0 : i32
    %dma_wait3A_96 = tpu.memref_slice %arg21[%dma_wait3A_94, %dma_wait3A_95] : memref<10112x32xf32, #tpu.memory_space<vmem_shared>> -> memref<10112x32xf32, #tpu.memory_space<vmem_shared>>
    tpu.wait_indirect_dma semaphore(%arg20 : memref<!tpu.dma_semaphore, #tpu.memory_space<semaphore_mem>>) src(%arg12 : memref<128x32xf32, #tpu.memory_space<vmem>>) dst(%dma_wait3A_96 : memref<10112x32xf32, #tpu.memory_space<vmem_shared>>)
    %barrier3A_97 = arith.constant 0 : index
    tpu.barrier barrier_id(%barrier3A_97)
    %mul3A_98 = arith.constant 632 : i32
    %mul3A_99 = arith.muli %arg1, %mul3A_98 : i32
    %mul3A_100 = arith.constant 632 : i32
    %mul3A_101 = arith.muli %arg1, %mul3A_100 : i32
    "tpu.region"() ({
      %run_scoped3A = tpu.sem_alloc : memref<!tpu.dma_semaphore, #tpu.memory_space<semaphore_mem>>
      %dma_start3A_102 = arith.constant 0 : i32
      %dma_start3A_103 = tpu.memref_slice %arg6[%arg0, %mul3A_101, %dma_start3A_102] : memref<2x10112x32xf32, #tpu.memory_space<hbm>> -> memref<1x632x32xf32, #tpu.memory_space<hbm>>
      %dma_start3A_104 = tpu.memref_squeeze %dma_start3A_103 : memref<1x632x32xf32, #tpu.memory_space<hbm>> -> memref<632x32xf32, #tpu.memory_space<hbm>>
      %dma_start3A_105 = arith.constant 0 : i32
      %dma_start3A_106 = tpu.memref_slice %arg21[%mul3A_99, %dma_start3A_105] : memref<10112x32xf32, #tpu.memory_space<vmem_shared>> -> memref<632x32xf32, #tpu.memory_space<vmem_shared>>
      tpu.enqueue_dma source(%dma_start3A_106 : memref<632x32xf32, #tpu.memory_space<vmem_shared>>) target(%dma_start3A_104 : memref<632x32xf32, #tpu.memory_space<hbm>>) target_semaphore(%run_scoped3A : memref<!tpu.dma_semaphore, #tpu.memory_space<semaphore_mem>>)
      %dma_wait3A_107 = arith.constant 0 : i32
      %dma_wait3A_108 = tpu.memref_slice %arg6[%arg0, %mul3A_101, %dma_wait3A_107] : memref<2x10112x32xf32, #tpu.memory_space<hbm>> -> memref<1x632x32xf32, #tpu.memory_space<hbm>>
      %dma_wait3A_109 = tpu.memref_squeeze %dma_wait3A_108 : memref<1x632x32xf32, #tpu.memory_space<hbm>> -> memref<632x32xf32, #tpu.memory_space<hbm>>
      %dma_wait3A_110 = arith.constant 0 : i32
      %dma_wait3A_111 = tpu.memref_slice %arg21[%mul3A_99, %dma_wait3A_110] : memref<10112x32xf32, #tpu.memory_space<vmem_shared>> -> memref<632x32xf32, #tpu.memory_space<vmem_shared>>
      tpu.wait_dma2 semaphore(%run_scoped3A : memref<!tpu.dma_semaphore, #tpu.memory_space<semaphore_mem>>) src(%dma_wait3A_111 : memref<632x32xf32, #tpu.memory_space<vmem_shared>>) dst(%dma_wait3A_109 : memref<632x32xf32, #tpu.memory_space<hbm>>)
      tpu.yield
    }) : () -> ()
    return
  }
}

#map = affine_map<(d0, d1) -> (0, 0, 0, 0)>
#map1 = affine_map<(d0, d1) -> (0, 0)>
#map2 = affine_map<(d0, d1) -> (0, 0, 0)>
module attributes {stable_mosaic.version = 14 : i64} {
  func.func @agg(%arg0: i32, %arg1: i32, %arg2: memref<2x2x10112x32xf32, #tpu.memory_space<hbm>>, %arg3: memref<2560x128xi32, #tpu.memory_space<hbm>>, %arg4: memref<2560x128xi32, #tpu.memory_space<hbm>>, %arg5: memref<10112x32xf32, #tpu.memory_space<hbm>>, %arg6: memref<2x10112x32xf32, #tpu.memory_space<hbm>>, %arg7: memref<160x128xi32, #tpu.memory_space<vmem>>, %arg8: memref<160x128xi32, #tpu.memory_space<vmem>>, %arg9: memref<128x32xf32, #tpu.memory_space<vmem>>, %arg10: memref<128x32xf32, #tpu.memory_space<vmem>>, %arg11: memref<128x32xf32, #tpu.memory_space<vmem>>, %arg12: memref<128x32xf32, #tpu.memory_space<vmem>>, %arg13: memref<!tpu.dma_semaphore, #tpu.memory_space<semaphore_mem>>, %arg14: memref<!tpu.dma_semaphore, #tpu.memory_space<semaphore_mem>>, %arg15: memref<!tpu.dma_semaphore, #tpu.memory_space<semaphore_mem>>, %arg16: memref<!tpu.dma_semaphore, #tpu.memory_space<semaphore_mem>>, %arg17: memref<!tpu.dma_semaphore, #tpu.memory_space<semaphore_mem>>, %arg18: memref<!tpu.dma_semaphore, #tpu.memory_space<semaphore_mem>>, %arg19: memref<!tpu.dma_semaphore, #tpu.memory_space<semaphore_mem>>, %arg20: memref<!tpu.dma_semaphore, #tpu.memory_space<semaphore_mem>>, %arg21: memref<10112x32xf32, #tpu.memory_space<vmem_shared>>, %arg22: memref<!tpu.dma_semaphore, #tpu.memory_space<semaphore_mem>>, %arg23: memref<!tpu.dma_semaphore, #tpu.memory_space<semaphore_mem>>, %arg24: memref<!tpu.dma_semaphore, #tpu.memory_space<semaphore_mem>>) attributes {dimension_semantics = [#tpu.dimension_semantics<core_parallel>, #tpu.dimension_semantics<subcore_parallel>], iteration_bounds = array<i64: 2, 16>, scalar_prefetch = 0 : i64, scratch_operands = 18 : i64, tpu.core_type = #tpu.core_type<sc_vector_subcore>, window_params = [{transform_indices = #map}, {transform_indices = #map1}, {transform_indices = #map1}, {transform_indices = #map1}, {transform_indices = #map2}]} {
    %mul3A = arith.constant 160 : i32
    %mul3A_0 = arith.muli %arg1, %mul3A : i32
    %jit3A = arith.constant 2 : i32
    %eq3A = arith.constant 0 : i32
    %eq3A_1 = arith.cmpi eq, %jit3A, %eq3A : i32
    %jit3A_2 = arith.constant 1 : i32
    %select_n3A = arith.select %eq3A_1, %jit3A_2, %jit3A : i32
    %rem3A = arith.remsi %arg1, %select_n3A : i32
    %ne3A = arith.constant 0 : i32
    %ne3A_3 = arith.cmpi ne, %rem3A, %ne3A : i32
    %lt3A = arith.constant 0 : i32
    %lt3A_4 = arith.cmpi slt, %rem3A, %lt3A : i32
    %lt3A_5 = arith.constant 0 : i32
    %lt3A_6 = arith.cmpi slt, %select_n3A, %lt3A_5 : i32
    %ne3A_7 = arith.xori %lt3A_4, %lt3A_6 : i1
    %and3A = arith.andi %ne3A_7, %ne3A_3 : i1
    %add3A = arith.addi %rem3A, %select_n3A : i32
    %select_n3A_8 = arith.select %and3A, %add3A, %rem3A : i32
    %dma_start3A = arith.constant 0 : i32
    %dma_start3A_9 = tpu.memref_slice %arg3[%mul3A_0, %dma_start3A] : memref<2560x128xi32, #tpu.memory_space<hbm>> -> memref<160x128xi32, #tpu.memory_space<hbm>>
    %dma_start3A_10 = arith.constant 0 : i32
    %dma_start3A_11 = tpu.memref_slice %arg3[%mul3A_0, %dma_start3A_10] : memref<2560x128xi32, #tpu.memory_space<hbm>> -> memref<160x128xi32, #tpu.memory_space<hbm>>
    tpu.enqueue_dma source(%dma_start3A_11 : memref<160x128xi32, #tpu.memory_space<hbm>>) target(%arg7 : memref<160x128xi32, #tpu.memory_space<vmem>>) target_semaphore(%arg22 : memref<!tpu.dma_semaphore, #tpu.memory_space<semaphore_mem>>)
    %dma_start3A_12 = arith.constant 0 : i32
    %dma_start3A_13 = tpu.memref_slice %arg4[%mul3A_0, %dma_start3A_12] : memref<2560x128xi32, #tpu.memory_space<hbm>> -> memref<160x128xi32, #tpu.memory_space<hbm>>
    %dma_start3A_14 = arith.constant 0 : i32
    %dma_start3A_15 = tpu.memref_slice %arg4[%mul3A_0, %dma_start3A_14] : memref<2560x128xi32, #tpu.memory_space<hbm>> -> memref<160x128xi32, #tpu.memory_space<hbm>>
    tpu.enqueue_dma source(%dma_start3A_15 : memref<160x128xi32, #tpu.memory_space<hbm>>) target(%arg8 : memref<160x128xi32, #tpu.memory_space<vmem>>) target_semaphore(%arg23 : memref<!tpu.dma_semaphore, #tpu.memory_space<semaphore_mem>>)
    %mul3A_16 = arith.constant 632 : i32
    %mul3A_17 = arith.muli %arg1, %mul3A_16 : i32
    %mul3A_18 = arith.constant 632 : i32
    %mul3A_19 = arith.muli %arg1, %mul3A_18 : i32
    %dma_start3A_20 = arith.constant 0 : i32
    %dma_start3A_21 = tpu.memref_slice %arg21[%mul3A_19, %dma_start3A_20] : memref<10112x32xf32, #tpu.memory_space<vmem_shared>> -> memref<632x32xf32, #tpu.memory_space<vmem_shared>>
    %dma_start3A_22 = arith.constant 0 : i32
    %dma_start3A_23 = tpu.memref_slice %arg5[%mul3A_17, %dma_start3A_22] : memref<10112x32xf32, #tpu.memory_space<hbm>> -> memref<632x32xf32, #tpu.memory_space<hbm>>
    tpu.enqueue_dma source(%dma_start3A_23 : memref<632x32xf32, #tpu.memory_space<hbm>>) target(%dma_start3A_21 : memref<632x32xf32, #tpu.memory_space<vmem_shared>>) target_semaphore(%arg24 : memref<!tpu.dma_semaphore, #tpu.memory_space<semaphore_mem>>)
    %dma_wait3A = arith.constant 0 : i32
    %dma_wait3A_24 = tpu.memref_slice %arg3[%mul3A_0, %dma_wait3A] : memref<2560x128xi32, #tpu.memory_space<hbm>> -> memref<160x128xi32, #tpu.memory_space<hbm>>
    %dma_wait3A_25 = arith.constant 0 : i32
    %dma_wait3A_26 = tpu.memref_slice %arg3[%mul3A_0, %dma_wait3A_25] : memref<2560x128xi32, #tpu.memory_space<hbm>> -> memref<160x128xi32, #tpu.memory_space<hbm>>
    tpu.wait_dma2 semaphore(%arg22 : memref<!tpu.dma_semaphore, #tpu.memory_space<semaphore_mem>>) src(%dma_wait3A_26 : memref<160x128xi32, #tpu.memory_space<hbm>>) dst(%arg7 : memref<160x128xi32, #tpu.memory_space<vmem>>)
    %dma_wait3A_27 = arith.constant 0 : i32
    %dma_wait3A_28 = tpu.memref_slice %arg4[%mul3A_0, %dma_wait3A_27] : memref<2560x128xi32, #tpu.memory_space<hbm>> -> memref<160x128xi32, #tpu.memory_space<hbm>>
    %dma_wait3A_29 = arith.constant 0 : i32
    %dma_wait3A_30 = tpu.memref_slice %arg4[%mul3A_0, %dma_wait3A_29] : memref<2560x128xi32, #tpu.memory_space<hbm>> -> memref<160x128xi32, #tpu.memory_space<hbm>>
    tpu.wait_dma2 semaphore(%arg23 : memref<!tpu.dma_semaphore, #tpu.memory_space<semaphore_mem>>) src(%dma_wait3A_30 : memref<160x128xi32, #tpu.memory_space<hbm>>) dst(%arg8 : memref<160x128xi32, #tpu.memory_space<vmem>>)
    %dma_start3A_31 = arith.constant 0 : i32
    %dma_start3A_32 = arith.constant 0 : i32
    %dma_start3A_33 = tpu.memref_slice %arg7[%dma_start3A_31, %dma_start3A_32] : memref<160x128xi32, #tpu.memory_space<vmem>> -> memref<1x128xi32, #tpu.memory_space<vmem>>
    %dma_start3A_34 = tpu.memref_squeeze %dma_start3A_33 : memref<1x128xi32, #tpu.memory_space<vmem>> -> memref<128xi32, #tpu.memory_space<vmem>>
    %dma_start3A_35 = arith.constant 0 : i32
    %dma_start3A_36 = arith.constant 0 : i32
    %dma_start3A_37 = arith.constant 0 : i32
    %dma_start3A_38 = tpu.memref_slice %arg2[%arg0, %dma_start3A_35, %dma_start3A_36, %dma_start3A_37] : memref<2x2x10112x32xf32, #tpu.memory_space<hbm>> -> memref<1x2x10112x32xf32, #tpu.memory_space<hbm>>
    %dma_start3A_39 = tpu.memref_squeeze %dma_start3A_38 : memref<1x2x10112x32xf32, #tpu.memory_space<hbm>> -> memref<2x10112x32xf32, #tpu.memory_space<hbm>>
    %dma_start3A_40 = arith.constant 0 : i32
    %dma_start3A_41 = arith.constant 0 : i32
    %dma_start3A_42 = tpu.memref_slice %dma_start3A_39[%select_n3A_8, %dma_start3A_40, %dma_start3A_41] : memref<2x10112x32xf32, #tpu.memory_space<hbm>> -> memref<1x10112x32xf32, #tpu.memory_space<hbm>>
    %dma_start3A_43 = tpu.memref_squeeze %dma_start3A_42 : memref<1x10112x32xf32, #tpu.memory_space<hbm>> -> memref<10112x32xf32, #tpu.memory_space<hbm>>
    %dma_start3A_44 = arith.constant 0 : i32
    %dma_start3A_45 = arith.constant 0 : i32
    %dma_start3A_46 = tpu.memref_slice %dma_start3A_43[%dma_start3A_44, %dma_start3A_45] : memref<10112x32xf32, #tpu.memory_space<hbm>> -> memref<10112x32xf32, #tpu.memory_space<hbm>>
    tpu.enqueue_indirect_dma source(%dma_start3A_46 : memref<10112x32xf32, #tpu.memory_space<hbm>>) target(%arg9 : memref<128x32xf32, #tpu.memory_space<vmem>>) offsets(%dma_start3A_34 : memref<128xi32, #tpu.memory_space<vmem>>) semaphore(%arg13 : memref<!tpu.dma_semaphore, #tpu.memory_space<semaphore_mem>>)
    %dma_start3A_47 = arith.constant 1 : i32
    %dma_start3A_48 = arith.constant 0 : i32
    %dma_start3A_49 = tpu.memref_slice %arg7[%dma_start3A_47, %dma_start3A_48] : memref<160x128xi32, #tpu.memory_space<vmem>> -> memref<1x128xi32, #tpu.memory_space<vmem>>
    %dma_start3A_50 = tpu.memref_squeeze %dma_start3A_49 : memref<1x128xi32, #tpu.memory_space<vmem>> -> memref<128xi32, #tpu.memory_space<vmem>>
    %dma_start3A_51 = arith.constant 0 : i32
    %dma_start3A_52 = arith.constant 0 : i32
    %dma_start3A_53 = arith.constant 0 : i32
    %dma_start3A_54 = tpu.memref_slice %arg2[%arg0, %dma_start3A_51, %dma_start3A_52, %dma_start3A_53] : memref<2x2x10112x32xf32, #tpu.memory_space<hbm>> -> memref<1x2x10112x32xf32, #tpu.memory_space<hbm>>
    %dma_start3A_55 = tpu.memref_squeeze %dma_start3A_54 : memref<1x2x10112x32xf32, #tpu.memory_space<hbm>> -> memref<2x10112x32xf32, #tpu.memory_space<hbm>>
    %dma_start3A_56 = arith.constant 0 : i32
    %dma_start3A_57 = arith.constant 0 : i32
    %dma_start3A_58 = tpu.memref_slice %dma_start3A_55[%select_n3A_8, %dma_start3A_56, %dma_start3A_57] : memref<2x10112x32xf32, #tpu.memory_space<hbm>> -> memref<1x10112x32xf32, #tpu.memory_space<hbm>>
    %dma_start3A_59 = tpu.memref_squeeze %dma_start3A_58 : memref<1x10112x32xf32, #tpu.memory_space<hbm>> -> memref<10112x32xf32, #tpu.memory_space<hbm>>
    %dma_start3A_60 = arith.constant 0 : i32
    %dma_start3A_61 = arith.constant 0 : i32
    %dma_start3A_62 = tpu.memref_slice %dma_start3A_59[%dma_start3A_60, %dma_start3A_61] : memref<10112x32xf32, #tpu.memory_space<hbm>> -> memref<10112x32xf32, #tpu.memory_space<hbm>>
    tpu.enqueue_indirect_dma source(%dma_start3A_62 : memref<10112x32xf32, #tpu.memory_space<hbm>>) target(%arg10 : memref<128x32xf32, #tpu.memory_space<vmem>>) offsets(%dma_start3A_50 : memref<128xi32, #tpu.memory_space<vmem>>) semaphore(%arg14 : memref<!tpu.dma_semaphore, #tpu.memory_space<semaphore_mem>>)
    %dma_start3A_63 = arith.constant 2 : i32
    %dma_start3A_64 = arith.constant 0 : i32
    %dma_start3A_65 = tpu.memref_slice %arg7[%dma_start3A_63, %dma_start3A_64] : memref<160x128xi32, #tpu.memory_space<vmem>> -> memref<1x128xi32, #tpu.memory_space<vmem>>
    %dma_start3A_66 = tpu.memref_squeeze %dma_start3A_65 : memref<1x128xi32, #tpu.memory_space<vmem>> -> memref<128xi32, #tpu.memory_space<vmem>>
    %dma_start3A_67 = arith.constant 0 : i32
    %dma_start3A_68 = arith.constant 0 : i32
    %dma_start3A_69 = arith.constant 0 : i32
    %dma_start3A_70 = tpu.memref_slice %arg2[%arg0, %dma_start3A_67, %dma_start3A_68, %dma_start3A_69] : memref<2x2x10112x32xf32, #tpu.memory_space<hbm>> -> memref<1x2x10112x32xf32, #tpu.memory_space<hbm>>
    %dma_start3A_71 = tpu.memref_squeeze %dma_start3A_70 : memref<1x2x10112x32xf32, #tpu.memory_space<hbm>> -> memref<2x10112x32xf32, #tpu.memory_space<hbm>>
    %dma_start3A_72 = arith.constant 0 : i32
    %dma_start3A_73 = arith.constant 0 : i32
    %dma_start3A_74 = tpu.memref_slice %dma_start3A_71[%select_n3A_8, %dma_start3A_72, %dma_start3A_73] : memref<2x10112x32xf32, #tpu.memory_space<hbm>> -> memref<1x10112x32xf32, #tpu.memory_space<hbm>>
    %dma_start3A_75 = tpu.memref_squeeze %dma_start3A_74 : memref<1x10112x32xf32, #tpu.memory_space<hbm>> -> memref<10112x32xf32, #tpu.memory_space<hbm>>
    %dma_start3A_76 = arith.constant 0 : i32
    %dma_start3A_77 = arith.constant 0 : i32
    %dma_start3A_78 = tpu.memref_slice %dma_start3A_75[%dma_start3A_76, %dma_start3A_77] : memref<10112x32xf32, #tpu.memory_space<hbm>> -> memref<10112x32xf32, #tpu.memory_space<hbm>>
    tpu.enqueue_indirect_dma source(%dma_start3A_78 : memref<10112x32xf32, #tpu.memory_space<hbm>>) target(%arg11 : memref<128x32xf32, #tpu.memory_space<vmem>>) offsets(%dma_start3A_66 : memref<128xi32, #tpu.memory_space<vmem>>) semaphore(%arg15 : memref<!tpu.dma_semaphore, #tpu.memory_space<semaphore_mem>>)
    %dma_start3A_79 = arith.constant 3 : i32
    %dma_start3A_80 = arith.constant 0 : i32
    %dma_start3A_81 = tpu.memref_slice %arg7[%dma_start3A_79, %dma_start3A_80] : memref<160x128xi32, #tpu.memory_space<vmem>> -> memref<1x128xi32, #tpu.memory_space<vmem>>
    %dma_start3A_82 = tpu.memref_squeeze %dma_start3A_81 : memref<1x128xi32, #tpu.memory_space<vmem>> -> memref<128xi32, #tpu.memory_space<vmem>>
    %dma_start3A_83 = arith.constant 0 : i32
    %dma_start3A_84 = arith.constant 0 : i32
    %dma_start3A_85 = arith.constant 0 : i32
    %dma_start3A_86 = tpu.memref_slice %arg2[%arg0, %dma_start3A_83, %dma_start3A_84, %dma_start3A_85] : memref<2x2x10112x32xf32, #tpu.memory_space<hbm>> -> memref<1x2x10112x32xf32, #tpu.memory_space<hbm>>
    %dma_start3A_87 = tpu.memref_squeeze %dma_start3A_86 : memref<1x2x10112x32xf32, #tpu.memory_space<hbm>> -> memref<2x10112x32xf32, #tpu.memory_space<hbm>>
    %dma_start3A_88 = arith.constant 0 : i32
    %dma_start3A_89 = arith.constant 0 : i32
    %dma_start3A_90 = tpu.memref_slice %dma_start3A_87[%select_n3A_8, %dma_start3A_88, %dma_start3A_89] : memref<2x10112x32xf32, #tpu.memory_space<hbm>> -> memref<1x10112x32xf32, #tpu.memory_space<hbm>>
    %dma_start3A_91 = tpu.memref_squeeze %dma_start3A_90 : memref<1x10112x32xf32, #tpu.memory_space<hbm>> -> memref<10112x32xf32, #tpu.memory_space<hbm>>
    %dma_start3A_92 = arith.constant 0 : i32
    %dma_start3A_93 = arith.constant 0 : i32
    %dma_start3A_94 = tpu.memref_slice %dma_start3A_91[%dma_start3A_92, %dma_start3A_93] : memref<10112x32xf32, #tpu.memory_space<hbm>> -> memref<10112x32xf32, #tpu.memory_space<hbm>>
    tpu.enqueue_indirect_dma source(%dma_start3A_94 : memref<10112x32xf32, #tpu.memory_space<hbm>>) target(%arg12 : memref<128x32xf32, #tpu.memory_space<vmem>>) offsets(%dma_start3A_82 : memref<128xi32, #tpu.memory_space<vmem>>) semaphore(%arg16 : memref<!tpu.dma_semaphore, #tpu.memory_space<semaphore_mem>>)
    %dma_wait3A_95 = arith.constant 0 : i32
    %dma_wait3A_96 = tpu.memref_slice %arg21[%mul3A_19, %dma_wait3A_95] : memref<10112x32xf32, #tpu.memory_space<vmem_shared>> -> memref<632x32xf32, #tpu.memory_space<vmem_shared>>
    %dma_wait3A_97 = arith.constant 0 : i32
    %dma_wait3A_98 = tpu.memref_slice %arg5[%mul3A_17, %dma_wait3A_97] : memref<10112x32xf32, #tpu.memory_space<hbm>> -> memref<632x32xf32, #tpu.memory_space<hbm>>
    tpu.wait_dma2 semaphore(%arg24 : memref<!tpu.dma_semaphore, #tpu.memory_space<semaphore_mem>>) src(%dma_wait3A_98 : memref<632x32xf32, #tpu.memory_space<hbm>>) dst(%dma_wait3A_96 : memref<632x32xf32, #tpu.memory_space<vmem_shared>>)
    %barrier3A = arith.constant 0 : index
    tpu.barrier barrier_id(%barrier3A)
    %scan3A = arith.constant 0 : i32
    %scan3A_99 = arith.constant 0 : i32
    %scan3A_100 = arith.constant 40 : i32
    %scan3A_101 = arith.addi %scan3A_99, %scan3A_100 : i32
    %scan3A_102 = arith.constant 1 : i32
    scf.for %scan3A_116 = %scan3A_99 to %scan3A_101 step %scan3A_102  : i32 {
      %mul3A_117 = arith.constant 4 : i32
      %mul3A_118 = arith.muli %mul3A_117, %scan3A_116 : i32
      %add3A_119 = arith.constant 0 : i32
      %add3A_120 = arith.addi %mul3A_118, %add3A_119 : i32
      %sub3A = arith.constant 1 : i32
      %sub3A_121 = arith.subi %add3A_120, %sub3A : i32
      %dma_wait3A_122 = arith.constant 0 : i32
      %dma_wait3A_123 = tpu.memref_slice %arg7[%add3A_120, %dma_wait3A_122] : memref<160x128xi32, #tpu.memory_space<vmem>> -> memref<1x128xi32, #tpu.memory_space<vmem>>
      %dma_wait3A_124 = tpu.memref_squeeze %dma_wait3A_123 : memref<1x128xi32, #tpu.memory_space<vmem>> -> memref<128xi32, #tpu.memory_space<vmem>>
      %dma_wait3A_125 = arith.constant 0 : i32
      %dma_wait3A_126 = arith.constant 0 : i32
      %dma_wait3A_127 = arith.constant 0 : i32
      %dma_wait3A_128 = tpu.memref_slice %arg2[%arg0, %dma_wait3A_125, %dma_wait3A_126, %dma_wait3A_127] : memref<2x2x10112x32xf32, #tpu.memory_space<hbm>> -> memref<1x2x10112x32xf32, #tpu.memory_space<hbm>>
      %dma_wait3A_129 = tpu.memref_squeeze %dma_wait3A_128 : memref<1x2x10112x32xf32, #tpu.memory_space<hbm>> -> memref<2x10112x32xf32, #tpu.memory_space<hbm>>
      %dma_wait3A_130 = arith.constant 0 : i32
      %dma_wait3A_131 = arith.constant 0 : i32
      %dma_wait3A_132 = tpu.memref_slice %dma_wait3A_129[%select_n3A_8, %dma_wait3A_130, %dma_wait3A_131] : memref<2x10112x32xf32, #tpu.memory_space<hbm>> -> memref<1x10112x32xf32, #tpu.memory_space<hbm>>
      %dma_wait3A_133 = tpu.memref_squeeze %dma_wait3A_132 : memref<1x10112x32xf32, #tpu.memory_space<hbm>> -> memref<10112x32xf32, #tpu.memory_space<hbm>>
      %dma_wait3A_134 = arith.constant 0 : i32
      %dma_wait3A_135 = arith.constant 0 : i32
      %dma_wait3A_136 = tpu.memref_slice %dma_wait3A_133[%dma_wait3A_134, %dma_wait3A_135] : memref<10112x32xf32, #tpu.memory_space<hbm>> -> memref<10112x32xf32, #tpu.memory_space<hbm>>
      tpu.wait_indirect_dma semaphore(%arg13 : memref<!tpu.dma_semaphore, #tpu.memory_space<semaphore_mem>>) src(%dma_wait3A_136 : memref<10112x32xf32, #tpu.memory_space<hbm>>) dst(%arg9 : memref<128x32xf32, #tpu.memory_space<vmem>>)
      %dma_start3A_137 = arith.constant 0 : i32
      %dma_start3A_138 = tpu.memref_slice %arg8[%add3A_120, %dma_start3A_137] : memref<160x128xi32, #tpu.memory_space<vmem>> -> memref<1x128xi32, #tpu.memory_space<vmem>>
      %dma_start3A_139 = tpu.memref_squeeze %dma_start3A_138 : memref<1x128xi32, #tpu.memory_space<vmem>> -> memref<128xi32, #tpu.memory_space<vmem>>
      %dma_start3A_140 = arith.constant 0 : i32
      %dma_start3A_141 = arith.constant 0 : i32
      %dma_start3A_142 = tpu.memref_slice %arg21[%dma_start3A_140, %dma_start3A_141] : memref<10112x32xf32, #tpu.memory_space<vmem_shared>> -> memref<10112x32xf32, #tpu.memory_space<vmem_shared>>
      tpu.enqueue_indirect_dma source(%arg9 : memref<128x32xf32, #tpu.memory_space<vmem>>) target(%dma_start3A_142 : memref<10112x32xf32, #tpu.memory_space<vmem_shared>>) offsets(%dma_start3A_139 : memref<128xi32, #tpu.memory_space<vmem>>) semaphore(%arg17 : memref<!tpu.dma_semaphore, #tpu.memory_space<semaphore_mem>>) {add = true}
      %ge3A = arith.constant 0 : i32
      %ge3A_143 = arith.cmpi sge, %sub3A_121, %ge3A : i32
      %convert_element_type3A = arith.extui %ge3A_143 : i1 to i32
      %cond3A = arith.constant 0 : i32
      %cond3A_144 = arith.cmpi ne, %convert_element_type3A, %cond3A : i32
      scf.if %cond3A_144 {
        %dma_wait3A_241 = arith.constant 0 : i32
        %dma_wait3A_242 = tpu.memref_slice %arg8[%sub3A_121, %dma_wait3A_241] : memref<160x128xi32, #tpu.memory_space<vmem>> -> memref<1x128xi32, #tpu.memory_space<vmem>>
        %dma_wait3A_243 = tpu.memref_squeeze %dma_wait3A_242 : memref<1x128xi32, #tpu.memory_space<vmem>> -> memref<128xi32, #tpu.memory_space<vmem>>
        %dma_wait3A_244 = arith.constant 0 : i32
        %dma_wait3A_245 = arith.constant 0 : i32
        %dma_wait3A_246 = tpu.memref_slice %arg21[%dma_wait3A_244, %dma_wait3A_245] : memref<10112x32xf32, #tpu.memory_space<vmem_shared>> -> memref<10112x32xf32, #tpu.memory_space<vmem_shared>>
        tpu.wait_indirect_dma semaphore(%arg20 : memref<!tpu.dma_semaphore, #tpu.memory_space<semaphore_mem>>) src(%arg12 : memref<128x32xf32, #tpu.memory_space<vmem>>) dst(%dma_wait3A_246 : memref<10112x32xf32, #tpu.memory_space<vmem_shared>>)
        %add3A_247 = arith.constant 4 : i32
        %add3A_248 = arith.addi %sub3A_121, %add3A_247 : i32
        %lt3A_249 = arith.constant 160 : i32
        %lt3A_250 = arith.cmpi slt, %add3A_248, %lt3A_249 : i32
        %convert_element_type3A_251 = arith.extui %lt3A_250 : i1 to i32
        %cond3A_252 = arith.constant 0 : i32
        %cond3A_253 = arith.cmpi ne, %convert_element_type3A_251, %cond3A_252 : i32
        scf.if %cond3A_253 {
          %add3A_254 = arith.constant 4 : i32
          %add3A_255 = arith.addi %sub3A_121, %add3A_254 : i32
          %dma_start3A_256 = arith.constant 0 : i32
          %dma_start3A_257 = tpu.memref_slice %arg7[%add3A_255, %dma_start3A_256] : memref<160x128xi32, #tpu.memory_space<vmem>> -> memref<1x128xi32, #tpu.memory_space<vmem>>
          %dma_start3A_258 = tpu.memref_squeeze %dma_start3A_257 : memref<1x128xi32, #tpu.memory_space<vmem>> -> memref<128xi32, #tpu.memory_space<vmem>>
          %dma_start3A_259 = arith.constant 0 : i32
          %dma_start3A_260 = arith.constant 0 : i32
          %dma_start3A_261 = arith.constant 0 : i32
          %dma_start3A_262 = tpu.memref_slice %arg2[%arg0, %dma_start3A_259, %dma_start3A_260, %dma_start3A_261] : memref<2x2x10112x32xf32, #tpu.memory_space<hbm>> -> memref<1x2x10112x32xf32, #tpu.memory_space<hbm>>
          %dma_start3A_263 = tpu.memref_squeeze %dma_start3A_262 : memref<1x2x10112x32xf32, #tpu.memory_space<hbm>> -> memref<2x10112x32xf32, #tpu.memory_space<hbm>>
          %dma_start3A_264 = arith.constant 0 : i32
          %dma_start3A_265 = arith.constant 0 : i32
          %dma_start3A_266 = tpu.memref_slice %dma_start3A_263[%select_n3A_8, %dma_start3A_264, %dma_start3A_265] : memref<2x10112x32xf32, #tpu.memory_space<hbm>> -> memref<1x10112x32xf32, #tpu.memory_space<hbm>>
          %dma_start3A_267 = tpu.memref_squeeze %dma_start3A_266 : memref<1x10112x32xf32, #tpu.memory_space<hbm>> -> memref<10112x32xf32, #tpu.memory_space<hbm>>
          %dma_start3A_268 = arith.constant 0 : i32
          %dma_start3A_269 = arith.constant 0 : i32
          %dma_start3A_270 = tpu.memref_slice %dma_start3A_267[%dma_start3A_268, %dma_start3A_269] : memref<10112x32xf32, #tpu.memory_space<hbm>> -> memref<10112x32xf32, #tpu.memory_space<hbm>>
          tpu.enqueue_indirect_dma source(%dma_start3A_270 : memref<10112x32xf32, #tpu.memory_space<hbm>>) target(%arg12 : memref<128x32xf32, #tpu.memory_space<vmem>>) offsets(%dma_start3A_258 : memref<128xi32, #tpu.memory_space<vmem>>) semaphore(%arg16 : memref<!tpu.dma_semaphore, #tpu.memory_space<semaphore_mem>>)
        } else {
        }
      } else {
      }
      %mul3A_145 = arith.constant 4 : i32
      %mul3A_146 = arith.muli %mul3A_145, %scan3A_116 : i32
      %add3A_147 = arith.constant 1 : i32
      %add3A_148 = arith.addi %mul3A_146, %add3A_147 : i32
      %sub3A_149 = arith.constant 1 : i32
      %sub3A_150 = arith.subi %add3A_148, %sub3A_149 : i32
      %dma_wait3A_151 = arith.constant 0 : i32
      %dma_wait3A_152 = tpu.memref_slice %arg7[%add3A_148, %dma_wait3A_151] : memref<160x128xi32, #tpu.memory_space<vmem>> -> memref<1x128xi32, #tpu.memory_space<vmem>>
      %dma_wait3A_153 = tpu.memref_squeeze %dma_wait3A_152 : memref<1x128xi32, #tpu.memory_space<vmem>> -> memref<128xi32, #tpu.memory_space<vmem>>
      %dma_wait3A_154 = arith.constant 0 : i32
      %dma_wait3A_155 = arith.constant 0 : i32
      %dma_wait3A_156 = arith.constant 0 : i32
      %dma_wait3A_157 = tpu.memref_slice %arg2[%arg0, %dma_wait3A_154, %dma_wait3A_155, %dma_wait3A_156] : memref<2x2x10112x32xf32, #tpu.memory_space<hbm>> -> memref<1x2x10112x32xf32, #tpu.memory_space<hbm>>
      %dma_wait3A_158 = tpu.memref_squeeze %dma_wait3A_157 : memref<1x2x10112x32xf32, #tpu.memory_space<hbm>> -> memref<2x10112x32xf32, #tpu.memory_space<hbm>>
      %dma_wait3A_159 = arith.constant 0 : i32
      %dma_wait3A_160 = arith.constant 0 : i32
      %dma_wait3A_161 = tpu.memref_slice %dma_wait3A_158[%select_n3A_8, %dma_wait3A_159, %dma_wait3A_160] : memref<2x10112x32xf32, #tpu.memory_space<hbm>> -> memref<1x10112x32xf32, #tpu.memory_space<hbm>>
      %dma_wait3A_162 = tpu.memref_squeeze %dma_wait3A_161 : memref<1x10112x32xf32, #tpu.memory_space<hbm>> -> memref<10112x32xf32, #tpu.memory_space<hbm>>
      %dma_wait3A_163 = arith.constant 0 : i32
      %dma_wait3A_164 = arith.constant 0 : i32
      %dma_wait3A_165 = tpu.memref_slice %dma_wait3A_162[%dma_wait3A_163, %dma_wait3A_164] : memref<10112x32xf32, #tpu.memory_space<hbm>> -> memref<10112x32xf32, #tpu.memory_space<hbm>>
      tpu.wait_indirect_dma semaphore(%arg14 : memref<!tpu.dma_semaphore, #tpu.memory_space<semaphore_mem>>) src(%dma_wait3A_165 : memref<10112x32xf32, #tpu.memory_space<hbm>>) dst(%arg10 : memref<128x32xf32, #tpu.memory_space<vmem>>)
      %dma_start3A_166 = arith.constant 0 : i32
      %dma_start3A_167 = tpu.memref_slice %arg8[%add3A_148, %dma_start3A_166] : memref<160x128xi32, #tpu.memory_space<vmem>> -> memref<1x128xi32, #tpu.memory_space<vmem>>
      %dma_start3A_168 = tpu.memref_squeeze %dma_start3A_167 : memref<1x128xi32, #tpu.memory_space<vmem>> -> memref<128xi32, #tpu.memory_space<vmem>>
      %dma_start3A_169 = arith.constant 0 : i32
      %dma_start3A_170 = arith.constant 0 : i32
      %dma_start3A_171 = tpu.memref_slice %arg21[%dma_start3A_169, %dma_start3A_170] : memref<10112x32xf32, #tpu.memory_space<vmem_shared>> -> memref<10112x32xf32, #tpu.memory_space<vmem_shared>>
      tpu.enqueue_indirect_dma source(%arg10 : memref<128x32xf32, #tpu.memory_space<vmem>>) target(%dma_start3A_171 : memref<10112x32xf32, #tpu.memory_space<vmem_shared>>) offsets(%dma_start3A_168 : memref<128xi32, #tpu.memory_space<vmem>>) semaphore(%arg18 : memref<!tpu.dma_semaphore, #tpu.memory_space<semaphore_mem>>) {add = true}
      %ge3A_172 = arith.constant 0 : i32
      %ge3A_173 = arith.cmpi sge, %sub3A_150, %ge3A_172 : i32
      %convert_element_type3A_174 = arith.extui %ge3A_173 : i1 to i32
      %cond3A_175 = arith.constant 0 : i32
      %cond3A_176 = arith.cmpi ne, %convert_element_type3A_174, %cond3A_175 : i32
      scf.if %cond3A_176 {
        %dma_wait3A_241 = arith.constant 0 : i32
        %dma_wait3A_242 = tpu.memref_slice %arg8[%sub3A_150, %dma_wait3A_241] : memref<160x128xi32, #tpu.memory_space<vmem>> -> memref<1x128xi32, #tpu.memory_space<vmem>>
        %dma_wait3A_243 = tpu.memref_squeeze %dma_wait3A_242 : memref<1x128xi32, #tpu.memory_space<vmem>> -> memref<128xi32, #tpu.memory_space<vmem>>
        %dma_wait3A_244 = arith.constant 0 : i32
        %dma_wait3A_245 = arith.constant 0 : i32
        %dma_wait3A_246 = tpu.memref_slice %arg21[%dma_wait3A_244, %dma_wait3A_245] : memref<10112x32xf32, #tpu.memory_space<vmem_shared>> -> memref<10112x32xf32, #tpu.memory_space<vmem_shared>>
        tpu.wait_indirect_dma semaphore(%arg17 : memref<!tpu.dma_semaphore, #tpu.memory_space<semaphore_mem>>) src(%arg9 : memref<128x32xf32, #tpu.memory_space<vmem>>) dst(%dma_wait3A_246 : memref<10112x32xf32, #tpu.memory_space<vmem_shared>>)
        %add3A_247 = arith.constant 4 : i32
        %add3A_248 = arith.addi %sub3A_150, %add3A_247 : i32
        %lt3A_249 = arith.constant 160 : i32
        %lt3A_250 = arith.cmpi slt, %add3A_248, %lt3A_249 : i32
        %convert_element_type3A_251 = arith.extui %lt3A_250 : i1 to i32
        %cond3A_252 = arith.constant 0 : i32
        %cond3A_253 = arith.cmpi ne, %convert_element_type3A_251, %cond3A_252 : i32
        scf.if %cond3A_253 {
          %add3A_254 = arith.constant 4 : i32
          %add3A_255 = arith.addi %sub3A_150, %add3A_254 : i32
          %dma_start3A_256 = arith.constant 0 : i32
          %dma_start3A_257 = tpu.memref_slice %arg7[%add3A_255, %dma_start3A_256] : memref<160x128xi32, #tpu.memory_space<vmem>> -> memref<1x128xi32, #tpu.memory_space<vmem>>
          %dma_start3A_258 = tpu.memref_squeeze %dma_start3A_257 : memref<1x128xi32, #tpu.memory_space<vmem>> -> memref<128xi32, #tpu.memory_space<vmem>>
          %dma_start3A_259 = arith.constant 0 : i32
          %dma_start3A_260 = arith.constant 0 : i32
          %dma_start3A_261 = arith.constant 0 : i32
          %dma_start3A_262 = tpu.memref_slice %arg2[%arg0, %dma_start3A_259, %dma_start3A_260, %dma_start3A_261] : memref<2x2x10112x32xf32, #tpu.memory_space<hbm>> -> memref<1x2x10112x32xf32, #tpu.memory_space<hbm>>
          %dma_start3A_263 = tpu.memref_squeeze %dma_start3A_262 : memref<1x2x10112x32xf32, #tpu.memory_space<hbm>> -> memref<2x10112x32xf32, #tpu.memory_space<hbm>>
          %dma_start3A_264 = arith.constant 0 : i32
          %dma_start3A_265 = arith.constant 0 : i32
          %dma_start3A_266 = tpu.memref_slice %dma_start3A_263[%select_n3A_8, %dma_start3A_264, %dma_start3A_265] : memref<2x10112x32xf32, #tpu.memory_space<hbm>> -> memref<1x10112x32xf32, #tpu.memory_space<hbm>>
          %dma_start3A_267 = tpu.memref_squeeze %dma_start3A_266 : memref<1x10112x32xf32, #tpu.memory_space<hbm>> -> memref<10112x32xf32, #tpu.memory_space<hbm>>
          %dma_start3A_268 = arith.constant 0 : i32
          %dma_start3A_269 = arith.constant 0 : i32
          %dma_start3A_270 = tpu.memref_slice %dma_start3A_267[%dma_start3A_268, %dma_start3A_269] : memref<10112x32xf32, #tpu.memory_space<hbm>> -> memref<10112x32xf32, #tpu.memory_space<hbm>>
          tpu.enqueue_indirect_dma source(%dma_start3A_270 : memref<10112x32xf32, #tpu.memory_space<hbm>>) target(%arg9 : memref<128x32xf32, #tpu.memory_space<vmem>>) offsets(%dma_start3A_258 : memref<128xi32, #tpu.memory_space<vmem>>) semaphore(%arg13 : memref<!tpu.dma_semaphore, #tpu.memory_space<semaphore_mem>>)
        } else {
        }
      } else {
      }
      %mul3A_177 = arith.constant 4 : i32
      %mul3A_178 = arith.muli %mul3A_177, %scan3A_116 : i32
      %add3A_179 = arith.constant 2 : i32
      %add3A_180 = arith.addi %mul3A_178, %add3A_179 : i32
      %sub3A_181 = arith.constant 1 : i32
      %sub3A_182 = arith.subi %add3A_180, %sub3A_181 : i32
      %dma_wait3A_183 = arith.constant 0 : i32
      %dma_wait3A_184 = tpu.memref_slice %arg7[%add3A_180, %dma_wait3A_183] : memref<160x128xi32, #tpu.memory_space<vmem>> -> memref<1x128xi32, #tpu.memory_space<vmem>>
      %dma_wait3A_185 = tpu.memref_squeeze %dma_wait3A_184 : memref<1x128xi32, #tpu.memory_space<vmem>> -> memref<128xi32, #tpu.memory_space<vmem>>
      %dma_wait3A_186 = arith.constant 0 : i32
      %dma_wait3A_187 = arith.constant 0 : i32
      %dma_wait3A_188 = arith.constant 0 : i32
      %dma_wait3A_189 = tpu.memref_slice %arg2[%arg0, %dma_wait3A_186, %dma_wait3A_187, %dma_wait3A_188] : memref<2x2x10112x32xf32, #tpu.memory_space<hbm>> -> memref<1x2x10112x32xf32, #tpu.memory_space<hbm>>
      %dma_wait3A_190 = tpu.memref_squeeze %dma_wait3A_189 : memref<1x2x10112x32xf32, #tpu.memory_space<hbm>> -> memref<2x10112x32xf32, #tpu.memory_space<hbm>>
      %dma_wait3A_191 = arith.constant 0 : i32
      %dma_wait3A_192 = arith.constant 0 : i32
      %dma_wait3A_193 = tpu.memref_slice %dma_wait3A_190[%select_n3A_8, %dma_wait3A_191, %dma_wait3A_192] : memref<2x10112x32xf32, #tpu.memory_space<hbm>> -> memref<1x10112x32xf32, #tpu.memory_space<hbm>>
      %dma_wait3A_194 = tpu.memref_squeeze %dma_wait3A_193 : memref<1x10112x32xf32, #tpu.memory_space<hbm>> -> memref<10112x32xf32, #tpu.memory_space<hbm>>
      %dma_wait3A_195 = arith.constant 0 : i32
      %dma_wait3A_196 = arith.constant 0 : i32
      %dma_wait3A_197 = tpu.memref_slice %dma_wait3A_194[%dma_wait3A_195, %dma_wait3A_196] : memref<10112x32xf32, #tpu.memory_space<hbm>> -> memref<10112x32xf32, #tpu.memory_space<hbm>>
      tpu.wait_indirect_dma semaphore(%arg15 : memref<!tpu.dma_semaphore, #tpu.memory_space<semaphore_mem>>) src(%dma_wait3A_197 : memref<10112x32xf32, #tpu.memory_space<hbm>>) dst(%arg11 : memref<128x32xf32, #tpu.memory_space<vmem>>)
      %dma_start3A_198 = arith.constant 0 : i32
      %dma_start3A_199 = tpu.memref_slice %arg8[%add3A_180, %dma_start3A_198] : memref<160x128xi32, #tpu.memory_space<vmem>> -> memref<1x128xi32, #tpu.memory_space<vmem>>
      %dma_start3A_200 = tpu.memref_squeeze %dma_start3A_199 : memref<1x128xi32, #tpu.memory_space<vmem>> -> memref<128xi32, #tpu.memory_space<vmem>>
      %dma_start3A_201 = arith.constant 0 : i32
      %dma_start3A_202 = arith.constant 0 : i32
      %dma_start3A_203 = tpu.memref_slice %arg21[%dma_start3A_201, %dma_start3A_202] : memref<10112x32xf32, #tpu.memory_space<vmem_shared>> -> memref<10112x32xf32, #tpu.memory_space<vmem_shared>>
      tpu.enqueue_indirect_dma source(%arg11 : memref<128x32xf32, #tpu.memory_space<vmem>>) target(%dma_start3A_203 : memref<10112x32xf32, #tpu.memory_space<vmem_shared>>) offsets(%dma_start3A_200 : memref<128xi32, #tpu.memory_space<vmem>>) semaphore(%arg19 : memref<!tpu.dma_semaphore, #tpu.memory_space<semaphore_mem>>) {add = true}
      %ge3A_204 = arith.constant 0 : i32
      %ge3A_205 = arith.cmpi sge, %sub3A_182, %ge3A_204 : i32
      %convert_element_type3A_206 = arith.extui %ge3A_205 : i1 to i32
      %cond3A_207 = arith.constant 0 : i32
      %cond3A_208 = arith.cmpi ne, %convert_element_type3A_206, %cond3A_207 : i32
      scf.if %cond3A_208 {
        %dma_wait3A_241 = arith.constant 0 : i32
        %dma_wait3A_242 = tpu.memref_slice %arg8[%sub3A_182, %dma_wait3A_241] : memref<160x128xi32, #tpu.memory_space<vmem>> -> memref<1x128xi32, #tpu.memory_space<vmem>>
        %dma_wait3A_243 = tpu.memref_squeeze %dma_wait3A_242 : memref<1x128xi32, #tpu.memory_space<vmem>> -> memref<128xi32, #tpu.memory_space<vmem>>
        %dma_wait3A_244 = arith.constant 0 : i32
        %dma_wait3A_245 = arith.constant 0 : i32
        %dma_wait3A_246 = tpu.memref_slice %arg21[%dma_wait3A_244, %dma_wait3A_245] : memref<10112x32xf32, #tpu.memory_space<vmem_shared>> -> memref<10112x32xf32, #tpu.memory_space<vmem_shared>>
        tpu.wait_indirect_dma semaphore(%arg18 : memref<!tpu.dma_semaphore, #tpu.memory_space<semaphore_mem>>) src(%arg10 : memref<128x32xf32, #tpu.memory_space<vmem>>) dst(%dma_wait3A_246 : memref<10112x32xf32, #tpu.memory_space<vmem_shared>>)
        %add3A_247 = arith.constant 4 : i32
        %add3A_248 = arith.addi %sub3A_182, %add3A_247 : i32
        %lt3A_249 = arith.constant 160 : i32
        %lt3A_250 = arith.cmpi slt, %add3A_248, %lt3A_249 : i32
        %convert_element_type3A_251 = arith.extui %lt3A_250 : i1 to i32
        %cond3A_252 = arith.constant 0 : i32
        %cond3A_253 = arith.cmpi ne, %convert_element_type3A_251, %cond3A_252 : i32
        scf.if %cond3A_253 {
          %add3A_254 = arith.constant 4 : i32
          %add3A_255 = arith.addi %sub3A_182, %add3A_254 : i32
          %dma_start3A_256 = arith.constant 0 : i32
          %dma_start3A_257 = tpu.memref_slice %arg7[%add3A_255, %dma_start3A_256] : memref<160x128xi32, #tpu.memory_space<vmem>> -> memref<1x128xi32, #tpu.memory_space<vmem>>
          %dma_start3A_258 = tpu.memref_squeeze %dma_start3A_257 : memref<1x128xi32, #tpu.memory_space<vmem>> -> memref<128xi32, #tpu.memory_space<vmem>>
          %dma_start3A_259 = arith.constant 0 : i32
          %dma_start3A_260 = arith.constant 0 : i32
          %dma_start3A_261 = arith.constant 0 : i32
          %dma_start3A_262 = tpu.memref_slice %arg2[%arg0, %dma_start3A_259, %dma_start3A_260, %dma_start3A_261] : memref<2x2x10112x32xf32, #tpu.memory_space<hbm>> -> memref<1x2x10112x32xf32, #tpu.memory_space<hbm>>
          %dma_start3A_263 = tpu.memref_squeeze %dma_start3A_262 : memref<1x2x10112x32xf32, #tpu.memory_space<hbm>> -> memref<2x10112x32xf32, #tpu.memory_space<hbm>>
          %dma_start3A_264 = arith.constant 0 : i32
          %dma_start3A_265 = arith.constant 0 : i32
          %dma_start3A_266 = tpu.memref_slice %dma_start3A_263[%select_n3A_8, %dma_start3A_264, %dma_start3A_265] : memref<2x10112x32xf32, #tpu.memory_space<hbm>> -> memref<1x10112x32xf32, #tpu.memory_space<hbm>>
          %dma_start3A_267 = tpu.memref_squeeze %dma_start3A_266 : memref<1x10112x32xf32, #tpu.memory_space<hbm>> -> memref<10112x32xf32, #tpu.memory_space<hbm>>
          %dma_start3A_268 = arith.constant 0 : i32
          %dma_start3A_269 = arith.constant 0 : i32
          %dma_start3A_270 = tpu.memref_slice %dma_start3A_267[%dma_start3A_268, %dma_start3A_269] : memref<10112x32xf32, #tpu.memory_space<hbm>> -> memref<10112x32xf32, #tpu.memory_space<hbm>>
          tpu.enqueue_indirect_dma source(%dma_start3A_270 : memref<10112x32xf32, #tpu.memory_space<hbm>>) target(%arg10 : memref<128x32xf32, #tpu.memory_space<vmem>>) offsets(%dma_start3A_258 : memref<128xi32, #tpu.memory_space<vmem>>) semaphore(%arg14 : memref<!tpu.dma_semaphore, #tpu.memory_space<semaphore_mem>>)
        } else {
        }
      } else {
      }
      %mul3A_209 = arith.constant 4 : i32
      %mul3A_210 = arith.muli %mul3A_209, %scan3A_116 : i32
      %add3A_211 = arith.constant 3 : i32
      %add3A_212 = arith.addi %mul3A_210, %add3A_211 : i32
      %sub3A_213 = arith.constant 1 : i32
      %sub3A_214 = arith.subi %add3A_212, %sub3A_213 : i32
      %dma_wait3A_215 = arith.constant 0 : i32
      %dma_wait3A_216 = tpu.memref_slice %arg7[%add3A_212, %dma_wait3A_215] : memref<160x128xi32, #tpu.memory_space<vmem>> -> memref<1x128xi32, #tpu.memory_space<vmem>>
      %dma_wait3A_217 = tpu.memref_squeeze %dma_wait3A_216 : memref<1x128xi32, #tpu.memory_space<vmem>> -> memref<128xi32, #tpu.memory_space<vmem>>
      %dma_wait3A_218 = arith.constant 0 : i32
      %dma_wait3A_219 = arith.constant 0 : i32
      %dma_wait3A_220 = arith.constant 0 : i32
      %dma_wait3A_221 = tpu.memref_slice %arg2[%arg0, %dma_wait3A_218, %dma_wait3A_219, %dma_wait3A_220] : memref<2x2x10112x32xf32, #tpu.memory_space<hbm>> -> memref<1x2x10112x32xf32, #tpu.memory_space<hbm>>
      %dma_wait3A_222 = tpu.memref_squeeze %dma_wait3A_221 : memref<1x2x10112x32xf32, #tpu.memory_space<hbm>> -> memref<2x10112x32xf32, #tpu.memory_space<hbm>>
      %dma_wait3A_223 = arith.constant 0 : i32
      %dma_wait3A_224 = arith.constant 0 : i32
      %dma_wait3A_225 = tpu.memref_slice %dma_wait3A_222[%select_n3A_8, %dma_wait3A_223, %dma_wait3A_224] : memref<2x10112x32xf32, #tpu.memory_space<hbm>> -> memref<1x10112x32xf32, #tpu.memory_space<hbm>>
      %dma_wait3A_226 = tpu.memref_squeeze %dma_wait3A_225 : memref<1x10112x32xf32, #tpu.memory_space<hbm>> -> memref<10112x32xf32, #tpu.memory_space<hbm>>
      %dma_wait3A_227 = arith.constant 0 : i32
      %dma_wait3A_228 = arith.constant 0 : i32
      %dma_wait3A_229 = tpu.memref_slice %dma_wait3A_226[%dma_wait3A_227, %dma_wait3A_228] : memref<10112x32xf32, #tpu.memory_space<hbm>> -> memref<10112x32xf32, #tpu.memory_space<hbm>>
      tpu.wait_indirect_dma semaphore(%arg16 : memref<!tpu.dma_semaphore, #tpu.memory_space<semaphore_mem>>) src(%dma_wait3A_229 : memref<10112x32xf32, #tpu.memory_space<hbm>>) dst(%arg12 : memref<128x32xf32, #tpu.memory_space<vmem>>)
      %dma_start3A_230 = arith.constant 0 : i32
      %dma_start3A_231 = tpu.memref_slice %arg8[%add3A_212, %dma_start3A_230] : memref<160x128xi32, #tpu.memory_space<vmem>> -> memref<1x128xi32, #tpu.memory_space<vmem>>
      %dma_start3A_232 = tpu.memref_squeeze %dma_start3A_231 : memref<1x128xi32, #tpu.memory_space<vmem>> -> memref<128xi32, #tpu.memory_space<vmem>>
      %dma_start3A_233 = arith.constant 0 : i32
      %dma_start3A_234 = arith.constant 0 : i32
      %dma_start3A_235 = tpu.memref_slice %arg21[%dma_start3A_233, %dma_start3A_234] : memref<10112x32xf32, #tpu.memory_space<vmem_shared>> -> memref<10112x32xf32, #tpu.memory_space<vmem_shared>>
      tpu.enqueue_indirect_dma source(%arg12 : memref<128x32xf32, #tpu.memory_space<vmem>>) target(%dma_start3A_235 : memref<10112x32xf32, #tpu.memory_space<vmem_shared>>) offsets(%dma_start3A_232 : memref<128xi32, #tpu.memory_space<vmem>>) semaphore(%arg20 : memref<!tpu.dma_semaphore, #tpu.memory_space<semaphore_mem>>) {add = true}
      %ge3A_236 = arith.constant 0 : i32
      %ge3A_237 = arith.cmpi sge, %sub3A_214, %ge3A_236 : i32
      %convert_element_type3A_238 = arith.extui %ge3A_237 : i1 to i32
      %cond3A_239 = arith.constant 0 : i32
      %cond3A_240 = arith.cmpi ne, %convert_element_type3A_238, %cond3A_239 : i32
      scf.if %cond3A_240 {
        %dma_wait3A_241 = arith.constant 0 : i32
        %dma_wait3A_242 = tpu.memref_slice %arg8[%sub3A_214, %dma_wait3A_241] : memref<160x128xi32, #tpu.memory_space<vmem>> -> memref<1x128xi32, #tpu.memory_space<vmem>>
        %dma_wait3A_243 = tpu.memref_squeeze %dma_wait3A_242 : memref<1x128xi32, #tpu.memory_space<vmem>> -> memref<128xi32, #tpu.memory_space<vmem>>
        %dma_wait3A_244 = arith.constant 0 : i32
        %dma_wait3A_245 = arith.constant 0 : i32
        %dma_wait3A_246 = tpu.memref_slice %arg21[%dma_wait3A_244, %dma_wait3A_245] : memref<10112x32xf32, #tpu.memory_space<vmem_shared>> -> memref<10112x32xf32, #tpu.memory_space<vmem_shared>>
        tpu.wait_indirect_dma semaphore(%arg19 : memref<!tpu.dma_semaphore, #tpu.memory_space<semaphore_mem>>) src(%arg11 : memref<128x32xf32, #tpu.memory_space<vmem>>) dst(%dma_wait3A_246 : memref<10112x32xf32, #tpu.memory_space<vmem_shared>>)
        %add3A_247 = arith.constant 4 : i32
        %add3A_248 = arith.addi %sub3A_214, %add3A_247 : i32
        %lt3A_249 = arith.constant 160 : i32
        %lt3A_250 = arith.cmpi slt, %add3A_248, %lt3A_249 : i32
        %convert_element_type3A_251 = arith.extui %lt3A_250 : i1 to i32
        %cond3A_252 = arith.constant 0 : i32
        %cond3A_253 = arith.cmpi ne, %convert_element_type3A_251, %cond3A_252 : i32
        scf.if %cond3A_253 {
          %add3A_254 = arith.constant 4 : i32
          %add3A_255 = arith.addi %sub3A_214, %add3A_254 : i32
          %dma_start3A_256 = arith.constant 0 : i32
          %dma_start3A_257 = tpu.memref_slice %arg7[%add3A_255, %dma_start3A_256] : memref<160x128xi32, #tpu.memory_space<vmem>> -> memref<1x128xi32, #tpu.memory_space<vmem>>
          %dma_start3A_258 = tpu.memref_squeeze %dma_start3A_257 : memref<1x128xi32, #tpu.memory_space<vmem>> -> memref<128xi32, #tpu.memory_space<vmem>>
          %dma_start3A_259 = arith.constant 0 : i32
          %dma_start3A_260 = arith.constant 0 : i32
          %dma_start3A_261 = arith.constant 0 : i32
          %dma_start3A_262 = tpu.memref_slice %arg2[%arg0, %dma_start3A_259, %dma_start3A_260, %dma_start3A_261] : memref<2x2x10112x32xf32, #tpu.memory_space<hbm>> -> memref<1x2x10112x32xf32, #tpu.memory_space<hbm>>
          %dma_start3A_263 = tpu.memref_squeeze %dma_start3A_262 : memref<1x2x10112x32xf32, #tpu.memory_space<hbm>> -> memref<2x10112x32xf32, #tpu.memory_space<hbm>>
          %dma_start3A_264 = arith.constant 0 : i32
          %dma_start3A_265 = arith.constant 0 : i32
          %dma_start3A_266 = tpu.memref_slice %dma_start3A_263[%select_n3A_8, %dma_start3A_264, %dma_start3A_265] : memref<2x10112x32xf32, #tpu.memory_space<hbm>> -> memref<1x10112x32xf32, #tpu.memory_space<hbm>>
          %dma_start3A_267 = tpu.memref_squeeze %dma_start3A_266 : memref<1x10112x32xf32, #tpu.memory_space<hbm>> -> memref<10112x32xf32, #tpu.memory_space<hbm>>
          %dma_start3A_268 = arith.constant 0 : i32
          %dma_start3A_269 = arith.constant 0 : i32
          %dma_start3A_270 = tpu.memref_slice %dma_start3A_267[%dma_start3A_268, %dma_start3A_269] : memref<10112x32xf32, #tpu.memory_space<hbm>> -> memref<10112x32xf32, #tpu.memory_space<hbm>>
          tpu.enqueue_indirect_dma source(%dma_start3A_270 : memref<10112x32xf32, #tpu.memory_space<hbm>>) target(%arg11 : memref<128x32xf32, #tpu.memory_space<vmem>>) offsets(%dma_start3A_258 : memref<128xi32, #tpu.memory_space<vmem>>) semaphore(%arg15 : memref<!tpu.dma_semaphore, #tpu.memory_space<semaphore_mem>>)
        } else {
        }
      } else {
      }
    }
    %scan3A_103 = arith.constant 40 : i32
    %dma_wait3A_104 = arith.constant 159 : i32
    %dma_wait3A_105 = arith.constant 0 : i32
    %dma_wait3A_106 = tpu.memref_slice %arg8[%dma_wait3A_104, %dma_wait3A_105] : memref<160x128xi32, #tpu.memory_space<vmem>> -> memref<1x128xi32, #tpu.memory_space<vmem>>
    %dma_wait3A_107 = tpu.memref_squeeze %dma_wait3A_106 : memref<1x128xi32, #tpu.memory_space<vmem>> -> memref<128xi32, #tpu.memory_space<vmem>>
    %dma_wait3A_108 = arith.constant 0 : i32
    %dma_wait3A_109 = arith.constant 0 : i32
    %dma_wait3A_110 = tpu.memref_slice %arg21[%dma_wait3A_108, %dma_wait3A_109] : memref<10112x32xf32, #tpu.memory_space<vmem_shared>> -> memref<10112x32xf32, #tpu.memory_space<vmem_shared>>
    tpu.wait_indirect_dma semaphore(%arg20 : memref<!tpu.dma_semaphore, #tpu.memory_space<semaphore_mem>>) src(%arg12 : memref<128x32xf32, #tpu.memory_space<vmem>>) dst(%dma_wait3A_110 : memref<10112x32xf32, #tpu.memory_space<vmem_shared>>)
    %barrier3A_111 = arith.constant 0 : index
    tpu.barrier barrier_id(%barrier3A_111)
    %mul3A_112 = arith.constant 632 : i32
    %mul3A_113 = arith.muli %arg1, %mul3A_112 : i32
    %mul3A_114 = arith.constant 632 : i32
    %mul3A_115 = arith.muli %arg1, %mul3A_114 : i32
    "tpu.region"() ({
      %run_scoped3A = tpu.sem_alloc : memref<!tpu.dma_semaphore, #tpu.memory_space<semaphore_mem>>
      %dma_start3A_116 = arith.constant 0 : i32
      %dma_start3A_117 = tpu.memref_slice %arg6[%arg0, %mul3A_115, %dma_start3A_116] : memref<2x10112x32xf32, #tpu.memory_space<hbm>> -> memref<1x632x32xf32, #tpu.memory_space<hbm>>
      %dma_start3A_118 = tpu.memref_squeeze %dma_start3A_117 : memref<1x632x32xf32, #tpu.memory_space<hbm>> -> memref<632x32xf32, #tpu.memory_space<hbm>>
      %dma_start3A_119 = arith.constant 0 : i32
      %dma_start3A_120 = tpu.memref_slice %arg21[%mul3A_113, %dma_start3A_119] : memref<10112x32xf32, #tpu.memory_space<vmem_shared>> -> memref<632x32xf32, #tpu.memory_space<vmem_shared>>
      tpu.enqueue_dma source(%dma_start3A_120 : memref<632x32xf32, #tpu.memory_space<vmem_shared>>) target(%dma_start3A_118 : memref<632x32xf32, #tpu.memory_space<hbm>>) target_semaphore(%run_scoped3A : memref<!tpu.dma_semaphore, #tpu.memory_space<semaphore_mem>>)
      %dma_wait3A_121 = arith.constant 0 : i32
      %dma_wait3A_122 = tpu.memref_slice %arg6[%arg0, %mul3A_115, %dma_wait3A_121] : memref<2x10112x32xf32, #tpu.memory_space<hbm>> -> memref<1x632x32xf32, #tpu.memory_space<hbm>>
      %dma_wait3A_123 = tpu.memref_squeeze %dma_wait3A_122 : memref<1x632x32xf32, #tpu.memory_space<hbm>> -> memref<632x32xf32, #tpu.memory_space<hbm>>
      %dma_wait3A_124 = arith.constant 0 : i32
      %dma_wait3A_125 = tpu.memref_slice %arg21[%mul3A_113, %dma_wait3A_124] : memref<10112x32xf32, #tpu.memory_space<vmem_shared>> -> memref<632x32xf32, #tpu.memory_space<vmem_shared>>
      tpu.wait_dma2 semaphore(%run_scoped3A : memref<!tpu.dma_semaphore, #tpu.memory_space<semaphore_mem>>) src(%dma_wait3A_125 : memref<632x32xf32, #tpu.memory_space<vmem_shared>>) dst(%dma_wait3A_123 : memref<632x32xf32, #tpu.memory_space<hbm>>)
      tpu.yield
    }) : () -> ()
    return
  }
}

#map = affine_map<(d0, d1) -> (0, 0, 0, 0)>
#map1 = affine_map<(d0, d1) -> (0, 0)>
#map2 = affine_map<(d0, d1) -> (0, 0, 0)>
module attributes {stable_mosaic.version = 14 : i64} {
  func.func @agg(%arg0: i32, %arg1: i32, %arg2: memref<2x2x10112x64xf32, #tpu.memory_space<hbm>>, %arg3: memref<2560x128xi32, #tpu.memory_space<hbm>>, %arg4: memref<2560x128xi32, #tpu.memory_space<hbm>>, %arg5: memref<10112x64xf32, #tpu.memory_space<hbm>>, %arg6: memref<2x10112x64xf32, #tpu.memory_space<hbm>>, %arg7: memref<160x128xi32, #tpu.memory_space<vmem>>, %arg8: memref<160x128xi32, #tpu.memory_space<vmem>>, %arg9: memref<128x64xf32, #tpu.memory_space<vmem>>, %arg10: memref<128x64xf32, #tpu.memory_space<vmem>>, %arg11: memref<128x64xf32, #tpu.memory_space<vmem>>, %arg12: memref<128x64xf32, #tpu.memory_space<vmem>>, %arg13: memref<!tpu.dma_semaphore, #tpu.memory_space<semaphore_mem>>, %arg14: memref<!tpu.dma_semaphore, #tpu.memory_space<semaphore_mem>>, %arg15: memref<!tpu.dma_semaphore, #tpu.memory_space<semaphore_mem>>, %arg16: memref<!tpu.dma_semaphore, #tpu.memory_space<semaphore_mem>>, %arg17: memref<!tpu.dma_semaphore, #tpu.memory_space<semaphore_mem>>, %arg18: memref<!tpu.dma_semaphore, #tpu.memory_space<semaphore_mem>>, %arg19: memref<!tpu.dma_semaphore, #tpu.memory_space<semaphore_mem>>, %arg20: memref<!tpu.dma_semaphore, #tpu.memory_space<semaphore_mem>>, %arg21: memref<10112x64xf32, #tpu.memory_space<vmem_shared>>, %arg22: memref<!tpu.dma_semaphore, #tpu.memory_space<semaphore_mem>>, %arg23: memref<!tpu.dma_semaphore, #tpu.memory_space<semaphore_mem>>, %arg24: memref<!tpu.dma_semaphore, #tpu.memory_space<semaphore_mem>>) attributes {dimension_semantics = [#tpu.dimension_semantics<core_parallel>, #tpu.dimension_semantics<subcore_parallel>], iteration_bounds = array<i64: 2, 16>, scalar_prefetch = 0 : i64, scratch_operands = 18 : i64, tpu.core_type = #tpu.core_type<sc_vector_subcore>, window_params = [{transform_indices = #map}, {transform_indices = #map1}, {transform_indices = #map1}, {transform_indices = #map1}, {transform_indices = #map2}]} {
    %mul3A = arith.constant 160 : i32
    %mul3A_0 = arith.muli %arg1, %mul3A : i32
    %jit3A = arith.constant 2 : i32
    %eq3A = arith.constant 0 : i32
    %eq3A_1 = arith.cmpi eq, %jit3A, %eq3A : i32
    %jit3A_2 = arith.constant 1 : i32
    %select_n3A = arith.select %eq3A_1, %jit3A_2, %jit3A : i32
    %rem3A = arith.remsi %arg1, %select_n3A : i32
    %ne3A = arith.constant 0 : i32
    %ne3A_3 = arith.cmpi ne, %rem3A, %ne3A : i32
    %lt3A = arith.constant 0 : i32
    %lt3A_4 = arith.cmpi slt, %rem3A, %lt3A : i32
    %lt3A_5 = arith.constant 0 : i32
    %lt3A_6 = arith.cmpi slt, %select_n3A, %lt3A_5 : i32
    %ne3A_7 = arith.xori %lt3A_4, %lt3A_6 : i1
    %and3A = arith.andi %ne3A_7, %ne3A_3 : i1
    %add3A = arith.addi %rem3A, %select_n3A : i32
    %select_n3A_8 = arith.select %and3A, %add3A, %rem3A : i32
    %dma_start3A = arith.constant 0 : i32
    %dma_start3A_9 = tpu.memref_slice %arg3[%mul3A_0, %dma_start3A] : memref<2560x128xi32, #tpu.memory_space<hbm>> -> memref<160x128xi32, #tpu.memory_space<hbm>>
    %dma_start3A_10 = arith.constant 0 : i32
    %dma_start3A_11 = tpu.memref_slice %arg3[%mul3A_0, %dma_start3A_10] : memref<2560x128xi32, #tpu.memory_space<hbm>> -> memref<160x128xi32, #tpu.memory_space<hbm>>
    tpu.enqueue_dma source(%dma_start3A_11 : memref<160x128xi32, #tpu.memory_space<hbm>>) target(%arg7 : memref<160x128xi32, #tpu.memory_space<vmem>>) target_semaphore(%arg22 : memref<!tpu.dma_semaphore, #tpu.memory_space<semaphore_mem>>)
    %dma_start3A_12 = arith.constant 0 : i32
    %dma_start3A_13 = tpu.memref_slice %arg4[%mul3A_0, %dma_start3A_12] : memref<2560x128xi32, #tpu.memory_space<hbm>> -> memref<160x128xi32, #tpu.memory_space<hbm>>
    %dma_start3A_14 = arith.constant 0 : i32
    %dma_start3A_15 = tpu.memref_slice %arg4[%mul3A_0, %dma_start3A_14] : memref<2560x128xi32, #tpu.memory_space<hbm>> -> memref<160x128xi32, #tpu.memory_space<hbm>>
    tpu.enqueue_dma source(%dma_start3A_15 : memref<160x128xi32, #tpu.memory_space<hbm>>) target(%arg8 : memref<160x128xi32, #tpu.memory_space<vmem>>) target_semaphore(%arg23 : memref<!tpu.dma_semaphore, #tpu.memory_space<semaphore_mem>>)
    %mul3A_16 = arith.constant 632 : i32
    %mul3A_17 = arith.muli %arg1, %mul3A_16 : i32
    %mul3A_18 = arith.constant 632 : i32
    %mul3A_19 = arith.muli %arg1, %mul3A_18 : i32
    %dma_start3A_20 = arith.constant 0 : i32
    %dma_start3A_21 = tpu.memref_slice %arg21[%mul3A_19, %dma_start3A_20] : memref<10112x64xf32, #tpu.memory_space<vmem_shared>> -> memref<632x64xf32, #tpu.memory_space<vmem_shared>>
    %dma_start3A_22 = arith.constant 0 : i32
    %dma_start3A_23 = tpu.memref_slice %arg5[%mul3A_17, %dma_start3A_22] : memref<10112x64xf32, #tpu.memory_space<hbm>> -> memref<632x64xf32, #tpu.memory_space<hbm>>
    tpu.enqueue_dma source(%dma_start3A_23 : memref<632x64xf32, #tpu.memory_space<hbm>>) target(%dma_start3A_21 : memref<632x64xf32, #tpu.memory_space<vmem_shared>>) target_semaphore(%arg24 : memref<!tpu.dma_semaphore, #tpu.memory_space<semaphore_mem>>)
    %dma_wait3A = arith.constant 0 : i32
    %dma_wait3A_24 = tpu.memref_slice %arg3[%mul3A_0, %dma_wait3A] : memref<2560x128xi32, #tpu.memory_space<hbm>> -> memref<160x128xi32, #tpu.memory_space<hbm>>
    %dma_wait3A_25 = arith.constant 0 : i32
    %dma_wait3A_26 = tpu.memref_slice %arg3[%mul3A_0, %dma_wait3A_25] : memref<2560x128xi32, #tpu.memory_space<hbm>> -> memref<160x128xi32, #tpu.memory_space<hbm>>
    tpu.wait_dma2 semaphore(%arg22 : memref<!tpu.dma_semaphore, #tpu.memory_space<semaphore_mem>>) src(%dma_wait3A_26 : memref<160x128xi32, #tpu.memory_space<hbm>>) dst(%arg7 : memref<160x128xi32, #tpu.memory_space<vmem>>)
    %dma_wait3A_27 = arith.constant 0 : i32
    %dma_wait3A_28 = tpu.memref_slice %arg4[%mul3A_0, %dma_wait3A_27] : memref<2560x128xi32, #tpu.memory_space<hbm>> -> memref<160x128xi32, #tpu.memory_space<hbm>>
    %dma_wait3A_29 = arith.constant 0 : i32
    %dma_wait3A_30 = tpu.memref_slice %arg4[%mul3A_0, %dma_wait3A_29] : memref<2560x128xi32, #tpu.memory_space<hbm>> -> memref<160x128xi32, #tpu.memory_space<hbm>>
    tpu.wait_dma2 semaphore(%arg23 : memref<!tpu.dma_semaphore, #tpu.memory_space<semaphore_mem>>) src(%dma_wait3A_30 : memref<160x128xi32, #tpu.memory_space<hbm>>) dst(%arg8 : memref<160x128xi32, #tpu.memory_space<vmem>>)
    %dma_start3A_31 = arith.constant 0 : i32
    %dma_start3A_32 = arith.constant 0 : i32
    %dma_start3A_33 = tpu.memref_slice %arg7[%dma_start3A_31, %dma_start3A_32] : memref<160x128xi32, #tpu.memory_space<vmem>> -> memref<1x128xi32, #tpu.memory_space<vmem>>
    %dma_start3A_34 = tpu.memref_squeeze %dma_start3A_33 : memref<1x128xi32, #tpu.memory_space<vmem>> -> memref<128xi32, #tpu.memory_space<vmem>>
    %dma_start3A_35 = arith.constant 0 : i32
    %dma_start3A_36 = arith.constant 0 : i32
    %dma_start3A_37 = arith.constant 0 : i32
    %dma_start3A_38 = tpu.memref_slice %arg2[%arg0, %dma_start3A_35, %dma_start3A_36, %dma_start3A_37] : memref<2x2x10112x64xf32, #tpu.memory_space<hbm>> -> memref<1x2x10112x64xf32, #tpu.memory_space<hbm>>
    %dma_start3A_39 = tpu.memref_squeeze %dma_start3A_38 : memref<1x2x10112x64xf32, #tpu.memory_space<hbm>> -> memref<2x10112x64xf32, #tpu.memory_space<hbm>>
    %dma_start3A_40 = arith.constant 0 : i32
    %dma_start3A_41 = arith.constant 0 : i32
    %dma_start3A_42 = tpu.memref_slice %dma_start3A_39[%select_n3A_8, %dma_start3A_40, %dma_start3A_41] : memref<2x10112x64xf32, #tpu.memory_space<hbm>> -> memref<1x10112x64xf32, #tpu.memory_space<hbm>>
    %dma_start3A_43 = tpu.memref_squeeze %dma_start3A_42 : memref<1x10112x64xf32, #tpu.memory_space<hbm>> -> memref<10112x64xf32, #tpu.memory_space<hbm>>
    %dma_start3A_44 = arith.constant 0 : i32
    %dma_start3A_45 = arith.constant 0 : i32
    %dma_start3A_46 = tpu.memref_slice %dma_start3A_43[%dma_start3A_44, %dma_start3A_45] : memref<10112x64xf32, #tpu.memory_space<hbm>> -> memref<10112x64xf32, #tpu.memory_space<hbm>>
    tpu.enqueue_indirect_dma source(%dma_start3A_46 : memref<10112x64xf32, #tpu.memory_space<hbm>>) target(%arg9 : memref<128x64xf32, #tpu.memory_space<vmem>>) offsets(%dma_start3A_34 : memref<128xi32, #tpu.memory_space<vmem>>) semaphore(%arg13 : memref<!tpu.dma_semaphore, #tpu.memory_space<semaphore_mem>>)
    %dma_start3A_47 = arith.constant 1 : i32
    %dma_start3A_48 = arith.constant 0 : i32
    %dma_start3A_49 = tpu.memref_slice %arg7[%dma_start3A_47, %dma_start3A_48] : memref<160x128xi32, #tpu.memory_space<vmem>> -> memref<1x128xi32, #tpu.memory_space<vmem>>
    %dma_start3A_50 = tpu.memref_squeeze %dma_start3A_49 : memref<1x128xi32, #tpu.memory_space<vmem>> -> memref<128xi32, #tpu.memory_space<vmem>>
    %dma_start3A_51 = arith.constant 0 : i32
    %dma_start3A_52 = arith.constant 0 : i32
    %dma_start3A_53 = arith.constant 0 : i32
    %dma_start3A_54 = tpu.memref_slice %arg2[%arg0, %dma_start3A_51, %dma_start3A_52, %dma_start3A_53] : memref<2x2x10112x64xf32, #tpu.memory_space<hbm>> -> memref<1x2x10112x64xf32, #tpu.memory_space<hbm>>
    %dma_start3A_55 = tpu.memref_squeeze %dma_start3A_54 : memref<1x2x10112x64xf32, #tpu.memory_space<hbm>> -> memref<2x10112x64xf32, #tpu.memory_space<hbm>>
    %dma_start3A_56 = arith.constant 0 : i32
    %dma_start3A_57 = arith.constant 0 : i32
    %dma_start3A_58 = tpu.memref_slice %dma_start3A_55[%select_n3A_8, %dma_start3A_56, %dma_start3A_57] : memref<2x10112x64xf32, #tpu.memory_space<hbm>> -> memref<1x10112x64xf32, #tpu.memory_space<hbm>>
    %dma_start3A_59 = tpu.memref_squeeze %dma_start3A_58 : memref<1x10112x64xf32, #tpu.memory_space<hbm>> -> memref<10112x64xf32, #tpu.memory_space<hbm>>
    %dma_start3A_60 = arith.constant 0 : i32
    %dma_start3A_61 = arith.constant 0 : i32
    %dma_start3A_62 = tpu.memref_slice %dma_start3A_59[%dma_start3A_60, %dma_start3A_61] : memref<10112x64xf32, #tpu.memory_space<hbm>> -> memref<10112x64xf32, #tpu.memory_space<hbm>>
    tpu.enqueue_indirect_dma source(%dma_start3A_62 : memref<10112x64xf32, #tpu.memory_space<hbm>>) target(%arg10 : memref<128x64xf32, #tpu.memory_space<vmem>>) offsets(%dma_start3A_50 : memref<128xi32, #tpu.memory_space<vmem>>) semaphore(%arg14 : memref<!tpu.dma_semaphore, #tpu.memory_space<semaphore_mem>>)
    %dma_start3A_63 = arith.constant 2 : i32
    %dma_start3A_64 = arith.constant 0 : i32
    %dma_start3A_65 = tpu.memref_slice %arg7[%dma_start3A_63, %dma_start3A_64] : memref<160x128xi32, #tpu.memory_space<vmem>> -> memref<1x128xi32, #tpu.memory_space<vmem>>
    %dma_start3A_66 = tpu.memref_squeeze %dma_start3A_65 : memref<1x128xi32, #tpu.memory_space<vmem>> -> memref<128xi32, #tpu.memory_space<vmem>>
    %dma_start3A_67 = arith.constant 0 : i32
    %dma_start3A_68 = arith.constant 0 : i32
    %dma_start3A_69 = arith.constant 0 : i32
    %dma_start3A_70 = tpu.memref_slice %arg2[%arg0, %dma_start3A_67, %dma_start3A_68, %dma_start3A_69] : memref<2x2x10112x64xf32, #tpu.memory_space<hbm>> -> memref<1x2x10112x64xf32, #tpu.memory_space<hbm>>
    %dma_start3A_71 = tpu.memref_squeeze %dma_start3A_70 : memref<1x2x10112x64xf32, #tpu.memory_space<hbm>> -> memref<2x10112x64xf32, #tpu.memory_space<hbm>>
    %dma_start3A_72 = arith.constant 0 : i32
    %dma_start3A_73 = arith.constant 0 : i32
    %dma_start3A_74 = tpu.memref_slice %dma_start3A_71[%select_n3A_8, %dma_start3A_72, %dma_start3A_73] : memref<2x10112x64xf32, #tpu.memory_space<hbm>> -> memref<1x10112x64xf32, #tpu.memory_space<hbm>>
    %dma_start3A_75 = tpu.memref_squeeze %dma_start3A_74 : memref<1x10112x64xf32, #tpu.memory_space<hbm>> -> memref<10112x64xf32, #tpu.memory_space<hbm>>
    %dma_start3A_76 = arith.constant 0 : i32
    %dma_start3A_77 = arith.constant 0 : i32
    %dma_start3A_78 = tpu.memref_slice %dma_start3A_75[%dma_start3A_76, %dma_start3A_77] : memref<10112x64xf32, #tpu.memory_space<hbm>> -> memref<10112x64xf32, #tpu.memory_space<hbm>>
    tpu.enqueue_indirect_dma source(%dma_start3A_78 : memref<10112x64xf32, #tpu.memory_space<hbm>>) target(%arg11 : memref<128x64xf32, #tpu.memory_space<vmem>>) offsets(%dma_start3A_66 : memref<128xi32, #tpu.memory_space<vmem>>) semaphore(%arg15 : memref<!tpu.dma_semaphore, #tpu.memory_space<semaphore_mem>>)
    %dma_start3A_79 = arith.constant 3 : i32
    %dma_start3A_80 = arith.constant 0 : i32
    %dma_start3A_81 = tpu.memref_slice %arg7[%dma_start3A_79, %dma_start3A_80] : memref<160x128xi32, #tpu.memory_space<vmem>> -> memref<1x128xi32, #tpu.memory_space<vmem>>
    %dma_start3A_82 = tpu.memref_squeeze %dma_start3A_81 : memref<1x128xi32, #tpu.memory_space<vmem>> -> memref<128xi32, #tpu.memory_space<vmem>>
    %dma_start3A_83 = arith.constant 0 : i32
    %dma_start3A_84 = arith.constant 0 : i32
    %dma_start3A_85 = arith.constant 0 : i32
    %dma_start3A_86 = tpu.memref_slice %arg2[%arg0, %dma_start3A_83, %dma_start3A_84, %dma_start3A_85] : memref<2x2x10112x64xf32, #tpu.memory_space<hbm>> -> memref<1x2x10112x64xf32, #tpu.memory_space<hbm>>
    %dma_start3A_87 = tpu.memref_squeeze %dma_start3A_86 : memref<1x2x10112x64xf32, #tpu.memory_space<hbm>> -> memref<2x10112x64xf32, #tpu.memory_space<hbm>>
    %dma_start3A_88 = arith.constant 0 : i32
    %dma_start3A_89 = arith.constant 0 : i32
    %dma_start3A_90 = tpu.memref_slice %dma_start3A_87[%select_n3A_8, %dma_start3A_88, %dma_start3A_89] : memref<2x10112x64xf32, #tpu.memory_space<hbm>> -> memref<1x10112x64xf32, #tpu.memory_space<hbm>>
    %dma_start3A_91 = tpu.memref_squeeze %dma_start3A_90 : memref<1x10112x64xf32, #tpu.memory_space<hbm>> -> memref<10112x64xf32, #tpu.memory_space<hbm>>
    %dma_start3A_92 = arith.constant 0 : i32
    %dma_start3A_93 = arith.constant 0 : i32
    %dma_start3A_94 = tpu.memref_slice %dma_start3A_91[%dma_start3A_92, %dma_start3A_93] : memref<10112x64xf32, #tpu.memory_space<hbm>> -> memref<10112x64xf32, #tpu.memory_space<hbm>>
    tpu.enqueue_indirect_dma source(%dma_start3A_94 : memref<10112x64xf32, #tpu.memory_space<hbm>>) target(%arg12 : memref<128x64xf32, #tpu.memory_space<vmem>>) offsets(%dma_start3A_82 : memref<128xi32, #tpu.memory_space<vmem>>) semaphore(%arg16 : memref<!tpu.dma_semaphore, #tpu.memory_space<semaphore_mem>>)
    %dma_wait3A_95 = arith.constant 0 : i32
    %dma_wait3A_96 = tpu.memref_slice %arg21[%mul3A_19, %dma_wait3A_95] : memref<10112x64xf32, #tpu.memory_space<vmem_shared>> -> memref<632x64xf32, #tpu.memory_space<vmem_shared>>
    %dma_wait3A_97 = arith.constant 0 : i32
    %dma_wait3A_98 = tpu.memref_slice %arg5[%mul3A_17, %dma_wait3A_97] : memref<10112x64xf32, #tpu.memory_space<hbm>> -> memref<632x64xf32, #tpu.memory_space<hbm>>
    tpu.wait_dma2 semaphore(%arg24 : memref<!tpu.dma_semaphore, #tpu.memory_space<semaphore_mem>>) src(%dma_wait3A_98 : memref<632x64xf32, #tpu.memory_space<hbm>>) dst(%dma_wait3A_96 : memref<632x64xf32, #tpu.memory_space<vmem_shared>>)
    %barrier3A = arith.constant 0 : index
    tpu.barrier barrier_id(%barrier3A)
    %scan3A = arith.constant 0 : i32
    %scan3A_99 = arith.constant 0 : i32
    %scan3A_100 = arith.constant 40 : i32
    %scan3A_101 = arith.addi %scan3A_99, %scan3A_100 : i32
    %scan3A_102 = arith.constant 1 : i32
    scf.for %scan3A_116 = %scan3A_99 to %scan3A_101 step %scan3A_102  : i32 {
      %mul3A_117 = arith.constant 4 : i32
      %mul3A_118 = arith.muli %mul3A_117, %scan3A_116 : i32
      %add3A_119 = arith.constant 0 : i32
      %add3A_120 = arith.addi %mul3A_118, %add3A_119 : i32
      %sub3A = arith.constant 1 : i32
      %sub3A_121 = arith.subi %add3A_120, %sub3A : i32
      %dma_wait3A_122 = arith.constant 0 : i32
      %dma_wait3A_123 = tpu.memref_slice %arg7[%add3A_120, %dma_wait3A_122] : memref<160x128xi32, #tpu.memory_space<vmem>> -> memref<1x128xi32, #tpu.memory_space<vmem>>
      %dma_wait3A_124 = tpu.memref_squeeze %dma_wait3A_123 : memref<1x128xi32, #tpu.memory_space<vmem>> -> memref<128xi32, #tpu.memory_space<vmem>>
      %dma_wait3A_125 = arith.constant 0 : i32
      %dma_wait3A_126 = arith.constant 0 : i32
      %dma_wait3A_127 = arith.constant 0 : i32
      %dma_wait3A_128 = tpu.memref_slice %arg2[%arg0, %dma_wait3A_125, %dma_wait3A_126, %dma_wait3A_127] : memref<2x2x10112x64xf32, #tpu.memory_space<hbm>> -> memref<1x2x10112x64xf32, #tpu.memory_space<hbm>>
      %dma_wait3A_129 = tpu.memref_squeeze %dma_wait3A_128 : memref<1x2x10112x64xf32, #tpu.memory_space<hbm>> -> memref<2x10112x64xf32, #tpu.memory_space<hbm>>
      %dma_wait3A_130 = arith.constant 0 : i32
      %dma_wait3A_131 = arith.constant 0 : i32
      %dma_wait3A_132 = tpu.memref_slice %dma_wait3A_129[%select_n3A_8, %dma_wait3A_130, %dma_wait3A_131] : memref<2x10112x64xf32, #tpu.memory_space<hbm>> -> memref<1x10112x64xf32, #tpu.memory_space<hbm>>
      %dma_wait3A_133 = tpu.memref_squeeze %dma_wait3A_132 : memref<1x10112x64xf32, #tpu.memory_space<hbm>> -> memref<10112x64xf32, #tpu.memory_space<hbm>>
      %dma_wait3A_134 = arith.constant 0 : i32
      %dma_wait3A_135 = arith.constant 0 : i32
      %dma_wait3A_136 = tpu.memref_slice %dma_wait3A_133[%dma_wait3A_134, %dma_wait3A_135] : memref<10112x64xf32, #tpu.memory_space<hbm>> -> memref<10112x64xf32, #tpu.memory_space<hbm>>
      tpu.wait_indirect_dma semaphore(%arg13 : memref<!tpu.dma_semaphore, #tpu.memory_space<semaphore_mem>>) src(%dma_wait3A_136 : memref<10112x64xf32, #tpu.memory_space<hbm>>) dst(%arg9 : memref<128x64xf32, #tpu.memory_space<vmem>>)
      %dma_start3A_137 = arith.constant 0 : i32
      %dma_start3A_138 = tpu.memref_slice %arg8[%add3A_120, %dma_start3A_137] : memref<160x128xi32, #tpu.memory_space<vmem>> -> memref<1x128xi32, #tpu.memory_space<vmem>>
      %dma_start3A_139 = tpu.memref_squeeze %dma_start3A_138 : memref<1x128xi32, #tpu.memory_space<vmem>> -> memref<128xi32, #tpu.memory_space<vmem>>
      %dma_start3A_140 = arith.constant 0 : i32
      %dma_start3A_141 = arith.constant 0 : i32
      %dma_start3A_142 = tpu.memref_slice %arg21[%dma_start3A_140, %dma_start3A_141] : memref<10112x64xf32, #tpu.memory_space<vmem_shared>> -> memref<10112x64xf32, #tpu.memory_space<vmem_shared>>
      tpu.enqueue_indirect_dma source(%arg9 : memref<128x64xf32, #tpu.memory_space<vmem>>) target(%dma_start3A_142 : memref<10112x64xf32, #tpu.memory_space<vmem_shared>>) offsets(%dma_start3A_139 : memref<128xi32, #tpu.memory_space<vmem>>) semaphore(%arg17 : memref<!tpu.dma_semaphore, #tpu.memory_space<semaphore_mem>>) {add = true}
      %ge3A = arith.constant 0 : i32
      %ge3A_143 = arith.cmpi sge, %sub3A_121, %ge3A : i32
      %convert_element_type3A = arith.extui %ge3A_143 : i1 to i32
      %cond3A = arith.constant 0 : i32
      %cond3A_144 = arith.cmpi ne, %convert_element_type3A, %cond3A : i32
      scf.if %cond3A_144 {
        %dma_wait3A_241 = arith.constant 0 : i32
        %dma_wait3A_242 = tpu.memref_slice %arg8[%sub3A_121, %dma_wait3A_241] : memref<160x128xi32, #tpu.memory_space<vmem>> -> memref<1x128xi32, #tpu.memory_space<vmem>>
        %dma_wait3A_243 = tpu.memref_squeeze %dma_wait3A_242 : memref<1x128xi32, #tpu.memory_space<vmem>> -> memref<128xi32, #tpu.memory_space<vmem>>
        %dma_wait3A_244 = arith.constant 0 : i32
        %dma_wait3A_245 = arith.constant 0 : i32
        %dma_wait3A_246 = tpu.memref_slice %arg21[%dma_wait3A_244, %dma_wait3A_245] : memref<10112x64xf32, #tpu.memory_space<vmem_shared>> -> memref<10112x64xf32, #tpu.memory_space<vmem_shared>>
        tpu.wait_indirect_dma semaphore(%arg20 : memref<!tpu.dma_semaphore, #tpu.memory_space<semaphore_mem>>) src(%arg12 : memref<128x64xf32, #tpu.memory_space<vmem>>) dst(%dma_wait3A_246 : memref<10112x64xf32, #tpu.memory_space<vmem_shared>>)
        %add3A_247 = arith.constant 4 : i32
        %add3A_248 = arith.addi %sub3A_121, %add3A_247 : i32
        %lt3A_249 = arith.constant 160 : i32
        %lt3A_250 = arith.cmpi slt, %add3A_248, %lt3A_249 : i32
        %convert_element_type3A_251 = arith.extui %lt3A_250 : i1 to i32
        %cond3A_252 = arith.constant 0 : i32
        %cond3A_253 = arith.cmpi ne, %convert_element_type3A_251, %cond3A_252 : i32
        scf.if %cond3A_253 {
          %add3A_254 = arith.constant 4 : i32
          %add3A_255 = arith.addi %sub3A_121, %add3A_254 : i32
          %dma_start3A_256 = arith.constant 0 : i32
          %dma_start3A_257 = tpu.memref_slice %arg7[%add3A_255, %dma_start3A_256] : memref<160x128xi32, #tpu.memory_space<vmem>> -> memref<1x128xi32, #tpu.memory_space<vmem>>
          %dma_start3A_258 = tpu.memref_squeeze %dma_start3A_257 : memref<1x128xi32, #tpu.memory_space<vmem>> -> memref<128xi32, #tpu.memory_space<vmem>>
          %dma_start3A_259 = arith.constant 0 : i32
          %dma_start3A_260 = arith.constant 0 : i32
          %dma_start3A_261 = arith.constant 0 : i32
          %dma_start3A_262 = tpu.memref_slice %arg2[%arg0, %dma_start3A_259, %dma_start3A_260, %dma_start3A_261] : memref<2x2x10112x64xf32, #tpu.memory_space<hbm>> -> memref<1x2x10112x64xf32, #tpu.memory_space<hbm>>
          %dma_start3A_263 = tpu.memref_squeeze %dma_start3A_262 : memref<1x2x10112x64xf32, #tpu.memory_space<hbm>> -> memref<2x10112x64xf32, #tpu.memory_space<hbm>>
          %dma_start3A_264 = arith.constant 0 : i32
          %dma_start3A_265 = arith.constant 0 : i32
          %dma_start3A_266 = tpu.memref_slice %dma_start3A_263[%select_n3A_8, %dma_start3A_264, %dma_start3A_265] : memref<2x10112x64xf32, #tpu.memory_space<hbm>> -> memref<1x10112x64xf32, #tpu.memory_space<hbm>>
          %dma_start3A_267 = tpu.memref_squeeze %dma_start3A_266 : memref<1x10112x64xf32, #tpu.memory_space<hbm>> -> memref<10112x64xf32, #tpu.memory_space<hbm>>
          %dma_start3A_268 = arith.constant 0 : i32
          %dma_start3A_269 = arith.constant 0 : i32
          %dma_start3A_270 = tpu.memref_slice %dma_start3A_267[%dma_start3A_268, %dma_start3A_269] : memref<10112x64xf32, #tpu.memory_space<hbm>> -> memref<10112x64xf32, #tpu.memory_space<hbm>>
          tpu.enqueue_indirect_dma source(%dma_start3A_270 : memref<10112x64xf32, #tpu.memory_space<hbm>>) target(%arg12 : memref<128x64xf32, #tpu.memory_space<vmem>>) offsets(%dma_start3A_258 : memref<128xi32, #tpu.memory_space<vmem>>) semaphore(%arg16 : memref<!tpu.dma_semaphore, #tpu.memory_space<semaphore_mem>>)
        } else {
        }
      } else {
      }
      %mul3A_145 = arith.constant 4 : i32
      %mul3A_146 = arith.muli %mul3A_145, %scan3A_116 : i32
      %add3A_147 = arith.constant 1 : i32
      %add3A_148 = arith.addi %mul3A_146, %add3A_147 : i32
      %sub3A_149 = arith.constant 1 : i32
      %sub3A_150 = arith.subi %add3A_148, %sub3A_149 : i32
      %dma_wait3A_151 = arith.constant 0 : i32
      %dma_wait3A_152 = tpu.memref_slice %arg7[%add3A_148, %dma_wait3A_151] : memref<160x128xi32, #tpu.memory_space<vmem>> -> memref<1x128xi32, #tpu.memory_space<vmem>>
      %dma_wait3A_153 = tpu.memref_squeeze %dma_wait3A_152 : memref<1x128xi32, #tpu.memory_space<vmem>> -> memref<128xi32, #tpu.memory_space<vmem>>
      %dma_wait3A_154 = arith.constant 0 : i32
      %dma_wait3A_155 = arith.constant 0 : i32
      %dma_wait3A_156 = arith.constant 0 : i32
      %dma_wait3A_157 = tpu.memref_slice %arg2[%arg0, %dma_wait3A_154, %dma_wait3A_155, %dma_wait3A_156] : memref<2x2x10112x64xf32, #tpu.memory_space<hbm>> -> memref<1x2x10112x64xf32, #tpu.memory_space<hbm>>
      %dma_wait3A_158 = tpu.memref_squeeze %dma_wait3A_157 : memref<1x2x10112x64xf32, #tpu.memory_space<hbm>> -> memref<2x10112x64xf32, #tpu.memory_space<hbm>>
      %dma_wait3A_159 = arith.constant 0 : i32
      %dma_wait3A_160 = arith.constant 0 : i32
      %dma_wait3A_161 = tpu.memref_slice %dma_wait3A_158[%select_n3A_8, %dma_wait3A_159, %dma_wait3A_160] : memref<2x10112x64xf32, #tpu.memory_space<hbm>> -> memref<1x10112x64xf32, #tpu.memory_space<hbm>>
      %dma_wait3A_162 = tpu.memref_squeeze %dma_wait3A_161 : memref<1x10112x64xf32, #tpu.memory_space<hbm>> -> memref<10112x64xf32, #tpu.memory_space<hbm>>
      %dma_wait3A_163 = arith.constant 0 : i32
      %dma_wait3A_164 = arith.constant 0 : i32
      %dma_wait3A_165 = tpu.memref_slice %dma_wait3A_162[%dma_wait3A_163, %dma_wait3A_164] : memref<10112x64xf32, #tpu.memory_space<hbm>> -> memref<10112x64xf32, #tpu.memory_space<hbm>>
      tpu.wait_indirect_dma semaphore(%arg14 : memref<!tpu.dma_semaphore, #tpu.memory_space<semaphore_mem>>) src(%dma_wait3A_165 : memref<10112x64xf32, #tpu.memory_space<hbm>>) dst(%arg10 : memref<128x64xf32, #tpu.memory_space<vmem>>)
      %dma_start3A_166 = arith.constant 0 : i32
      %dma_start3A_167 = tpu.memref_slice %arg8[%add3A_148, %dma_start3A_166] : memref<160x128xi32, #tpu.memory_space<vmem>> -> memref<1x128xi32, #tpu.memory_space<vmem>>
      %dma_start3A_168 = tpu.memref_squeeze %dma_start3A_167 : memref<1x128xi32, #tpu.memory_space<vmem>> -> memref<128xi32, #tpu.memory_space<vmem>>
      %dma_start3A_169 = arith.constant 0 : i32
      %dma_start3A_170 = arith.constant 0 : i32
      %dma_start3A_171 = tpu.memref_slice %arg21[%dma_start3A_169, %dma_start3A_170] : memref<10112x64xf32, #tpu.memory_space<vmem_shared>> -> memref<10112x64xf32, #tpu.memory_space<vmem_shared>>
      tpu.enqueue_indirect_dma source(%arg10 : memref<128x64xf32, #tpu.memory_space<vmem>>) target(%dma_start3A_171 : memref<10112x64xf32, #tpu.memory_space<vmem_shared>>) offsets(%dma_start3A_168 : memref<128xi32, #tpu.memory_space<vmem>>) semaphore(%arg18 : memref<!tpu.dma_semaphore, #tpu.memory_space<semaphore_mem>>) {add = true}
      %ge3A_172 = arith.constant 0 : i32
      %ge3A_173 = arith.cmpi sge, %sub3A_150, %ge3A_172 : i32
      %convert_element_type3A_174 = arith.extui %ge3A_173 : i1 to i32
      %cond3A_175 = arith.constant 0 : i32
      %cond3A_176 = arith.cmpi ne, %convert_element_type3A_174, %cond3A_175 : i32
      scf.if %cond3A_176 {
        %dma_wait3A_241 = arith.constant 0 : i32
        %dma_wait3A_242 = tpu.memref_slice %arg8[%sub3A_150, %dma_wait3A_241] : memref<160x128xi32, #tpu.memory_space<vmem>> -> memref<1x128xi32, #tpu.memory_space<vmem>>
        %dma_wait3A_243 = tpu.memref_squeeze %dma_wait3A_242 : memref<1x128xi32, #tpu.memory_space<vmem>> -> memref<128xi32, #tpu.memory_space<vmem>>
        %dma_wait3A_244 = arith.constant 0 : i32
        %dma_wait3A_245 = arith.constant 0 : i32
        %dma_wait3A_246 = tpu.memref_slice %arg21[%dma_wait3A_244, %dma_wait3A_245] : memref<10112x64xf32, #tpu.memory_space<vmem_shared>> -> memref<10112x64xf32, #tpu.memory_space<vmem_shared>>
        tpu.wait_indirect_dma semaphore(%arg17 : memref<!tpu.dma_semaphore, #tpu.memory_space<semaphore_mem>>) src(%arg9 : memref<128x64xf32, #tpu.memory_space<vmem>>) dst(%dma_wait3A_246 : memref<10112x64xf32, #tpu.memory_space<vmem_shared>>)
        %add3A_247 = arith.constant 4 : i32
        %add3A_248 = arith.addi %sub3A_150, %add3A_247 : i32
        %lt3A_249 = arith.constant 160 : i32
        %lt3A_250 = arith.cmpi slt, %add3A_248, %lt3A_249 : i32
        %convert_element_type3A_251 = arith.extui %lt3A_250 : i1 to i32
        %cond3A_252 = arith.constant 0 : i32
        %cond3A_253 = arith.cmpi ne, %convert_element_type3A_251, %cond3A_252 : i32
        scf.if %cond3A_253 {
          %add3A_254 = arith.constant 4 : i32
          %add3A_255 = arith.addi %sub3A_150, %add3A_254 : i32
          %dma_start3A_256 = arith.constant 0 : i32
          %dma_start3A_257 = tpu.memref_slice %arg7[%add3A_255, %dma_start3A_256] : memref<160x128xi32, #tpu.memory_space<vmem>> -> memref<1x128xi32, #tpu.memory_space<vmem>>
          %dma_start3A_258 = tpu.memref_squeeze %dma_start3A_257 : memref<1x128xi32, #tpu.memory_space<vmem>> -> memref<128xi32, #tpu.memory_space<vmem>>
          %dma_start3A_259 = arith.constant 0 : i32
          %dma_start3A_260 = arith.constant 0 : i32
          %dma_start3A_261 = arith.constant 0 : i32
          %dma_start3A_262 = tpu.memref_slice %arg2[%arg0, %dma_start3A_259, %dma_start3A_260, %dma_start3A_261] : memref<2x2x10112x64xf32, #tpu.memory_space<hbm>> -> memref<1x2x10112x64xf32, #tpu.memory_space<hbm>>
          %dma_start3A_263 = tpu.memref_squeeze %dma_start3A_262 : memref<1x2x10112x64xf32, #tpu.memory_space<hbm>> -> memref<2x10112x64xf32, #tpu.memory_space<hbm>>
          %dma_start3A_264 = arith.constant 0 : i32
          %dma_start3A_265 = arith.constant 0 : i32
          %dma_start3A_266 = tpu.memref_slice %dma_start3A_263[%select_n3A_8, %dma_start3A_264, %dma_start3A_265] : memref<2x10112x64xf32, #tpu.memory_space<hbm>> -> memref<1x10112x64xf32, #tpu.memory_space<hbm>>
          %dma_start3A_267 = tpu.memref_squeeze %dma_start3A_266 : memref<1x10112x64xf32, #tpu.memory_space<hbm>> -> memref<10112x64xf32, #tpu.memory_space<hbm>>
          %dma_start3A_268 = arith.constant 0 : i32
          %dma_start3A_269 = arith.constant 0 : i32
          %dma_start3A_270 = tpu.memref_slice %dma_start3A_267[%dma_start3A_268, %dma_start3A_269] : memref<10112x64xf32, #tpu.memory_space<hbm>> -> memref<10112x64xf32, #tpu.memory_space<hbm>>
          tpu.enqueue_indirect_dma source(%dma_start3A_270 : memref<10112x64xf32, #tpu.memory_space<hbm>>) target(%arg9 : memref<128x64xf32, #tpu.memory_space<vmem>>) offsets(%dma_start3A_258 : memref<128xi32, #tpu.memory_space<vmem>>) semaphore(%arg13 : memref<!tpu.dma_semaphore, #tpu.memory_space<semaphore_mem>>)
        } else {
        }
      } else {
      }
      %mul3A_177 = arith.constant 4 : i32
      %mul3A_178 = arith.muli %mul3A_177, %scan3A_116 : i32
      %add3A_179 = arith.constant 2 : i32
      %add3A_180 = arith.addi %mul3A_178, %add3A_179 : i32
      %sub3A_181 = arith.constant 1 : i32
      %sub3A_182 = arith.subi %add3A_180, %sub3A_181 : i32
      %dma_wait3A_183 = arith.constant 0 : i32
      %dma_wait3A_184 = tpu.memref_slice %arg7[%add3A_180, %dma_wait3A_183] : memref<160x128xi32, #tpu.memory_space<vmem>> -> memref<1x128xi32, #tpu.memory_space<vmem>>
      %dma_wait3A_185 = tpu.memref_squeeze %dma_wait3A_184 : memref<1x128xi32, #tpu.memory_space<vmem>> -> memref<128xi32, #tpu.memory_space<vmem>>
      %dma_wait3A_186 = arith.constant 0 : i32
      %dma_wait3A_187 = arith.constant 0 : i32
      %dma_wait3A_188 = arith.constant 0 : i32
      %dma_wait3A_189 = tpu.memref_slice %arg2[%arg0, %dma_wait3A_186, %dma_wait3A_187, %dma_wait3A_188] : memref<2x2x10112x64xf32, #tpu.memory_space<hbm>> -> memref<1x2x10112x64xf32, #tpu.memory_space<hbm>>
      %dma_wait3A_190 = tpu.memref_squeeze %dma_wait3A_189 : memref<1x2x10112x64xf32, #tpu.memory_space<hbm>> -> memref<2x10112x64xf32, #tpu.memory_space<hbm>>
      %dma_wait3A_191 = arith.constant 0 : i32
      %dma_wait3A_192 = arith.constant 0 : i32
      %dma_wait3A_193 = tpu.memref_slice %dma_wait3A_190[%select_n3A_8, %dma_wait3A_191, %dma_wait3A_192] : memref<2x10112x64xf32, #tpu.memory_space<hbm>> -> memref<1x10112x64xf32, #tpu.memory_space<hbm>>
      %dma_wait3A_194 = tpu.memref_squeeze %dma_wait3A_193 : memref<1x10112x64xf32, #tpu.memory_space<hbm>> -> memref<10112x64xf32, #tpu.memory_space<hbm>>
      %dma_wait3A_195 = arith.constant 0 : i32
      %dma_wait3A_196 = arith.constant 0 : i32
      %dma_wait3A_197 = tpu.memref_slice %dma_wait3A_194[%dma_wait3A_195, %dma_wait3A_196] : memref<10112x64xf32, #tpu.memory_space<hbm>> -> memref<10112x64xf32, #tpu.memory_space<hbm>>
      tpu.wait_indirect_dma semaphore(%arg15 : memref<!tpu.dma_semaphore, #tpu.memory_space<semaphore_mem>>) src(%dma_wait3A_197 : memref<10112x64xf32, #tpu.memory_space<hbm>>) dst(%arg11 : memref<128x64xf32, #tpu.memory_space<vmem>>)
      %dma_start3A_198 = arith.constant 0 : i32
      %dma_start3A_199 = tpu.memref_slice %arg8[%add3A_180, %dma_start3A_198] : memref<160x128xi32, #tpu.memory_space<vmem>> -> memref<1x128xi32, #tpu.memory_space<vmem>>
      %dma_start3A_200 = tpu.memref_squeeze %dma_start3A_199 : memref<1x128xi32, #tpu.memory_space<vmem>> -> memref<128xi32, #tpu.memory_space<vmem>>
      %dma_start3A_201 = arith.constant 0 : i32
      %dma_start3A_202 = arith.constant 0 : i32
      %dma_start3A_203 = tpu.memref_slice %arg21[%dma_start3A_201, %dma_start3A_202] : memref<10112x64xf32, #tpu.memory_space<vmem_shared>> -> memref<10112x64xf32, #tpu.memory_space<vmem_shared>>
      tpu.enqueue_indirect_dma source(%arg11 : memref<128x64xf32, #tpu.memory_space<vmem>>) target(%dma_start3A_203 : memref<10112x64xf32, #tpu.memory_space<vmem_shared>>) offsets(%dma_start3A_200 : memref<128xi32, #tpu.memory_space<vmem>>) semaphore(%arg19 : memref<!tpu.dma_semaphore, #tpu.memory_space<semaphore_mem>>) {add = true}
      %ge3A_204 = arith.constant 0 : i32
      %ge3A_205 = arith.cmpi sge, %sub3A_182, %ge3A_204 : i32
      %convert_element_type3A_206 = arith.extui %ge3A_205 : i1 to i32
      %cond3A_207 = arith.constant 0 : i32
      %cond3A_208 = arith.cmpi ne, %convert_element_type3A_206, %cond3A_207 : i32
      scf.if %cond3A_208 {
        %dma_wait3A_241 = arith.constant 0 : i32
        %dma_wait3A_242 = tpu.memref_slice %arg8[%sub3A_182, %dma_wait3A_241] : memref<160x128xi32, #tpu.memory_space<vmem>> -> memref<1x128xi32, #tpu.memory_space<vmem>>
        %dma_wait3A_243 = tpu.memref_squeeze %dma_wait3A_242 : memref<1x128xi32, #tpu.memory_space<vmem>> -> memref<128xi32, #tpu.memory_space<vmem>>
        %dma_wait3A_244 = arith.constant 0 : i32
        %dma_wait3A_245 = arith.constant 0 : i32
        %dma_wait3A_246 = tpu.memref_slice %arg21[%dma_wait3A_244, %dma_wait3A_245] : memref<10112x64xf32, #tpu.memory_space<vmem_shared>> -> memref<10112x64xf32, #tpu.memory_space<vmem_shared>>
        tpu.wait_indirect_dma semaphore(%arg18 : memref<!tpu.dma_semaphore, #tpu.memory_space<semaphore_mem>>) src(%arg10 : memref<128x64xf32, #tpu.memory_space<vmem>>) dst(%dma_wait3A_246 : memref<10112x64xf32, #tpu.memory_space<vmem_shared>>)
        %add3A_247 = arith.constant 4 : i32
        %add3A_248 = arith.addi %sub3A_182, %add3A_247 : i32
        %lt3A_249 = arith.constant 160 : i32
        %lt3A_250 = arith.cmpi slt, %add3A_248, %lt3A_249 : i32
        %convert_element_type3A_251 = arith.extui %lt3A_250 : i1 to i32
        %cond3A_252 = arith.constant 0 : i32
        %cond3A_253 = arith.cmpi ne, %convert_element_type3A_251, %cond3A_252 : i32
        scf.if %cond3A_253 {
          %add3A_254 = arith.constant 4 : i32
          %add3A_255 = arith.addi %sub3A_182, %add3A_254 : i32
          %dma_start3A_256 = arith.constant 0 : i32
          %dma_start3A_257 = tpu.memref_slice %arg7[%add3A_255, %dma_start3A_256] : memref<160x128xi32, #tpu.memory_space<vmem>> -> memref<1x128xi32, #tpu.memory_space<vmem>>
          %dma_start3A_258 = tpu.memref_squeeze %dma_start3A_257 : memref<1x128xi32, #tpu.memory_space<vmem>> -> memref<128xi32, #tpu.memory_space<vmem>>
          %dma_start3A_259 = arith.constant 0 : i32
          %dma_start3A_260 = arith.constant 0 : i32
          %dma_start3A_261 = arith.constant 0 : i32
          %dma_start3A_262 = tpu.memref_slice %arg2[%arg0, %dma_start3A_259, %dma_start3A_260, %dma_start3A_261] : memref<2x2x10112x64xf32, #tpu.memory_space<hbm>> -> memref<1x2x10112x64xf32, #tpu.memory_space<hbm>>
          %dma_start3A_263 = tpu.memref_squeeze %dma_start3A_262 : memref<1x2x10112x64xf32, #tpu.memory_space<hbm>> -> memref<2x10112x64xf32, #tpu.memory_space<hbm>>
          %dma_start3A_264 = arith.constant 0 : i32
          %dma_start3A_265 = arith.constant 0 : i32
          %dma_start3A_266 = tpu.memref_slice %dma_start3A_263[%select_n3A_8, %dma_start3A_264, %dma_start3A_265] : memref<2x10112x64xf32, #tpu.memory_space<hbm>> -> memref<1x10112x64xf32, #tpu.memory_space<hbm>>
          %dma_start3A_267 = tpu.memref_squeeze %dma_start3A_266 : memref<1x10112x64xf32, #tpu.memory_space<hbm>> -> memref<10112x64xf32, #tpu.memory_space<hbm>>
          %dma_start3A_268 = arith.constant 0 : i32
          %dma_start3A_269 = arith.constant 0 : i32
          %dma_start3A_270 = tpu.memref_slice %dma_start3A_267[%dma_start3A_268, %dma_start3A_269] : memref<10112x64xf32, #tpu.memory_space<hbm>> -> memref<10112x64xf32, #tpu.memory_space<hbm>>
          tpu.enqueue_indirect_dma source(%dma_start3A_270 : memref<10112x64xf32, #tpu.memory_space<hbm>>) target(%arg10 : memref<128x64xf32, #tpu.memory_space<vmem>>) offsets(%dma_start3A_258 : memref<128xi32, #tpu.memory_space<vmem>>) semaphore(%arg14 : memref<!tpu.dma_semaphore, #tpu.memory_space<semaphore_mem>>)
        } else {
        }
      } else {
      }
      %mul3A_209 = arith.constant 4 : i32
      %mul3A_210 = arith.muli %mul3A_209, %scan3A_116 : i32
      %add3A_211 = arith.constant 3 : i32
      %add3A_212 = arith.addi %mul3A_210, %add3A_211 : i32
      %sub3A_213 = arith.constant 1 : i32
      %sub3A_214 = arith.subi %add3A_212, %sub3A_213 : i32
      %dma_wait3A_215 = arith.constant 0 : i32
      %dma_wait3A_216 = tpu.memref_slice %arg7[%add3A_212, %dma_wait3A_215] : memref<160x128xi32, #tpu.memory_space<vmem>> -> memref<1x128xi32, #tpu.memory_space<vmem>>
      %dma_wait3A_217 = tpu.memref_squeeze %dma_wait3A_216 : memref<1x128xi32, #tpu.memory_space<vmem>> -> memref<128xi32, #tpu.memory_space<vmem>>
      %dma_wait3A_218 = arith.constant 0 : i32
      %dma_wait3A_219 = arith.constant 0 : i32
      %dma_wait3A_220 = arith.constant 0 : i32
      %dma_wait3A_221 = tpu.memref_slice %arg2[%arg0, %dma_wait3A_218, %dma_wait3A_219, %dma_wait3A_220] : memref<2x2x10112x64xf32, #tpu.memory_space<hbm>> -> memref<1x2x10112x64xf32, #tpu.memory_space<hbm>>
      %dma_wait3A_222 = tpu.memref_squeeze %dma_wait3A_221 : memref<1x2x10112x64xf32, #tpu.memory_space<hbm>> -> memref<2x10112x64xf32, #tpu.memory_space<hbm>>
      %dma_wait3A_223 = arith.constant 0 : i32
      %dma_wait3A_224 = arith.constant 0 : i32
      %dma_wait3A_225 = tpu.memref_slice %dma_wait3A_222[%select_n3A_8, %dma_wait3A_223, %dma_wait3A_224] : memref<2x10112x64xf32, #tpu.memory_space<hbm>> -> memref<1x10112x64xf32, #tpu.memory_space<hbm>>
      %dma_wait3A_226 = tpu.memref_squeeze %dma_wait3A_225 : memref<1x10112x64xf32, #tpu.memory_space<hbm>> -> memref<10112x64xf32, #tpu.memory_space<hbm>>
      %dma_wait3A_227 = arith.constant 0 : i32
      %dma_wait3A_228 = arith.constant 0 : i32
      %dma_wait3A_229 = tpu.memref_slice %dma_wait3A_226[%dma_wait3A_227, %dma_wait3A_228] : memref<10112x64xf32, #tpu.memory_space<hbm>> -> memref<10112x64xf32, #tpu.memory_space<hbm>>
      tpu.wait_indirect_dma semaphore(%arg16 : memref<!tpu.dma_semaphore, #tpu.memory_space<semaphore_mem>>) src(%dma_wait3A_229 : memref<10112x64xf32, #tpu.memory_space<hbm>>) dst(%arg12 : memref<128x64xf32, #tpu.memory_space<vmem>>)
      %dma_start3A_230 = arith.constant 0 : i32
      %dma_start3A_231 = tpu.memref_slice %arg8[%add3A_212, %dma_start3A_230] : memref<160x128xi32, #tpu.memory_space<vmem>> -> memref<1x128xi32, #tpu.memory_space<vmem>>
      %dma_start3A_232 = tpu.memref_squeeze %dma_start3A_231 : memref<1x128xi32, #tpu.memory_space<vmem>> -> memref<128xi32, #tpu.memory_space<vmem>>
      %dma_start3A_233 = arith.constant 0 : i32
      %dma_start3A_234 = arith.constant 0 : i32
      %dma_start3A_235 = tpu.memref_slice %arg21[%dma_start3A_233, %dma_start3A_234] : memref<10112x64xf32, #tpu.memory_space<vmem_shared>> -> memref<10112x64xf32, #tpu.memory_space<vmem_shared>>
      tpu.enqueue_indirect_dma source(%arg12 : memref<128x64xf32, #tpu.memory_space<vmem>>) target(%dma_start3A_235 : memref<10112x64xf32, #tpu.memory_space<vmem_shared>>) offsets(%dma_start3A_232 : memref<128xi32, #tpu.memory_space<vmem>>) semaphore(%arg20 : memref<!tpu.dma_semaphore, #tpu.memory_space<semaphore_mem>>) {add = true}
      %ge3A_236 = arith.constant 0 : i32
      %ge3A_237 = arith.cmpi sge, %sub3A_214, %ge3A_236 : i32
      %convert_element_type3A_238 = arith.extui %ge3A_237 : i1 to i32
      %cond3A_239 = arith.constant 0 : i32
      %cond3A_240 = arith.cmpi ne, %convert_element_type3A_238, %cond3A_239 : i32
      scf.if %cond3A_240 {
        %dma_wait3A_241 = arith.constant 0 : i32
        %dma_wait3A_242 = tpu.memref_slice %arg8[%sub3A_214, %dma_wait3A_241] : memref<160x128xi32, #tpu.memory_space<vmem>> -> memref<1x128xi32, #tpu.memory_space<vmem>>
        %dma_wait3A_243 = tpu.memref_squeeze %dma_wait3A_242 : memref<1x128xi32, #tpu.memory_space<vmem>> -> memref<128xi32, #tpu.memory_space<vmem>>
        %dma_wait3A_244 = arith.constant 0 : i32
        %dma_wait3A_245 = arith.constant 0 : i32
        %dma_wait3A_246 = tpu.memref_slice %arg21[%dma_wait3A_244, %dma_wait3A_245] : memref<10112x64xf32, #tpu.memory_space<vmem_shared>> -> memref<10112x64xf32, #tpu.memory_space<vmem_shared>>
        tpu.wait_indirect_dma semaphore(%arg19 : memref<!tpu.dma_semaphore, #tpu.memory_space<semaphore_mem>>) src(%arg11 : memref<128x64xf32, #tpu.memory_space<vmem>>) dst(%dma_wait3A_246 : memref<10112x64xf32, #tpu.memory_space<vmem_shared>>)
        %add3A_247 = arith.constant 4 : i32
        %add3A_248 = arith.addi %sub3A_214, %add3A_247 : i32
        %lt3A_249 = arith.constant 160 : i32
        %lt3A_250 = arith.cmpi slt, %add3A_248, %lt3A_249 : i32
        %convert_element_type3A_251 = arith.extui %lt3A_250 : i1 to i32
        %cond3A_252 = arith.constant 0 : i32
        %cond3A_253 = arith.cmpi ne, %convert_element_type3A_251, %cond3A_252 : i32
        scf.if %cond3A_253 {
          %add3A_254 = arith.constant 4 : i32
          %add3A_255 = arith.addi %sub3A_214, %add3A_254 : i32
          %dma_start3A_256 = arith.constant 0 : i32
          %dma_start3A_257 = tpu.memref_slice %arg7[%add3A_255, %dma_start3A_256] : memref<160x128xi32, #tpu.memory_space<vmem>> -> memref<1x128xi32, #tpu.memory_space<vmem>>
          %dma_start3A_258 = tpu.memref_squeeze %dma_start3A_257 : memref<1x128xi32, #tpu.memory_space<vmem>> -> memref<128xi32, #tpu.memory_space<vmem>>
          %dma_start3A_259 = arith.constant 0 : i32
          %dma_start3A_260 = arith.constant 0 : i32
          %dma_start3A_261 = arith.constant 0 : i32
          %dma_start3A_262 = tpu.memref_slice %arg2[%arg0, %dma_start3A_259, %dma_start3A_260, %dma_start3A_261] : memref<2x2x10112x64xf32, #tpu.memory_space<hbm>> -> memref<1x2x10112x64xf32, #tpu.memory_space<hbm>>
          %dma_start3A_263 = tpu.memref_squeeze %dma_start3A_262 : memref<1x2x10112x64xf32, #tpu.memory_space<hbm>> -> memref<2x10112x64xf32, #tpu.memory_space<hbm>>
          %dma_start3A_264 = arith.constant 0 : i32
          %dma_start3A_265 = arith.constant 0 : i32
          %dma_start3A_266 = tpu.memref_slice %dma_start3A_263[%select_n3A_8, %dma_start3A_264, %dma_start3A_265] : memref<2x10112x64xf32, #tpu.memory_space<hbm>> -> memref<1x10112x64xf32, #tpu.memory_space<hbm>>
          %dma_start3A_267 = tpu.memref_squeeze %dma_start3A_266 : memref<1x10112x64xf32, #tpu.memory_space<hbm>> -> memref<10112x64xf32, #tpu.memory_space<hbm>>
          %dma_start3A_268 = arith.constant 0 : i32
          %dma_start3A_269 = arith.constant 0 : i32
          %dma_start3A_270 = tpu.memref_slice %dma_start3A_267[%dma_start3A_268, %dma_start3A_269] : memref<10112x64xf32, #tpu.memory_space<hbm>> -> memref<10112x64xf32, #tpu.memory_space<hbm>>
          tpu.enqueue_indirect_dma source(%dma_start3A_270 : memref<10112x64xf32, #tpu.memory_space<hbm>>) target(%arg11 : memref<128x64xf32, #tpu.memory_space<vmem>>) offsets(%dma_start3A_258 : memref<128xi32, #tpu.memory_space<vmem>>) semaphore(%arg15 : memref<!tpu.dma_semaphore, #tpu.memory_space<semaphore_mem>>)
        } else {
        }
      } else {
      }
    }
    %scan3A_103 = arith.constant 40 : i32
    %dma_wait3A_104 = arith.constant 159 : i32
    %dma_wait3A_105 = arith.constant 0 : i32
    %dma_wait3A_106 = tpu.memref_slice %arg8[%dma_wait3A_104, %dma_wait3A_105] : memref<160x128xi32, #tpu.memory_space<vmem>> -> memref<1x128xi32, #tpu.memory_space<vmem>>
    %dma_wait3A_107 = tpu.memref_squeeze %dma_wait3A_106 : memref<1x128xi32, #tpu.memory_space<vmem>> -> memref<128xi32, #tpu.memory_space<vmem>>
    %dma_wait3A_108 = arith.constant 0 : i32
    %dma_wait3A_109 = arith.constant 0 : i32
    %dma_wait3A_110 = tpu.memref_slice %arg21[%dma_wait3A_108, %dma_wait3A_109] : memref<10112x64xf32, #tpu.memory_space<vmem_shared>> -> memref<10112x64xf32, #tpu.memory_space<vmem_shared>>
    tpu.wait_indirect_dma semaphore(%arg20 : memref<!tpu.dma_semaphore, #tpu.memory_space<semaphore_mem>>) src(%arg12 : memref<128x64xf32, #tpu.memory_space<vmem>>) dst(%dma_wait3A_110 : memref<10112x64xf32, #tpu.memory_space<vmem_shared>>)
    %barrier3A_111 = arith.constant 0 : index
    tpu.barrier barrier_id(%barrier3A_111)
    %mul3A_112 = arith.constant 632 : i32
    %mul3A_113 = arith.muli %arg1, %mul3A_112 : i32
    %mul3A_114 = arith.constant 632 : i32
    %mul3A_115 = arith.muli %arg1, %mul3A_114 : i32
    "tpu.region"() ({
      %run_scoped3A = tpu.sem_alloc : memref<!tpu.dma_semaphore, #tpu.memory_space<semaphore_mem>>
      %dma_start3A_116 = arith.constant 0 : i32
      %dma_start3A_117 = tpu.memref_slice %arg6[%arg0, %mul3A_115, %dma_start3A_116] : memref<2x10112x64xf32, #tpu.memory_space<hbm>> -> memref<1x632x64xf32, #tpu.memory_space<hbm>>
      %dma_start3A_118 = tpu.memref_squeeze %dma_start3A_117 : memref<1x632x64xf32, #tpu.memory_space<hbm>> -> memref<632x64xf32, #tpu.memory_space<hbm>>
      %dma_start3A_119 = arith.constant 0 : i32
      %dma_start3A_120 = tpu.memref_slice %arg21[%mul3A_113, %dma_start3A_119] : memref<10112x64xf32, #tpu.memory_space<vmem_shared>> -> memref<632x64xf32, #tpu.memory_space<vmem_shared>>
      tpu.enqueue_dma source(%dma_start3A_120 : memref<632x64xf32, #tpu.memory_space<vmem_shared>>) target(%dma_start3A_118 : memref<632x64xf32, #tpu.memory_space<hbm>>) target_semaphore(%run_scoped3A : memref<!tpu.dma_semaphore, #tpu.memory_space<semaphore_mem>>)
      %dma_wait3A_121 = arith.constant 0 : i32
      %dma_wait3A_122 = tpu.memref_slice %arg6[%arg0, %mul3A_115, %dma_wait3A_121] : memref<2x10112x64xf32, #tpu.memory_space<hbm>> -> memref<1x632x64xf32, #tpu.memory_space<hbm>>
      %dma_wait3A_123 = tpu.memref_squeeze %dma_wait3A_122 : memref<1x632x64xf32, #tpu.memory_space<hbm>> -> memref<632x64xf32, #tpu.memory_space<hbm>>
      %dma_wait3A_124 = arith.constant 0 : i32
      %dma_wait3A_125 = tpu.memref_slice %arg21[%mul3A_113, %dma_wait3A_124] : memref<10112x64xf32, #tpu.memory_space<vmem_shared>> -> memref<632x64xf32, #tpu.memory_space<vmem_shared>>
      tpu.wait_dma2 semaphore(%run_scoped3A : memref<!tpu.dma_semaphore, #tpu.memory_space<semaphore_mem>>) src(%dma_wait3A_125 : memref<632x64xf32, #tpu.memory_space<vmem_shared>>) dst(%dma_wait3A_123 : memref<632x64xf32, #tpu.memory_space<hbm>>)
      tpu.yield
    }) : () -> ()
    return
  }
}

module attributes {stable_mosaic.version = 14 : i64} {
  func.func @_tc_xw1(%arg0: memref<10112x128xf32, #tpu.memory_space<vmem>>, %arg1: memref<128x32xf32, #tpu.memory_space<vmem>>, %arg2: memref<10112x32xf32, #tpu.memory_space<vmem>>) attributes {dimension_semantics = [], scalar_prefetch = 0 : i64, scratch_operands = 0 : i64, tpu.core_type = #tpu.core_type<tc>} {
    %get3A = arith.constant 0 : index
    %get3A_0 = arith.constant 0 : index
    %get3A_1 = vector.load %arg0[%get3A, %get3A_0] : memref<10112x128xf32, #tpu.memory_space<vmem>>, vector<10112x128xf32>
    %get3A_2 = arith.constant 0 : index
    %get3A_3 = arith.constant 0 : index
    %get3A_4 = vector.load %arg1[%get3A_2, %get3A_3] : memref<128x32xf32, #tpu.memory_space<vmem>>, vector<128x32xf32>
    %dot_general3A = arith.constant dense<0.000000e+00> : vector<10112x32xf32>
    %dot_general3A_5 = tpu.matmul %get3A_1, %get3A_4, %dot_general3A {dimension_numbers = #tpu.dot_dimension_numbers<[1], [0], [0], [1], [0, 0, 1, 1], [], []>, transpose_lhs_hint = false} : vector<10112x128xf32>, vector<128x32xf32>, vector<10112x32xf32> -> vector<10112x32xf32>
    %swap3A = arith.constant 0 : index
    %swap3A_6 = arith.constant 0 : index
    %swap3A_7 = vector.load %arg2[%swap3A, %swap3A_6] : memref<10112x32xf32, #tpu.memory_space<vmem>>, vector<10112x32xf32>
    tpu.vector_store %arg2[%swap3A, %swap3A_6], %dot_general3A_5 {strides = array<i32>} : memref<10112x32xf32, #tpu.memory_space<vmem>>, vector<10112x32xf32>,
    return
  }
}

module attributes {stable_mosaic.version = 14 : i64} {
  func.func @_tc_scale1(%arg0: memref<10112x32xf32, #tpu.memory_space<vmem>>, %arg1: memref<2x10112x16xf32, #tpu.memory_space<vmem>>, %arg2: memref<4x10112x32xf32, #tpu.memory_space<vmem>>, %arg3: memref<10112x1xf32, #tpu.memory_space<vmem>>) attributes {dimension_semantics = [], scalar_prefetch = 0 : i64, scratch_operands = 0 : i64, tpu.core_type = #tpu.core_type<tc>} {
    %get3A = arith.constant 0 : index
    %get3A_0 = arith.constant 0 : index
    %get3A_1 = arith.constant 0 : index
    %get3A_2 = vector.load %arg1[%get3A, %get3A_0, %get3A_1] : memref<2x10112x16xf32, #tpu.memory_space<vmem>>, vector<2x10112x16xf32>
    %slice3A = vector.extract_strided_slice %get3A_2 {offsets = [0, 0, 0], sizes = [1, 10112, 1], strides = [1, 1, 1]} : vector<2x10112x16xf32> to vector<1x10112x1xf32>
    %squeeze3A = vector.shape_cast %slice3A : vector<1x10112x1xf32> to vector<10112x1xf32>
    %slice3A_3 = vector.extract_strided_slice %get3A_2 {offsets = [1, 0, 0], sizes = [1, 10112, 1], strides = [1, 1, 1]} : vector<2x10112x16xf32> to vector<1x10112x1xf32>
    %squeeze3A_4 = vector.shape_cast %slice3A_3 : vector<1x10112x1xf32> to vector<10112x1xf32>
    %add3A = arith.addf %squeeze3A, %squeeze3A_4 : vector<10112x1xf32>
    %add3A_5 = arith.constant 1.000000e+00 : f32
    %add3A_6 = vector.broadcast %add3A_5 : f32 to vector<10112x1xf32>
    %add3A_7 = arith.addf %add3A, %add3A_6 : vector<10112x1xf32>
    %iota3A = tpu.iota {dimensions = array<i32: 0>} : vector<10112x1xi32>
    %lt3A = arith.constant 10000 : i32
    %lt3A_8 = vector.broadcast %lt3A : i32 to vector<10112x1xi32>
    %lt3A_9 = arith.cmpi slt, %iota3A, %lt3A_8 : vector<10112x1xi32>
    %convert_element_type3A = arith.extui %lt3A_9 : vector<10112x1xi1> to vector<10112x1xi32>
    %convert_element_type3A_10 = arith.sitofp %convert_element_type3A : vector<10112x1xi32> to vector<10112x1xf32>
    %rsqrt3A = math.rsqrt %add3A_7 : vector<10112x1xf32>
    %mul3A = arith.mulf %rsqrt3A, %convert_element_type3A_10 : vector<10112x1xf32>
    %swap3A = arith.constant 0 : index
    %swap3A_11 = arith.constant 0 : index
    %swap3A_12 = vector.load %arg3[%swap3A, %swap3A_11] : memref<10112x1xf32, #tpu.memory_space<vmem>>, vector<10112x1xf32>
    tpu.vector_store %arg3[%swap3A, %swap3A_11], %mul3A {strides = array<i32>} : memref<10112x1xf32, #tpu.memory_space<vmem>>, vector<10112x1xf32>,
    %get3A_13 = arith.constant 0 : index
    %get3A_14 = arith.constant 0 : index
    %get3A_15 = vector.load %arg0[%get3A_13, %get3A_14] : memref<10112x32xf32, #tpu.memory_space<vmem>>, vector<10112x32xf32>
    %mul3A_16 = vector.broadcast %mul3A : vector<10112x1xf32> to vector<10112x32xf32>
    %mul3A_17 = arith.mulf %mul3A_16, %get3A_15 : vector<10112x32xf32>
    %swap3A_18 = arith.constant 0 : index
    %swap3A_19 = arith.constant 0 : index
    %swap3A_20 = arith.constant 0 : index
    %swap3A_21 = vector.load %arg2[%swap3A_18, %swap3A_19, %swap3A_20] : memref<4x10112x32xf32, #tpu.memory_space<vmem>>, vector<1x10112x32xf32>
    %swap3A_22 = vector.shape_cast %swap3A_21 : vector<1x10112x32xf32> to vector<10112x32xf32>
    %swap3A_23 = vector.shape_cast %mul3A_17 : vector<10112x32xf32> to vector<1x10112x32xf32>
    tpu.vector_store %arg2[%swap3A_18, %swap3A_19, %swap3A_20], %swap3A_23 {strides = array<i32>} : memref<4x10112x32xf32, #tpu.memory_space<vmem>>, vector<1x10112x32xf32>,
    %swap3A_24 = arith.constant 1 : index
    %swap3A_25 = arith.constant 0 : index
    %swap3A_26 = arith.constant 0 : index
    %swap3A_27 = vector.load %arg2[%swap3A_24, %swap3A_25, %swap3A_26] : memref<4x10112x32xf32, #tpu.memory_space<vmem>>, vector<1x10112x32xf32>
    %swap3A_28 = vector.shape_cast %swap3A_27 : vector<1x10112x32xf32> to vector<10112x32xf32>
    %swap3A_29 = vector.shape_cast %mul3A_17 : vector<10112x32xf32> to vector<1x10112x32xf32>
    tpu.vector_store %arg2[%swap3A_24, %swap3A_25, %swap3A_26], %swap3A_29 {strides = array<i32>} : memref<4x10112x32xf32, #tpu.memory_space<vmem>>, vector<1x10112x32xf32>,
    %swap3A_30 = arith.constant 2 : index
    %swap3A_31 = arith.constant 0 : index
    %swap3A_32 = arith.constant 0 : index
    %swap3A_33 = vector.load %arg2[%swap3A_30, %swap3A_31, %swap3A_32] : memref<4x10112x32xf32, #tpu.memory_space<vmem>>, vector<1x10112x32xf32>
    %swap3A_34 = vector.shape_cast %swap3A_33 : vector<1x10112x32xf32> to vector<10112x32xf32>
    %swap3A_35 = vector.shape_cast %mul3A_17 : vector<10112x32xf32> to vector<1x10112x32xf32>
    tpu.vector_store %arg2[%swap3A_30, %swap3A_31, %swap3A_32], %swap3A_35 {strides = array<i32>} : memref<4x10112x32xf32, #tpu.memory_space<vmem>>, vector<1x10112x32xf32>,
    %swap3A_36 = arith.constant 3 : index
    %swap3A_37 = arith.constant 0 : index
    %swap3A_38 = arith.constant 0 : index
    %swap3A_39 = vector.load %arg2[%swap3A_36, %swap3A_37, %swap3A_38] : memref<4x10112x32xf32, #tpu.memory_space<vmem>>, vector<1x10112x32xf32>
    %swap3A_40 = vector.shape_cast %swap3A_39 : vector<1x10112x32xf32> to vector<10112x32xf32>
    %swap3A_41 = vector.shape_cast %mul3A_17 : vector<10112x32xf32> to vector<1x10112x32xf32>
    tpu.vector_store %arg2[%swap3A_36, %swap3A_37, %swap3A_38], %swap3A_41 {strides = array<i32>} : memref<4x10112x32xf32, #tpu.memory_space<vmem>>, vector<1x10112x32xf32>,
    return
  }
}

module attributes {stable_mosaic.version = 14 : i64} {
  func.func @_tc_epilogue1(%arg0: memref<2x10112x32xf32, #tpu.memory_space<vmem>>, %arg1: memref<4x10112x32xf32, #tpu.memory_space<vmem>>, %arg2: memref<10112x1xf32, #tpu.memory_space<vmem>>, %arg3: memref<1x32xf32, #tpu.memory_space<vmem>>, %arg4: memref<4x10112x32xf32, #tpu.memory_space<vmem>>) attributes {dimension_semantics = [], scalar_prefetch = 0 : i64, scratch_operands = 0 : i64, tpu.core_type = #tpu.core_type<tc>} {
    %get3A = arith.constant 0 : index
    %get3A_0 = arith.constant 0 : index
    %get3A_1 = arith.constant 0 : index
    %get3A_2 = vector.load %arg0[%get3A, %get3A_0, %get3A_1] : memref<2x10112x32xf32, #tpu.memory_space<vmem>>, vector<2x10112x32xf32>
    %get3A_3 = arith.constant 0 : index
    %get3A_4 = arith.constant 0 : index
    %get3A_5 = vector.load %arg2[%get3A_3, %get3A_4] : memref<10112x1xf32, #tpu.memory_space<vmem>>, vector<10112x1xf32>
    %slice3A = vector.extract_strided_slice %get3A_2 {offsets = [0, 0, 0], sizes = [1, 10112, 32], strides = [1, 1, 1]} : vector<2x10112x32xf32> to vector<1x10112x32xf32>
    %squeeze3A = vector.shape_cast %slice3A : vector<1x10112x32xf32> to vector<10112x32xf32>
    %slice3A_6 = vector.extract_strided_slice %get3A_2 {offsets = [1, 0, 0], sizes = [1, 10112, 32], strides = [1, 1, 1]} : vector<2x10112x32xf32> to vector<1x10112x32xf32>
    %squeeze3A_7 = vector.shape_cast %slice3A_6 : vector<1x10112x32xf32> to vector<10112x32xf32>
    %add3A = arith.addf %squeeze3A, %squeeze3A_7 : vector<10112x32xf32>
    %get3A_8 = arith.constant 0 : index
    %get3A_9 = arith.constant 0 : index
    %get3A_10 = arith.constant 0 : index
    %get3A_11 = vector.load %arg1[%get3A_8, %get3A_9, %get3A_10] : memref<4x10112x32xf32, #tpu.memory_space<vmem>>, vector<1x10112x32xf32>
    %get3A_12 = vector.shape_cast %get3A_11 : vector<1x10112x32xf32> to vector<10112x32xf32>
    %add3A_13 = arith.addf %add3A, %get3A_12 : vector<10112x32xf32>
    %mul3A = vector.broadcast %get3A_5 : vector<10112x1xf32> to vector<10112x32xf32>
    %mul3A_14 = arith.mulf %mul3A, %add3A_13 : vector<10112x32xf32>
    %get3A_15 = arith.constant 0 : index
    %get3A_16 = arith.constant 0 : index
    %get3A_17 = vector.load %arg3[%get3A_15, %get3A_16] : memref<1x32xf32, #tpu.memory_space<vmem>>, vector<1x32xf32>
    %add3A_18 = vector.broadcast %get3A_17 : vector<1x32xf32> to vector<10112x32xf32>
    %add3A_19 = arith.addf %mul3A_14, %add3A_18 : vector<10112x32xf32>
    %max3A = arith.constant 0.000000e+00 : f32
    %max3A_20 = vector.broadcast %max3A : f32 to vector<10112x32xf32>
    %max3A_21 = arith.maximumf %add3A_19, %max3A_20 : vector<10112x32xf32>
    %mul3A_22 = vector.broadcast %get3A_5 : vector<10112x1xf32> to vector<10112x32xf32>
    %mul3A_23 = arith.mulf %mul3A_22, %max3A_21 : vector<10112x32xf32>
    %swap3A = arith.constant 0 : index
    %swap3A_24 = arith.constant 0 : index
    %swap3A_25 = arith.constant 0 : index
    %swap3A_26 = vector.load %arg4[%swap3A, %swap3A_24, %swap3A_25] : memref<4x10112x32xf32, #tpu.memory_space<vmem>>, vector<1x10112x32xf32>
    %swap3A_27 = vector.shape_cast %swap3A_26 : vector<1x10112x32xf32> to vector<10112x32xf32>
    %swap3A_28 = vector.shape_cast %mul3A_23 : vector<10112x32xf32> to vector<1x10112x32xf32>
    tpu.vector_store %arg4[%swap3A, %swap3A_24, %swap3A_25], %swap3A_28 {strides = array<i32>} : memref<4x10112x32xf32, #tpu.memory_space<vmem>>, vector<1x10112x32xf32>,
    %swap3A_29 = arith.constant 1 : index
    %swap3A_30 = arith.constant 0 : index
    %swap3A_31 = arith.constant 0 : index
    %swap3A_32 = vector.load %arg4[%swap3A_29, %swap3A_30, %swap3A_31] : memref<4x10112x32xf32, #tpu.memory_space<vmem>>, vector<1x10112x32xf32>
    %swap3A_33 = vector.shape_cast %swap3A_32 : vector<1x10112x32xf32> to vector<10112x32xf32>
    %swap3A_34 = vector.shape_cast %mul3A_23 : vector<10112x32xf32> to vector<1x10112x32xf32>
    tpu.vector_store %arg4[%swap3A_29, %swap3A_30, %swap3A_31], %swap3A_34 {strides = array<i32>} : memref<4x10112x32xf32, #tpu.memory_space<vmem>>, vector<1x10112x32xf32>,
    %swap3A_35 = arith.constant 2 : index
    %swap3A_36 = arith.constant 0 : index
    %swap3A_37 = arith.constant 0 : index
    %swap3A_38 = vector.load %arg4[%swap3A_35, %swap3A_36, %swap3A_37] : memref<4x10112x32xf32, #tpu.memory_space<vmem>>, vector<1x10112x32xf32>
    %swap3A_39 = vector.shape_cast %swap3A_38 : vector<1x10112x32xf32> to vector<10112x32xf32>
    %swap3A_40 = vector.shape_cast %mul3A_23 : vector<10112x32xf32> to vector<1x10112x32xf32>
    tpu.vector_store %arg4[%swap3A_35, %swap3A_36, %swap3A_37], %swap3A_40 {strides = array<i32>} : memref<4x10112x32xf32, #tpu.memory_space<vmem>>, vector<1x10112x32xf32>,
    %swap3A_41 = arith.constant 3 : index
    %swap3A_42 = arith.constant 0 : index
    %swap3A_43 = arith.constant 0 : index
    %swap3A_44 = vector.load %arg4[%swap3A_41, %swap3A_42, %swap3A_43] : memref<4x10112x32xf32, #tpu.memory_space<vmem>>, vector<1x10112x32xf32>
    %swap3A_45 = vector.shape_cast %swap3A_44 : vector<1x10112x32xf32> to vector<10112x32xf32>
    %swap3A_46 = vector.shape_cast %mul3A_23 : vector<10112x32xf32> to vector<1x10112x32xf32>
    tpu.vector_store %arg4[%swap3A_41, %swap3A_42, %swap3A_43], %swap3A_46 {strides = array<i32>} : memref<4x10112x32xf32, #tpu.memory_space<vmem>>, vector<1x10112x32xf32>,
    return
  }
}

module attributes {stable_mosaic.version = 14 : i64} {
  func.func @_tc_layer2(%arg0: memref<2x10112x32xf32, #tpu.memory_space<vmem>>, %arg1: memref<4x10112x32xf32, #tpu.memory_space<vmem>>, %arg2: memref<10112x1xf32, #tpu.memory_space<vmem>>, %arg3: memref<32x64xf32, #tpu.memory_space<vmem>>, %arg4: memref<1x64xf32, #tpu.memory_space<vmem>>, %arg5: memref<2x2x10112x32xf32, #tpu.memory_space<vmem>>) attributes {dimension_semantics = [], scalar_prefetch = 0 : i64, scratch_operands = 0 : i64, tpu.core_type = #tpu.core_type<tc>} {
    %get3A = arith.constant 0 : index
    %get3A_0 = arith.constant 0 : index
    %get3A_1 = arith.constant 0 : index
    %get3A_2 = vector.load %arg0[%get3A, %get3A_0, %get3A_1] : memref<2x10112x32xf32, #tpu.memory_space<vmem>>, vector<2x10112x32xf32>
    %get3A_3 = arith.constant 0 : index
    %get3A_4 = arith.constant 0 : index
    %get3A_5 = vector.load %arg2[%get3A_3, %get3A_4] : memref<10112x1xf32, #tpu.memory_space<vmem>>, vector<10112x1xf32>
    %slice3A = vector.extract_strided_slice %get3A_2 {offsets = [0, 0, 0], sizes = [1, 10112, 32], strides = [1, 1, 1]} : vector<2x10112x32xf32> to vector<1x10112x32xf32>
    %squeeze3A = vector.shape_cast %slice3A : vector<1x10112x32xf32> to vector<10112x32xf32>
    %slice3A_6 = vector.extract_strided_slice %get3A_2 {offsets = [1, 0, 0], sizes = [1, 10112, 32], strides = [1, 1, 1]} : vector<2x10112x32xf32> to vector<1x10112x32xf32>
    %squeeze3A_7 = vector.shape_cast %slice3A_6 : vector<1x10112x32xf32> to vector<10112x32xf32>
    %add3A = arith.addf %squeeze3A, %squeeze3A_7 : vector<10112x32xf32>
    %get3A_8 = arith.constant 0 : index
    %get3A_9 = arith.constant 0 : index
    %get3A_10 = arith.constant 0 : index
    %get3A_11 = vector.load %arg1[%get3A_8, %get3A_9, %get3A_10] : memref<4x10112x32xf32, #tpu.memory_space<vmem>>, vector<1x10112x32xf32>
    %get3A_12 = vector.shape_cast %get3A_11 : vector<1x10112x32xf32> to vector<10112x32xf32>
    %add3A_13 = arith.addf %add3A, %get3A_12 : vector<10112x32xf32>
    %mul3A = vector.broadcast %get3A_5 : vector<10112x1xf32> to vector<10112x32xf32>
    %mul3A_14 = arith.mulf %mul3A, %add3A_13 : vector<10112x32xf32>
    %get3A_15 = arith.constant 0 : index
    %get3A_16 = arith.constant 0 : index
    %get3A_17 = vector.load %arg3[%get3A_15, %get3A_16] : memref<32x64xf32, #tpu.memory_space<vmem>>, vector<32x64xf32>
    %dot_general3A = arith.constant dense<0.000000e+00> : vector<10112x64xf32>
    %dot_general3A_18 = tpu.matmul %mul3A_14, %get3A_17, %dot_general3A {dimension_numbers = #tpu.dot_dimension_numbers<[1], [0], [0], [1], [0, 0, 1, 1], [], []>, transpose_lhs_hint = false} : vector<10112x32xf32>, vector<32x64xf32>, vector<10112x64xf32> -> vector<10112x64xf32>
    %get3A_19 = arith.constant 0 : index
    %get3A_20 = arith.constant 0 : index
    %get3A_21 = vector.load %arg4[%get3A_19, %get3A_20] : memref<1x64xf32, #tpu.memory_space<vmem>>, vector<1x64xf32>
    %add3A_22 = vector.broadcast %get3A_21 : vector<1x64xf32> to vector<10112x64xf32>
    %add3A_23 = arith.addf %dot_general3A_18, %add3A_22 : vector<10112x64xf32>
    %max3A = arith.constant 0.000000e+00 : f32
    %max3A_24 = vector.broadcast %max3A : f32 to vector<10112x64xf32>
    %max3A_25 = arith.maximumf %add3A_23, %max3A_24 : vector<10112x64xf32>
    %mul3A_26 = vector.broadcast %get3A_5 : vector<10112x1xf32> to vector<10112x64xf32>
    %mul3A_27 = arith.mulf %mul3A_26, %max3A_25 : vector<10112x64xf32>
    %slice3A_28 = vector.extract_strided_slice %mul3A_27 {offsets = [0, 0], sizes = [10112, 32], strides = [1, 1]} : vector<10112x64xf32> to vector<10112x32xf32>
    %swap3A = arith.constant 0 : index
    %swap3A_29 = arith.constant 0 : index
    %swap3A_30 = arith.constant 0 : index
    %swap3A_31 = arith.constant 0 : index
    %swap3A_32 = vector.load %arg5[%swap3A, %swap3A_29, %swap3A_30, %swap3A_31] : memref<2x2x10112x32xf32, #tpu.memory_space<vmem>>, vector<1x1x10112x32xf32>
    %swap3A_33 = vector.shape_cast %swap3A_32 : vector<1x1x10112x32xf32> to vector<10112x32xf32>
    %swap3A_34 = vector.shape_cast %slice3A_28 : vector<10112x32xf32> to vector<1x1x10112x32xf32>
    tpu.vector_store %arg5[%swap3A, %swap3A_29, %swap3A_30, %swap3A_31], %swap3A_34 {strides = array<i32>} : memref<2x2x10112x32xf32, #tpu.memory_space<vmem>>, vector<1x1x10112x32xf32>,
    %slice3A_35 = vector.extract_strided_slice %mul3A_27 {offsets = [0, 32], sizes = [10112, 32], strides = [1, 1]} : vector<10112x64xf32> to vector<10112x32xf32>
    %swap3A_36 = arith.constant 1 : index
    %swap3A_37 = arith.constant 0 : index
    %swap3A_38 = arith.constant 0 : index
    %swap3A_39 = arith.constant 0 : index
    %swap3A_40 = vector.load %arg5[%swap3A_36, %swap3A_37, %swap3A_38, %swap3A_39] : memref<2x2x10112x32xf32, #tpu.memory_space<vmem>>, vector<1x1x10112x32xf32>
    %swap3A_41 = vector.shape_cast %swap3A_40 : vector<1x1x10112x32xf32> to vector<10112x32xf32>
    %swap3A_42 = vector.shape_cast %slice3A_35 : vector<10112x32xf32> to vector<1x1x10112x32xf32>
    tpu.vector_store %arg5[%swap3A_36, %swap3A_37, %swap3A_38, %swap3A_39], %swap3A_42 {strides = array<i32>} : memref<2x2x10112x32xf32, #tpu.memory_space<vmem>>, vector<1x1x10112x32xf32>,
    %slice3A_43 = vector.extract_strided_slice %mul3A_27 {offsets = [0, 0], sizes = [10112, 32], strides = [1, 1]} : vector<10112x64xf32> to vector<10112x32xf32>
    %swap3A_44 = arith.constant 0 : index
    %swap3A_45 = arith.constant 1 : index
    %swap3A_46 = arith.constant 0 : index
    %swap3A_47 = arith.constant 0 : index
    %swap3A_48 = vector.load %arg5[%swap3A_44, %swap3A_45, %swap3A_46, %swap3A_47] : memref<2x2x10112x32xf32, #tpu.memory_space<vmem>>, vector<1x1x10112x32xf32>
    %swap3A_49 = vector.shape_cast %swap3A_48 : vector<1x1x10112x32xf32> to vector<10112x32xf32>
    %swap3A_50 = vector.shape_cast %slice3A_43 : vector<10112x32xf32> to vector<1x1x10112x32xf32>
    tpu.vector_store %arg5[%swap3A_44, %swap3A_45, %swap3A_46, %swap3A_47], %swap3A_50 {strides = array<i32>} : memref<2x2x10112x32xf32, #tpu.memory_space<vmem>>, vector<1x1x10112x32xf32>,
    %slice3A_51 = vector.extract_strided_slice %mul3A_27 {offsets = [0, 32], sizes = [10112, 32], strides = [1, 1]} : vector<10112x64xf32> to vector<10112x32xf32>
    %swap3A_52 = arith.constant 1 : index
    %swap3A_53 = arith.constant 1 : index
    %swap3A_54 = arith.constant 0 : index
    %swap3A_55 = arith.constant 0 : index
    %swap3A_56 = vector.load %arg5[%swap3A_52, %swap3A_53, %swap3A_54, %swap3A_55] : memref<2x2x10112x32xf32, #tpu.memory_space<vmem>>, vector<1x1x10112x32xf32>
    %swap3A_57 = vector.shape_cast %swap3A_56 : vector<1x1x10112x32xf32> to vector<10112x32xf32>
    %swap3A_58 = vector.shape_cast %slice3A_51 : vector<10112x32xf32> to vector<1x1x10112x32xf32>
    tpu.vector_store %arg5[%swap3A_52, %swap3A_53, %swap3A_54, %swap3A_55], %swap3A_58 {strides = array<i32>} : memref<2x2x10112x32xf32, #tpu.memory_space<vmem>>, vector<1x1x10112x32xf32>,
    return
  }
}

module attributes {stable_mosaic.version = 14 : i64} {
  func.func @_tc_layer3(%arg0: memref<2x10112x32xf32, #tpu.memory_space<vmem>>, %arg1: memref<2x2x10112x32xf32, #tpu.memory_space<vmem>>, %arg2: memref<10112x1xf32, #tpu.memory_space<vmem>>, %arg3: memref<64x128xf32, #tpu.memory_space<vmem>>, %arg4: memref<1x128xf32, #tpu.memory_space<vmem>>, %arg5: memref<2x2x10112x64xf32, #tpu.memory_space<vmem>>) attributes {dimension_semantics = [], scalar_prefetch = 0 : i64, scratch_operands = 0 : i64, tpu.core_type = #tpu.core_type<tc>} {
    %get3A = arith.constant 0 : index
    %get3A_0 = arith.constant 0 : index
    %get3A_1 = arith.constant 0 : index
    %get3A_2 = vector.load %arg0[%get3A, %get3A_0, %get3A_1] : memref<2x10112x32xf32, #tpu.memory_space<vmem>>, vector<2x10112x32xf32>
    %get3A_3 = arith.constant 0 : index
    %get3A_4 = arith.constant 0 : index
    %get3A_5 = vector.load %arg2[%get3A_3, %get3A_4] : memref<10112x1xf32, #tpu.memory_space<vmem>>, vector<10112x1xf32>
    %slice3A = vector.extract_strided_slice %get3A_2 {offsets = [0, 0, 0], sizes = [1, 10112, 32], strides = [1, 1, 1]} : vector<2x10112x32xf32> to vector<1x10112x32xf32>
    %squeeze3A = vector.shape_cast %slice3A : vector<1x10112x32xf32> to vector<10112x32xf32>
    %get3A_6 = arith.constant 0 : index
    %get3A_7 = arith.constant 0 : index
    %get3A_8 = arith.constant 0 : index
    %get3A_9 = arith.constant 0 : index
    %get3A_10 = vector.load %arg1[%get3A_6, %get3A_7, %get3A_8, %get3A_9] : memref<2x2x10112x32xf32, #tpu.memory_space<vmem>>, vector<1x1x10112x32xf32>
    %get3A_11 = vector.shape_cast %get3A_10 : vector<1x1x10112x32xf32> to vector<10112x32xf32>
    %add3A = arith.addf %squeeze3A, %get3A_11 : vector<10112x32xf32>
    %slice3A_12 = vector.extract_strided_slice %get3A_2 {offsets = [1, 0, 0], sizes = [1, 10112, 32], strides = [1, 1, 1]} : vector<2x10112x32xf32> to vector<1x10112x32xf32>
    %squeeze3A_13 = vector.shape_cast %slice3A_12 : vector<1x10112x32xf32> to vector<10112x32xf32>
    %get3A_14 = arith.constant 1 : index
    %get3A_15 = arith.constant 0 : index
    %get3A_16 = arith.constant 0 : index
    %get3A_17 = arith.constant 0 : index
    %get3A_18 = vector.load %arg1[%get3A_14, %get3A_15, %get3A_16, %get3A_17] : memref<2x2x10112x32xf32, #tpu.memory_space<vmem>>, vector<1x1x10112x32xf32>
    %get3A_19 = vector.shape_cast %get3A_18 : vector<1x1x10112x32xf32> to vector<10112x32xf32>
    %add3A_20 = arith.addf %squeeze3A_13, %get3A_19 : vector<10112x32xf32>
    %concatenate3A = tpu.concatenate %add3A, %add3A_20 in 1 : vector<10112x32xf32>, vector<10112x32xf32> -> vector<10112x64xf32>
    %mul3A = vector.broadcast %get3A_5 : vector<10112x1xf32> to vector<10112x64xf32>
    %mul3A_21 = arith.mulf %mul3A, %concatenate3A : vector<10112x64xf32>
    %get3A_22 = arith.constant 0 : index
    %get3A_23 = arith.constant 0 : index
    %get3A_24 = vector.load %arg3[%get3A_22, %get3A_23] : memref<64x128xf32, #tpu.memory_space<vmem>>, vector<64x128xf32>
    %dot_general3A = arith.constant dense<0.000000e+00> : vector<10112x128xf32>
    %dot_general3A_25 = tpu.matmul %mul3A_21, %get3A_24, %dot_general3A {dimension_numbers = #tpu.dot_dimension_numbers<[1], [0], [0], [1], [0, 0, 1, 1], [], []>, transpose_lhs_hint = false} : vector<10112x64xf32>, vector<64x128xf32>, vector<10112x128xf32> -> vector<10112x128xf32>
    %get3A_26 = arith.constant 0 : index
    %get3A_27 = arith.constant 0 : index
    %get3A_28 = vector.load %arg4[%get3A_26, %get3A_27] : memref<1x128xf32, #tpu.memory_space<vmem>>, vector<1x128xf32>
    %add3A_29 = vector.broadcast %get3A_28 : vector<1x128xf32> to vector<10112x128xf32>
    %add3A_30 = arith.addf %dot_general3A_25, %add3A_29 : vector<10112x128xf32>
    %max3A = arith.constant 0.000000e+00 : f32
    %max3A_31 = vector.broadcast %max3A : f32 to vector<10112x128xf32>
    %max3A_32 = arith.maximumf %add3A_30, %max3A_31 : vector<10112x128xf32>
    %mul3A_33 = vector.broadcast %get3A_5 : vector<10112x1xf32> to vector<10112x128xf32>
    %mul3A_34 = arith.mulf %mul3A_33, %max3A_32 : vector<10112x128xf32>
    %slice3A_35 = vector.extract_strided_slice %mul3A_34 {offsets = [0, 0], sizes = [10112, 64], strides = [1, 1]} : vector<10112x128xf32> to vector<10112x64xf32>
    %swap3A = arith.constant 0 : index
    %swap3A_36 = arith.constant 0 : index
    %swap3A_37 = arith.constant 0 : index
    %swap3A_38 = arith.constant 0 : index
    %swap3A_39 = vector.load %arg5[%swap3A, %swap3A_36, %swap3A_37, %swap3A_38] : memref<2x2x10112x64xf32, #tpu.memory_space<vmem>>, vector<1x1x10112x64xf32>
    %swap3A_40 = vector.shape_cast %swap3A_39 : vector<1x1x10112x64xf32> to vector<10112x64xf32>
    %swap3A_41 = vector.shape_cast %slice3A_35 : vector<10112x64xf32> to vector<1x1x10112x64xf32>
    tpu.vector_store %arg5[%swap3A, %swap3A_36, %swap3A_37, %swap3A_38], %swap3A_41 {strides = array<i32>} : memref<2x2x10112x64xf32, #tpu.memory_space<vmem>>, vector<1x1x10112x64xf32>,
    %slice3A_42 = vector.extract_strided_slice %mul3A_34 {offsets = [0, 64], sizes = [10112, 64], strides = [1, 1]} : vector<10112x128xf32> to vector<10112x64xf32>
    %swap3A_43 = arith.constant 1 : index
    %swap3A_44 = arith.constant 0 : index
    %swap3A_45 = arith.constant 0 : index
    %swap3A_46 = arith.constant 0 : index
    %swap3A_47 = vector.load %arg5[%swap3A_43, %swap3A_44, %swap3A_45, %swap3A_46] : memref<2x2x10112x64xf32, #tpu.memory_space<vmem>>, vector<1x1x10112x64xf32>
    %swap3A_48 = vector.shape_cast %swap3A_47 : vector<1x1x10112x64xf32> to vector<10112x64xf32>
    %swap3A_49 = vector.shape_cast %slice3A_42 : vector<10112x64xf32> to vector<1x1x10112x64xf32>
    tpu.vector_store %arg5[%swap3A_43, %swap3A_44, %swap3A_45, %swap3A_46], %swap3A_49 {strides = array<i32>} : memref<2x2x10112x64xf32, #tpu.memory_space<vmem>>, vector<1x1x10112x64xf32>,
    %slice3A_50 = vector.extract_strided_slice %mul3A_34 {offsets = [0, 0], sizes = [10112, 64], strides = [1, 1]} : vector<10112x128xf32> to vector<10112x64xf32>
    %swap3A_51 = arith.constant 0 : index
    %swap3A_52 = arith.constant 1 : index
    %swap3A_53 = arith.constant 0 : index
    %swap3A_54 = arith.constant 0 : index
    %swap3A_55 = vector.load %arg5[%swap3A_51, %swap3A_52, %swap3A_53, %swap3A_54] : memref<2x2x10112x64xf32, #tpu.memory_space<vmem>>, vector<1x1x10112x64xf32>
    %swap3A_56 = vector.shape_cast %swap3A_55 : vector<1x1x10112x64xf32> to vector<10112x64xf32>
    %swap3A_57 = vector.shape_cast %slice3A_50 : vector<10112x64xf32> to vector<1x1x10112x64xf32>
    tpu.vector_store %arg5[%swap3A_51, %swap3A_52, %swap3A_53, %swap3A_54], %swap3A_57 {strides = array<i32>} : memref<2x2x10112x64xf32, #tpu.memory_space<vmem>>, vector<1x1x10112x64xf32>,
    %slice3A_58 = vector.extract_strided_slice %mul3A_34 {offsets = [0, 64], sizes = [10112, 64], strides = [1, 1]} : vector<10112x128xf32> to vector<10112x64xf32>
    %swap3A_59 = arith.constant 1 : index
    %swap3A_60 = arith.constant 1 : index
    %swap3A_61 = arith.constant 0 : index
    %swap3A_62 = arith.constant 0 : index
    %swap3A_63 = vector.load %arg5[%swap3A_59, %swap3A_60, %swap3A_61, %swap3A_62] : memref<2x2x10112x64xf32, #tpu.memory_space<vmem>>, vector<1x1x10112x64xf32>
    %swap3A_64 = vector.shape_cast %swap3A_63 : vector<1x1x10112x64xf32> to vector<10112x64xf32>
    %swap3A_65 = vector.shape_cast %slice3A_58 : vector<10112x64xf32> to vector<1x1x10112x64xf32>
    tpu.vector_store %arg5[%swap3A_59, %swap3A_60, %swap3A_61, %swap3A_62], %swap3A_65 {strides = array<i32>} : memref<2x2x10112x64xf32, #tpu.memory_space<vmem>>, vector<1x1x10112x64xf32>,
    return
  }
}

module attributes {stable_mosaic.version = 14 : i64} {
  func.func @_tc_head(%arg0: memref<2x10112x64xf32, #tpu.memory_space<vmem>>, %arg1: memref<2x2x10112x64xf32, #tpu.memory_space<vmem>>, %arg2: memref<10112x1xf32, #tpu.memory_space<vmem>>, %arg3: memref<128x256xf32, #tpu.memory_space<vmem>>, %arg4: memref<1x256xf32, #tpu.memory_space<vmem>>, %arg5: memref<1x10112xi32, #tpu.memory_space<vmem>>, %arg6: memref<256x256xf32, #tpu.memory_space<vmem>>, %arg7: memref<1x256xf32, #tpu.memory_space<vmem>>, %arg8: memref<256x10xf32, #tpu.memory_space<vmem>>, %arg9: memref<1x10xf32, #tpu.memory_space<vmem>>, %arg10: memref<64x10xf32, #tpu.memory_space<vmem>>) attributes {dimension_semantics = [], scalar_prefetch = 0 : i64, scratch_operands = 0 : i64, tpu.core_type = #tpu.core_type<tc>} {
    %get3A = arith.constant 0 : index
    %get3A_0 = arith.constant 0 : index
    %get3A_1 = arith.constant 0 : index
    %get3A_2 = vector.load %arg0[%get3A, %get3A_0, %get3A_1] : memref<2x10112x64xf32, #tpu.memory_space<vmem>>, vector<2x10112x64xf32>
    %get3A_3 = arith.constant 0 : index
    %get3A_4 = arith.constant 0 : index
    %get3A_5 = vector.load %arg2[%get3A_3, %get3A_4] : memref<10112x1xf32, #tpu.memory_space<vmem>>, vector<10112x1xf32>
    %slice3A = vector.extract_strided_slice %get3A_2 {offsets = [0, 0, 0], sizes = [1, 10112, 64], strides = [1, 1, 1]} : vector<2x10112x64xf32> to vector<1x10112x64xf32>
    %squeeze3A = vector.shape_cast %slice3A : vector<1x10112x64xf32> to vector<10112x64xf32>
    %get3A_6 = arith.constant 0 : index
    %get3A_7 = arith.constant 0 : index
    %get3A_8 = arith.constant 0 : index
    %get3A_9 = arith.constant 0 : index
    %get3A_10 = vector.load %arg1[%get3A_6, %get3A_7, %get3A_8, %get3A_9] : memref<2x2x10112x64xf32, #tpu.memory_space<vmem>>, vector<1x1x10112x64xf32>
    %get3A_11 = vector.shape_cast %get3A_10 : vector<1x1x10112x64xf32> to vector<10112x64xf32>
    %add3A = arith.addf %squeeze3A, %get3A_11 : vector<10112x64xf32>
    %slice3A_12 = vector.extract_strided_slice %get3A_2 {offsets = [1, 0, 0], sizes = [1, 10112, 64], strides = [1, 1, 1]} : vector<2x10112x64xf32> to vector<1x10112x64xf32>
    %squeeze3A_13 = vector.shape_cast %slice3A_12 : vector<1x10112x64xf32> to vector<10112x64xf32>
    %get3A_14 = arith.constant 1 : index
    %get3A_15 = arith.constant 0 : index
    %get3A_16 = arith.constant 0 : index
    %get3A_17 = arith.constant 0 : index
    %get3A_18 = vector.load %arg1[%get3A_14, %get3A_15, %get3A_16, %get3A_17] : memref<2x2x10112x64xf32, #tpu.memory_space<vmem>>, vector<1x1x10112x64xf32>
    %get3A_19 = vector.shape_cast %get3A_18 : vector<1x1x10112x64xf32> to vector<10112x64xf32>
    %add3A_20 = arith.addf %squeeze3A_13, %get3A_19 : vector<10112x64xf32>
    %concatenate3A = tpu.concatenate %add3A, %add3A_20 in 1 : vector<10112x64xf32>, vector<10112x64xf32> -> vector<10112x128xf32>
    %mul3A = vector.broadcast %get3A_5 : vector<10112x1xf32> to vector<10112x128xf32>
    %mul3A_21 = arith.mulf %mul3A, %concatenate3A : vector<10112x128xf32>
    %get3A_22 = arith.constant 0 : index
    %get3A_23 = arith.constant 0 : index
    %get3A_24 = vector.load %arg3[%get3A_22, %get3A_23] : memref<128x256xf32, #tpu.memory_space<vmem>>, vector<128x256xf32>
    %dot_general3A = arith.constant dense<0.000000e+00> : vector<10112x256xf32>
    %dot_general3A_25 = tpu.matmul %mul3A_21, %get3A_24, %dot_general3A {dimension_numbers = #tpu.dot_dimension_numbers<[1], [0], [0], [1], [0, 0, 1, 1], [], []>, transpose_lhs_hint = false} : vector<10112x128xf32>, vector<128x256xf32>, vector<10112x256xf32> -> vector<10112x256xf32>
    %get3A_26 = arith.constant 0 : index
    %get3A_27 = arith.constant 0 : index
    %get3A_28 = vector.load %arg4[%get3A_26, %get3A_27] : memref<1x256xf32, #tpu.memory_space<vmem>>, vector<1x256xf32>
    %add3A_29 = vector.broadcast %get3A_28 : vector<1x256xf32> to vector<10112x256xf32>
    %add3A_30 = arith.addf %dot_general3A_25, %add3A_29 : vector<10112x256xf32>
    %max3A = arith.constant 0.000000e+00 : f32
    %max3A_31 = vector.broadcast %max3A : f32 to vector<10112x256xf32>
    %max3A_32 = arith.maximumf %add3A_30, %max3A_31 : vector<10112x256xf32>
    %iota3A = tpu.iota {dimensions = array<i32: 0>} : vector<64x10112xi32>
    %get3A_33 = arith.constant 0 : index
    %get3A_34 = arith.constant 0 : index
    %get3A_35 = vector.load %arg5[%get3A_33, %get3A_34] : memref<1x10112xi32, #tpu.memory_space<vmem>>, vector<1x10112xi32>
    %eq3A = vector.broadcast %get3A_35 : vector<1x10112xi32> to vector<64x10112xi32>
    %eq3A_36 = arith.cmpi eq, %eq3A, %iota3A : vector<64x10112xi32>
    %convert_element_type3A = arith.extui %eq3A_36 : vector<64x10112xi1> to vector<64x10112xi32>
    %convert_element_type3A_37 = arith.sitofp %convert_element_type3A : vector<64x10112xi32> to vector<64x10112xf32>
    %dot_general3A_38 = arith.constant dense<0.000000e+00> : vector<64x256xf32>
    %dot_general3A_39 = tpu.matmul %convert_element_type3A_37, %max3A_32, %dot_general3A_38 {dimension_numbers = #tpu.dot_dimension_numbers<[1], [0], [0], [1], [0, 0, 1, 1], [], []>, transpose_lhs_hint = false} : vector<64x10112xf32>, vector<10112x256xf32>, vector<64x256xf32> -> vector<64x256xf32>
    %reduce_sum3A = arith.constant dense<0.000000e+00> : vector<64xf32>
    %reduce_sum3A_40 = vector.multi_reduction <add>, %convert_element_type3A_37, %reduce_sum3A [1] : vector<64x10112xf32> to vector<64xf32>
    %broadcast_in_dim3A = vector.shape_cast %reduce_sum3A_40 : vector<64xf32> to vector<64x1xf32>
    %max3A_41 = arith.constant 1.000000e+00 : f32
    %max3A_42 = vector.broadcast %max3A_41 : f32 to vector<64x1xf32>
    %max3A_43 = arith.maximumf %broadcast_in_dim3A, %max3A_42 : vector<64x1xf32>
    %div3A = vector.broadcast %max3A_43 : vector<64x1xf32> to vector<64x256xf32>
    %div3A_44 = arith.divf %dot_general3A_39, %div3A : vector<64x256xf32>
    %get3A_45 = arith.constant 0 : index
    %get3A_46 = arith.constant 0 : index
    %get3A_47 = vector.load %arg6[%get3A_45, %get3A_46] : memref<256x256xf32, #tpu.memory_space<vmem>>, vector<256x256xf32>
    %dot_general3A_48 = arith.constant dense<0.000000e+00> : vector<64x256xf32>
    %dot_general3A_49 = tpu.matmul %div3A_44, %get3A_47, %dot_general3A_48 {dimension_numbers = #tpu.dot_dimension_numbers<[1], [0], [0], [1], [0, 0, 1, 1], [], []>, transpose_lhs_hint = false} : vector<64x256xf32>, vector<256x256xf32>, vector<64x256xf32> -> vector<64x256xf32>
    %get3A_50 = arith.constant 0 : index
    %get3A_51 = arith.constant 0 : index
    %get3A_52 = vector.load %arg7[%get3A_50, %get3A_51] : memref<1x256xf32, #tpu.memory_space<vmem>>, vector<1x256xf32>
    %add3A_53 = vector.broadcast %get3A_52 : vector<1x256xf32> to vector<64x256xf32>
    %add3A_54 = arith.addf %dot_general3A_49, %add3A_53 : vector<64x256xf32>
    %max3A_55 = arith.constant 0.000000e+00 : f32
    %max3A_56 = vector.broadcast %max3A_55 : f32 to vector<64x256xf32>
    %max3A_57 = arith.maximumf %add3A_54, %max3A_56 : vector<64x256xf32>
    %get3A_58 = arith.constant 0 : index
    %get3A_59 = arith.constant 0 : index
    %get3A_60 = vector.load %arg8[%get3A_58, %get3A_59] : memref<256x10xf32, #tpu.memory_space<vmem>>, vector<256x10xf32>
    %dot_general3A_61 = arith.constant dense<0.000000e+00> : vector<64x10xf32>
    %dot_general3A_62 = tpu.matmul %max3A_57, %get3A_60, %dot_general3A_61 {dimension_numbers = #tpu.dot_dimension_numbers<[1], [0], [0], [1], [0, 0, 1, 1], [], []>, transpose_lhs_hint = false} : vector<64x256xf32>, vector<256x10xf32>, vector<64x10xf32> -> vector<64x10xf32>
    %get3A_63 = arith.constant 0 : index
    %get3A_64 = arith.constant 0 : index
    %get3A_65 = vector.load %arg9[%get3A_63, %get3A_64] : memref<1x10xf32, #tpu.memory_space<vmem>>, vector<1x10xf32>
    %add3A_66 = vector.broadcast %get3A_65 : vector<1x10xf32> to vector<64x10xf32>
    %add3A_67 = arith.addf %dot_general3A_62, %add3A_66 : vector<64x10xf32>
    %swap3A = arith.constant 0 : index
    %swap3A_68 = arith.constant 0 : index
    %swap3A_69 = vector.load %arg10[%swap3A, %swap3A_68] : memref<64x10xf32, #tpu.memory_space<vmem>>, vector<64x10xf32>
    tpu.vector_store %arg10[%swap3A, %swap3A_68], %add3A_67 {strides = array<i32>} : memref<64x10xf32, #tpu.memory_space<vmem>>, vector<64x10xf32>,
    return
  }
}

</mosaic_0001>

<sc_bundles>
// kernel: kernel.13.cloned.1.call-start
scs
__scs_entry_jumppad:
0x0: {  	(pc) =	sbr.rel $0x88, $3  }
0x1: {  	(tag) =	ssettag $0x0;
	lr =	simm.s32 $0x1  }
0x2: {  	[smem:$0x3F92] =	sst lr;
	_ =	strace $0xD0000000  }
0x3: {  	_ = 	snop  }
0x4: {  	_ = 	snop  }
0x5: {  	_ = 	snop  }
0x6: {  	_ = 	snop  }
0x7: {  	_ = 	snop  }
__scs_overlays_trampoline_lowered:
0x8: {  	[smem:$0x3FA1] =	sst s0  }
0x9: {  	[smem:$0x3FA2] =	sst s1  }
0xa: {  	[smem:$0x3FA3] =	sst s2  }
0xb: {  	[smem:$0x3FA4] =	sst s3  }
0xc: {  	[smem:$0x3FA5] =	sst s4  }
0xd: {  	[smem:$0x3FA6] =	sst s5  }
0xe: {  	[smem:$0x3FA7] =	sst s6  }
0xf: {  	[smem:$0x3FA8] =	sst s7  }
0x10: {  	[smem:$0x3FA9] =	sst s8  }
0x11: {  	[smem:$0x3FAA] =	sst s9;
	s0 =	simm.s32 @!p0 $0x0  }
0x12: {  	s1 =	sld [smem:$0x3F90];
	s0 =	simm.s32 @p0 $0x1  }
0x13: {  	[smem:$0x3FAB] =	sst s0;
	s0 =	simm.s32 @!p1 $0x0  }
0x14: {  	s2 =	sld [smem:$0x3F8F];
	s0 =	simm.s32 @p1 $0x1  }
0x15: {  	[smem:$0x3FAC] =	sst s0;
	s0 =	simm.s32 @!p2 $0x0  }
0x16: {  	s3 =	sld [smem:$0x3FDB];
	s0 =	simm.s32 @p2 $0x1  }
0x17: {  	s4 =	simm.s32 $0x1BF5;
	[smem:$0x3FAE] =	sst s0  }
0x18: {  	s0 =	sld [smem:$0x3F91];
	_ =	swait.ge [sflag:s4], $0x0  }
0x19: {  	s7 =	sld [smem:$0x3F92]  }
0x1a: {  	s8 =	sadd.s32 $0xFFFFE003, lr  }
0x1b: {  	s9 =	sadd.s32 $0xFFFFFEF7, lr;
	s5 =	simm.s32 $0xFFFFFFFF;
	p2 =	slt.u32 s8, $0xFFFFF086  }
0x1c: {  	p1 =	slt.u32 s9, $0xF7A;
	s5 =	simm.s32 @!p2 $0x0  }
0x1d: {  	s5 =	simm.s32 @p1 $0x1;
	p0 =	seq.s32 s7, s2  }
0x1e: {  	s7 =	smul.u32 @!p0 $0xF7A, s2;
	p2 =	seq.s32 @!p0 s5, $0x0  }
0x1f: {  	s9 =	smul.u32 $0xF7A, s1;
	s8 =	simm.s32 @!p0 $0x1BF5;
	p2 =	por !p2, p0  }
0x20: {  	[sflag:s8] =	ssyncset.s32 @!p0 $0xFFFFF086;
	s6 =	sadd.s32 @!p0 s3, s7;
	s7 =	simm.s32 @!p0 $0x108  }
0x21: {  	s3 =	sadd.s32 s3, s9;
	s6 =	sadd.s32 @!p0 $0x88, s6;
	s7 =	simm.s32 @p2 $0x1082  }
0x22: {  	[simem:s7], [sflag:s8] =	dma.local @!p0 [hbm:s6], $0xF7A  }
0x23: {  	s9 =	sor.u32 $0xD0000000, s2;
	s6 =	simm.s32 $0x108;
	_ =	swait.ge @!p0 [sflag:s8], $0x0  }
0x24: {  	s3 =	sadd.s32 $0x88, s3;
	s6 =	simm.s32 @!p1 $0x1082;
	[sflag:s4] =	ssyncset.s32 $0xFFFFF086  }
0x25: {  	[simem:s6], [sflag:s4] =	dma.local [hbm:s3], $0xF7A  }
0x26: {  	[smem:$0x3F92] =	sst s1;
	(tag) =	ssettag s2;
	_ =	strace s9  }
0x27: {  	s1 =	sld [smem:$0x3FA2]  }
0x28: {  	s2 =	sld [smem:$0x3FA3]  }
0x29: {  	s4 =	sld [smem:$0x3FA5]  }
0x2a: {  	p0 =	seq.s32 s5, $0x0;
	s5 =	sld [smem:$0x3FA6]  }
0x2b: {  	s6 =	sld [smem:$0x3FA7]  }
0x2c: {  	s7 =	sld [smem:$0x3FA8]  }
0x2d: {  	s3 =	simm.s32 $0x108;
	s8 =	sld [smem:$0x3FA9]  }
0x2e: {  	s3 =	simm.s32 @!p0 $0x1082;
	s9 =	sld [smem:$0x3FAA]  }
0x2f: {  	lr =	sadd.s32 s0, s3;
	s0 =	sld [smem:$0x3FA1]  }
0x30: {  	s3 =	sld [smem:$0x3FA4]  }
0x31: {  	[smem:$0x3FAD] =	sst s10  }
0x32: {  	s10 =	sld [smem:$0x3FAB];
	_ =	sdelay $0x3  }
0x33: {  	p0 =	seq.s32 s10, $0x1;
	s10 =	sld [smem:$0x3FAD];
	_ =	sdelay $0x3  }
0x34: {  	[smem:$0x3FAD] =	sst s10  }
0x35: {  	s10 =	sld [smem:$0x3FAC];
	_ =	sdelay $0x3  }
0x36: {  	p1 =	seq.s32 s10, $0x1;
	s10 =	sld [smem:$0x3FAD];
	_ =	sdelay $0x3  }
0x37: {  	[smem:$0x3FAD] =	sst s10  }
0x38: {  	s10 =	sld [smem:$0x3FAE]  }
0x39: {  	_ = 	snop;
	(pc) =	sbr.ind lr, $3  }
0x3a: {  	_ = 	snop  }
0x3b: {  	_ = 	snop  }
0x3c: {  	p2 =	seq.s32 s10, $0x1;
	s10 =	sld [smem:$0x3FAD]  }
0x3d: {  	_ =	shalt  }
0x3e: {  	_ =	shalt  }
0x3f: {  	_ =	shalt  }
0x40: {  	_ =	shalt  }
0x41: {  	_ =	shalt  }
0x42: {  	_ =	shalt  }
0x43: {  	_ =	shalt  }
0x44: {  	_ =	shalt  }
0x45: {  	_ =	shalt  }
0x46: {  	_ =	shalt  }
0x47: {  	_ =	shalt  }
0x48: {  	_ =	shalt  }
0x49: {  	_ =	shalt  }
0x4a: {  	_ =	shalt  }
0x4b: {  	_ =	shalt  }
0x4c: {  	_ =	shalt  }
0x4d: {  	_ =	shalt  }
0x4e: {  	_ =	shalt  }
0x4f: {  	_ =	shalt  }
0x50: {  	_ =	shalt  }
0x51: {  	_ =	shalt  }
0x52: {  	_ =	shalt  }
0x53: {  	_ =	shalt  }
0x54: {  	_ =	shalt  }
0x55: {  	_ =	shalt  }
0x56: {  	_ =	shalt  }
0x57: {  	_ =	shalt  }
0x58: {  	_ =	shalt  }
0x59: {  	_ =	shalt  }
0x5a: {  	_ =	shalt  }
0x5b: {  	_ =	shalt  }
0x5c: {  	_ =	shalt  }
0x5d: {  	_ =	shalt  }
0x5e: {  	_ =	shalt  }
0x5f: {  	_ =	shalt  }
0x60: {  	_ =	shalt  }
0x61: {  	_ =	shalt  }
0x62: {  	_ =	shalt  }
0x63: {  	_ =	shalt  }
0x64: {  	_ =	shalt  }
0x65: {  	_ =	shalt  }
0x66: {  	_ =	shalt  }
0x67: {  	_ =	shalt  }
0x68: {  	_ =	shalt  }
0x69: {  	_ =	shalt  }
0x6a: {  	_ =	shalt  }
0x6b: {  	_ =	shalt  }
0x6c: {  	_ =	shalt  }
0x6d: {  	_ =	shalt  }
0x6e: {  	_ =	shalt  }
0x6f: {  	_ =	shalt  }
0x70: {  	_ =	shalt  }
0x71: {  	_ =	shalt  }
0x72: {  	_ =	shalt  }
0x73: {  	_ =	shalt  }
0x74: {  	_ =	shalt  }
0x75: {  	_ =	shalt  }
0x76: {  	_ =	shalt  }
0x77: {  	_ =	shalt  }
0x78: {  	_ =	shalt  }
0x79: {  	_ =	shalt  }
0x7a: {  	_ =	shalt  }
0x7b: {  	_ =	shalt  }
0x7c: {  	_ =	shalt  }
0x7d: {  	_ =	shalt  }
0x7e: {  	_ =	shalt  }
0x7f: {  	_ =	shalt  }
0x80: {  	_ =	shalt  }
0x81: {  	_ =	shalt  }
0x82: {  	_ =	shalt  }
0x83: {  	_ =	shalt  }
0x84: {  	_ =	shalt  }
0x85: {  	_ =	shalt  }
0x86: {  	_ =	shalt  }
0x87: {  	_ =	shalt  }
.Lfunc_end0:
.L_simem_size_0:
called_computation_lowered:
.L_overlay_start_0:
0x88: {  	s2 =	sld [smem:$0x3FD9]  }
0x89: {  	s3 =	sld [smem:$0x3FFE];
	_ =	sdelay $0x1  }
0x8a: {  	s1 =	srdreg.scid  }
0x8b: {  	s0 =	sand.u32 $0x1, s1  }
0x8c: {  	s16 =	sshll.u32 s0, $0xA;
	s2 =	sadd.s32 s3, s2  }
0x8d: {  	s2 =	sadd.s32 s2, s16  }
0x8e: {  	[smem:$0x3FB9] =	sst s2  }
0x8f: {  	_ = 	snop  }
0x90: {  	(tm) =	ssettm $0x1  }
0x91: {  	s17 =	sld [smem:$0x3FFB];
	_ =	sdelay $0x3  }
0x92: {  	_ =	strace s17  }
0x93: {  	s2 =	sld [smem:$0x3FFC];
	_ =	sdelay $0x3  }
0x94: {  	_ =	strace s2  }
0x95: {  	s2 =	sld [smem:$0x3FFD];
	_ =	sdelay $0x3  }
0x96: {  	_ =	strace s2  }
0x97: {  	_ =	strace $0x8FFFFFFF  }
0x98: {  	s18 =	sld [smem:$0x3FDB];
	_ =	sdelay $0x1  }
0x99: {  	s19 =	simm.s32 $_scs_section_size  }
0x9a: {  	s4 =	simm.s32 $_size__tile_overlayer_lowered;
	s5 =	simm.s32 $_tile_overlayer_lowered  }
0x9b: {  	s22 =	simm.s32 $0x1BFF;
	s21 =	sshll.u32 s5, $0x1;
	s2 =	sadd.s32 s19, s18  }
0x9c: {  	s6 =	simm.s32 $0x0;
	s20 =	sshll.u32 s4, $0x1;
	s4 =	sadd.s32 s21, s2  }
0x9d: {  	[timem:s6], [sflag:s22] =	dma.local [hbm:s4], s20  }
0x9e: {  	_ =	swait.ge [sflag:s22], s20  }
0x9f: {  	s3 =	ssub.s32 $0x0, s20;
	[sflag:s22] =	ssyncset.done $0x0  }
0xa0: {  	[sflag:s22] =	ssyncadd.s32 s3;
	_ =	sdelay $0x1  }
0xa1: {  	s23 =	simm.s32 $0x1B8B  }
0xa2: {  	_ =	swait.ge [sflag:s23], $0x1  }
0xa3: {  	[sflag:s23] =	ssyncset.done $0x0  }
0xa4: {  	s25 =	simm.s32 $0x1B8E;
	s24 =	sld [smem:$0x3FFE];
	[sflag:s23] =	ssyncadd.s32 $0xFFFFFFFF  }
0xa5: {  	s26 =	simm.s32 $execute0_lowered;
	[smem:$0x3FD2] =	sst s25  }
0xa6: {  	s4 =	sshll.u32 s26, $0x1;
	_ =	strace $0x80000046;
	[dreg:$0x1] =	wrdreg $0xFFFFFFFF  }
0xa7: {  	s28 =	simm.s32 $_size_execute0_lowered;
	s2 =	sadd.s32 s2, s4;
	[dreg:$0x0] =	wrdreg $0x0  }
0xa8: {  	s4 =	sshll.u32 s28, $0x1;
	[dreg:$0x2] =	wrdreg s2  }
0xa9: {  	[dreg:$0x3] =	wrdreg s4  }
0xaa: {  	[dreg:$0x4] =	wrdreg $0xC0  }
0xab: {  	_ =	task [dreg:s6], $0x5FFFF  }
0xac: {  	[dreg:$0x1] =	wrdreg $0xFFFFFFFF  }
0xad: {  	[dreg:$0x0] =	wrdreg $0x60  }
0xae: {  	[dreg:$0x2] =	wrdreg s24  }
0xaf: {  	[dreg:$0x3] =	wrdreg $0x70000  }
0xb0: {  	[dreg:$0x4] =	wrdreg $0x9  }
0xb1: {  	_ =	task.clear_ibuf [dreg:s6], $0x5FFFF;
	_ =	strace $0x90000046  }
0xb2: {  	s29 =	simm.s32 $0x9;
	_ =	strace $0x80000048  }
0xb3: {  	_ =	swait.ge [sflag:s29], $0x1  }
0xb4: {  	[sflag:s29] =	ssyncadd.s32 $0xFFFFFFFF  }
0xb5: {  	_ =	strace $0x90000048  }
0xb6: {  	_ =	sfence  }
0xb7: {  	s30 =	sld [smem:$0x0];
	_ =	sdelay $0x2  }
0xb8: {  	s31 =	sshll.u32 s1, $0xD;
	s1 =	sshrl.u32 s1, $0x2  }
0xb9: {  	s3 =	sand.u32 $0x4000, s31;
	s1 =	sadd.s32 s1, s30  }
0xba: {  	s0 =	sor.u32 s3, s0;
	s1 =	sshll.u32 s1, $0x11  }
0xbb: {  	s0 =	sor.u32 s1, s0  }
0xbc: {  	s0 =	sadd.s32 $0x8F2B, s0  }
0xbd: {  	[sflag:s0] =	ssyncadd.remote.s32 $0x1  }
0xbe: {  	_ =	sfence.sel $0xFFFF  }
0xbf: {  	[dreg:$0x0] =	wrdreg $0xFFFFFFFF;
	(pc) =	sbr.abs _section_cstart, $3  }
0xc0: {  	[dreg:$0x1] =	wrdreg $0xFFFFFFFF  }
0xc1: {  	_ =	task.clear_ibuf [dreg:s6], $0x2FFFF;
	_ =	strace $0x9FFFFFFF  }
0xc2: {  	(tm) =	ssettm $0x7FFFFFFF  }
0xc3: {  	_ =	shalt  }
tec
execute0_lowered:
.L_overlay_start_1:
0x0: {  	(tag) =	ssettag $0x1  }
0x1: {  	s0 =	srdreg.scid  }
0x2: {  	s10 =	stileid.u32;
	s4 =	rddreg [dreg:$0x0];
	s14 =	simm.s32 $0x9  }
0x3: {  	s15 =	simm.s32 $0xA;
	s16 =	simm.s32 $0x80;
	s17 =	simm.s32 $0x5000  }
0x4: {  	s18 =	simm.s32 $0x5800;
	s20 =	simm.s32 $0x6000;
	s22 =	simm.s32 $0x6800  }
0x5: {  	s23 =	simm.s32 $0xB;
	s24 =	simm.s32 $0x1;
	s28 =	simm.s32 $0x5  }
0x6: {  	s30 =	simm.s32 $0x3;
	s19 =	simm.s32 $0x4;
	s31 =	simm.s32 $0x8  }
0x7: {  	s0 =	sand.u32 $0x1, s0;
	s1 =	sand.u32 $0x3, s10;
	s6 =	smul.u32 $0x2780, s10  }
0x8: {  	s21 =	simm.s32 $0x0;
	s2 =	sshll.u32 s0, $0x4;
	s1 =	smul.u32 $0x4F00, s1  }
0x9: {  	s7 =	smul.u32 $0x27800, s0;
	s0 =	ssub.s32 $0x2, s0;
	s3 =	sor.u32 s10, s2  }
0xa: {  	s2 =	rddreg [dreg:$0x1];
	s8 =	sshrl.u32 s6, $0x3;
	s9 =	sshrl.u32 s0, $0x1  }
0xb: {  	s5 =	smul.u32 $0x500, s3;
	s3 =	simm.s32 $0x0;
	s1 =	sadd.s32 s1, s4  }
0xc: {  	s7 =	sadd.s32 s6, s7;
	s8 =	sadd.s32 s8, s4;
	s0 =	ssub.s32 s0, s9  }
0xd: {  	s13 =	sadd.s32 s6, s2;
	s6 =	sshll.u32 s10, $0x6;
	[smem:$0x7FF] =	sst s3  }
0xe: {  	s7 =	sshrl.u32 s7, $0x3;
	s26 =	sadd.s32 $0x29A00, s8;
	s29 =	sor.u32 $0x1C0B, s6  }
0xf: {  	s9 =	sadd.s32 $0x1E00, s1;
	s11 =	smax.u32 s0, $0x1;
	s13 =	sshrl.u32 s13, $0x3  }
.Ltmp0:
0x10: {  	s1 =	simm.s32 $0x6;
	s0 =	simm.s32 $0xC;
	(pc) =	sbr.rel .LBB2_1-.Ltmp0, $4  }
0x11: {  	_ =	strace $0x80000047;
	s5 =	sadd.s32 s5, s4;
	[dreg:$0x5] =	wrdreg s26  }
0x12: {  	s4 =	sadd.s32 s7, s4;
	[dreg:$0x6] =	wrdreg s29;
	s25 =	sadd.s32 $0x1FA00, s5  }
0x13: {  	s26 =	simm.s32 $0x7;
	s5 =	sadd.s32 $0x15A00, s5;
	[dreg:$0x3] =	wrdreg s25  }
0x14: {  	s10 =	sadd.s32 $0x2EA00, s4;
	[dreg:$0x4] =	wrdreg s5;
	s25 =	simm.s32 $0x2  }
.LBB2_4:
0x15: {  	_ =	swait.ge [sflag:s31], $0x800  }
0x16: {  	s21 =	sadd.s32 $0x1, s21;
	[sflag:s31] =	ssyncset.done $0x0  }
0x17: {  	p0 =	sne.s32 s21, s11;
	[sflag:s31] =	ssyncadd.s32 $0xFFFFF800  }
.Ltmp1:
0x18: {  	s4 =	sor.u32 $0x1C0C, s6;
	[bflag:$0x0] =	sbarrier.arrive $0xFFFF;
	(pc) =	sbr.rel @!p0 .LBB2_5-.Ltmp1, $4  }
0x19: {  	[hbm:s10], [sflag:s4] =	dma.local [spmem:s13], $0x4F0  }
0x1a: {  	_ =	swait.ge [sflag:s0], $0x4F0  }
0x1b: {  	[sflag:s0] =	ssyncset.done $0x0  }
0x1c: {  	[sflag:s0] =	ssyncadd.s32 $0xFFFFFB10  }
.LBB2_1:
0x1d: {  	s4 =	rddreg [dreg:$0x3]  }
0x1e: {  	s5 =	rddreg [dreg:$0x4]  }
0x1f: {  	[tilespmem:s3], [sflag:$0x9] =	stream.linear.gather [hbm4b:s4+s3], $0x2800, $0x38;
	[tilespmem:$0x9780] =	vst v63  }
0x20: {  	s7 =	simm.s32 $0x2800;
	s8 =	rddreg [dreg:$0x5]  }
0x21: {  	[tilespmem:s7], [sflag:$0xA] =	stream.linear.gather [hbm4b:s5+s3], $0x2800, $0x38;
	[tilespmem:$0x9780] =	vst v63  }
0x22: {  	s5 =	rddreg [dreg:$0x6]  }
0x23: {  	[spmem:s13], [sflag:s5] =	dma.local [hbm:s8], $0x4F0  }
0x24: {  	_ =	swait.ge [sflag:s14], $0x2800  }
0x25: {  	[sflag:s14] =	ssyncset.done $0x0  }
0x26: {  	[sflag:s14] =	ssyncadd.s32 $0xFFFFD800  }
0x27: {  	_ =	swait.ge [sflag:s15], $0x2800  }
0x28: {  	[sflag:s15] =	ssyncset.done $0x0  }
0x29: {  	[sflag:s15] =	ssyncadd.s32 $0xFFFFD800  }
0x2a: {  	[tilespmem:s17], [sflag:$0x1] =	stream.indirect.gather [hbm4b:s9+s16], $0x10, s3, s16, $0xb8;
	[tilespmem:$0x9780] =	vst v63  }
0x2b: {  	_ = 	snop  }
0x2c: {  	[tilespmem:s18], [sflag:$0x2] =	stream.indirect.gather [hbm4b:s9+s16], $0x10, s16, s16, $0xb8;
	[tilespmem:$0x9780] =	vst v63  }
0x2d: {  	s12 =	simm.s32 $0x100  }
0x2e: {  	[tilespmem:s20], [sflag:$0x3] =	stream.indirect.gather [hbm4b:s9+s16], $0x10, s12, s16, $0xb8;
	[tilespmem:$0x9780] =	vst v63  }
0x2f: {  	s5 =	simm.s32 $0x180  }
0x30: {  	[tilespmem:s22], [sflag:$0x4] =	stream.indirect.gather [hbm4b:s9+s16], $0x10, s5, s16, $0xb8;
	[tilespmem:$0x9780] =	vst v63  }
0x31: {  	_ =	swait.ge [sflag:s23], $0x4F0  }
0x32: {  	[sflag:s23] =	ssyncset.done $0x0  }
0x33: {  	[sflag:s23] =	ssyncadd.s32 $0xFFFFFB10  }
0x34: {  	[bflag:$0x0] =	sbarrier.arrive $0xFFFF  }
0x35: {  	_ =	swait.ge [sflag:s24], $0x800  }
0x36: {  	[sflag:s24] =	ssyncset.done $0x0  }
0x37: {  	[sflag:s24] =	ssyncadd.s32 $0xFFFFF800  }
0x38: {  	[spmem:s2] =	stream.indirect.scatter.add.f32 [tilespmem:s17], [sflag:$0x5], $0x10, s7, s16, $0xb8;
	[tilespmem:$0x9780] =	vst v63  }
0x39: {  	_ =	swait.ge [sflag:s25], $0x800  }
0x3a: {  	[sflag:s25] =	ssyncset.done $0x0  }
0x3b: {  	s8 =	simm.s32 $0x2880;
	[sflag:s25] =	ssyncadd.s32 $0xFFFFF800  }
0x3c: {  	[spmem:s2] =	stream.indirect.scatter.add.f32 [tilespmem:s18], [sflag:$0x6], $0x10, s8, s16, $0xb8;
	[tilespmem:$0x9780] =	vst v63  }
0x3d: {  	_ =	swait.ge [sflag:s28], $0x800  }
0x3e: {  	[sflag:s28] =	ssyncset.done $0x0  }
0x3f: {  	s12 =	simm.s32 $0x200;
	[sflag:s28] =	ssyncadd.s32 $0xFFFFF800  }
0x40: {  	[tilespmem:s17], [sflag:$0x1] =	stream.indirect.gather [hbm4b:s9+s16], $0x10, s12, s16, $0xb8;
	[tilespmem:$0x9780] =	vst v63  }
0x41: {  	_ =	swait.ge [sflag:s30], $0x800  }
0x42: {  	[sflag:s30] =	ssyncset.done $0x0  }
0x43: {  	s5 =	simm.s32 $0x2900;
	[sflag:s30] =	ssyncadd.s32 $0xFFFFF800  }
0x44: {  	[spmem:s2] =	stream.indirect.scatter.add.f32 [tilespmem:s20], [sflag:$0x7], $0x10, s5, s16, $0xb8;
	[tilespmem:$0x9780] =	vst v63  }
0x45: {  	_ =	swait.ge [sflag:s1], $0x800  }
0x46: {  	[sflag:s1] =	ssyncset.done $0x0  }
0x47: {  	s7 =	simm.s32 $0x280;
	[sflag:s1] =	ssyncadd.s32 $0xFFFFF800  }
0x48: {  	[tilespmem:s18], [sflag:$0x2] =	stream.indirect.gather [hbm4b:s9+s16], $0x10, s7, s16, $0xb8;
	[tilespmem:$0x9780] =	vst v63  }
0x49: {  	_ =	swait.ge [sflag:s19], $0x800  }
0x4a: {  	[sflag:s19] =	ssyncset.done $0x0  }
0x4b: {  	s8 =	simm.s32 $0x2980;
	[sflag:s19] =	ssyncadd.s32 $0xFFFFF800  }
0x4c: {  	[spmem:s2] =	stream.indirect.scatter.add.f32 [tilespmem:s22], [sflag:$0x8], $0x10, s8, s16, $0xb8;
	[tilespmem:$0x9780] =	vst v63  }
0x4d: {  	_ =	swait.ge [sflag:s26], $0x800  }
0x4e: {  	[sflag:s26] =	ssyncset.done $0x0  }
0x4f: {  	s29 =	simm.s32 $0x0;
	s12 =	simm.s32 $0x300;
	[sflag:s26] =	ssyncadd.s32 $0xFFFFF800  }
0x50: {  	[tilespmem:s20], [sflag:$0x3] =	stream.indirect.gather [hbm4b:s9+s16], $0x10, s12, s16, $0xb8;
	[tilespmem:$0x9780] =	vst v63  }
.LBB2_2:
0x51: {  	_ =	swait.ge [sflag:s24], $0x800  }
0x52: {  	s4 =	sshra.s32 s29, $0x2;
	[sflag:s24] =	ssyncset.done $0x0  }
0x53: {  	s5 =	sadd.s32 $0x2A00, s4;
	[sflag:s24] =	ssyncadd.s32 $0xFFFFF800  }
0x54: {  	[spmem:s2] =	stream.indirect.scatter.add.f32 [tilespmem:s17], [sflag:$0x5], $0x10, s5, s16, $0xb8;
	[tilespmem:$0x9780] =	vst v63  }
0x55: {  	_ =	swait.ge [sflag:s31], $0x800  }
0x56: {  	[sflag:s31] =	ssyncset.done $0x0  }
0x57: {  	s7 =	sadd.s32 $0x380, s4;
	[sflag:s31] =	ssyncadd.s32 $0xFFFFF800  }
0x58: {  	[tilespmem:s22], [sflag:$0x4] =	stream.indirect.gather [hbm4b:s9+s16], $0x10, s7, s16, $0xb8;
	[tilespmem:$0x9780] =	vst v63  }
0x59: {  	_ =	swait.ge [sflag:s25], $0x800  }
0x5a: {  	[sflag:s25] =	ssyncset.done $0x0  }
0x5b: {  	s8 =	sadd.s32 $0x2A80, s4;
	[sflag:s25] =	ssyncadd.s32 $0xFFFFF800  }
0x5c: {  	[spmem:s2] =	stream.indirect.scatter.add.f32 [tilespmem:s18], [sflag:$0x6], $0x10, s8, s16, $0xb8;
	[tilespmem:$0x9780] =	vst v63  }
0x5d: {  	_ =	swait.ge [sflag:s28], $0x800  }
0x5e: {  	p0 =	seq.s32 s29, $0x9000;
	[sflag:s28] =	ssyncset.done $0x0  }
0x5f: {  	s5 =	simm.s32 @p0 $0x3;
	[sflag:s28] =	ssyncadd.s32 $0xFFFFF800  }
0x60: {  	_ =	swait.ge @p0 [sflag:s5], $0x800  }
0x61: {  	[sflag:s5] =	ssyncset.done @p0 $0x0  }
0x62: {  	[sflag:s5] =	ssyncadd.s32 @p0 $0xFFFFF800;
	s5 =	sshra.s32 @p0 s29, $0x2  }
0x63: {  	s7 =	simm.s32 @p0 $0x80;
	s8 =	simm.s32 @p0 $0x6000;
	s5 =	sadd.s32 @p0 $0x2B00, s5  }
0x64: {  	[spmem:s2] =	stream.indirect.scatter.add.f32 @p0 [tilespmem:s8], [sflag:$0x7], $0x10, s5, s7, $0xb8;
	[tilespmem:$0x9780] =	vst v63  }
0x65: {  	s5 =	simm.s32 @p0 $0x6  }
0x66: {  	_ =	swait.ge @p0 [sflag:s5], $0x800  }
0x67: {  	[sflag:s5] =	ssyncset.done @p0 $0x0  }
0x68: {  	[sflag:s5] =	ssyncadd.s32 @p0 $0xFFFFF800;
	s5 =	sshra.s32 @!p0 s29, $0x2  }
0x69: {  	s12 =	simm.s32 @!p0 $0x5000;
	s8 =	simm.s32 @!p0 $0x80;
	s7 =	sadd.s32 @!p0 $0x400, s5  }
0x6a: {  	[tilespmem:s12], [sflag:$0x1] =	stream.indirect.gather @!p0 [hbm4b:s9+s8], $0x10, s7, s8, $0xb8;
	[tilespmem:$0x9780] =	vst v63  }
0x6b: {  	s7 =	simm.s32 @!p0 $0x3  }
0x6c: {  	_ =	swait.ge @!p0 [sflag:s7], $0x800  }
0x6d: {  	[sflag:s7] =	ssyncset.done @!p0 $0x0  }
0x6e: {  	s12 =	simm.s32 @!p0 $0x6000;
	[sflag:s7] =	ssyncadd.s32 @!p0 $0xFFFFF800;
	s7 =	sadd.s32 @!p0 $0x2B00, s5  }
0x6f: {  	[spmem:s2] =	stream.indirect.scatter.add.f32 @!p0 [tilespmem:s12], [sflag:$0x7], $0x10, s7, s8, $0xb8;
	[tilespmem:$0x9780] =	vst v63  }
0x70: {  	s7 =	simm.s32 @!p0 $0x6  }
0x71: {  	_ =	swait.ge @!p0 [sflag:s7], $0x800  }
0x72: {  	[sflag:s7] =	ssyncset.done @!p0 $0x0  }
0x73: {  	s5 =	sadd.s32 @!p0 $0x480, s5;
	[sflag:s7] =	ssyncadd.s32 @!p0 $0xFFFFF800;
	s7 =	simm.s32 @!p0 $0x5800  }
0x74: {  	[tilespmem:s7], [sflag:$0x2] =	stream.indirect.gather @!p0 [hbm4b:s9+s8], $0x10, s5, s8, $0xb8;
	[tilespmem:$0x9780] =	vst v63  }
0x75: {  	_ =	swait.ge [sflag:s19], $0x800  }
0x76: {  	[sflag:s19] =	ssyncset.done $0x0  }
.Ltmp2:
0x77: {  	s12 =	sadd.s32 $0x2B80, s4;
	[sflag:s19] =	ssyncadd.s32 $0xFFFFF800;
	(pc) =	sbr.rel @p0 .LBB2_4-.Ltmp2, $4  }
0x78: {  	[spmem:s2] =	stream.indirect.scatter.add.f32 [tilespmem:s22], [sflag:$0x8], $0x10, s12, s16, $0xb8;
	[tilespmem:$0x9780] =	vst v63  }
0x79: {  	_ =	swait.ge [sflag:s26], $0x800  }
0x7a: {  	[sflag:s26] =	ssyncset.done $0x0  }
0x7b: {  	[sflag:s26] =	ssyncadd.s32 $0xFFFFF800  }
.Ltmp3:
0x7c: {  	(pc) =	sbr.rel .LBB2_2-.Ltmp3, $3  }
0x7d: {  	_ =	sdelay $0x1  }
0x7e: {  	s4 =	sadd.s32 $0x500, s4;
	s29 =	sadd.s32 $0x800, s29  }
0x7f: {  	[tilespmem:s20], [sflag:$0x3] =	stream.indirect.gather [hbm4b:s9+s16], $0x10, s4, s16, $0xb8;
	[tilespmem:$0x9780] =	vst v63  }
.LBB2_5:
0x80: {  	_ =	sfence.sel $0x180000  }
0x81: {  	[bflag:$0x0] =	sbarrier.arrive $0xFFFF  }
0x82: {  	_ =	strace $0x90000047  }
0x83: {  	s0 =	stileid.u32;
	[bflag:$0x2] =	sbarrier.arrive $0xFFFF  }
0x84: {  	p0 =	sne.s32 s0, $0x0;
	s0 =	rddreg [dreg:$0x2]  }
0x85: {  	s0 =	sadd.s32 @!p0 $0x100000, s0  }
0x86: {  	[sflag:s0] =	ssyncadd.tile.s32 @!p0 $0x1;
	_ =	shalt  }
.Lfunc_end2:
_tile_overlayer_lowered:
.L_overlay_start_2:
0x87: {  	(tag) =	ssettag $0x2  }
0x88: {  	s0 =	rddreg [dreg:$0x0];
	s2 =	stileid.u32  }
0x89: {  	s1 =	rddreg [dreg:$0x1];
	p0 =	sne.s32 s2, $0x0  }
0x8a: {  	s3 =	rddreg [dreg:$0x2];
	[bflag:$0x3] =	sbarrier.arrive $0xFFFF;
	s2 =	simm.s32 @!p0 $0x1C0C  }
0x8b: {  	[timem:s3], [sflag:s2] =	dma.local @!p0 [hbm:s0], s1  }
0x8c: {  	s0 =	simm.s32 @!p0 $0xC  }
0x8d: {  	_ =	swait.ge @!p0 [sflag:s0], s1  }
0x8e: {  	s1 =	ssub.s32 @!p0 $0x0, s1;
	[sflag:s0] =	ssyncset.done @!p0 $0x0  }
0x8f: {  	[sflag:s0] =	ssyncadd.s32 @!p0 s1  }
0x90: {  	[bflag:$0x3] =	sbarrier.arrive $0xFFFF  }
0x91: {  	_ =	shalt  }

// kernel: kernel.16.cloned.1.call-start
scs
__scs_entry_jumppad:
0x0: {  	(pc) =	sbr.rel $0x88, $3  }
0x1: {  	(tag) =	ssettag $0x0;
	lr =	simm.s32 $0x1  }
0x2: {  	[smem:$0x3F92] =	sst lr;
	_ =	strace $0xD0000000  }
0x3: {  	_ = 	snop  }
0x4: {  	_ = 	snop  }
0x5: {  	_ = 	snop  }
0x6: {  	_ = 	snop  }
0x7: {  	_ = 	snop  }
__scs_overlays_trampoline_lowered:
0x8: {  	[smem:$0x3FA1] =	sst s0  }
0x9: {  	[smem:$0x3FA2] =	sst s1  }
0xa: {  	[smem:$0x3FA3] =	sst s2  }
0xb: {  	[smem:$0x3FA4] =	sst s3  }
0xc: {  	[smem:$0x3FA5] =	sst s4  }
0xd: {  	[smem:$0x3FA6] =	sst s5  }
0xe: {  	[smem:$0x3FA7] =	sst s6  }
0xf: {  	[smem:$0x3FA8] =	sst s7  }
0x10: {  	[smem:$0x3FA9] =	sst s8  }
0x11: {  	[smem:$0x3FAA] =	sst s9;
	s0 =	simm.s32 @!p0 $0x0  }
0x12: {  	s1 =	sld [smem:$0x3F90];
	s0 =	simm.s32 @p0 $0x1  }
0x13: {  	[smem:$0x3FAB] =	sst s0;
	s0 =	simm.s32 @!p1 $0x0  }
0x14: {  	s2 =	sld [smem:$0x3F8F];
	s0 =	simm.s32 @p1 $0x1  }
0x15: {  	[smem:$0x3FAC] =	sst s0;
	s0 =	simm.s32 @!p2 $0x0  }
0x16: {  	s3 =	sld [smem:$0x3FDB];
	s0 =	simm.s32 @p2 $0x1  }
0x17: {  	s4 =	simm.s32 $0x1BF5;
	[smem:$0x3FAE] =	sst s0  }
0x18: {  	s0 =	sld [smem:$0x3F91];
	_ =	swait.ge [sflag:s4], $0x0  }
0x19: {  	s7 =	sld [smem:$0x3F92]  }
0x1a: {  	s8 =	sadd.s32 $0xFFFFE003, lr  }
0x1b: {  	s9 =	sadd.s32 $0xFFFFFEF7, lr;
	s5 =	simm.s32 $0xFFFFFFFF;
	p2 =	slt.u32 s8, $0xFFFFF086  }
0x1c: {  	p1 =	slt.u32 s9, $0xF7A;
	s5 =	simm.s32 @!p2 $0x0  }
0x1d: {  	s5 =	simm.s32 @p1 $0x1;
	p0 =	seq.s32 s7, s2  }
0x1e: {  	s7 =	smul.u32 @!p0 $0xF7A, s2;
	p2 =	seq.s32 @!p0 s5, $0x0  }
0x1f: {  	s9 =	smul.u32 $0xF7A, s1;
	s8 =	simm.s32 @!p0 $0x1BF5;
	p2 =	por !p2, p0  }
0x20: {  	[sflag:s8] =	ssyncset.s32 @!p0 $0xFFFFF086;
	s6 =	sadd.s32 @!p0 s3, s7;
	s7 =	simm.s32 @!p0 $0x108  }
0x21: {  	s3 =	sadd.s32 s3, s9;
	s6 =	sadd.s32 @!p0 $0x88, s6;
	s7 =	simm.s32 @p2 $0x1082  }
0x22: {  	[simem:s7], [sflag:s8] =	dma.local @!p0 [hbm:s6], $0xF7A  }
0x23: {  	s9 =	sor.u32 $0xD0000000, s2;
	s6 =	simm.s32 $0x108;
	_ =	swait.ge @!p0 [sflag:s8], $0x0  }
0x24: {  	s3 =	sadd.s32 $0x88, s3;
	s6 =	simm.s32 @!p1 $0x1082;
	[sflag:s4] =	ssyncset.s32 $0xFFFFF086  }
0x25: {  	[simem:s6], [sflag:s4] =	dma.local [hbm:s3], $0xF7A  }
0x26: {  	[smem:$0x3F92] =	sst s1;
	(tag) =	ssettag s2;
	_ =	strace s9  }
0x27: {  	s1 =	sld [smem:$0x3FA2]  }
0x28: {  	s2 =	sld [smem:$0x3FA3]  }
0x29: {  	s4 =	sld [smem:$0x3FA5]  }
0x2a: {  	p0 =	seq.s32 s5, $0x0;
	s5 =	sld [smem:$0x3FA6]  }
0x2b: {  	s6 =	sld [smem:$0x3FA7]  }
0x2c: {  	s7 =	sld [smem:$0x3FA8]  }
0x2d: {  	s3 =	simm.s32 $0x108;
	s8 =	sld [smem:$0x3FA9]  }
0x2e: {  	s3 =	simm.s32 @!p0 $0x1082;
	s9 =	sld [smem:$0x3FAA]  }
0x2f: {  	lr =	sadd.s32 s0, s3;
	s0 =	sld [smem:$0x3FA1]  }
0x30: {  	s3 =	sld [smem:$0x3FA4]  }
0x31: {  	[smem:$0x3FAD] =	sst s10  }
0x32: {  	s10 =	sld [smem:$0x3FAB];
	_ =	sdelay $0x3  }
0x33: {  	p0 =	seq.s32 s10, $0x1;
	s10 =	sld [smem:$0x3FAD];
	_ =	sdelay $0x3  }
0x34: {  	[smem:$0x3FAD] =	sst s10  }
0x35: {  	s10 =	sld [smem:$0x3FAC];
	_ =	sdelay $0x3  }
0x36: {  	p1 =	seq.s32 s10, $0x1;
	s10 =	sld [smem:$0x3FAD];
	_ =	sdelay $0x3  }
0x37: {  	[smem:$0x3FAD] =	sst s10  }
0x38: {  	s10 =	sld [smem:$0x3FAE]  }
0x39: {  	_ = 	snop;
	(pc) =	sbr.ind lr, $3  }
0x3a: {  	_ = 	snop  }
0x3b: {  	_ = 	snop  }
0x3c: {  	p2 =	seq.s32 s10, $0x1;
	s10 =	sld [smem:$0x3FAD]  }
0x3d: {  	_ =	shalt  }
0x3e: {  	_ =	shalt  }
0x3f: {  	_ =	shalt  }
0x40: {  	_ =	shalt  }
0x41: {  	_ =	shalt  }
0x42: {  	_ =	shalt  }
0x43: {  	_ =	shalt  }
0x44: {  	_ =	shalt  }
0x45: {  	_ =	shalt  }
0x46: {  	_ =	shalt  }
0x47: {  	_ =	shalt  }
0x48: {  	_ =	shalt  }
0x49: {  	_ =	shalt  }
0x4a: {  	_ =	shalt  }
0x4b: {  	_ =	shalt  }
0x4c: {  	_ =	shalt  }
0x4d: {  	_ =	shalt  }
0x4e: {  	_ =	shalt  }
0x4f: {  	_ =	shalt  }
0x50: {  	_ =	shalt  }
0x51: {  	_ =	shalt  }
0x52: {  	_ =	shalt  }
0x53: {  	_ =	shalt  }
0x54: {  	_ =	shalt  }
0x55: {  	_ =	shalt  }
0x56: {  	_ =	shalt  }
0x57: {  	_ =	shalt  }
0x58: {  	_ =	shalt  }
0x59: {  	_ =	shalt  }
0x5a: {  	_ =	shalt  }
0x5b: {  	_ =	shalt  }
0x5c: {  	_ =	shalt  }
0x5d: {  	_ =	shalt  }
0x5e: {  	_ =	shalt  }
0x5f: {  	_ =	shalt  }
0x60: {  	_ =	shalt  }
0x61: {  	_ =	shalt  }
0x62: {  	_ =	shalt  }
0x63: {  	_ =	shalt  }
0x64: {  	_ =	shalt  }
0x65: {  	_ =	shalt  }
0x66: {  	_ =	shalt  }
0x67: {  	_ =	shalt  }
0x68: {  	_ =	shalt  }
0x69: {  	_ =	shalt  }
0x6a: {  	_ =	shalt  }
0x6b: {  	_ =	shalt  }
0x6c: {  	_ =	shalt  }
0x6d: {  	_ =	shalt  }
0x6e: {  	_ =	shalt  }
0x6f: {  	_ =	shalt  }
0x70: {  	_ =	shalt  }
0x71: {  	_ =	shalt  }
0x72: {  	_ =	shalt  }
0x73: {  	_ =	shalt  }
0x74: {  	_ =	shalt  }
0x75: {  	_ =	shalt  }
0x76: {  	_ =	shalt  }
0x77: {  	_ =	shalt  }
0x78: {  	_ =	shalt  }
0x79: {  	_ =	shalt  }
0x7a: {  	_ =	shalt  }
0x7b: {  	_ =	shalt  }
0x7c: {  	_ =	shalt  }
0x7d: {  	_ =	shalt  }
0x7e: {  	_ =	shalt  }
0x7f: {  	_ =	shalt  }
0x80: {  	_ =	shalt  }
0x81: {  	_ =	shalt  }
0x82: {  	_ =	shalt  }
0x83: {  	_ =	shalt  }
0x84: {  	_ =	shalt  }
0x85: {  	_ =	shalt  }
0x86: {  	_ =	shalt  }
0x87: {  	_ =	shalt  }
.Lfunc_end0:
.L_simem_size_0:
called_computation.1_lowered:
.L_overlay_start_0:
0x88: {  	s2 =	sld [smem:$0x3FD9]  }
0x89: {  	s3 =	sld [smem:$0x3FFE];
	_ =	sdelay $0x1  }
0x8a: {  	s1 =	srdreg.scid  }
0x8b: {  	s0 =	sand.u32 $0x1, s1  }
0x8c: {  	s16 =	sshll.u32 s0, $0xA;
	s2 =	sadd.s32 s3, s2  }
0x8d: {  	s2 =	sadd.s32 s2, s16  }
0x8e: {  	[smem:$0x3FB9] =	sst s2  }
0x8f: {  	_ = 	snop  }
0x90: {  	(tm) =	ssettm $0x1  }
0x91: {  	s17 =	sld [smem:$0x3FFB];
	_ =	sdelay $0x3  }
0x92: {  	_ =	strace s17  }
0x93: {  	s2 =	sld [smem:$0x3FFC];
	_ =	sdelay $0x3  }
0x94: {  	_ =	strace s2  }
0x95: {  	s2 =	sld [smem:$0x3FFD];
	_ =	sdelay $0x3  }
0x96: {  	_ =	strace s2  }
0x97: {  	_ =	strace $0x8FFFFFFF  }
0x98: {  	s18 =	sld [smem:$0x3FDB];
	_ =	sdelay $0x1  }
0x99: {  	s19 =	simm.s32 $_scs_section_size  }
0x9a: {  	s4 =	simm.s32 $_size__tile_overlayer_lowered;
	s5 =	simm.s32 $_tile_overlayer_lowered  }
0x9b: {  	s22 =	simm.s32 $0x1BFF;
	s21 =	sshll.u32 s5, $0x1;
	s2 =	sadd.s32 s19, s18  }
0x9c: {  	s6 =	simm.s32 $0x0;
	s20 =	sshll.u32 s4, $0x1;
	s4 =	sadd.s32 s21, s2  }
0x9d: {  	[timem:s6], [sflag:s22] =	dma.local [hbm:s4], s20  }
0x9e: {  	_ =	swait.ge [sflag:s22], s20  }
0x9f: {  	s3 =	ssub.s32 $0x0, s20;
	[sflag:s22] =	ssyncset.done $0x0  }
0xa0: {  	[sflag:s22] =	ssyncadd.s32 s3;
	_ =	sdelay $0x1  }
0xa1: {  	s23 =	simm.s32 $0x1B8B  }
0xa2: {  	_ =	swait.ge [sflag:s23], $0x1  }
0xa3: {  	[sflag:s23] =	ssyncset.done $0x0  }
0xa4: {  	s25 =	simm.s32 $0x1B8E;
	s24 =	sld [smem:$0x3FFE];
	[sflag:s23] =	ssyncadd.s32 $0xFFFFFFFF  }
0xa5: {  	s26 =	simm.s32 $execute0_lowered;
	[smem:$0x3FD2] =	sst s25  }
0xa6: {  	s4 =	sshll.u32 s26, $0x1;
	_ =	strace $0x80000049;
	[dreg:$0x1] =	wrdreg $0xFFFFFFFF  }
0xa7: {  	s28 =	simm.s32 $_size_execute0_lowered;
	s2 =	sadd.s32 s2, s4;
	[dreg:$0x0] =	wrdreg $0x0  }
0xa8: {  	s4 =	sshll.u32 s28, $0x1;
	[dreg:$0x2] =	wrdreg s2  }
0xa9: {  	[dreg:$0x3] =	wrdreg s4  }
0xaa: {  	[dreg:$0x4] =	wrdreg $0xC0  }
0xab: {  	_ =	task [dreg:s6], $0x5FFFF  }
0xac: {  	[dreg:$0x1] =	wrdreg $0xFFFFFFFF  }
0xad: {  	[dreg:$0x0] =	wrdreg $0x60  }
0xae: {  	[dreg:$0x2] =	wrdreg s24  }
0xaf: {  	[dreg:$0x3] =	wrdreg $0x90000  }
0xb0: {  	[dreg:$0x4] =	wrdreg $0x9  }
0xb1: {  	_ =	task.clear_ibuf [dreg:s6], $0x5FFFF;
	_ =	strace $0x90000049  }
0xb2: {  	s29 =	simm.s32 $0x9;
	_ =	strace $0x8000004B  }
0xb3: {  	_ =	swait.ge [sflag:s29], $0x1  }
0xb4: {  	[sflag:s29] =	ssyncadd.s32 $0xFFFFFFFF  }
0xb5: {  	_ =	strace $0x9000004B  }
0xb6: {  	_ =	sfence  }
0xb7: {  	s30 =	sld [smem:$0x0];
	_ =	sdelay $0x2  }
0xb8: {  	s31 =	sshll.u32 s1, $0xD;
	s1 =	sshrl.u32 s1, $0x2  }
0xb9: {  	s3 =	sand.u32 $0x4000, s31;
	s1 =	sadd.s32 s1, s30  }
0xba: {  	s0 =	sor.u32 s3, s0;
	s1 =	sshll.u32 s1, $0x11  }
0xbb: {  	s0 =	sor.u32 s1, s0  }
0xbc: {  	s0 =	sadd.s32 $0x8F2B, s0  }
0xbd: {  	[sflag:s0] =	ssyncadd.remote.s32 $0x1  }
0xbe: {  	_ =	sfence.sel $0xFFFF  }
0xbf: {  	[dreg:$0x0] =	wrdreg $0xFFFFFFFF;
	(pc) =	sbr.abs _section_cstart, $3  }
0xc0: {  	[dreg:$0x1] =	wrdreg $0xFFFFFFFF  }
0xc1: {  	_ =	task.clear_ibuf [dreg:s6], $0x2FFFF;
	_ =	strace $0x9FFFFFFF  }
0xc2: {  	(tm) =	ssettm $0x7FFFFFFF  }
0xc3: {  	_ =	shalt  }
tec
execute0_lowered:
.L_overlay_start_1:
0x0: {  	(tag) =	ssettag $0x1  }
0x1: {  	s0 =	srdreg.scid  }
0x2: {  	s10 =	stileid.u32;
	s4 =	rddreg [dreg:$0x0];
	s14 =	simm.s32 $0x9  }
0x3: {  	s15 =	simm.s32 $0xA;
	s16 =	simm.s32 $0x80;
	s17 =	simm.s32 $0x5000  }
0x4: {  	s18 =	simm.s32 $0x6000;
	s20 =	simm.s32 $0x7000;
	s22 =	simm.s32 $0x8000  }
0x5: {  	s23 =	simm.s32 $0xB;
	s24 =	simm.s32 $0x1;
	s28 =	simm.s32 $0x5  }
0x6: {  	s30 =	simm.s32 $0x3;
	s19 =	simm.s32 $0x4;
	s31 =	simm.s32 $0x8  }
0x7: {  	s0 =	sand.u32 $0x1, s0;
	s1 =	sand.u32 $0x3, s10;
	s6 =	smul.u32 $0x4F00, s10  }
0x8: {  	s21 =	simm.s32 $0x0;
	s2 =	sshll.u32 s0, $0x4;
	s1 =	smul.u32 $0x9E00, s1  }
0x9: {  	s7 =	smul.u32 $0x4F000, s0;
	s0 =	ssub.s32 $0x2, s0;
	s3 =	sor.u32 s10, s2  }
0xa: {  	s2 =	rddreg [dreg:$0x1];
	s8 =	sshrl.u32 s6, $0x3;
	s9 =	sshrl.u32 s0, $0x1  }
0xb: {  	s5 =	smul.u32 $0x500, s3;
	s3 =	simm.s32 $0x0;
	s1 =	sadd.s32 s1, s4  }
0xc: {  	s7 =	sadd.s32 s6, s7;
	s8 =	sadd.s32 s8, s4;
	s0 =	ssub.s32 s0, s9  }
0xd: {  	s13 =	sadd.s32 s6, s2;
	s6 =	sshll.u32 s10, $0x6;
	[smem:$0x7FF] =	sst s3  }
0xe: {  	s7 =	sshrl.u32 s7, $0x3;
	s26 =	sadd.s32 $0x1E00, s8;
	s29 =	sor.u32 $0x1C0B, s6  }
0xf: {  	s9 =	sadd.s32 $0x51200, s1;
	s11 =	smax.u32 s0, $0x1;
	s13 =	sshrl.u32 s13, $0x3  }
.Ltmp0:
0x10: {  	s1 =	simm.s32 $0x6;
	s0 =	simm.s32 $0xC;
	(pc) =	sbr.rel .LBB2_1-.Ltmp0, $4  }
0x11: {  	_ =	strace $0x8000004A;
	s5 =	sadd.s32 s5, s4;
	[dreg:$0x5] =	wrdreg s26  }
0x12: {  	s4 =	sadd.s32 s7, s4;
	[dreg:$0x6] =	wrdreg s29;
	s25 =	sadd.s32 $0x1FA00, s5  }
0x13: {  	s26 =	simm.s32 $0x7;
	s5 =	sadd.s32 $0x15A00, s5;
	[dreg:$0x3] =	wrdreg s25  }
0x14: {  	s10 =	sadd.s32 $0x78A00, s4;
	[dreg:$0x4] =	wrdreg s5;
	s25 =	simm.s32 $0x2  }
.LBB2_4:
0x15: {  	_ =	swait.ge [sflag:s31], $0x1000  }
0x16: {  	s21 =	sadd.s32 $0x1, s21;
	[sflag:s31] =	ssyncset.done $0x0  }
0x17: {  	p0 =	sne.s32 s21, s11;
	[sflag:s31] =	ssyncadd.s32 $0xFFFFF000  }
.Ltmp1:
0x18: {  	s4 =	sor.u32 $0x1C0C, s6;
	[bflag:$0x0] =	sbarrier.arrive $0xFFFF;
	(pc) =	sbr.rel @!p0 .LBB2_5-.Ltmp1, $4  }
0x19: {  	[hbm:s10], [sflag:s4] =	dma.local [spmem:s13], $0x9E0  }
0x1a: {  	_ =	swait.ge [sflag:s0], $0x9E0  }
0x1b: {  	[sflag:s0] =	ssyncset.done $0x0  }
0x1c: {  	[sflag:s0] =	ssyncadd.s32 $0xFFFFF620  }
.LBB2_1:
0x1d: {  	s4 =	rddreg [dreg:$0x3]  }
0x1e: {  	s5 =	rddreg [dreg:$0x4]  }
0x1f: {  	[tilespmem:s3], [sflag:$0x9] =	stream.linear.gather [hbm4b:s4+s3], $0x2800, $0x38;
	[tilespmem:$0xDF00] =	vst v63  }
0x20: {  	s7 =	simm.s32 $0x2800;
	s8 =	rddreg [dreg:$0x5]  }
0x21: {  	[tilespmem:s7], [sflag:$0xA] =	stream.linear.gather [hbm4b:s5+s3], $0x2800, $0x38;
	[tilespmem:$0xDF00] =	vst v63  }
0x22: {  	s5 =	rddreg [dreg:$0x6]  }
0x23: {  	[spmem:s13], [sflag:s5] =	dma.local [hbm:s8], $0x9E0  }
0x24: {  	_ =	swait.ge [sflag:s14], $0x2800  }
0x25: {  	[sflag:s14] =	ssyncset.done $0x0  }
0x26: {  	[sflag:s14] =	ssyncadd.s32 $0xFFFFD800  }
0x27: {  	_ =	swait.ge [sflag:s15], $0x2800  }
0x28: {  	[sflag:s15] =	ssyncset.done $0x0  }
0x29: {  	[sflag:s15] =	ssyncadd.s32 $0xFFFFD800  }
0x2a: {  	[tilespmem:s17], [sflag:$0x1] =	stream.indirect.gather [hbm4b:s9+s16], $0x20, s3, s16, $0xb8;
	[tilespmem:$0xDF00] =	vst v63  }
0x2b: {  	_ = 	snop  }
0x2c: {  	[tilespmem:s18], [sflag:$0x2] =	stream.indirect.gather [hbm4b:s9+s16], $0x20, s16, s16, $0xb8;
	[tilespmem:$0xDF00] =	vst v63  }
0x2d: {  	s12 =	simm.s32 $0x100  }
0x2e: {  	[tilespmem:s20], [sflag:$0x3] =	stream.indirect.gather [hbm4b:s9+s16], $0x20, s12, s16, $0xb8;
	[tilespmem:$0xDF00] =	vst v63  }
0x2f: {  	s5 =	simm.s32 $0x180  }
0x30: {  	[tilespmem:s22], [sflag:$0x4] =	stream.indirect.gather [hbm4b:s9+s16], $0x20, s5, s16, $0xb8;
	[tilespmem:$0xDF00] =	vst v63  }
0x31: {  	_ =	swait.ge [sflag:s23], $0x9E0  }
0x32: {  	[sflag:s23] =	ssyncset.done $0x0  }
0x33: {  	[sflag:s23] =	ssyncadd.s32 $0xFFFFF620  }
0x34: {  	[bflag:$0x0] =	sbarrier.arrive $0xFFFF  }
0x35: {  	_ =	swait.ge [sflag:s24], $0x1000  }
0x36: {  	[sflag:s24] =	ssyncset.done $0x0  }
0x37: {  	[sflag:s24] =	ssyncadd.s32 $0xFFFFF000  }
0x38: {  	[spmem:s2] =	stream.indirect.scatter.add.f32 [tilespmem:s17], [sflag:$0x5], $0x20, s7, s16, $0xb8;
	[tilespmem:$0xDF00] =	vst v63  }
0x39: {  	_ =	swait.ge [sflag:s25], $0x1000  }
0x3a: {  	[sflag:s25] =	ssyncset.done $0x0  }
0x3b: {  	s8 =	simm.s32 $0x2880;
	[sflag:s25] =	ssyncadd.s32 $0xFFFFF000  }
0x3c: {  	[spmem:s2] =	stream.indirect.scatter.add.f32 [tilespmem:s18], [sflag:$0x6], $0x20, s8, s16, $0xb8;
	[tilespmem:$0xDF00] =	vst v63  }
0x3d: {  	_ =	swait.ge [sflag:s28], $0x1000  }
0x3e: {  	[sflag:s28] =	ssyncset.done $0x0  }
0x3f: {  	s12 =	simm.s32 $0x200;
	[sflag:s28] =	ssyncadd.s32 $0xFFFFF000  }
0x40: {  	[tilespmem:s17], [sflag:$0x1] =	stream.indirect.gather [hbm4b:s9+s16], $0x20, s12, s16, $0xb8;
	[tilespmem:$0xDF00] =	vst v63  }
0x41: {  	_ =	swait.ge [sflag:s30], $0x1000  }
0x42: {  	[sflag:s30] =	ssyncset.done $0x0  }
0x43: {  	s5 =	simm.s32 $0x2900;
	[sflag:s30] =	ssyncadd.s32 $0xFFFFF000  }
0x44: {  	[spmem:s2] =	stream.indirect.scatter.add.f32 [tilespmem:s20], [sflag:$0x7], $0x20, s5, s16, $0xb8;
	[tilespmem:$0xDF00] =	vst v63  }
0x45: {  	_ =	swait.ge [sflag:s1], $0x1000  }
0x46: {  	[sflag:s1] =	ssyncset.done $0x0  }
0x47: {  	s7 =	simm.s32 $0x280;
	[sflag:s1] =	ssyncadd.s32 $0xFFFFF000  }
0x48: {  	[tilespmem:s18], [sflag:$0x2] =	stream.indirect.gather [hbm4b:s9+s16], $0x20, s7, s16, $0xb8;
	[tilespmem:$0xDF00] =	vst v63  }
0x49: {  	_ =	swait.ge [sflag:s19], $0x1000  }
0x4a: {  	[sflag:s19] =	ssyncset.done $0x0  }
0x4b: {  	s8 =	simm.s32 $0x2980;
	[sflag:s19] =	ssyncadd.s32 $0xFFFFF000  }
0x4c: {  	[spmem:s2] =	stream.indirect.scatter.add.f32 [tilespmem:s22], [sflag:$0x8], $0x20, s8, s16, $0xb8;
	[tilespmem:$0xDF00] =	vst v63  }
0x4d: {  	_ =	swait.ge [sflag:s26], $0x1000  }
0x4e: {  	[sflag:s26] =	ssyncset.done $0x0  }
0x4f: {  	s29 =	simm.s32 $0x0;
	s12 =	simm.s32 $0x300;
	[sflag:s26] =	ssyncadd.s32 $0xFFFFF000  }
0x50: {  	[tilespmem:s20], [sflag:$0x3] =	stream.indirect.gather [hbm4b:s9+s16], $0x20, s12, s16, $0xb8;
	[tilespmem:$0xDF00] =	vst v63  }
.LBB2_2:
0x51: {  	_ =	swait.ge [sflag:s24], $0x1000  }
0x52: {  	s4 =	sshra.s32 s29, $0x2;
	[sflag:s24] =	ssyncset.done $0x0  }
0x53: {  	s5 =	sadd.s32 $0x2A00, s4;
	[sflag:s24] =	ssyncadd.s32 $0xFFFFF000  }
0x54: {  	[spmem:s2] =	stream.indirect.scatter.add.f32 [tilespmem:s17], [sflag:$0x5], $0x20, s5, s16, $0xb8;
	[tilespmem:$0xDF00] =	vst v63  }
0x55: {  	_ =	swait.ge [sflag:s31], $0x1000  }
0x56: {  	[sflag:s31] =	ssyncset.done $0x0  }
0x57: {  	s7 =	sadd.s32 $0x380, s4;
	[sflag:s31] =	ssyncadd.s32 $0xFFFFF000  }
0x58: {  	[tilespmem:s22], [sflag:$0x4] =	stream.indirect.gather [hbm4b:s9+s16], $0x20, s7, s16, $0xb8;
	[tilespmem:$0xDF00] =	vst v63  }
0x59: {  	_ =	swait.ge [sflag:s25], $0x1000  }
0x5a: {  	[sflag:s25] =	ssyncset.done $0x0  }
0x5b: {  	s8 =	sadd.s32 $0x2A80, s4;
	[sflag:s25] =	ssyncadd.s32 $0xFFFFF000  }
0x5c: {  	[spmem:s2] =	stream.indirect.scatter.add.f32 [tilespmem:s18], [sflag:$0x6], $0x20, s8, s16, $0xb8;
	[tilespmem:$0xDF00] =	vst v63  }
0x5d: {  	_ =	swait.ge [sflag:s28], $0x1000  }
0x5e: {  	p0 =	seq.s32 s29, $0x9000;
	[sflag:s28] =	ssyncset.done $0x0  }
0x5f: {  	s5 =	simm.s32 @p0 $0x3;
	[sflag:s28] =	ssyncadd.s32 $0xFFFFF000  }
0x60: {  	_ =	swait.ge @p0 [sflag:s5], $0x1000  }
0x61: {  	[sflag:s5] =	ssyncset.done @p0 $0x0  }
0x62: {  	[sflag:s5] =	ssyncadd.s32 @p0 $0xFFFFF000;
	s5 =	sshra.s32 @p0 s29, $0x2  }
0x63: {  	s7 =	simm.s32 @p0 $0x80;
	s8 =	simm.s32 @p0 $0x7000;
	s5 =	sadd.s32 @p0 $0x2B00, s5  }
0x64: {  	[spmem:s2] =	stream.indirect.scatter.add.f32 @p0 [tilespmem:s8], [sflag:$0x7], $0x20, s5, s7, $0xb8;
	[tilespmem:$0xDF00] =	vst v63  }
0x65: {  	s5 =	simm.s32 @p0 $0x6  }
0x66: {  	_ =	swait.ge @p0 [sflag:s5], $0x1000  }
0x67: {  	[sflag:s5] =	ssyncset.done @p0 $0x0  }
0x68: {  	[sflag:s5] =	ssyncadd.s32 @p0 $0xFFFFF000;
	s5 =	sshra.s32 @!p0 s29, $0x2  }
0x69: {  	s12 =	simm.s32 @!p0 $0x5000;
	s8 =	simm.s32 @!p0 $0x80;
	s7 =	sadd.s32 @!p0 $0x400, s5  }
0x6a: {  	[tilespmem:s12], [sflag:$0x1] =	stream.indirect.gather @!p0 [hbm4b:s9+s8], $0x20, s7, s8, $0xb8;
	[tilespmem:$0xDF00] =	vst v63  }
0x6b: {  	s7 =	simm.s32 @!p0 $0x3  }
0x6c: {  	_ =	swait.ge @!p0 [sflag:s7], $0x1000  }
0x6d: {  	[sflag:s7] =	ssyncset.done @!p0 $0x0  }
0x6e: {  	s12 =	simm.s32 @!p0 $0x7000;
	[sflag:s7] =	ssyncadd.s32 @!p0 $0xFFFFF000;
	s7 =	sadd.s32 @!p0 $0x2B00, s5  }
0x6f: {  	[spmem:s2] =	stream.indirect.scatter.add.f32 @!p0 [tilespmem:s12], [sflag:$0x7], $0x20, s7, s8, $0xb8;
	[tilespmem:$0xDF00] =	vst v63  }
0x70: {  	s7 =	simm.s32 @!p0 $0x6  }
0x71: {  	_ =	swait.ge @!p0 [sflag:s7], $0x1000  }
0x72: {  	[sflag:s7] =	ssyncset.done @!p0 $0x0  }
0x73: {  	s5 =	sadd.s32 @!p0 $0x480, s5;
	[sflag:s7] =	ssyncadd.s32 @!p0 $0xFFFFF000;
	s7 =	simm.s32 @!p0 $0x6000  }
0x74: {  	[tilespmem:s7], [sflag:$0x2] =	stream.indirect.gather @!p0 [hbm4b:s9+s8], $0x20, s5, s8, $0xb8;
	[tilespmem:$0xDF00] =	vst v63  }
0x75: {  	_ =	swait.ge [sflag:s19], $0x1000  }
0x76: {  	[sflag:s19] =	ssyncset.done $0x0  }
.Ltmp2:
0x77: {  	s12 =	sadd.s32 $0x2B80, s4;
	[sflag:s19] =	ssyncadd.s32 $0xFFFFF000;
	(pc) =	sbr.rel @p0 .LBB2_4-.Ltmp2, $4  }
0x78: {  	[spmem:s2] =	stream.indirect.scatter.add.f32 [tilespmem:s22], [sflag:$0x8], $0x20, s12, s16, $0xb8;
	[tilespmem:$0xDF00] =	vst v63  }
0x79: {  	_ =	swait.ge [sflag:s26], $0x1000  }
0x7a: {  	[sflag:s26] =	ssyncset.done $0x0  }
0x7b: {  	[sflag:s26] =	ssyncadd.s32 $0xFFFFF000  }
.Ltmp3:
0x7c: {  	(pc) =	sbr.rel .LBB2_2-.Ltmp3, $3  }
0x7d: {  	_ =	sdelay $0x1  }
0x7e: {  	s4 =	sadd.s32 $0x500, s4;
	s29 =	sadd.s32 $0x800, s29  }
0x7f: {  	[tilespmem:s20], [sflag:$0x3] =	stream.indirect.gather [hbm4b:s9+s16], $0x20, s4, s16, $0xb8;
	[tilespmem:$0xDF00] =	vst v63  }
.LBB2_5:
0x80: {  	_ =	sfence.sel $0x180000  }
0x81: {  	[bflag:$0x0] =	sbarrier.arrive $0xFFFF  }
0x82: {  	_ =	strace $0x9000004A  }
0x83: {  	s0 =	stileid.u32;
	[bflag:$0x2] =	sbarrier.arrive $0xFFFF  }
0x84: {  	p0 =	sne.s32 s0, $0x0;
	s0 =	rddreg [dreg:$0x2]  }
0x85: {  	s0 =	sadd.s32 @!p0 $0x100000, s0  }
0x86: {  	[sflag:s0] =	ssyncadd.tile.s32 @!p0 $0x1;
	_ =	shalt  }
.Lfunc_end2:
_tile_overlayer_lowered:
.L_overlay_start_2:
0x87: {  	(tag) =	ssettag $0x2  }
0x88: {  	s0 =	rddreg [dreg:$0x0];
	s2 =	stileid.u32  }
0x89: {  	s1 =	rddreg [dreg:$0x1];
	p0 =	sne.s32 s2, $0x0  }
0x8a: {  	s3 =	rddreg [dreg:$0x2];
	[bflag:$0x3] =	sbarrier.arrive $0xFFFF;
	s2 =	simm.s32 @!p0 $0x1C0C  }
0x8b: {  	[timem:s3], [sflag:s2] =	dma.local @!p0 [hbm:s0], s1  }
0x8c: {  	s0 =	simm.s32 @!p0 $0xC  }
0x8d: {  	_ =	swait.ge @!p0 [sflag:s0], s1  }
0x8e: {  	s1 =	ssub.s32 @!p0 $0x0, s1;
	[sflag:s0] =	ssyncset.done @!p0 $0x0  }
0x8f: {  	[sflag:s0] =	ssyncadd.s32 @!p0 s1  }
0x90: {  	[bflag:$0x3] =	sbarrier.arrive $0xFFFF  }
0x91: {  	_ =	shalt  }

// kernel: kernel.19.cloned.1.call-start
scs
__scs_entry_jumppad:
0x0: {  	(pc) =	sbr.rel $0x88, $3  }
0x1: {  	(tag) =	ssettag $0x0;
	lr =	simm.s32 $0x1  }
0x2: {  	[smem:$0x3F92] =	sst lr;
	_ =	strace $0xD0000000  }
0x3: {  	_ = 	snop  }
0x4: {  	_ = 	snop  }
0x5: {  	_ = 	snop  }
0x6: {  	_ = 	snop  }
0x7: {  	_ = 	snop  }
__scs_overlays_trampoline_lowered:
0x8: {  	[smem:$0x3FA1] =	sst s0  }
0x9: {  	[smem:$0x3FA2] =	sst s1  }
0xa: {  	[smem:$0x3FA3] =	sst s2  }
0xb: {  	[smem:$0x3FA4] =	sst s3  }
0xc: {  	[smem:$0x3FA5] =	sst s4  }
0xd: {  	[smem:$0x3FA6] =	sst s5  }
0xe: {  	[smem:$0x3FA7] =	sst s6  }
0xf: {  	[smem:$0x3FA8] =	sst s7  }
0x10: {  	[smem:$0x3FA9] =	sst s8  }
0x11: {  	[smem:$0x3FAA] =	sst s9;
	s0 =	simm.s32 @!p0 $0x0  }
0x12: {  	s1 =	sld [smem:$0x3F90];
	s0 =	simm.s32 @p0 $0x1  }
0x13: {  	[smem:$0x3FAB] =	sst s0;
	s0 =	simm.s32 @!p1 $0x0  }
0x14: {  	s2 =	sld [smem:$0x3F8F];
	s0 =	simm.s32 @p1 $0x1  }
0x15: {  	[smem:$0x3FAC] =	sst s0;
	s0 =	simm.s32 @!p2 $0x0  }
0x16: {  	s3 =	sld [smem:$0x3FDB];
	s0 =	simm.s32 @p2 $0x1  }
0x17: {  	s4 =	simm.s32 $0x1BF5;
	[smem:$0x3FAE] =	sst s0  }
0x18: {  	s0 =	sld [smem:$0x3F91];
	_ =	swait.ge [sflag:s4], $0x0  }
0x19: {  	s7 =	sld [smem:$0x3F92]  }
0x1a: {  	s8 =	sadd.s32 $0xFFFFE003, lr  }
0x1b: {  	s9 =	sadd.s32 $0xFFFFFEF7, lr;
	s5 =	simm.s32 $0xFFFFFFFF;
	p2 =	slt.u32 s8, $0xFFFFF086  }
0x1c: {  	p1 =	slt.u32 s9, $0xF7A;
	s5 =	simm.s32 @!p2 $0x0  }
0x1d: {  	s5 =	simm.s32 @p1 $0x1;
	p0 =	seq.s32 s7, s2  }
0x1e: {  	s7 =	smul.u32 @!p0 $0xF7A, s2;
	p2 =	seq.s32 @!p0 s5, $0x0  }
0x1f: {  	s9 =	smul.u32 $0xF7A, s1;
	s8 =	simm.s32 @!p0 $0x1BF5;
	p2 =	por !p2, p0  }
0x20: {  	[sflag:s8] =	ssyncset.s32 @!p0 $0xFFFFF086;
	s6 =	sadd.s32 @!p0 s3, s7;
	s7 =	simm.s32 @!p0 $0x108  }
0x21: {  	s3 =	sadd.s32 s3, s9;
	s6 =	sadd.s32 @!p0 $0x88, s6;
	s7 =	simm.s32 @p2 $0x1082  }
0x22: {  	[simem:s7], [sflag:s8] =	dma.local @!p0 [hbm:s6], $0xF7A  }
0x23: {  	s9 =	sor.u32 $0xD0000000, s2;
	s6 =	simm.s32 $0x108;
	_ =	swait.ge @!p0 [sflag:s8], $0x0  }
0x24: {  	s3 =	sadd.s32 $0x88, s3;
	s6 =	simm.s32 @!p1 $0x1082;
	[sflag:s4] =	ssyncset.s32 $0xFFFFF086  }
0x25: {  	[simem:s6], [sflag:s4] =	dma.local [hbm:s3], $0xF7A  }
0x26: {  	[smem:$0x3F92] =	sst s1;
	(tag) =	ssettag s2;
	_ =	strace s9  }
0x27: {  	s1 =	sld [smem:$0x3FA2]  }
0x28: {  	s2 =	sld [smem:$0x3FA3]  }
0x29: {  	s4 =	sld [smem:$0x3FA5]  }
0x2a: {  	p0 =	seq.s32 s5, $0x0;
	s5 =	sld [smem:$0x3FA6]  }
0x2b: {  	s6 =	sld [smem:$0x3FA7]  }
0x2c: {  	s7 =	sld [smem:$0x3FA8]  }
0x2d: {  	s3 =	simm.s32 $0x108;
	s8 =	sld [smem:$0x3FA9]  }
0x2e: {  	s3 =	simm.s32 @!p0 $0x1082;
	s9 =	sld [smem:$0x3FAA]  }
0x2f: {  	lr =	sadd.s32 s0, s3;
	s0 =	sld [smem:$0x3FA1]  }
0x30: {  	s3 =	sld [smem:$0x3FA4]  }
0x31: {  	[smem:$0x3FAD] =	sst s10  }
0x32: {  	s10 =	sld [smem:$0x3FAB];
	_ =	sdelay $0x3  }
0x33: {  	p0 =	seq.s32 s10, $0x1;
	s10 =	sld [smem:$0x3FAD];
	_ =	sdelay $0x3  }
0x34: {  	[smem:$0x3FAD] =	sst s10  }
0x35: {  	s10 =	sld [smem:$0x3FAC];
	_ =	sdelay $0x3  }
0x36: {  	p1 =	seq.s32 s10, $0x1;
	s10 =	sld [smem:$0x3FAD];
	_ =	sdelay $0x3  }
0x37: {  	[smem:$0x3FAD] =	sst s10  }
0x38: {  	s10 =	sld [smem:$0x3FAE]  }
0x39: {  	_ = 	snop;
	(pc) =	sbr.ind lr, $3  }
0x3a: {  	_ = 	snop  }
0x3b: {  	_ = 	snop  }
0x3c: {  	p2 =	seq.s32 s10, $0x1;
	s10 =	sld [smem:$0x3FAD]  }
0x3d: {  	_ =	shalt  }
0x3e: {  	_ =	shalt  }
0x3f: {  	_ =	shalt  }
0x40: {  	_ =	shalt  }
0x41: {  	_ =	shalt  }
0x42: {  	_ =	shalt  }
0x43: {  	_ =	shalt  }
0x44: {  	_ =	shalt  }
0x45: {  	_ =	shalt  }
0x46: {  	_ =	shalt  }
0x47: {  	_ =	shalt  }
0x48: {  	_ =	shalt  }
0x49: {  	_ =	shalt  }
0x4a: {  	_ =	shalt  }
0x4b: {  	_ =	shalt  }
0x4c: {  	_ =	shalt  }
0x4d: {  	_ =	shalt  }
0x4e: {  	_ =	shalt  }
0x4f: {  	_ =	shalt  }
0x50: {  	_ =	shalt  }
0x51: {  	_ =	shalt  }
0x52: {  	_ =	shalt  }
0x53: {  	_ =	shalt  }
0x54: {  	_ =	shalt  }
0x55: {  	_ =	shalt  }
0x56: {  	_ =	shalt  }
0x57: {  	_ =	shalt  }
0x58: {  	_ =	shalt  }
0x59: {  	_ =	shalt  }
0x5a: {  	_ =	shalt  }
0x5b: {  	_ =	shalt  }
0x5c: {  	_ =	shalt  }
0x5d: {  	_ =	shalt  }
0x5e: {  	_ =	shalt  }
0x5f: {  	_ =	shalt  }
0x60: {  	_ =	shalt  }
0x61: {  	_ =	shalt  }
0x62: {  	_ =	shalt  }
0x63: {  	_ =	shalt  }
0x64: {  	_ =	shalt  }
0x65: {  	_ =	shalt  }
0x66: {  	_ =	shalt  }
0x67: {  	_ =	shalt  }
0x68: {  	_ =	shalt  }
0x69: {  	_ =	shalt  }
0x6a: {  	_ =	shalt  }
0x6b: {  	_ =	shalt  }
0x6c: {  	_ =	shalt  }
0x6d: {  	_ =	shalt  }
0x6e: {  	_ =	shalt  }
0x6f: {  	_ =	shalt  }
0x70: {  	_ =	shalt  }
0x71: {  	_ =	shalt  }
0x72: {  	_ =	shalt  }
0x73: {  	_ =	shalt  }
0x74: {  	_ =	shalt  }
0x75: {  	_ =	shalt  }
0x76: {  	_ =	shalt  }
0x77: {  	_ =	shalt  }
0x78: {  	_ =	shalt  }
0x79: {  	_ =	shalt  }
0x7a: {  	_ =	shalt  }
0x7b: {  	_ =	shalt  }
0x7c: {  	_ =	shalt  }
0x7d: {  	_ =	shalt  }
0x7e: {  	_ =	shalt  }
0x7f: {  	_ =	shalt  }
0x80: {  	_ =	shalt  }
0x81: {  	_ =	shalt  }
0x82: {  	_ =	shalt  }
0x83: {  	_ =	shalt  }
0x84: {  	_ =	shalt  }
0x85: {  	_ =	shalt  }
0x86: {  	_ =	shalt  }
0x87: {  	_ =	shalt  }
.Lfunc_end0:
.L_simem_size_0:
called_computation.2_lowered:
.L_overlay_start_0:
0x88: {  	s2 =	sld [smem:$0x3FD9]  }
0x89: {  	s3 =	sld [smem:$0x3FFE];
	_ =	sdelay $0x1  }
0x8a: {  	s1 =	srdreg.scid  }
0x8b: {  	s0 =	sand.u32 $0x1, s1  }
0x8c: {  	s16 =	sshll.u32 s0, $0xA;
	s2 =	sadd.s32 s3, s2  }
0x8d: {  	s2 =	sadd.s32 s2, s16  }
0x8e: {  	[smem:$0x3FB9] =	sst s2  }
0x8f: {  	_ = 	snop  }
0x90: {  	(tm) =	ssettm $0x1  }
0x91: {  	s17 =	sld [smem:$0x3FFB];
	_ =	sdelay $0x3  }
0x92: {  	_ =	strace s17  }
0x93: {  	s2 =	sld [smem:$0x3FFC];
	_ =	sdelay $0x3  }
0x94: {  	_ =	strace s2  }
0x95: {  	s2 =	sld [smem:$0x3FFD];
	_ =	sdelay $0x3  }
0x96: {  	_ =	strace s2  }
0x97: {  	_ =	strace $0x8FFFFFFF  }
0x98: {  	s18 =	sld [smem:$0x3FDB];
	_ =	sdelay $0x1  }
0x99: {  	s19 =	simm.s32 $_scs_section_size  }
0x9a: {  	s4 =	simm.s32 $_size__tile_overlayer_lowered;
	s5 =	simm.s32 $_tile_overlayer_lowered  }
0x9b: {  	s22 =	simm.s32 $0x1BFF;
	s21 =	sshll.u32 s5, $0x1;
	s2 =	sadd.s32 s19, s18  }
0x9c: {  	s6 =	simm.s32 $0x0;
	s20 =	sshll.u32 s4, $0x1;
	s4 =	sadd.s32 s21, s2  }
0x9d: {  	[timem:s6], [sflag:s22] =	dma.local [hbm:s4], s20  }
0x9e: {  	_ =	swait.ge [sflag:s22], s20  }
0x9f: {  	s3 =	ssub.s32 $0x0, s20;
	[sflag:s22] =	ssyncset.done $0x0  }
0xa0: {  	[sflag:s22] =	ssyncadd.s32 s3;
	_ =	sdelay $0x1  }
0xa1: {  	s23 =	simm.s32 $0x1B8B  }
0xa2: {  	_ =	swait.ge [sflag:s23], $0x1  }
0xa3: {  	[sflag:s23] =	ssyncset.done $0x0  }
0xa4: {  	s25 =	simm.s32 $0x1B8E;
	s24 =	sld [smem:$0x3FFE];
	[sflag:s23] =	ssyncadd.s32 $0xFFFFFFFF  }
0xa5: {  	s26 =	simm.s32 $execute0_lowered;
	[smem:$0x3FD2] =	sst s25  }
0xa6: {  	s4 =	sshll.u32 s26, $0x1;
	_ =	strace $0x8000004C;
	[dreg:$0x1] =	wrdreg $0xFFFFFFFF  }
0xa7: {  	s28 =	simm.s32 $_size_execute0_lowered;
	s2 =	sadd.s32 s2, s4;
	[dreg:$0x0] =	wrdreg $0x0  }
0xa8: {  	s4 =	sshll.u32 s28, $0x1;
	[dreg:$0x2] =	wrdreg s2  }
0xa9: {  	[dreg:$0x3] =	wrdreg s4  }
0xaa: {  	[dreg:$0x4] =	wrdreg $0xC0  }
0xab: {  	_ =	task [dreg:s6], $0x5FFFF  }
0xac: {  	[dreg:$0x1] =	wrdreg $0xFFFFFFFF  }
0xad: {  	[dreg:$0x0] =	wrdreg $0x60  }
0xae: {  	[dreg:$0x2] =	wrdreg s24  }
0xaf: {  	[dreg:$0x3] =	wrdreg $0x90000  }
0xb0: {  	[dreg:$0x4] =	wrdreg $0x9  }
0xb1: {  	_ =	task.clear_ibuf [dreg:s6], $0x5FFFF;
	_ =	strace $0x9000004C  }
0xb2: {  	s29 =	simm.s32 $0x9;
	_ =	strace $0x8000004E  }
0xb3: {  	_ =	swait.ge [sflag:s29], $0x1  }
0xb4: {  	[sflag:s29] =	ssyncadd.s32 $0xFFFFFFFF  }
0xb5: {  	_ =	strace $0x9000004E  }
0xb6: {  	_ =	sfence  }
0xb7: {  	s30 =	sld [smem:$0x0];
	_ =	sdelay $0x2  }
0xb8: {  	s31 =	sshll.u32 s1, $0xD;
	s1 =	sshrl.u32 s1, $0x2  }
0xb9: {  	s3 =	sand.u32 $0x4000, s31;
	s1 =	sadd.s32 s1, s30  }
0xba: {  	s0 =	sor.u32 s3, s0;
	s1 =	sshll.u32 s1, $0x11  }
0xbb: {  	s0 =	sor.u32 s1, s0  }
0xbc: {  	s0 =	sadd.s32 $0x8F2B, s0  }
0xbd: {  	[sflag:s0] =	ssyncadd.remote.s32 $0x1  }
0xbe: {  	_ =	sfence.sel $0xFFFF  }
0xbf: {  	[dreg:$0x0] =	wrdreg $0xFFFFFFFF;
	(pc) =	sbr.abs _section_cstart, $3  }
0xc0: {  	[dreg:$0x1] =	wrdreg $0xFFFFFFFF  }
0xc1: {  	_ =	task.clear_ibuf [dreg:s6], $0x2FFFF;
	_ =	strace $0x9FFFFFFF  }
0xc2: {  	(tm) =	ssettm $0x7FFFFFFF  }
0xc3: {  	_ =	shalt  }
tec
execute0_lowered:
.L_overlay_start_1:
0x0: {  	(tag) =	ssettag $0x1  }
0x1: {  	s0 =	srdreg.scid  }
0x2: {  	s10 =	stileid.u32;
	s4 =	rddreg [dreg:$0x0];
	s14 =	simm.s32 $0x9  }
0x3: {  	s15 =	simm.s32 $0xA;
	s16 =	simm.s32 $0x80;
	s17 =	simm.s32 $0x5000  }
0x4: {  	s18 =	simm.s32 $0x6000;
	s20 =	simm.s32 $0x7000;
	s22 =	simm.s32 $0x8000  }
0x5: {  	s23 =	simm.s32 $0xB;
	s24 =	simm.s32 $0x1;
	s28 =	simm.s32 $0x5  }
0x6: {  	s30 =	simm.s32 $0x3;
	s19 =	simm.s32 $0x4;
	s31 =	simm.s32 $0x8  }
0x7: {  	s0 =	sand.u32 $0x1, s0;
	s1 =	sand.u32 $0x3, s10;
	s6 =	smul.u32 $0x4F00, s10  }
0x8: {  	s21 =	simm.s32 $0x0;
	s2 =	sshll.u32 s0, $0x4;
	s1 =	smul.u32 $0x9E00, s1  }
0x9: {  	s7 =	smul.u32 $0x4F000, s0;
	s0 =	ssub.s32 $0x2, s0;
	s3 =	sor.u32 s10, s2  }
0xa: {  	s2 =	rddreg [dreg:$0x1];
	s8 =	sshrl.u32 s6, $0x3;
	s9 =	sshrl.u32 s0, $0x1  }
0xb: {  	s5 =	smul.u32 $0x500, s3;
	s3 =	simm.s32 $0x0;
	s1 =	sadd.s32 s1, s4  }
0xc: {  	s7 =	sadd.s32 s6, s7;
	s8 =	sadd.s32 s8, s4;
	s0 =	ssub.s32 s0, s9  }
0xd: {  	s13 =	sadd.s32 s6, s2;
	s6 =	sshll.u32 s10, $0x6;
	[smem:$0x7FF] =	sst s3  }
0xe: {  	s7 =	sshrl.u32 s7, $0x3;
	s26 =	sadd.s32 $0x1E00, s8;
	s29 =	sor.u32 $0x1C0B, s6  }
0xf: {  	s9 =	sadd.s32 $0x51200, s1;
	s11 =	smax.u32 s0, $0x1;
	s13 =	sshrl.u32 s13, $0x3  }
.Ltmp0:
0x10: {  	s1 =	simm.s32 $0x6;
	s0 =	simm.s32 $0xC;
	(pc) =	sbr.rel .LBB2_1-.Ltmp0, $4  }
0x11: {  	_ =	strace $0x8000004D;
	s5 =	sadd.s32 s5, s4;
	[dreg:$0x5] =	wrdreg s26  }
0x12: {  	s4 =	sadd.s32 s7, s4;
	[dreg:$0x6] =	wrdreg s29;
	s25 =	sadd.s32 $0x1FA00, s5  }
0x13: {  	s26 =	simm.s32 $0x7;
	s5 =	sadd.s32 $0x15A00, s5;
	[dreg:$0x3] =	wrdreg s25  }
0x14: {  	s10 =	sadd.s32 $0x78A00, s4;
	[dreg:$0x4] =	wrdreg s5;
	s25 =	simm.s32 $0x2  }
.LBB2_4:
0x15: {  	_ =	swait.ge [sflag:s31], $0x1000  }
0x16: {  	s21 =	sadd.s32 $0x1, s21;
	[sflag:s31] =	ssyncset.done $0x0  }
0x17: {  	p0 =	sne.s32 s21, s11;
	[sflag:s31] =	ssyncadd.s32 $0xFFFFF000  }
.Ltmp1:
0x18: {  	s4 =	sor.u32 $0x1C0C, s6;
	[bflag:$0x0] =	sbarrier.arrive $0xFFFF;
	(pc) =	sbr.rel @!p0 .LBB2_5-.Ltmp1, $4  }
0x19: {  	[hbm:s10], [sflag:s4] =	dma.local [spmem:s13], $0x9E0  }
0x1a: {  	_ =	swait.ge [sflag:s0], $0x9E0  }
0x1b: {  	[sflag:s0] =	ssyncset.done $0x0  }
0x1c: {  	[sflag:s0] =	ssyncadd.s32 $0xFFFFF620  }
.LBB2_1:
0x1d: {  	s4 =	rddreg [dreg:$0x3]  }
0x1e: {  	s5 =	rddreg [dreg:$0x4]  }
0x1f: {  	[tilespmem:s3], [sflag:$0x9] =	stream.linear.gather [hbm4b:s4+s3], $0x2800, $0x38;
	[tilespmem:$0xDF00] =	vst v63  }
0x20: {  	s7 =	simm.s32 $0x2800;
	s8 =	rddreg [dreg:$0x5]  }
0x21: {  	[tilespmem:s7], [sflag:$0xA] =	stream.linear.gather [hbm4b:s5+s3], $0x2800, $0x38;
	[tilespmem:$0xDF00] =	vst v63  }
0x22: {  	s5 =	rddreg [dreg:$0x6]  }
0x23: {  	[spmem:s13], [sflag:s5] =	dma.local [hbm:s8], $0x9E0  }
0x24: {  	_ =	swait.ge [sflag:s14], $0x2800  }
0x25: {  	[sflag:s14] =	ssyncset.done $0x0  }
0x26: {  	[sflag:s14] =	ssyncadd.s32 $0xFFFFD800  }
0x27: {  	_ =	swait.ge [sflag:s15], $0x2800  }
0x28: {  	[sflag:s15] =	ssyncset.done $0x0  }
0x29: {  	[sflag:s15] =	ssyncadd.s32 $0xFFFFD800  }
0x2a: {  	[tilespmem:s17], [sflag:$0x1] =	stream.indirect.gather [hbm4b:s9+s16], $0x20, s3, s16, $0xb8;
	[tilespmem:$0xDF00] =	vst v63  }
0x2b: {  	_ = 	snop  }
0x2c: {  	[tilespmem:s18], [sflag:$0x2] =	stream.indirect.gather [hbm4b:s9+s16], $0x20, s16, s16, $0xb8;
	[tilespmem:$0xDF00] =	vst v63  }
0x2d: {  	s12 =	simm.s32 $0x100  }
0x2e: {  	[tilespmem:s20], [sflag:$0x3] =	stream.indirect.gather [hbm4b:s9+s16], $0x20, s12, s16, $0xb8;
	[tilespmem:$0xDF00] =	vst v63  }
0x2f: {  	s5 =	simm.s32 $0x180  }
0x30: {  	[tilespmem:s22], [sflag:$0x4] =	stream.indirect.gather [hbm4b:s9+s16], $0x20, s5, s16, $0xb8;
	[tilespmem:$0xDF00] =	vst v63  }
0x31: {  	_ =	swait.ge [sflag:s23], $0x9E0  }
0x32: {  	[sflag:s23] =	ssyncset.done $0x0  }
0x33: {  	[sflag:s23] =	ssyncadd.s32 $0xFFFFF620  }
0x34: {  	[bflag:$0x0] =	sbarrier.arrive $0xFFFF  }
0x35: {  	_ =	swait.ge [sflag:s24], $0x1000  }
0x36: {  	[sflag:s24] =	ssyncset.done $0x0  }
0x37: {  	[sflag:s24] =	ssyncadd.s32 $0xFFFFF000  }
0x38: {  	[spmem:s2] =	stream.indirect.scatter.add.f32 [tilespmem:s17], [sflag:$0x5], $0x20, s7, s16, $0xb8;
	[tilespmem:$0xDF00] =	vst v63  }
0x39: {  	_ =	swait.ge [sflag:s25], $0x1000  }
0x3a: {  	[sflag:s25] =	ssyncset.done $0x0  }
0x3b: {  	s8 =	simm.s32 $0x2880;
	[sflag:s25] =	ssyncadd.s32 $0xFFFFF000  }
0x3c: {  	[spmem:s2] =	stream.indirect.scatter.add.f32 [tilespmem:s18], [sflag:$0x6], $0x20, s8, s16, $0xb8;
	[tilespmem:$0xDF00] =	vst v63  }
0x3d: {  	_ =	swait.ge [sflag:s28], $0x1000  }
0x3e: {  	[sflag:s28] =	ssyncset.done $0x0  }
0x3f: {  	s12 =	simm.s32 $0x200;
	[sflag:s28] =	ssyncadd.s32 $0xFFFFF000  }
0x40: {  	[tilespmem:s17], [sflag:$0x1] =	stream.indirect.gather [hbm4b:s9+s16], $0x20, s12, s16, $0xb8;
	[tilespmem:$0xDF00] =	vst v63  }
0x41: {  	_ =	swait.ge [sflag:s30], $0x1000  }
0x42: {  	[sflag:s30] =	ssyncset.done $0x0  }
0x43: {  	s5 =	simm.s32 $0x2900;
	[sflag:s30] =	ssyncadd.s32 $0xFFFFF000  }
0x44: {  	[spmem:s2] =	stream.indirect.scatter.add.f32 [tilespmem:s20], [sflag:$0x7], $0x20, s5, s16, $0xb8;
	[tilespmem:$0xDF00] =	vst v63  }
0x45: {  	_ =	swait.ge [sflag:s1], $0x1000  }
0x46: {  	[sflag:s1] =	ssyncset.done $0x0  }
0x47: {  	s7 =	simm.s32 $0x280;
	[sflag:s1] =	ssyncadd.s32 $0xFFFFF000  }
0x48: {  	[tilespmem:s18], [sflag:$0x2] =	stream.indirect.gather [hbm4b:s9+s16], $0x20, s7, s16, $0xb8;
	[tilespmem:$0xDF00] =	vst v63  }
0x49: {  	_ =	swait.ge [sflag:s19], $0x1000  }
0x4a: {  	[sflag:s19] =	ssyncset.done $0x0  }
0x4b: {  	s8 =	simm.s32 $0x2980;
	[sflag:s19] =	ssyncadd.s32 $0xFFFFF000  }
0x4c: {  	[spmem:s2] =	stream.indirect.scatter.add.f32 [tilespmem:s22], [sflag:$0x8], $0x20, s8, s16, $0xb8;
	[tilespmem:$0xDF00] =	vst v63  }
0x4d: {  	_ =	swait.ge [sflag:s26], $0x1000  }
0x4e: {  	[sflag:s26] =	ssyncset.done $0x0  }
0x4f: {  	s29 =	simm.s32 $0x0;
	s12 =	simm.s32 $0x300;
	[sflag:s26] =	ssyncadd.s32 $0xFFFFF000  }
0x50: {  	[tilespmem:s20], [sflag:$0x3] =	stream.indirect.gather [hbm4b:s9+s16], $0x20, s12, s16, $0xb8;
	[tilespmem:$0xDF00] =	vst v63  }
.LBB2_2:
0x51: {  	_ =	swait.ge [sflag:s24], $0x1000  }
0x52: {  	s4 =	sshra.s32 s29, $0x2;
	[sflag:s24] =	ssyncset.done $0x0  }
0x53: {  	s5 =	sadd.s32 $0x2A00, s4;
	[sflag:s24] =	ssyncadd.s32 $0xFFFFF000  }
0x54: {  	[spmem:s2] =	stream.indirect.scatter.add.f32 [tilespmem:s17], [sflag:$0x5], $0x20, s5, s16, $0xb8;
	[tilespmem:$0xDF00] =	vst v63  }
0x55: {  	_ =	swait.ge [sflag:s31], $0x1000  }
0x56: {  	[sflag:s31] =	ssyncset.done $0x0  }
0x57: {  	s7 =	sadd.s32 $0x380, s4;
	[sflag:s31] =	ssyncadd.s32 $0xFFFFF000  }
0x58: {  	[tilespmem:s22], [sflag:$0x4] =	stream.indirect.gather [hbm4b:s9+s16], $0x20, s7, s16, $0xb8;
	[tilespmem:$0xDF00] =	vst v63  }
0x59: {  	_ =	swait.ge [sflag:s25], $0x1000  }
0x5a: {  	[sflag:s25] =	ssyncset.done $0x0  }
0x5b: {  	s8 =	sadd.s32 $0x2A80, s4;
	[sflag:s25] =	ssyncadd.s32 $0xFFFFF000  }
0x5c: {  	[spmem:s2] =	stream.indirect.scatter.add.f32 [tilespmem:s18], [sflag:$0x6], $0x20, s8, s16, $0xb8;
	[tilespmem:$0xDF00] =	vst v63  }
0x5d: {  	_ =	swait.ge [sflag:s28], $0x1000  }
0x5e: {  	p0 =	seq.s32 s29, $0x9000;
	[sflag:s28] =	ssyncset.done $0x0  }
0x5f: {  	s5 =	simm.s32 @p0 $0x3;
	[sflag:s28] =	ssyncadd.s32 $0xFFFFF000  }
0x60: {  	_ =	swait.ge @p0 [sflag:s5], $0x1000  }
0x61: {  	[sflag:s5] =	ssyncset.done @p0 $0x0  }
0x62: {  	[sflag:s5] =	ssyncadd.s32 @p0 $0xFFFFF000;
	s5 =	sshra.s32 @p0 s29, $0x2  }
0x63: {  	s7 =	simm.s32 @p0 $0x80;
	s8 =	simm.s32 @p0 $0x7000;
	s5 =	sadd.s32 @p0 $0x2B00, s5  }
0x64: {  	[spmem:s2] =	stream.indirect.scatter.add.f32 @p0 [tilespmem:s8], [sflag:$0x7], $0x20, s5, s7, $0xb8;
	[tilespmem:$0xDF00] =	vst v63  }
0x65: {  	s5 =	simm.s32 @p0 $0x6  }
0x66: {  	_ =	swait.ge @p0 [sflag:s5], $0x1000  }
0x67: {  	[sflag:s5] =	ssyncset.done @p0 $0x0  }
0x68: {  	[sflag:s5] =	ssyncadd.s32 @p0 $0xFFFFF000;
	s5 =	sshra.s32 @!p0 s29, $0x2  }
0x69: {  	s12 =	simm.s32 @!p0 $0x5000;
	s8 =	simm.s32 @!p0 $0x80;
	s7 =	sadd.s32 @!p0 $0x400, s5  }
0x6a: {  	[tilespmem:s12], [sflag:$0x1] =	stream.indirect.gather @!p0 [hbm4b:s9+s8], $0x20, s7, s8, $0xb8;
	[tilespmem:$0xDF00] =	vst v63  }
0x6b: {  	s7 =	simm.s32 @!p0 $0x3  }
0x6c: {  	_ =	swait.ge @!p0 [sflag:s7], $0x1000  }
0x6d: {  	[sflag:s7] =	ssyncset.done @!p0 $0x0  }
0x6e: {  	s12 =	simm.s32 @!p0 $0x7000;
	[sflag:s7] =	ssyncadd.s32 @!p0 $0xFFFFF000;
	s7 =	sadd.s32 @!p0 $0x2B00, s5  }
0x6f: {  	[spmem:s2] =	stream.indirect.scatter.add.f32 @!p0 [tilespmem:s12], [sflag:$0x7], $0x20, s7, s8, $0xb8;
	[tilespmem:$0xDF00] =	vst v63  }
0x70: {  	s7 =	simm.s32 @!p0 $0x6  }
0x71: {  	_ =	swait.ge @!p0 [sflag:s7], $0x1000  }
0x72: {  	[sflag:s7] =	ssyncset.done @!p0 $0x0  }
0x73: {  	s5 =	sadd.s32 @!p0 $0x480, s5;
	[sflag:s7] =	ssyncadd.s32 @!p0 $0xFFFFF000;
	s7 =	simm.s32 @!p0 $0x6000  }
0x74: {  	[tilespmem:s7], [sflag:$0x2] =	stream.indirect.gather @!p0 [hbm4b:s9+s8], $0x20, s5, s8, $0xb8;
	[tilespmem:$0xDF00] =	vst v63  }
0x75: {  	_ =	swait.ge [sflag:s19], $0x1000  }
0x76: {  	[sflag:s19] =	ssyncset.done $0x0  }
.Ltmp2:
0x77: {  	s12 =	sadd.s32 $0x2B80, s4;
	[sflag:s19] =	ssyncadd.s32 $0xFFFFF000;
	(pc) =	sbr.rel @p0 .LBB2_4-.Ltmp2, $4  }
0x78: {  	[spmem:s2] =	stream.indirect.scatter.add.f32 [tilespmem:s22], [sflag:$0x8], $0x20, s12, s16, $0xb8;
	[tilespmem:$0xDF00] =	vst v63  }
0x79: {  	_ =	swait.ge [sflag:s26], $0x1000  }
0x7a: {  	[sflag:s26] =	ssyncset.done $0x0  }
0x7b: {  	[sflag:s26] =	ssyncadd.s32 $0xFFFFF000  }
.Ltmp3:
0x7c: {  	(pc) =	sbr.rel .LBB2_2-.Ltmp3, $3  }
0x7d: {  	_ =	sdelay $0x1  }
0x7e: {  	s4 =	sadd.s32 $0x500, s4;
	s29 =	sadd.s32 $0x800, s29  }
0x7f: {  	[tilespmem:s20], [sflag:$0x3] =	stream.indirect.gather [hbm4b:s9+s16], $0x20, s4, s16, $0xb8;
	[tilespmem:$0xDF00] =	vst v63  }
.LBB2_5:
0x80: {  	_ =	sfence.sel $0x180000  }
0x81: {  	[bflag:$0x0] =	sbarrier.arrive $0xFFFF  }
0x82: {  	_ =	strace $0x9000004D  }
0x83: {  	s0 =	stileid.u32;
	[bflag:$0x2] =	sbarrier.arrive $0xFFFF  }
0x84: {  	p0 =	sne.s32 s0, $0x0;
	s0 =	rddreg [dreg:$0x2]  }
0x85: {  	s0 =	sadd.s32 @!p0 $0x100000, s0  }
0x86: {  	[sflag:s0] =	ssyncadd.tile.s32 @!p0 $0x1;
	_ =	shalt  }
.Lfunc_end2:
_tile_overlayer_lowered:
.L_overlay_start_2:
0x87: {  	(tag) =	ssettag $0x2  }
0x88: {  	s0 =	rddreg [dreg:$0x0];
	s2 =	stileid.u32  }
0x89: {  	s1 =	rddreg [dreg:$0x1];
	p0 =	sne.s32 s2, $0x0  }
0x8a: {  	s3 =	rddreg [dreg:$0x2];
	[bflag:$0x3] =	sbarrier.arrive $0xFFFF;
	s2 =	simm.s32 @!p0 $0x1C0C  }
0x8b: {  	[timem:s3], [sflag:s2] =	dma.local @!p0 [hbm:s0], s1  }
0x8c: {  	s0 =	simm.s32 @!p0 $0xC  }
0x8d: {  	_ =	swait.ge @!p0 [sflag:s0], s1  }
0x8e: {  	s1 =	ssub.s32 @!p0 $0x0, s1;
	[sflag:s0] =	ssyncset.done @!p0 $0x0  }
0x8f: {  	[sflag:s0] =	ssyncadd.s32 @!p0 s1  }
0x90: {  	[bflag:$0x3] =	sbarrier.arrive $0xFFFF  }
0x91: {  	_ =	shalt  }

// kernel: kernel.22.cloned.1.call-start
scs
__scs_entry_jumppad:
0x0: {  	(pc) =	sbr.rel $0x88, $3  }
0x1: {  	(tag) =	ssettag $0x0;
	lr =	simm.s32 $0x1  }
0x2: {  	[smem:$0x3F92] =	sst lr;
	_ =	strace $0xD0000000  }
0x3: {  	_ = 	snop  }
0x4: {  	_ = 	snop  }
0x5: {  	_ = 	snop  }
0x6: {  	_ = 	snop  }
0x7: {  	_ = 	snop  }
__scs_overlays_trampoline_lowered:
0x8: {  	[smem:$0x3FA1] =	sst s0  }
0x9: {  	[smem:$0x3FA2] =	sst s1  }
0xa: {  	[smem:$0x3FA3] =	sst s2  }
0xb: {  	[smem:$0x3FA4] =	sst s3  }
0xc: {  	[smem:$0x3FA5] =	sst s4  }
0xd: {  	[smem:$0x3FA6] =	sst s5  }
0xe: {  	[smem:$0x3FA7] =	sst s6  }
0xf: {  	[smem:$0x3FA8] =	sst s7  }
0x10: {  	[smem:$0x3FA9] =	sst s8  }
0x11: {  	[smem:$0x3FAA] =	sst s9;
	s0 =	simm.s32 @!p0 $0x0  }
0x12: {  	s1 =	sld [smem:$0x3F90];
	s0 =	simm.s32 @p0 $0x1  }
0x13: {  	[smem:$0x3FAB] =	sst s0;
	s0 =	simm.s32 @!p1 $0x0  }
0x14: {  	s2 =	sld [smem:$0x3F8F];
	s0 =	simm.s32 @p1 $0x1  }
0x15: {  	[smem:$0x3FAC] =	sst s0;
	s0 =	simm.s32 @!p2 $0x0  }
0x16: {  	s3 =	sld [smem:$0x3FDB];
	s0 =	simm.s32 @p2 $0x1  }
0x17: {  	s4 =	simm.s32 $0x1BF5;
	[smem:$0x3FAE] =	sst s0  }
0x18: {  	s0 =	sld [smem:$0x3F91];
	_ =	swait.ge [sflag:s4], $0x0  }
0x19: {  	s7 =	sld [smem:$0x3F92]  }
0x1a: {  	s8 =	sadd.s32 $0xFFFFE003, lr  }
0x1b: {  	s9 =	sadd.s32 $0xFFFFFEF7, lr;
	s5 =	simm.s32 $0xFFFFFFFF;
	p2 =	slt.u32 s8, $0xFFFFF086  }
0x1c: {  	p1 =	slt.u32 s9, $0xF7A;
	s5 =	simm.s32 @!p2 $0x0  }
0x1d: {  	s5 =	simm.s32 @p1 $0x1;
	p0 =	seq.s32 s7, s2  }
0x1e: {  	s7 =	smul.u32 @!p0 $0xF7A, s2;
	p2 =	seq.s32 @!p0 s5, $0x0  }
0x1f: {  	s9 =	smul.u32 $0xF7A, s1;
	s8 =	simm.s32 @!p0 $0x1BF5;
	p2 =	por !p2, p0  }
0x20: {  	[sflag:s8] =	ssyncset.s32 @!p0 $0xFFFFF086;
	s6 =	sadd.s32 @!p0 s3, s7;
	s7 =	simm.s32 @!p0 $0x108  }
0x21: {  	s3 =	sadd.s32 s3, s9;
	s6 =	sadd.s32 @!p0 $0x88, s6;
	s7 =	simm.s32 @p2 $0x1082  }
0x22: {  	[simem:s7], [sflag:s8] =	dma.local @!p0 [hbm:s6], $0xF7A  }
0x23: {  	s9 =	sor.u32 $0xD0000000, s2;
	s6 =	simm.s32 $0x108;
	_ =	swait.ge @!p0 [sflag:s8], $0x0  }
0x24: {  	s3 =	sadd.s32 $0x88, s3;
	s6 =	simm.s32 @!p1 $0x1082;
	[sflag:s4] =	ssyncset.s32 $0xFFFFF086  }
0x25: {  	[simem:s6], [sflag:s4] =	dma.local [hbm:s3], $0xF7A  }
0x26: {  	[smem:$0x3F92] =	sst s1;
	(tag) =	ssettag s2;
	_ =	strace s9  }
0x27: {  	s1 =	sld [smem:$0x3FA2]  }
0x28: {  	s2 =	sld [smem:$0x3FA3]  }
0x29: {  	s4 =	sld [smem:$0x3FA5]  }
0x2a: {  	p0 =	seq.s32 s5, $0x0;
	s5 =	sld [smem:$0x3FA6]  }
0x2b: {  	s6 =	sld [smem:$0x3FA7]  }
0x2c: {  	s7 =	sld [smem:$0x3FA8]  }
0x2d: {  	s3 =	simm.s32 $0x108;
	s8 =	sld [smem:$0x3FA9]  }
0x2e: {  	s3 =	simm.s32 @!p0 $0x1082;
	s9 =	sld [smem:$0x3FAA]  }
0x2f: {  	lr =	sadd.s32 s0, s3;
	s0 =	sld [smem:$0x3FA1]  }
0x30: {  	s3 =	sld [smem:$0x3FA4]  }
0x31: {  	[smem:$0x3FAD] =	sst s10  }
0x32: {  	s10 =	sld [smem:$0x3FAB];
	_ =	sdelay $0x3  }
0x33: {  	p0 =	seq.s32 s10, $0x1;
	s10 =	sld [smem:$0x3FAD];
	_ =	sdelay $0x3  }
0x34: {  	[smem:$0x3FAD] =	sst s10  }
0x35: {  	s10 =	sld [smem:$0x3FAC];
	_ =	sdelay $0x3  }
0x36: {  	p1 =	seq.s32 s10, $0x1;
	s10 =	sld [smem:$0x3FAD];
	_ =	sdelay $0x3  }
0x37: {  	[smem:$0x3FAD] =	sst s10  }
0x38: {  	s10 =	sld [smem:$0x3FAE]  }
0x39: {  	_ = 	snop;
	(pc) =	sbr.ind lr, $3  }
0x3a: {  	_ = 	snop  }
0x3b: {  	_ = 	snop  }
0x3c: {  	p2 =	seq.s32 s10, $0x1;
	s10 =	sld [smem:$0x3FAD]  }
0x3d: {  	_ =	shalt  }
0x3e: {  	_ =	shalt  }
0x3f: {  	_ =	shalt  }
0x40: {  	_ =	shalt  }
0x41: {  	_ =	shalt  }
0x42: {  	_ =	shalt  }
0x43: {  	_ =	shalt  }
0x44: {  	_ =	shalt  }
0x45: {  	_ =	shalt  }
0x46: {  	_ =	shalt  }
0x47: {  	_ =	shalt  }
0x48: {  	_ =	shalt  }
0x49: {  	_ =	shalt  }
0x4a: {  	_ =	shalt  }
0x4b: {  	_ =	shalt  }
0x4c: {  	_ =	shalt  }
0x4d: {  	_ =	shalt  }
0x4e: {  	_ =	shalt  }
0x4f: {  	_ =	shalt  }
0x50: {  	_ =	shalt  }
0x51: {  	_ =	shalt  }
0x52: {  	_ =	shalt  }
0x53: {  	_ =	shalt  }
0x54: {  	_ =	shalt  }
0x55: {  	_ =	shalt  }
0x56: {  	_ =	shalt  }
0x57: {  	_ =	shalt  }
0x58: {  	_ =	shalt  }
0x59: {  	_ =	shalt  }
0x5a: {  	_ =	shalt  }
0x5b: {  	_ =	shalt  }
0x5c: {  	_ =	shalt  }
0x5d: {  	_ =	shalt  }
0x5e: {  	_ =	shalt  }
0x5f: {  	_ =	shalt  }
0x60: {  	_ =	shalt  }
0x61: {  	_ =	shalt  }
0x62: {  	_ =	shalt  }
0x63: {  	_ =	shalt  }
0x64: {  	_ =	shalt  }
0x65: {  	_ =	shalt  }
0x66: {  	_ =	shalt  }
0x67: {  	_ =	shalt  }
0x68: {  	_ =	shalt  }
0x69: {  	_ =	shalt  }
0x6a: {  	_ =	shalt  }
0x6b: {  	_ =	shalt  }
0x6c: {  	_ =	shalt  }
0x6d: {  	_ =	shalt  }
0x6e: {  	_ =	shalt  }
0x6f: {  	_ =	shalt  }
0x70: {  	_ =	shalt  }
0x71: {  	_ =	shalt  }
0x72: {  	_ =	shalt  }
0x73: {  	_ =	shalt  }
0x74: {  	_ =	shalt  }
0x75: {  	_ =	shalt  }
0x76: {  	_ =	shalt  }
0x77: {  	_ =	shalt  }
0x78: {  	_ =	shalt  }
0x79: {  	_ =	shalt  }
0x7a: {  	_ =	shalt  }
0x7b: {  	_ =	shalt  }
0x7c: {  	_ =	shalt  }
0x7d: {  	_ =	shalt  }
0x7e: {  	_ =	shalt  }
0x7f: {  	_ =	shalt  }
0x80: {  	_ =	shalt  }
0x81: {  	_ =	shalt  }
0x82: {  	_ =	shalt  }
0x83: {  	_ =	shalt  }
0x84: {  	_ =	shalt  }
0x85: {  	_ =	shalt  }
0x86: {  	_ =	shalt  }
0x87: {  	_ =	shalt  }
.Lfunc_end0:
.L_simem_size_0:
called_computation.3_lowered:
.L_overlay_start_0:
0x88: {  	s2 =	sld [smem:$0x3FD9]  }
0x89: {  	s3 =	sld [smem:$0x3FFE];
	_ =	sdelay $0x1  }
0x8a: {  	s1 =	srdreg.scid  }
0x8b: {  	s0 =	sand.u32 $0x1, s1  }
0x8c: {  	s16 =	sshll.u32 s0, $0xA;
	s2 =	sadd.s32 s3, s2  }
0x8d: {  	s2 =	sadd.s32 s2, s16  }
0x8e: {  	[smem:$0x3FB9] =	sst s2  }
0x8f: {  	_ = 	snop  }
0x90: {  	(tm) =	ssettm $0x1  }
0x91: {  	s17 =	sld [smem:$0x3FFB];
	_ =	sdelay $0x3  }
0x92: {  	_ =	strace s17  }
0x93: {  	s2 =	sld [smem:$0x3FFC];
	_ =	sdelay $0x3  }
0x94: {  	_ =	strace s2  }
0x95: {  	s2 =	sld [smem:$0x3FFD];
	_ =	sdelay $0x3  }
0x96: {  	_ =	strace s2  }
0x97: {  	_ =	strace $0x8FFFFFFF  }
0x98: {  	s18 =	sld [smem:$0x3FDB];
	_ =	sdelay $0x1  }
0x99: {  	s19 =	simm.s32 $_scs_section_size  }
0x9a: {  	s4 =	simm.s32 $_size__tile_overlayer_lowered;
	s5 =	simm.s32 $_tile_overlayer_lowered  }
0x9b: {  	s22 =	simm.s32 $0x1BFF;
	s21 =	sshll.u32 s5, $0x1;
	s2 =	sadd.s32 s19, s18  }
0x9c: {  	s6 =	simm.s32 $0x0;
	s20 =	sshll.u32 s4, $0x1;
	s4 =	sadd.s32 s21, s2  }
0x9d: {  	[timem:s6], [sflag:s22] =	dma.local [hbm:s4], s20  }
0x9e: {  	_ =	swait.ge [sflag:s22], s20  }
0x9f: {  	s3 =	ssub.s32 $0x0, s20;
	[sflag:s22] =	ssyncset.done $0x0  }
0xa0: {  	[sflag:s22] =	ssyncadd.s32 s3;
	_ =	sdelay $0x1  }
0xa1: {  	s23 =	simm.s32 $0x1B8B  }
0xa2: {  	_ =	swait.ge [sflag:s23], $0x1  }
0xa3: {  	[sflag:s23] =	ssyncset.done $0x0  }
0xa4: {  	s25 =	simm.s32 $0x1B8E;
	s24 =	sld [smem:$0x3FFE];
	[sflag:s23] =	ssyncadd.s32 $0xFFFFFFFF  }
0xa5: {  	s26 =	simm.s32 $execute0_lowered;
	[smem:$0x3FD2] =	sst s25  }
0xa6: {  	s4 =	sshll.u32 s26, $0x1;
	_ =	strace $0x8000004F;
	[dreg:$0x1] =	wrdreg $0xFFFFFFFF  }
0xa7: {  	s28 =	simm.s32 $_size_execute0_lowered;
	s2 =	sadd.s32 s2, s4;
	[dreg:$0x0] =	wrdreg $0x0  }
0xa8: {  	s4 =	sshll.u32 s28, $0x1;
	[dreg:$0x2] =	wrdreg s2  }
0xa9: {  	[dreg:$0x3] =	wrdreg s4  }
0xaa: {  	[dreg:$0x4] =	wrdreg $0xC0  }
0xab: {  	_ =	task [dreg:s6], $0x5FFFF  }
0xac: {  	[dreg:$0x1] =	wrdreg $0xFFFFFFFF  }
0xad: {  	[dreg:$0x0] =	wrdreg $0x60  }
0xae: {  	[dreg:$0x2] =	wrdreg s24  }
0xaf: {  	[dreg:$0x3] =	wrdreg $0xE0000  }
0xb0: {  	[dreg:$0x4] =	wrdreg $0x9  }
0xb1: {  	_ =	task.clear_ibuf [dreg:s6], $0x5FFFF;
	_ =	strace $0x9000004F  }
0xb2: {  	s29 =	simm.s32 $0x9;
	_ =	strace $0x80000051  }
0xb3: {  	_ =	swait.ge [sflag:s29], $0x1  }
0xb4: {  	[sflag:s29] =	ssyncadd.s32 $0xFFFFFFFF  }
0xb5: {  	_ =	strace $0x90000051  }
0xb6: {  	_ =	sfence  }
0xb7: {  	s30 =	sld [smem:$0x0];
	_ =	sdelay $0x2  }
0xb8: {  	s31 =	sshll.u32 s1, $0xD;
	s1 =	sshrl.u32 s1, $0x2  }
0xb9: {  	s3 =	sand.u32 $0x4000, s31;
	s1 =	sadd.s32 s1, s30  }
0xba: {  	s0 =	sor.u32 s3, s0;
	s1 =	sshll.u32 s1, $0x11  }
0xbb: {  	s0 =	sor.u32 s1, s0  }
0xbc: {  	s0 =	sadd.s32 $0x8F2B, s0  }
0xbd: {  	[sflag:s0] =	ssyncadd.remote.s32 $0x1  }
0xbe: {  	_ =	sfence.sel $0xFFFF  }
0xbf: {  	[dreg:$0x0] =	wrdreg $0xFFFFFFFF;
	(pc) =	sbr.abs _section_cstart, $3  }
0xc0: {  	[dreg:$0x1] =	wrdreg $0xFFFFFFFF  }
0xc1: {  	_ =	task.clear_ibuf [dreg:s6], $0x2FFFF;
	_ =	strace $0x9FFFFFFF  }
0xc2: {  	(tm) =	ssettm $0x7FFFFFFF  }
0xc3: {  	_ =	shalt  }
tec
execute0_lowered:
.L_overlay_start_1:
0x0: {  	(tag) =	ssettag $0x1  }
0x1: {  	s0 =	srdreg.scid;
	s1 =	rddreg [dreg:$0x0]  }
0x2: {  	s10 =	stileid.u32;
	s2 =	rddreg [dreg:$0x1];
	s3 =	simm.s32 $0x0  }
0x3: {  	s15 =	simm.s32 $0x9E00;
	s11 =	simm.s32 $0x5000;
	s13 =	simm.s32 $0x9  }
0x4: {  	s14 =	simm.s32 $0xA;
	s16 =	simm.s32 $0x80;
	s17 =	simm.s32 $0xA000  }
0x5: {  	s18 =	simm.s32 $0xB000;
	s20 =	simm.s32 $0xC000;
	s22 =	simm.s32 $0xD000  }
0x6: {  	s23 =	simm.s32 $0xB;
	s28 =	simm.s32 $0x5;
	s30 =	simm.s32 $0x3  }
0x7: {  	s19 =	simm.s32 $0x4;
	s31 =	simm.s32 $0x8;
	s5 =	smul.u32 $0xA00, s10  }
0x8: {  	s21 =	simm.s32 $0x0;
	s0 =	sand.u32 $0x1, s0;
	s6 =	smul.u32 $0x4F00, s10  }
0x9: {  	[smem:$0x7FF] =	sst s3;
	s26 =	sshll.u32 s10, $0x6;
	s4 =	smul.u32 $0x13C00, s0  }
0xa: {  	s29 =	sand.u32 $0x1, s10;
	s7 =	smul.u32 $0x4F000, s0;
	_ =	strace $0x80000050  }
0xb: {  	s0 =	ssub.s32 $0x2, s0;
	[dreg:$0x6] =	wrdreg s26;
	p0 =	seq.s32 s29, $0x1  }
0xc: {  	s5 =	sadd.s32 s5, s1;
	s8 =	sshrl.u32 s6, $0x3;
	s9 =	sshrl.u32 s0, $0x1  }
0xd: {  	s12 =	sadd.s32 s6, s2;
	s15 =	simm.s32 @!p0 $0x0;
	s4 =	sadd.s32 s4, s1  }
0xe: {  	s7 =	sadd.s32 s6, s7;
	s8 =	sadd.s32 s8, s1;
	s24 =	sadd.s32 $0x1FA00, s5  }
0xf: {  	s0 =	ssub.s32 s0, s9;
	s5 =	sadd.s32 $0x15A00, s5;
	[dreg:$0x3] =	wrdreg s24  }
0x10: {  	s12 =	sshrl.u32 s12, $0x3;
	s7 =	sshrl.u32 s7, $0x3;
	[dreg:$0x4] =	wrdreg s5  }
.Ltmp0:
0x11: {  	s25 =	sadd.s32 $0x1E00, s8;
	s5 =	sor.u32 $0x1C0B, s26;
	(pc) =	sbr.rel .LBB2_1-.Ltmp0, $4  }
0x12: {  	s4 =	sadd.s32 $0x51200, s4;
	s10 =	smax.u32 s0, $0x1;
	s24 =	simm.s32 $0x1  }
0x13: {  	s26 =	simm.s32 $0x7;
	s0 =	simm.s32 $0xC;
	[dreg:$0x5] =	wrdreg s25  }
0x14: {  	s1 =	sadd.s32 s7, s1;
	[dreg:$0x7] =	wrdreg s5;
	s15 =	sadd.s32 s15, s4  }
0x15: {  	s25 =	simm.s32 $0x2;
	s9 =	sadd.s32 $0x78A00, s1;
	s1 =	simm.s32 $0x6  }
.LBB2_4:
0x16: {  	_ =	swait.ge [sflag:s31], $0x1000  }
0x17: {  	[sflag:s31] =	ssyncset.done $0x0  }
0x18: {  	[sflag:s31] =	ssyncadd.s32 $0xFFFFF000  }
0x19: {  	s21 =	sadd.s32 $0x1, s21;
	[bflag:$0x0] =	sbarrier.arrive $0xFFFF  }
0x1a: {  	p0 =	sne.s32 s21, s10;
	s4 =	rddreg [dreg:$0x6]  }
.Ltmp1:
0x1b: {  	s4 =	sor.u32 $0x1C0C, s4;
	(pc) =	sbr.rel @!p0 .LBB2_5-.Ltmp1, $4  }
0x1c: {  	[hbm:s9], [sflag:s4] =	dma.local [spmem:s12], $0x9E0  }
0x1d: {  	_ =	swait.ge [sflag:s0], $0x9E0  }
0x1e: {  	[sflag:s0] =	ssyncset.done $0x0  }
0x1f: {  	[sflag:s0] =	ssyncadd.s32 $0xFFFFF620  }
.LBB2_1:
0x20: {  	s4 =	rddreg [dreg:$0x3]  }
0x21: {  	s7 =	rddreg [dreg:$0x4]  }
0x22: {  	s8 =	rddreg [dreg:$0x5]  }
0x23: {  	[tilespmem:s3], [sflag:$0x9] =	stream.linear.gather [hbm4b:s4+s3], $0x5000, $0x38;
	[tilespmem:$0x12F00] =	vst v63  }
0x24: {  	s5 =	rddreg [dreg:$0x7]  }
0x25: {  	[tilespmem:s11], [sflag:$0xA] =	stream.linear.gather [hbm4b:s7+s3], $0x5000, $0x38;
	[tilespmem:$0x12F00] =	vst v63  }
0x26: {  	[spmem:s12], [sflag:s5] =	dma.local [hbm:s8], $0x9E0  }
0x27: {  	_ =	swait.ge [sflag:s13], $0x5000  }
0x28: {  	[sflag:s13] =	ssyncset.done $0x0  }
0x29: {  	[sflag:s13] =	ssyncadd.s32 $0xFFFFB000  }
0x2a: {  	_ =	swait.ge [sflag:s14], $0x5000  }
0x2b: {  	[sflag:s14] =	ssyncset.done $0x0  }
0x2c: {  	[sflag:s14] =	ssyncadd.s32 $0xFFFFB000  }
0x2d: {  	[tilespmem:s17], [sflag:$0x1] =	stream.indirect.gather [hbm4b:s15+s16], $0x20, s3, s16, $0xb8;
	[tilespmem:$0x12F00] =	vst v63  }
0x2e: {  	_ = 	snop  }
0x2f: {  	[tilespmem:s18], [sflag:$0x2] =	stream.indirect.gather [hbm4b:s15+s16], $0x20, s16, s16, $0xb8;
	[tilespmem:$0x12F00] =	vst v63  }
0x30: {  	s5 =	simm.s32 $0x100  }
0x31: {  	[tilespmem:s20], [sflag:$0x3] =	stream.indirect.gather [hbm4b:s15+s16], $0x20, s5, s16, $0xb8;
	[tilespmem:$0x12F00] =	vst v63  }
0x32: {  	s6 =	simm.s32 $0x180  }
0x33: {  	[tilespmem:s22], [sflag:$0x4] =	stream.indirect.gather [hbm4b:s15+s16], $0x20, s6, s16, $0xb8;
	[tilespmem:$0x12F00] =	vst v63  }
0x34: {  	_ =	swait.ge [sflag:s23], $0x9E0  }
0x35: {  	[sflag:s23] =	ssyncset.done $0x0  }
0x36: {  	[sflag:s23] =	ssyncadd.s32 $0xFFFFF620  }
0x37: {  	[bflag:$0x0] =	sbarrier.arrive $0xFFFF  }
0x38: {  	_ =	swait.ge [sflag:s24], $0x1000  }
0x39: {  	[sflag:s24] =	ssyncset.done $0x0  }
0x3a: {  	[sflag:s24] =	ssyncadd.s32 $0xFFFFF000  }
0x3b: {  	[spmem:s2] =	stream.indirect.scatter.add.f32 [tilespmem:s17], [sflag:$0x5], $0x20, s11, s16, $0xb8;
	[tilespmem:$0x12F00] =	vst v63  }
0x3c: {  	_ =	swait.ge [sflag:s25], $0x1000  }
0x3d: {  	[sflag:s25] =	ssyncset.done $0x0  }
0x3e: {  	s7 =	simm.s32 $0x5080;
	[sflag:s25] =	ssyncadd.s32 $0xFFFFF000  }
0x3f: {  	[spmem:s2] =	stream.indirect.scatter.add.f32 [tilespmem:s18], [sflag:$0x6], $0x20, s7, s16, $0xb8;
	[tilespmem:$0x12F00] =	vst v63  }
0x40: {  	_ =	swait.ge [sflag:s28], $0x1000  }
0x41: {  	[sflag:s28] =	ssyncset.done $0x0  }
0x42: {  	s8 =	simm.s32 $0x200;
	[sflag:s28] =	ssyncadd.s32 $0xFFFFF000  }
0x43: {  	[tilespmem:s17], [sflag:$0x1] =	stream.indirect.gather [hbm4b:s15+s16], $0x20, s8, s16, $0xb8;
	[tilespmem:$0x12F00] =	vst v63  }
0x44: {  	_ =	swait.ge [sflag:s30], $0x1000  }
0x45: {  	[sflag:s30] =	ssyncset.done $0x0  }
0x46: {  	s5 =	simm.s32 $0x5100;
	[sflag:s30] =	ssyncadd.s32 $0xFFFFF000  }
0x47: {  	[spmem:s2] =	stream.indirect.scatter.add.f32 [tilespmem:s20], [sflag:$0x7], $0x20, s5, s16, $0xb8;
	[tilespmem:$0x12F00] =	vst v63  }
0x48: {  	_ =	swait.ge [sflag:s1], $0x1000  }
0x49: {  	[sflag:s1] =	ssyncset.done $0x0  }
0x4a: {  	s6 =	simm.s32 $0x280;
	[sflag:s1] =	ssyncadd.s32 $0xFFFFF000  }
0x4b: {  	[tilespmem:s18], [sflag:$0x2] =	stream.indirect.gather [hbm4b:s15+s16], $0x20, s6, s16, $0xb8;
	[tilespmem:$0x12F00] =	vst v63  }
0x4c: {  	_ =	swait.ge [sflag:s19], $0x1000  }
0x4d: {  	[sflag:s19] =	ssyncset.done $0x0  }
0x4e: {  	s7 =	simm.s32 $0x5180;
	[sflag:s19] =	ssyncadd.s32 $0xFFFFF000  }
0x4f: {  	[spmem:s2] =	stream.indirect.scatter.add.f32 [tilespmem:s22], [sflag:$0x8], $0x20, s7, s16, $0xb8;
	[tilespmem:$0x12F00] =	vst v63  }
0x50: {  	_ =	swait.ge [sflag:s26], $0x1000  }
0x51: {  	[sflag:s26] =	ssyncset.done $0x0  }
0x52: {  	s29 =	simm.s32 $0x0;
	s8 =	simm.s32 $0x300;
	[sflag:s26] =	ssyncadd.s32 $0xFFFFF000  }
0x53: {  	[tilespmem:s20], [sflag:$0x3] =	stream.indirect.gather [hbm4b:s15+s16], $0x20, s8, s16, $0xb8;
	[tilespmem:$0x12F00] =	vst v63  }
.LBB2_2:
0x54: {  	_ =	swait.ge [sflag:s24], $0x1000  }
0x55: {  	s4 =	sshra.s32 s29, $0x2;
	[sflag:s24] =	ssyncset.done $0x0  }
0x56: {  	s5 =	sadd.s32 $0x5200, s4;
	[sflag:s24] =	ssyncadd.s32 $0xFFFFF000  }
0x57: {  	[spmem:s2] =	stream.indirect.scatter.add.f32 [tilespmem:s17], [sflag:$0x5], $0x20, s5, s16, $0xb8;
	[tilespmem:$0x12F00] =	vst v63  }
0x58: {  	_ =	swait.ge [sflag:s31], $0x1000  }
0x59: {  	[sflag:s31] =	ssyncset.done $0x0  }
0x5a: {  	s6 =	sadd.s32 $0x380, s4;
	[sflag:s31] =	ssyncadd.s32 $0xFFFFF000  }
0x5b: {  	[tilespmem:s22], [sflag:$0x4] =	stream.indirect.gather [hbm4b:s15+s16], $0x20, s6, s16, $0xb8;
	[tilespmem:$0x12F00] =	vst v63  }
0x5c: {  	_ =	swait.ge [sflag:s25], $0x1000  }
0x5d: {  	[sflag:s25] =	ssyncset.done $0x0  }
0x5e: {  	s7 =	sadd.s32 $0x5280, s4;
	[sflag:s25] =	ssyncadd.s32 $0xFFFFF000  }
0x5f: {  	[spmem:s2] =	stream.indirect.scatter.add.f32 [tilespmem:s18], [sflag:$0x6], $0x20, s7, s16, $0xb8;
	[tilespmem:$0x12F00] =	vst v63  }
0x60: {  	_ =	swait.ge [sflag:s28], $0x1000  }
0x61: {  	p0 =	seq.s32 s29, $0x13000;
	[sflag:s28] =	ssyncset.done $0x0  }
0x62: {  	s5 =	simm.s32 @p0 $0x3;
	[sflag:s28] =	ssyncadd.s32 $0xFFFFF000  }
0x63: {  	_ =	swait.ge @p0 [sflag:s5], $0x1000  }
0x64: {  	[sflag:s5] =	ssyncset.done @p0 $0x0  }
0x65: {  	[sflag:s5] =	ssyncadd.s32 @p0 $0xFFFFF000;
	s5 =	sshra.s32 @p0 s29, $0x2  }
0x66: {  	s8 =	simm.s32 @p0 $0xC000;
	s6 =	simm.s32 @p0 $0x80;
	s5 =	sadd.s32 @p0 $0x5300, s5  }
0x67: {  	[spmem:s2] =	stream.indirect.scatter.add.f32 @p0 [tilespmem:s8], [sflag:$0x7], $0x20, s5, s6, $0xb8;
	[tilespmem:$0x12F00] =	vst v63  }
0x68: {  	s5 =	simm.s32 @p0 $0x6  }
0x69: {  	_ =	swait.ge @p0 [sflag:s5], $0x1000  }
0x6a: {  	[sflag:s5] =	ssyncset.done @p0 $0x0  }
0x6b: {  	[sflag:s5] =	ssyncadd.s32 @p0 $0xFFFFF000;
	s5 =	sshra.s32 @!p0 s29, $0x2  }
0x6c: {  	s7 =	simm.s32 @!p0 $0xA000;
	s8 =	simm.s32 @!p0 $0x80;
	s6 =	sadd.s32 @!p0 $0x400, s5  }
0x6d: {  	[tilespmem:s7], [sflag:$0x1] =	stream.indirect.gather @!p0 [hbm4b:s15+s8], $0x20, s6, s8, $0xb8;
	[tilespmem:$0x12F00] =	vst v63  }
0x6e: {  	s6 =	simm.s32 @!p0 $0x3  }
0x6f: {  	_ =	swait.ge @!p0 [sflag:s6], $0x1000  }
0x70: {  	[sflag:s6] =	ssyncset.done @!p0 $0x0  }
0x71: {  	s7 =	simm.s32 @!p0 $0xC000;
	[sflag:s6] =	ssyncadd.s32 @!p0 $0xFFFFF000;
	s6 =	sadd.s32 @!p0 $0x5300, s5  }
0x72: {  	[spmem:s2] =	stream.indirect.scatter.add.f32 @!p0 [tilespmem:s7], [sflag:$0x7], $0x20, s6, s8, $0xb8;
	[tilespmem:$0x12F00] =	vst v63  }
0x73: {  	s6 =	simm.s32 @!p0 $0x6  }
0x74: {  	_ =	swait.ge @!p0 [sflag:s6], $0x1000  }
0x75: {  	[sflag:s6] =	ssyncset.done @!p0 $0x0  }
0x76: {  	s5 =	sadd.s32 @!p0 $0x480, s5;
	[sflag:s6] =	ssyncadd.s32 @!p0 $0xFFFFF000;
	s6 =	simm.s32 @!p0 $0xB000  }
0x77: {  	[tilespmem:s6], [sflag:$0x2] =	stream.indirect.gather @!p0 [hbm4b:s15+s8], $0x20, s5, s8, $0xb8;
	[tilespmem:$0x12F00] =	vst v63  }
0x78: {  	_ =	swait.ge [sflag:s19], $0x1000  }
0x79: {  	[sflag:s19] =	ssyncset.done $0x0  }
.Ltmp2:
0x7a: {  	s8 =	sadd.s32 $0x5380, s4;
	[sflag:s19] =	ssyncadd.s32 $0xFFFFF000;
	(pc) =	sbr.rel @p0 .LBB2_4-.Ltmp2, $4  }
0x7b: {  	[spmem:s2] =	stream.indirect.scatter.add.f32 [tilespmem:s22], [sflag:$0x8], $0x20, s8, s16, $0xb8;
	[tilespmem:$0x12F00] =	vst v63  }
0x7c: {  	_ =	swait.ge [sflag:s26], $0x1000  }
0x7d: {  	[sflag:s26] =	ssyncset.done $0x0  }
0x7e: {  	[sflag:s26] =	ssyncadd.s32 $0xFFFFF000  }
.Ltmp3:
0x7f: {  	(pc) =	sbr.rel .LBB2_2-.Ltmp3, $3  }
0x80: {  	_ =	sdelay $0x1  }
0x81: {  	s4 =	sadd.s32 $0x500, s4;
	s29 =	sadd.s32 $0x800, s29  }
0x82: {  	[tilespmem:s20], [sflag:$0x3] =	stream.indirect.gather [hbm4b:s15+s16], $0x20, s4, s16, $0xb8;
	[tilespmem:$0x12F00] =	vst v63  }
.LBB2_5:
0x83: {  	_ =	sfence.sel $0x180000  }
0x84: {  	[bflag:$0x0] =	sbarrier.arrive $0xFFFF  }
0x85: {  	_ =	strace $0x90000050  }
0x86: {  	s0 =	stileid.u32;
	[bflag:$0x2] =	sbarrier.arrive $0xFFFF  }
0x87: {  	p0 =	sne.s32 s0, $0x0;
	s0 =	rddreg [dreg:$0x2]  }
0x88: {  	s0 =	sadd.s32 @!p0 $0x100000, s0  }
0x89: {  	[sflag:s0] =	ssyncadd.tile.s32 @!p0 $0x1;
	_ =	shalt  }
.Lfunc_end2:
_tile_overlayer_lowered:
.L_overlay_start_2:
0x8a: {  	(tag) =	ssettag $0x2  }
0x8b: {  	s0 =	rddreg [dreg:$0x0];
	s2 =	stileid.u32  }
0x8c: {  	s1 =	rddreg [dreg:$0x1];
	p0 =	sne.s32 s2, $0x0  }
0x8d: {  	s3 =	rddreg [dreg:$0x2];
	[bflag:$0x3] =	sbarrier.arrive $0xFFFF;
	s2 =	simm.s32 @!p0 $0x1C0C  }
0x8e: {  	[timem:s3], [sflag:s2] =	dma.local @!p0 [hbm:s0], s1  }
0x8f: {  	s0 =	simm.s32 @!p0 $0xC  }
0x90: {  	_ =	swait.ge @!p0 [sflag:s0], s1  }
0x91: {  	s1 =	ssub.s32 @!p0 $0x0, s1;
	[sflag:s0] =	ssyncset.done @!p0 $0x0  }
0x92: {  	[sflag:s0] =	ssyncadd.s32 @!p0 s1  }
0x93: {  	[bflag:$0x3] =	sbarrier.arrive $0xFFFF  }
0x94: {  	_ =	shalt  }

// kernel: kernel.25.cloned.1.call-start
scs
__scs_entry_jumppad:
0x0: {  	(pc) =	sbr.rel $0x88, $3  }
0x1: {  	(tag) =	ssettag $0x0;
	lr =	simm.s32 $0x1  }
0x2: {  	[smem:$0x3F92] =	sst lr;
	_ =	strace $0xD0000000  }
0x3: {  	_ = 	snop  }
0x4: {  	_ = 	snop  }
0x5: {  	_ = 	snop  }
0x6: {  	_ = 	snop  }
0x7: {  	_ = 	snop  }
__scs_overlays_trampoline_lowered:
0x8: {  	[smem:$0x3FA1] =	sst s0  }
0x9: {  	[smem:$0x3FA2] =	sst s1  }
0xa: {  	[smem:$0x3FA3] =	sst s2  }
0xb: {  	[smem:$0x3FA4] =	sst s3  }
0xc: {  	[smem:$0x3FA5] =	sst s4  }
0xd: {  	[smem:$0x3FA6] =	sst s5  }
0xe: {  	[smem:$0x3FA7] =	sst s6  }
0xf: {  	[smem:$0x3FA8] =	sst s7  }
0x10: {  	[smem:$0x3FA9] =	sst s8  }
0x11: {  	[smem:$0x3FAA] =	sst s9;
	s0 =	simm.s32 @!p0 $0x0  }
0x12: {  	s1 =	sld [smem:$0x3F90];
	s0 =	simm.s32 @p0 $0x1  }
0x13: {  	[smem:$0x3FAB] =	sst s0;
	s0 =	simm.s32 @!p1 $0x0  }
0x14: {  	s2 =	sld [smem:$0x3F8F];
	s0 =	simm.s32 @p1 $0x1  }
0x15: {  	[smem:$0x3FAC] =	sst s0;
	s0 =	simm.s32 @!p2 $0x0  }
0x16: {  	s3 =	sld [smem:$0x3FDB];
	s0 =	simm.s32 @p2 $0x1  }
0x17: {  	s4 =	simm.s32 $0x1BF5;
	[smem:$0x3FAE] =	sst s0  }
0x18: {  	s0 =	sld [smem:$0x3F91];
	_ =	swait.ge [sflag:s4], $0x0  }
0x19: {  	s7 =	sld [smem:$0x3F92]  }
0x1a: {  	s8 =	sadd.s32 $0xFFFFE003, lr  }
0x1b: {  	s9 =	sadd.s32 $0xFFFFFEF7, lr;
	s5 =	simm.s32 $0xFFFFFFFF;
	p2 =	slt.u32 s8, $0xFFFFF086  }
0x1c: {  	p1 =	slt.u32 s9, $0xF7A;
	s5 =	simm.s32 @!p2 $0x0  }
0x1d: {  	s5 =	simm.s32 @p1 $0x1;
	p0 =	seq.s32 s7, s2  }
0x1e: {  	s7 =	smul.u32 @!p0 $0xF7A, s2;
	p2 =	seq.s32 @!p0 s5, $0x0  }
0x1f: {  	s9 =	smul.u32 $0xF7A, s1;
	s8 =	simm.s32 @!p0 $0x1BF5;
	p2 =	por !p2, p0  }
0x20: {  	[sflag:s8] =	ssyncset.s32 @!p0 $0xFFFFF086;
	s6 =	sadd.s32 @!p0 s3, s7;
	s7 =	simm.s32 @!p0 $0x108  }
0x21: {  	s3 =	sadd.s32 s3, s9;
	s6 =	sadd.s32 @!p0 $0x88, s6;
	s7 =	simm.s32 @p2 $0x1082  }
0x22: {  	[simem:s7], [sflag:s8] =	dma.local @!p0 [hbm:s6], $0xF7A  }
0x23: {  	s9 =	sor.u32 $0xD0000000, s2;
	s6 =	simm.s32 $0x108;
	_ =	swait.ge @!p0 [sflag:s8], $0x0  }
0x24: {  	s3 =	sadd.s32 $0x88, s3;
	s6 =	simm.s32 @!p1 $0x1082;
	[sflag:s4] =	ssyncset.s32 $0xFFFFF086  }
0x25: {  	[simem:s6], [sflag:s4] =	dma.local [hbm:s3], $0xF7A  }
0x26: {  	[smem:$0x3F92] =	sst s1;
	(tag) =	ssettag s2;
	_ =	strace s9  }
0x27: {  	s1 =	sld [smem:$0x3FA2]  }
0x28: {  	s2 =	sld [smem:$0x3FA3]  }
0x29: {  	s4 =	sld [smem:$0x3FA5]  }
0x2a: {  	p0 =	seq.s32 s5, $0x0;
	s5 =	sld [smem:$0x3FA6]  }
0x2b: {  	s6 =	sld [smem:$0x3FA7]  }
0x2c: {  	s7 =	sld [smem:$0x3FA8]  }
0x2d: {  	s3 =	simm.s32 $0x108;
	s8 =	sld [smem:$0x3FA9]  }
0x2e: {  	s3 =	simm.s32 @!p0 $0x1082;
	s9 =	sld [smem:$0x3FAA]  }
0x2f: {  	lr =	sadd.s32 s0, s3;
	s0 =	sld [smem:$0x3FA1]  }
0x30: {  	s3 =	sld [smem:$0x3FA4]  }
0x31: {  	[smem:$0x3FAD] =	sst s10  }
0x32: {  	s10 =	sld [smem:$0x3FAB];
	_ =	sdelay $0x3  }
0x33: {  	p0 =	seq.s32 s10, $0x1;
	s10 =	sld [smem:$0x3FAD];
	_ =	sdelay $0x3  }
0x34: {  	[smem:$0x3FAD] =	sst s10  }
0x35: {  	s10 =	sld [smem:$0x3FAC];
	_ =	sdelay $0x3  }
0x36: {  	p1 =	seq.s32 s10, $0x1;
	s10 =	sld [smem:$0x3FAD];
	_ =	sdelay $0x3  }
0x37: {  	[smem:$0x3FAD] =	sst s10  }
0x38: {  	s10 =	sld [smem:$0x3FAE]  }
0x39: {  	_ = 	snop;
	(pc) =	sbr.ind lr, $3  }
0x3a: {  	_ = 	snop  }
0x3b: {  	_ = 	snop  }
0x3c: {  	p2 =	seq.s32 s10, $0x1;
	s10 =	sld [smem:$0x3FAD]  }
0x3d: {  	_ =	shalt  }
0x3e: {  	_ =	shalt  }
0x3f: {  	_ =	shalt  }
0x40: {  	_ =	shalt  }
0x41: {  	_ =	shalt  }
0x42: {  	_ =	shalt  }
0x43: {  	_ =	shalt  }
0x44: {  	_ =	shalt  }
0x45: {  	_ =	shalt  }
0x46: {  	_ =	shalt  }
0x47: {  	_ =	shalt  }
0x48: {  	_ =	shalt  }
0x49: {  	_ =	shalt  }
0x4a: {  	_ =	shalt  }
0x4b: {  	_ =	shalt  }
0x4c: {  	_ =	shalt  }
0x4d: {  	_ =	shalt  }
0x4e: {  	_ =	shalt  }
0x4f: {  	_ =	shalt  }
0x50: {  	_ =	shalt  }
0x51: {  	_ =	shalt  }
0x52: {  	_ =	shalt  }
0x53: {  	_ =	shalt  }
0x54: {  	_ =	shalt  }
0x55: {  	_ =	shalt  }
0x56: {  	_ =	shalt  }
0x57: {  	_ =	shalt  }
0x58: {  	_ =	shalt  }
0x59: {  	_ =	shalt  }
0x5a: {  	_ =	shalt  }
0x5b: {  	_ =	shalt  }
0x5c: {  	_ =	shalt  }
0x5d: {  	_ =	shalt  }
0x5e: {  	_ =	shalt  }
0x5f: {  	_ =	shalt  }
0x60: {  	_ =	shalt  }
0x61: {  	_ =	shalt  }
0x62: {  	_ =	shalt  }
0x63: {  	_ =	shalt  }
0x64: {  	_ =	shalt  }
0x65: {  	_ =	shalt  }
0x66: {  	_ =	shalt  }
0x67: {  	_ =	shalt  }
0x68: {  	_ =	shalt  }
0x69: {  	_ =	shalt  }
0x6a: {  	_ =	shalt  }
0x6b: {  	_ =	shalt  }
0x6c: {  	_ =	shalt  }
0x6d: {  	_ =	shalt  }
0x6e: {  	_ =	shalt  }
0x6f: {  	_ =	shalt  }
0x70: {  	_ =	shalt  }
0x71: {  	_ =	shalt  }
0x72: {  	_ =	shalt  }
0x73: {  	_ =	shalt  }
0x74: {  	_ =	shalt  }
0x75: {  	_ =	shalt  }
0x76: {  	_ =	shalt  }
0x77: {  	_ =	shalt  }
0x78: {  	_ =	shalt  }
0x79: {  	_ =	shalt  }
0x7a: {  	_ =	shalt  }
0x7b: {  	_ =	shalt  }
0x7c: {  	_ =	shalt  }
0x7d: {  	_ =	shalt  }
0x7e: {  	_ =	shalt  }
0x7f: {  	_ =	shalt  }
0x80: {  	_ =	shalt  }
0x81: {  	_ =	shalt  }
0x82: {  	_ =	shalt  }
0x83: {  	_ =	shalt  }
0x84: {  	_ =	shalt  }
0x85: {  	_ =	shalt  }
0x86: {  	_ =	shalt  }
0x87: {  	_ =	shalt  }
.Lfunc_end0:
.L_simem_size_0:
called_computation.4_lowered:
.L_overlay_start_0:
0x88: {  	s2 =	sld [smem:$0x3FD9]  }
0x89: {  	s3 =	sld [smem:$0x3FFE];
	_ =	sdelay $0x1  }
0x8a: {  	s1 =	srdreg.scid  }
0x8b: {  	s0 =	sand.u32 $0x1, s1  }
0x8c: {  	s16 =	sshll.u32 s0, $0xA;
	s2 =	sadd.s32 s3, s2  }
0x8d: {  	s2 =	sadd.s32 s2, s16  }
0x8e: {  	[smem:$0x3FB9] =	sst s2  }
0x8f: {  	_ = 	snop  }
0x90: {  	(tm) =	ssettm $0x1  }
0x91: {  	s17 =	sld [smem:$0x3FFB];
	_ =	sdelay $0x3  }
0x92: {  	_ =	strace s17  }
0x93: {  	s2 =	sld [smem:$0x3FFC];
	_ =	sdelay $0x3  }
0x94: {  	_ =	strace s2  }
0x95: {  	s2 =	sld [smem:$0x3FFD];
	_ =	sdelay $0x3  }
0x96: {  	_ =	strace s2  }
0x97: {  	_ =	strace $0x8FFFFFFF  }
0x98: {  	s18 =	sld [smem:$0x3FDB];
	_ =	sdelay $0x1  }
0x99: {  	s19 =	simm.s32 $_scs_section_size  }
0x9a: {  	s4 =	simm.s32 $_size__tile_overlayer_lowered;
	s5 =	simm.s32 $_tile_overlayer_lowered  }
0x9b: {  	s22 =	simm.s32 $0x1BFF;
	s21 =	sshll.u32 s5, $0x1;
	s2 =	sadd.s32 s19, s18  }
0x9c: {  	s6 =	simm.s32 $0x0;
	s20 =	sshll.u32 s4, $0x1;
	s4 =	sadd.s32 s21, s2  }
0x9d: {  	[timem:s6], [sflag:s22] =	dma.local [hbm:s4], s20  }
0x9e: {  	_ =	swait.ge [sflag:s22], s20  }
0x9f: {  	s3 =	ssub.s32 $0x0, s20;
	[sflag:s22] =	ssyncset.done $0x0  }
0xa0: {  	[sflag:s22] =	ssyncadd.s32 s3;
	_ =	sdelay $0x1  }
0xa1: {  	s23 =	simm.s32 $0x1B8B  }
0xa2: {  	_ =	swait.ge [sflag:s23], $0x1  }
0xa3: {  	[sflag:s23] =	ssyncset.done $0x0  }
0xa4: {  	s25 =	simm.s32 $0x1B8E;
	s24 =	sld [smem:$0x3FFE];
	[sflag:s23] =	ssyncadd.s32 $0xFFFFFFFF  }
0xa5: {  	s26 =	simm.s32 $execute0_lowered;
	[smem:$0x3FD2] =	sst s25  }
0xa6: {  	s4 =	sshll.u32 s26, $0x1;
	_ =	strace $0x80000052;
	[dreg:$0x1] =	wrdreg $0xFFFFFFFF  }
0xa7: {  	s28 =	simm.s32 $_size_execute0_lowered;
	s2 =	sadd.s32 s2, s4;
	[dreg:$0x0] =	wrdreg $0x0  }
0xa8: {  	s4 =	sshll.u32 s28, $0x1;
	[dreg:$0x2] =	wrdreg s2  }
0xa9: {  	[dreg:$0x3] =	wrdreg s4  }
0xaa: {  	[dreg:$0x4] =	wrdreg $0xC0  }
0xab: {  	_ =	task [dreg:s6], $0x5FFFF  }
0xac: {  	[dreg:$0x1] =	wrdreg $0xFFFFFFFF  }
0xad: {  	[dreg:$0x0] =	wrdreg $0x60  }
0xae: {  	[dreg:$0x2] =	wrdreg s24  }
0xaf: {  	[dreg:$0x3] =	wrdreg $0x120000  }
0xb0: {  	[dreg:$0x4] =	wrdreg $0x9  }
0xb1: {  	_ =	task.clear_ibuf [dreg:s6], $0x5FFFF;
	_ =	strace $0x90000052  }
0xb2: {  	s29 =	simm.s32 $0x9;
	_ =	strace $0x80000054  }
0xb3: {  	_ =	swait.ge [sflag:s29], $0x1  }
0xb4: {  	[sflag:s29] =	ssyncadd.s32 $0xFFFFFFFF  }
0xb5: {  	_ =	strace $0x90000054  }
0xb6: {  	_ =	sfence  }
0xb7: {  	s30 =	sld [smem:$0x0];
	_ =	sdelay $0x2  }
0xb8: {  	s31 =	sshll.u32 s1, $0xD;
	s1 =	sshrl.u32 s1, $0x2  }
0xb9: {  	s3 =	sand.u32 $0x4000, s31;
	s1 =	sadd.s32 s1, s30  }
0xba: {  	s0 =	sor.u32 s3, s0;
	s1 =	sshll.u32 s1, $0x11  }
0xbb: {  	s0 =	sor.u32 s1, s0  }
0xbc: {  	s0 =	sadd.s32 $0x8F2B, s0  }
0xbd: {  	[sflag:s0] =	ssyncadd.remote.s32 $0x1  }
0xbe: {  	_ =	sfence.sel $0xFFFF  }
0xbf: {  	[dreg:$0x0] =	wrdreg $0xFFFFFFFF;
	(pc) =	sbr.abs _section_cstart, $3  }
0xc0: {  	[dreg:$0x1] =	wrdreg $0xFFFFFFFF  }
0xc1: {  	_ =	task.clear_ibuf [dreg:s6], $0x2FFFF;
	_ =	strace $0x9FFFFFFF  }
0xc2: {  	(tm) =	ssettm $0x7FFFFFFF  }
0xc3: {  	_ =	shalt  }
tec
execute0_lowered:
.L_overlay_start_1:
0x0: {  	(tag) =	ssettag $0x1  }
0x1: {  	s0 =	srdreg.scid;
	s1 =	rddreg [dreg:$0x0]  }
0x2: {  	s10 =	stileid.u32;
	s2 =	rddreg [dreg:$0x1];
	s3 =	simm.s32 $0x0  }
0x3: {  	s15 =	simm.s32 $0x13C00;
	s11 =	simm.s32 $0x5000;
	s13 =	simm.s32 $0x9  }
0x4: {  	s14 =	simm.s32 $0xA;
	s16 =	simm.s32 $0x80;
	s17 =	simm.s32 $0xA000  }
0x5: {  	s18 =	simm.s32 $0xC000;
	s20 =	simm.s32 $0xE000;
	s22 =	simm.s32 $0x10000  }
0x6: {  	s23 =	simm.s32 $0xB;
	s28 =	simm.s32 $0x5;
	s30 =	simm.s32 $0x3  }
0x7: {  	s19 =	simm.s32 $0x4;
	s31 =	simm.s32 $0x8;
	s5 =	smul.u32 $0xA00, s10  }
0x8: {  	s21 =	simm.s32 $0x0;
	s0 =	sand.u32 $0x1, s0;
	s6 =	smul.u32 $0x9E00, s10  }
0x9: {  	[smem:$0x7FF] =	sst s3;
	s26 =	sshll.u32 s10, $0x6;
	s4 =	smul.u32 $0x27800, s0  }
0xa: {  	s29 =	sand.u32 $0x1, s10;
	s7 =	smul.u32 $0x9E000, s0;
	_ =	strace $0x80000053  }
0xb: {  	s0 =	ssub.s32 $0x2, s0;
	[dreg:$0x6] =	wrdreg s26;
	p0 =	seq.s32 s29, $0x1  }
0xc: {  	s5 =	sadd.s32 s5, s1;
	s8 =	sshrl.u32 s6, $0x3;
	s9 =	sshrl.u32 s0, $0x1  }
0xd: {  	s12 =	sadd.s32 s6, s2;
	s15 =	simm.s32 @!p0 $0x0;
	s4 =	sadd.s32 s4, s1  }
0xe: {  	s7 =	sadd.s32 s6, s7;
	s8 =	sadd.s32 s8, s1;
	s24 =	sadd.s32 $0x1FA00, s5  }
0xf: {  	s0 =	ssub.s32 s0, s9;
	s5 =	sadd.s32 $0x15A00, s5;
	[dreg:$0x3] =	wrdreg s24  }
0x10: {  	s12 =	sshrl.u32 s12, $0x3;
	s7 =	sshrl.u32 s7, $0x3;
	[dreg:$0x4] =	wrdreg s5  }
.Ltmp0:
0x11: {  	s25 =	sadd.s32 $0x1E00, s8;
	s5 =	sor.u32 $0x1C0B, s26;
	(pc) =	sbr.rel .LBB2_1-.Ltmp0, $4  }
0x12: {  	s4 =	sadd.s32 $0x51200, s4;
	s10 =	smax.u32 s0, $0x1;
	s24 =	simm.s32 $0x1  }
0x13: {  	s26 =	simm.s32 $0x7;
	s0 =	simm.s32 $0xC;
	[dreg:$0x5] =	wrdreg s25  }
0x14: {  	s1 =	sadd.s32 s7, s1;
	[dreg:$0x7] =	wrdreg s5;
	s15 =	sadd.s32 s15, s4  }
0x15: {  	s25 =	simm.s32 $0x2;
	s9 =	sadd.s32 $0xA0200, s1;
	s1 =	simm.s32 $0x6  }
.LBB2_4:
0x16: {  	_ =	swait.ge [sflag:s31], $0x2000  }
0x17: {  	[sflag:s31] =	ssyncset.done $0x0  }
0x18: {  	[sflag:s31] =	ssyncadd.s32 $0xFFFFE000  }
0x19: {  	s21 =	sadd.s32 $0x1, s21;
	[bflag:$0x0] =	sbarrier.arrive $0xFFFF  }
0x1a: {  	p0 =	sne.s32 s21, s10;
	s4 =	rddreg [dreg:$0x6]  }
.Ltmp1:
0x1b: {  	s4 =	sor.u32 $0x1C0C, s4;
	(pc) =	sbr.rel @!p0 .LBB2_5-.Ltmp1, $4  }
0x1c: {  	[hbm:s9], [sflag:s4] =	dma.local [spmem:s12], $0x13C0  }
0x1d: {  	_ =	swait.ge [sflag:s0], $0x13C0  }
0x1e: {  	[sflag:s0] =	ssyncset.done $0x0  }
0x1f: {  	[sflag:s0] =	ssyncadd.s32 $0xFFFFEC40  }
.LBB2_1:
0x20: {  	s4 =	rddreg [dreg:$0x3]  }
0x21: {  	s7 =	rddreg [dreg:$0x4]  }
0x22: {  	s8 =	rddreg [dreg:$0x5]  }
0x23: {  	[tilespmem:s3], [sflag:$0x9] =	stream.linear.gather [hbm4b:s4+s3], $0x5000, $0x38;
	[tilespmem:$0x1BE00] =	vst v63  }
0x24: {  	s5 =	rddreg [dreg:$0x7]  }
0x25: {  	[tilespmem:s11], [sflag:$0xA] =	stream.linear.gather [hbm4b:s7+s3], $0x5000, $0x38;
	[tilespmem:$0x1BE00] =	vst v63  }
0x26: {  	[spmem:s12], [sflag:s5] =	dma.local [hbm:s8], $0x13C0  }
0x27: {  	_ =	swait.ge [sflag:s13], $0x5000  }
0x28: {  	[sflag:s13] =	ssyncset.done $0x0  }
0x29: {  	[sflag:s13] =	ssyncadd.s32 $0xFFFFB000  }
0x2a: {  	_ =	swait.ge [sflag:s14], $0x5000  }
0x2b: {  	[sflag:s14] =	ssyncset.done $0x0  }
0x2c: {  	[sflag:s14] =	ssyncadd.s32 $0xFFFFB000  }
0x2d: {  	[tilespmem:s17], [sflag:$0x1] =	stream.indirect.gather [hbm4b:s15+s16], $0x40, s3, s16, $0xb8;
	[tilespmem:$0x1BE00] =	vst v63  }
0x2e: {  	_ = 	snop  }
0x2f: {  	[tilespmem:s18], [sflag:$0x2] =	stream.indirect.gather [hbm4b:s15+s16], $0x40, s16, s16, $0xb8;
	[tilespmem:$0x1BE00] =	vst v63  }
0x30: {  	s5 =	simm.s32 $0x100  }
0x31: {  	[tilespmem:s20], [sflag:$0x3] =	stream.indirect.gather [hbm4b:s15+s16], $0x40, s5, s16, $0xb8;
	[tilespmem:$0x1BE00] =	vst v63  }
0x32: {  	s6 =	simm.s32 $0x180  }
0x33: {  	[tilespmem:s22], [sflag:$0x4] =	stream.indirect.gather [hbm4b:s15+s16], $0x40, s6, s16, $0xb8;
	[tilespmem:$0x1BE00] =	vst v63  }
0x34: {  	_ =	swait.ge [sflag:s23], $0x13C0  }
0x35: {  	[sflag:s23] =	ssyncset.done $0x0  }
0x36: {  	[sflag:s23] =	ssyncadd.s32 $0xFFFFEC40  }
0x37: {  	[bflag:$0x0] =	sbarrier.arrive $0xFFFF  }
0x38: {  	_ =	swait.ge [sflag:s24], $0x2000  }
0x39: {  	[sflag:s24] =	ssyncset.done $0x0  }
0x3a: {  	[sflag:s24] =	ssyncadd.s32 $0xFFFFE000  }
0x3b: {  	[spmem:s2] =	stream.indirect.scatter.add.f32 [tilespmem:s17], [sflag:$0x5], $0x40, s11, s16, $0xb8;
	[tilespmem:$0x1BE00] =	vst v63  }
0x3c: {  	_ =	swait.ge [sflag:s25], $0x2000  }
0x3d: {  	[sflag:s25] =	ssyncset.done $0x0  }
0x3e: {  	s7 =	simm.s32 $0x5080;
	[sflag:s25] =	ssyncadd.s32 $0xFFFFE000  }
0x3f: {  	[spmem:s2] =	stream.indirect.scatter.add.f32 [tilespmem:s18], [sflag:$0x6], $0x40, s7, s16, $0xb8;
	[tilespmem:$0x1BE00] =	vst v63  }
0x40: {  	_ =	swait.ge [sflag:s28], $0x2000  }
0x41: {  	[sflag:s28] =	ssyncset.done $0x0  }
0x42: {  	s8 =	simm.s32 $0x200;
	[sflag:s28] =	ssyncadd.s32 $0xFFFFE000  }
0x43: {  	[tilespmem:s17], [sflag:$0x1] =	stream.indirect.gather [hbm4b:s15+s16], $0x40, s8, s16, $0xb8;
	[tilespmem:$0x1BE00] =	vst v63  }
0x44: {  	_ =	swait.ge [sflag:s30], $0x2000  }
0x45: {  	[sflag:s30] =	ssyncset.done $0x0  }
0x46: {  	s5 =	simm.s32 $0x5100;
	[sflag:s30] =	ssyncadd.s32 $0xFFFFE000  }
0x47: {  	[spmem:s2] =	stream.indirect.scatter.add.f32 [tilespmem:s20], [sflag:$0x7], $0x40, s5, s16, $0xb8;
	[tilespmem:$0x1BE00] =	vst v63  }
0x48: {  	_ =	swait.ge [sflag:s1], $0x2000  }
0x49: {  	[sflag:s1] =	ssyncset.done $0x0  }
0x4a: {  	s6 =	simm.s32 $0x280;
	[sflag:s1] =	ssyncadd.s32 $0xFFFFE000  }
0x4b: {  	[tilespmem:s18], [sflag:$0x2] =	stream.indirect.gather [hbm4b:s15+s16], $0x40, s6, s16, $0xb8;
	[tilespmem:$0x1BE00] =	vst v63  }
0x4c: {  	_ =	swait.ge [sflag:s19], $0x2000  }
0x4d: {  	[sflag:s19] =	ssyncset.done $0x0  }
0x4e: {  	s7 =	simm.s32 $0x5180;
	[sflag:s19] =	ssyncadd.s32 $0xFFFFE000  }
0x4f: {  	[spmem:s2] =	stream.indirect.scatter.add.f32 [tilespmem:s22], [sflag:$0x8], $0x40, s7, s16, $0xb8;
	[tilespmem:$0x1BE00] =	vst v63  }
0x50: {  	_ =	swait.ge [sflag:s26], $0x2000  }
0x51: {  	[sflag:s26] =	ssyncset.done $0x0  }
0x52: {  	s29 =	simm.s32 $0x0;
	s8 =	simm.s32 $0x300;
	[sflag:s26] =	ssyncadd.s32 $0xFFFFE000  }
0x53: {  	[tilespmem:s20], [sflag:$0x3] =	stream.indirect.gather [hbm4b:s15+s16], $0x40, s8, s16, $0xb8;
	[tilespmem:$0x1BE00] =	vst v63  }
.LBB2_2:
0x54: {  	_ =	swait.ge [sflag:s24], $0x2000  }
0x55: {  	s4 =	sshra.s32 s29, $0x2;
	[sflag:s24] =	ssyncset.done $0x0  }
0x56: {  	s5 =	sadd.s32 $0x5200, s4;
	[sflag:s24] =	ssyncadd.s32 $0xFFFFE000  }
0x57: {  	[spmem:s2] =	stream.indirect.scatter.add.f32 [tilespmem:s17], [sflag:$0x5], $0x40, s5, s16, $0xb8;
	[tilespmem:$0x1BE00] =	vst v63  }
0x58: {  	_ =	swait.ge [sflag:s31], $0x2000  }
0x59: {  	[sflag:s31] =	ssyncset.done $0x0  }
0x5a: {  	s6 =	sadd.s32 $0x380, s4;
	[sflag:s31] =	ssyncadd.s32 $0xFFFFE000  }
0x5b: {  	[tilespmem:s22], [sflag:$0x4] =	stream.indirect.gather [hbm4b:s15+s16], $0x40, s6, s16, $0xb8;
	[tilespmem:$0x1BE00] =	vst v63  }
0x5c: {  	_ =	swait.ge [sflag:s25], $0x2000  }
0x5d: {  	[sflag:s25] =	ssyncset.done $0x0  }
0x5e: {  	s7 =	sadd.s32 $0x5280, s4;
	[sflag:s25] =	ssyncadd.s32 $0xFFFFE000  }
0x5f: {  	[spmem:s2] =	stream.indirect.scatter.add.f32 [tilespmem:s18], [sflag:$0x6], $0x40, s7, s16, $0xb8;
	[tilespmem:$0x1BE00] =	vst v63  }
0x60: {  	_ =	swait.ge [sflag:s28], $0x2000  }
0x61: {  	p0 =	seq.s32 s29, $0x13000;
	[sflag:s28] =	ssyncset.done $0x0  }
0x62: {  	s5 =	simm.s32 @p0 $0x3;
	[sflag:s28] =	ssyncadd.s32 $0xFFFFE000  }
0x63: {  	_ =	swait.ge @p0 [sflag:s5], $0x2000  }
0x64: {  	[sflag:s5] =	ssyncset.done @p0 $0x0  }
0x65: {  	[sflag:s5] =	ssyncadd.s32 @p0 $0xFFFFE000;
	s5 =	sshra.s32 @p0 s29, $0x2  }
0x66: {  	s8 =	simm.s32 @p0 $0xE000;
	s6 =	simm.s32 @p0 $0x80;
	s5 =	sadd.s32 @p0 $0x5300, s5  }
0x67: {  	[spmem:s2] =	stream.indirect.scatter.add.f32 @p0 [tilespmem:s8], [sflag:$0x7], $0x40, s5, s6, $0xb8;
	[tilespmem:$0x1BE00] =	vst v63  }
0x68: {  	s5 =	simm.s32 @p0 $0x6  }
0x69: {  	_ =	swait.ge @p0 [sflag:s5], $0x2000  }
0x6a: {  	[sflag:s5] =	ssyncset.done @p0 $0x0  }
0x6b: {  	[sflag:s5] =	ssyncadd.s32 @p0 $0xFFFFE000;
	s5 =	sshra.s32 @!p0 s29, $0x2  }
0x6c: {  	s7 =	simm.s32 @!p0 $0xA000;
	s8 =	simm.s32 @!p0 $0x80;
	s6 =	sadd.s32 @!p0 $0x400, s5  }
0x6d: {  	[tilespmem:s7], [sflag:$0x1] =	stream.indirect.gather @!p0 [hbm4b:s15+s8], $0x40, s6, s8, $0xb8;
	[tilespmem:$0x1BE00] =	vst v63  }
0x6e: {  	s6 =	simm.s32 @!p0 $0x3  }
0x6f: {  	_ =	swait.ge @!p0 [sflag:s6], $0x2000  }
0x70: {  	[sflag:s6] =	ssyncset.done @!p0 $0x0  }
0x71: {  	s7 =	simm.s32 @!p0 $0xE000;
	[sflag:s6] =	ssyncadd.s32 @!p0 $0xFFFFE000;
	s6 =	sadd.s32 @!p0 $0x5300, s5  }
0x72: {  	[spmem:s2] =	stream.indirect.scatter.add.f32 @!p0 [tilespmem:s7], [sflag:$0x7], $0x40, s6, s8, $0xb8;
	[tilespmem:$0x1BE00] =	vst v63  }
0x73: {  	s6 =	simm.s32 @!p0 $0x6  }
0x74: {  	_ =	swait.ge @!p0 [sflag:s6], $0x2000  }
0x75: {  	[sflag:s6] =	ssyncset.done @!p0 $0x0  }
0x76: {  	s5 =	sadd.s32 @!p0 $0x480, s5;
	[sflag:s6] =	ssyncadd.s32 @!p0 $0xFFFFE000;
	s6 =	simm.s32 @!p0 $0xC000  }
0x77: {  	[tilespmem:s6], [sflag:$0x2] =	stream.indirect.gather @!p0 [hbm4b:s15+s8], $0x40, s5, s8, $0xb8;
	[tilespmem:$0x1BE00] =	vst v63  }
0x78: {  	_ =	swait.ge [sflag:s19], $0x2000  }
0x79: {  	[sflag:s19] =	ssyncset.done $0x0  }
.Ltmp2:
0x7a: {  	s8 =	sadd.s32 $0x5380, s4;
	[sflag:s19] =	ssyncadd.s32 $0xFFFFE000;
	(pc) =	sbr.rel @p0 .LBB2_4-.Ltmp2, $4  }
0x7b: {  	[spmem:s2] =	stream.indirect.scatter.add.f32 [tilespmem:s22], [sflag:$0x8], $0x40, s8, s16, $0xb8;
	[tilespmem:$0x1BE00] =	vst v63  }
0x7c: {  	_ =	swait.ge [sflag:s26], $0x2000  }
0x7d: {  	[sflag:s26] =	ssyncset.done $0x0  }
0x7e: {  	[sflag:s26] =	ssyncadd.s32 $0xFFFFE000  }
.Ltmp3:
0x7f: {  	(pc) =	sbr.rel .LBB2_2-.Ltmp3, $3  }
0x80: {  	_ =	sdelay $0x1  }
0x81: {  	s4 =	sadd.s32 $0x500, s4;
	s29 =	sadd.s32 $0x800, s29  }
0x82: {  	[tilespmem:s20], [sflag:$0x3] =	stream.indirect.gather [hbm4b:s15+s16], $0x40, s4, s16, $0xb8;
	[tilespmem:$0x1BE00] =	vst v63  }
.LBB2_5:
0x83: {  	_ =	sfence.sel $0x180000  }
0x84: {  	[bflag:$0x0] =	sbarrier.arrive $0xFFFF  }
0x85: {  	_ =	strace $0x90000053  }
0x86: {  	s0 =	stileid.u32;
	[bflag:$0x2] =	sbarrier.arrive $0xFFFF  }
0x87: {  	p0 =	sne.s32 s0, $0x0;
	s0 =	rddreg [dreg:$0x2]  }
0x88: {  	s0 =	sadd.s32 @!p0 $0x100000, s0  }
0x89: {  	[sflag:s0] =	ssyncadd.tile.s32 @!p0 $0x1;
	_ =	shalt  }
.Lfunc_end2:
_tile_overlayer_lowered:
.L_overlay_start_2:
0x8a: {  	(tag) =	ssettag $0x2  }
0x8b: {  	s0 =	rddreg [dreg:$0x0];
	s2 =	stileid.u32  }
0x8c: {  	s1 =	rddreg [dreg:$0x1];
	p0 =	sne.s32 s2, $0x0  }
0x8d: {  	s3 =	rddreg [dreg:$0x2];
	[bflag:$0x3] =	sbarrier.arrive $0xFFFF;
	s2 =	simm.s32 @!p0 $0x1C0C  }
0x8e: {  	[timem:s3], [sflag:s2] =	dma.local @!p0 [hbm:s0], s1  }
0x8f: {  	s0 =	simm.s32 @!p0 $0xC  }
0x90: {  	_ =	swait.ge @!p0 [sflag:s0], s1  }
0x91: {  	s1 =	ssub.s32 @!p0 $0x0, s1;
	[sflag:s0] =	ssyncset.done @!p0 $0x0  }
0x92: {  	[sflag:s0] =	ssyncadd.s32 @!p0 s1  }
0x93: {  	[bflag:$0x3] =	sbarrier.arrive $0xFFFF  }
0x94: {  	_ =	shalt  }

</sc_bundles>
